<compile_context>
chip_gen: v7x
topology: tpu7x:2x2x1
jax: 0.10.2.dev20260603
libtpu: 0.0.44.dev20260713+nightly
codegen_flags: <defaults>
</compile_context>

<pallas_src>
import functools

import jax
import jax.numpy as jnp
from jax import lax
from jax.experimental import pallas as pl
from jax.experimental.pallas import tpu as pltpu
from jax.experimental.pallas import tpu_sc as plsc

B, S, N = 8, 512, 2048
LOW_C, HIGH_C = 256, 128
MID = HIGH_C // 4
POS_H = 64
ATTN_M = 4
K_NEI = 16
NBLK = 512
NROWB = N // NBLK

_INF = float('inf')


def _interp_body(plow_ref, upw_ref, upb_ref, xlr_ref, xh_ref, ph_ref, out_ref):
    plf = jnp.maximum(
        jnp.dot(upw_ref[...], plow_ref[...], preferred_element_type=jnp.float32)
        + upb_ref[...], 0.0)
    xlr = xlr_ref[...]
    xh = xh_ref[...]
    rn = jnp.sum(xlr * xlr, axis=1, keepdims=True)
    cn = jnp.sum(xh * xh, axis=0, keepdims=True)
    d2 = rn + cn - 2.0 * jnp.dot(xlr, xh, preferred_element_type=jnp.float32)
    row = lax.broadcasted_iota(jnp.int32, (S, N), 0)
    wt_u = jnp.zeros((S, N), jnp.float32)
    norm = jnp.zeros((1, N), jnp.float32)
    for _ in range(3):
        m = jnp.min(d2, axis=0, keepdims=True)
        idx = jnp.min(jnp.where(d2 == m, row, S), axis=0, keepdims=True)
        sel = row == idx
        d2 = jnp.where(sel, _INF, d2)
        rec = 1.0 / (m + 1e-8)
        norm = norm + rec
        wt_u = wt_u + jnp.where(sel, rec, 0.0)
    wt = wt_u / norm
    out_ref[...] = (
        jnp.dot(plf, wt, preferred_element_type=jnp.float32) + ph_ref[...])


def _interp(plow, upw, upb, xlr, xh, ph):
    return pl.pallas_call(
        _interp_body,
        grid=(B,),
        in_specs=[
            pl.BlockSpec((None, LOW_C, S), lambda b: (b, 0, 0)),
            pl.BlockSpec((HIGH_C, LOW_C), lambda b: (0, 0)),
            pl.BlockSpec((HIGH_C, 1), lambda b: (0, 0)),
            pl.BlockSpec((None, S, 3), lambda b: (b, 0, 0)),
            pl.BlockSpec((None, 3, N), lambda b: (b, 0, 0)),
            pl.BlockSpec((None, HIGH_C, N), lambda b: (b, 0, 0)),
        ],
        out_specs=pl.BlockSpec((None, HIGH_C, N), lambda b: (b, 0, 0)),
        out_shape=jax.ShapeDtypeStruct((B, HIGH_C, N), jnp.float32),
    )(plow, upw, upb, xlr, xh, ph)


KNB = 256


def _knn_body(xb_ref, xf_ref, out_ref):
    b = pl.program_id(0)
    xb = xb_ref[...]
    xf = xf_ref[...]
    rn = jnp.sum(xb * xb, axis=1, keepdims=True)
    cn = jnp.sum(xf * xf, axis=0, keepdims=True)
    d2 = rn + cn - 2.0 * jnp.dot(xb, xf, preferred_element_type=jnp.float32)
    lane = lax.broadcasted_iota(jnp.int32, (KNB, N), 1)
    bits = lax.bitcast_convert_type(d2, jnp.int32)
    packed = lax.bitcast_convert_type((bits & ~2047) | lane, jnp.float32)
    cols = []
    for _ in range(K_NEI):
        m = jnp.min(packed, axis=1, keepdims=True)
        packed = jnp.where(packed == m, _INF, packed)
        cols.append(lax.bitcast_convert_type(m, jnp.int32) & 2047)
    idx = jnp.concatenate(cols, axis=1)
    out_ref[...] = idx + b * N


def _knn(xhT, xf, h):
    hb = N // 2 // KNB
    return pl.pallas_call(
        _knn_body,
        grid=(B, hb),
        in_specs=[
            pl.BlockSpec((None, KNB, 3), lambda b, r: (b, h * hb + r, 0)),
            pl.BlockSpec((None, 3, N), lambda b, r: (b, 0, 0)),
        ],
        out_specs=pl.BlockSpec((None, KNB, K_NEI), lambda b, r: (b, r, 0)),
        out_shape=jax.ShapeDtypeStruct((B, N // 2, K_NEI), jnp.int32),
    )(xhT, xf)


def _qkv_body(pts_ref, xhp_ref, bw_ref, bb_ref, qkvw_ref, q_ref, kvx_ref):
    x = (jnp.dot(bw_ref[...], pts_ref[...], preferred_element_type=jnp.float32)
         + bb_ref[...])
    qkv = jnp.dot(qkvw_ref[...], x, preferred_element_type=jnp.float32)
    q_ref[...] = qkv[:MID, :]
    kvt = jnp.transpose(qkv[MID:, :])
    kvx_ref[...] = jnp.concatenate(
        [kvt, xhp_ref[...], jnp.zeros((N, 128 - 2 * MID - 16), jnp.float32)],
        axis=1)


def _qkv(pts, xhp, beforew, beforeb, qkvw):
    return pl.pallas_call(
        _qkv_body,
        grid=(B,),
        in_specs=[
            pl.BlockSpec((None, HIGH_C, N), lambda b: (b, 0, 0)),
            pl.BlockSpec((None, N, 16), lambda b: (b, 0, 0)),
            pl.BlockSpec((MID, HIGH_C), lambda b: (0, 0)),
            pl.BlockSpec((MID, 1), lambda b: (0, 0)),
            pl.BlockSpec((3 * MID, MID), lambda b: (0, 0)),
        ],
        out_specs=[
            pl.BlockSpec((None, MID, N), lambda b: (b, 0, 0)),
            pl.BlockSpec((None, N, 128), lambda b: (b, 0, 0)),
        ],
        out_shape=[
            jax.ShapeDtypeStruct((B, MID, N), jnp.float32),
            jax.ShapeDtypeStruct((B, N, 128), jnp.float32),
        ],
    )(pts, xhp, beforew, beforeb, qkvw)


def _sc_gather(table, idx, d):
    m_tot = idx.shape[0]
    info = plsc.get_sparse_core_info()
    nw = info.num_cores * info.num_subcores
    per_w = m_tot // nw
    sub = 128
    nf = 4
    ch = sub * nf
    n_ch = per_w // ch
    mesh = plsc.VectorSubcoreMesh(core_axis_name="c", subcore_axis_name="s")

    @functools.partial(
        pl.kernel, mesh=mesh,
        compiler_params=pltpu.CompilerParams(use_tc_tiling_on_sc=True),
        out_type=jax.ShapeDtypeStruct((m_tot, d), jnp.float32),
        scratch_types=[
            pltpu.VMEM((ch,), jnp.int32),
            pltpu.VMEM((ch, d), jnp.float32),
            pltpu.SemaphoreType.DMA,
        ],
    )
    def k(table_hbm, idx_hbm, out_hbm, idx_v, rows_v, sem):
        wid = lax.axis_index("s") * info.num_cores + lax.axis_index("c")
        base = wid * per_w

        def body(i, carry):
            off = base + i * ch
            pltpu.sync_copy(idx_hbm.at[pl.ds(off, ch)], idx_v)
            copies = [
                pltpu.async_copy(table_hbm.at[idx_v.at[pl.ds(f * sub, sub)]],
                                 rows_v.at[pl.ds(f * sub, sub)], sem)
                for f in range(nf)
            ]
            for c in copies:
                c.wait()
            pltpu.sync_copy(rows_v, out_hbm.at[pl.ds(off, ch)])
            return carry

        lax.fori_loop(0, n_ch, body, 0)

    return k(table, idx)


def _attn_body(pts_ref, q_ref, g_ref, xhp_ref,
               pw1_ref, pb1_ref, pw2_ref, pb2_ref,
               aw1_ref, ab1_ref, aw2_ref, ab2_ref,
               afw_ref, afb_ref, out_ref):
    rows = NBLK * K_NEI
    g = g_ref[...]
    kg = g[:, :MID]
    vg = g[:, MID:2 * MID]
    xyzg = g[:, 2 * MID:2 * MID + 16]
    xh_rep = jnp.broadcast_to(
        xhp_ref[...][:, None, :], (NBLK, K_NEI, 16)).reshape(rows, 16)
    qt = jnp.transpose(q_ref[...])
    q_rep = jnp.broadcast_to(
        qt[:, None, :], (NBLK, K_NEI, MID)).reshape(rows, MID)
    dxyz = xh_rep - xyzg
    h = jnp.maximum(
        jnp.dot(dxyz, pw1_ref[...], preferred_element_type=jnp.float32)
        + pb1_ref[...], 0.0)
    rel = (jnp.dot(h, pw2_ref[...], preferred_element_type=jnp.float32)
           + pb2_ref[...])
    sim_in = q_rep - kg + rel
    bf = jnp.bfloat16
    hid = jnp.maximum(
        jnp.dot(sim_in.astype(bf), aw1_ref[...].astype(bf),
                preferred_element_type=jnp.float32)
        + ab1_ref[...], 0.0)
    sim = (jnp.dot(hid.astype(bf), aw2_ref[...].astype(bf),
                   preferred_element_type=jnp.float32)
           + ab2_ref[...])
    e = jnp.exp(sim)
    vr = vg + rel
    num = jnp.sum((e * vr).reshape(NBLK, K_NEI, MID), axis=1)
    den = jnp.sum(e.reshape(NBLK, K_NEI, MID), axis=1)
    agg = jnp.transpose(num / den)
    out_ref[...] = (
        pts_ref[...]
        + jnp.dot(afw_ref[...], agg, preferred_element_type=jnp.float32)
        + afb_ref[...])


def _attn(pts, q, gat, xhp, w, start_blk, nblk):
    rows = NBLK * K_NEI

    def full(shp):
        return pl.BlockSpec(shp, lambda b, r: tuple(0 for _ in shp))

    return pl.pallas_call(
        _attn_body,
        grid=(B, nblk),
        in_specs=[
            pl.BlockSpec((None, HIGH_C, NBLK),
                         lambda b, r: (b, 0, start_blk + r)),
            pl.BlockSpec((None, MID, NBLK),
                         lambda b, r: (b, 0, start_blk + r)),
            pl.BlockSpec((rows, 128), lambda b, r: (b * nblk + r, 0)),
            pl.BlockSpec((None, NBLK, 16),
                         lambda b, r: (b, start_blk + r, 0)),
            full((16, POS_H)), full((1, POS_H)),
            full((POS_H, MID)), full((1, MID)),
            full((MID, MID * ATTN_M)), full((1, MID * ATTN_M)),
            full((MID * ATTN_M, MID)), full((1, MID)),
            full((HIGH_C, MID)), full((HIGH_C, 1)),
        ],
        out_specs=pl.BlockSpec((None, HIGH_C, NBLK), lambda b, r: (b, 0, r)),
        out_shape=jax.ShapeDtypeStruct((B, HIGH_C, nblk * NBLK), jnp.float32),
    )(pts, q, gat, xhp,
      w['pw1'], w['pb1'], w['pw2'], w['pb2'],
      w['aw1'], w['ab1'], w['aw2'], w['ab2'], w['afw'], w['afb'])


def kernel(xyz_low, xyz_high, points_low, points_high, params):
    f32 = jnp.float32
    xhT = jnp.transpose(xyz_high, (0, 2, 1))
    xlr = jnp.transpose(xyz_low, (0, 2, 1))

    inv = 1.0 / jnp.sqrt(f32(1.0 + 1e-5))
    scale = inv * params['up_bn_g']
    upw = params['up_w'] * scale[:, None]
    upb = (params['up_b'] * scale + params['up_bn_b']).reshape(HIGH_C, 1)

    points = _interp(points_low, upw, upb, xlr, xyz_high, points_high)

    xhp = jnp.pad(xhT, ((0, 0), (0, 0), (0, 13)))
    gidx_h = [_knn(xhT, xyz_high, h) for h in (0, 1)]

    def part_idx(p, nsplit):
        per = N // nsplit
        h, o = divmod(p * per, N // 2)
        return gidx_h[h][:, o:o + per, :].reshape(B * per * K_NEI)

    for blk_i, blk in enumerate(params['blocks']):
        w = {
            'pw1': jnp.pad(blk['pos_w1'], ((0, 0), (0, 13))).T,
            'pb1': blk['pos_b1'].reshape(1, POS_H),
            'pw2': blk['pos_w2'].T, 'pb2': blk['pos_b2'].reshape(1, MID),
            'aw1': blk['attn_w1'].T, 'ab1': blk['attn_b1'].reshape(1, MID * ATTN_M),
            'aw2': blk['attn_w2'].T, 'ab2': blk['attn_b2'].reshape(1, MID),
            'afw': blk['after_w'], 'afb': blk['after_b'].reshape(HIGH_C, 1),
        }
        q, kvx = _qkv(points, xhp, blk['before_w'],
                      blk['before_b'].reshape(MID, 1), blk['qkv_w'])
        table = kvx.reshape(B * N, 128)
        nsplit = 2 if blk_i == 0 else 4
        nblk = NROWB // nsplit
        parts = []
        for p in range(nsplit):
            gat = _sc_gather(table, part_idx(p, nsplit), 128)
            parts.append(_attn(points, q, gat, xhp, w, p * nblk, nblk))
        points = jnp.concatenate(parts, axis=2)

    return points

# --- scband reference (transcript-rebuilt; emitter-appended) ---
"""Pipeline reference for scband-point-transformer-up-block-5617817224090 (READ-ONLY COPY).

The authoritative reference and input builder live on the scoring server;
editing this copy changes nothing except your own understanding.
"""

import jax, jax.numpy as jnp
import numpy as np

B, S, N = 8, 512, 2048
LOW_C, HIGH_C = 256, 128
MID = HIGH_C // 4
POS_H = 64
ATTN_M = 4
K_NEI = 16
NUM_ATTN = 2


def _p(key, shape, scale=0.05):
    return jax.random.normal(key, shape, dtype=jnp.float32) * scale


def setup_inputs(seed: int = 0) -> dict:
    key = jax.random.key(seed)
    ks = jax.random.split(key, 16)
    inp = {}
    inp['xyz_low'] = jax.random.normal(ks[0], (B, 3, S), dtype=jnp.float32)
    inp['xyz_high'] = jax.random.normal(ks[1], (B, 3, N), dtype=jnp.float32)
    inp['points_low'] = jax.random.normal(ks[2], (B, LOW_C, S), dtype=jnp.float32)
    inp['points_high'] = jax.random.normal(ks[3], (B, HIGH_C, N), dtype=jnp.float32)
    params = {}
    params['up_w'] = _p(ks[4], (HIGH_C, LOW_C))
    params['up_b'] = jnp.zeros((HIGH_C,), jnp.float32)
    params['up_bn_g'] = jnp.ones((HIGH_C,), jnp.float32)
    params['up_bn_b'] = jnp.zeros((HIGH_C,), jnp.float32)
    blocks = []
    for i in range(NUM_ATTN):
        k = jax.random.split(ks[5 + i], 12)
        blk = {
            'before_w': _p(k[0], (MID, HIGH_C)), 'before_b': jnp.zeros((MID,), jnp.float32),
            'qkv_w': _p(k[1], (MID * 3, MID)),
            'pos_w1': _p(k[2], (POS_H, 3)), 'pos_b1': jnp.zeros((POS_H,), jnp.float32),
            'pos_w2': _p(k[3], (MID, POS_H)), 'pos_b2': jnp.zeros((MID,), jnp.float32),
            'attn_w1': _p(k[4], (MID * ATTN_M, MID)), 'attn_b1': jnp.zeros((MID * ATTN_M,), jnp.float32),
            'attn_w2': _p(k[5], (MID, MID * ATTN_M)), 'attn_b2': jnp.zeros((MID,), jnp.float32),
            'after_w': _p(k[6], (HIGH_C, MID)), 'after_b': jnp.zeros((HIGH_C,), jnp.float32),
        }
        blocks.append(blk)
    params['blocks'] = blocks
    inp['params'] = params
    return inp


def conv1d(x, w, b=None):
    y = jnp.einsum('oi,bin->bon', w, x)
    if b is not None:
        y = y + b[None, :, None]
    return y


def conv2d(x, w, b=None):
    y = jnp.einsum('oi,bink->bonk', w, x)
    if b is not None:
        y = y + b[None, :, None, None]
    return y


def sqdist(a, b):
    # a: [B,N,3], b: [B,M,3] -> [B,N,M] squared euclidean
    return (jnp.sum(a * a, -1)[:, :, None] + jnp.sum(b * b, -1)[:, None, :]
            - 2.0 * jnp.einsum('bnc,bmc->bnm', a, b))


def group_op(points, idx):
    # points: [B,C,N], idx: [B,N,k] -> [B,C,N,k]
    return jax.vmap(lambda p, i: p[:, i])(points, idx)


def bn_eval(x, g, b):
    # freshly-initialized BatchNorm1d in eval mode: running_mean=0, running_var=1
    inv = 1.0 / np.sqrt(1.0 + 1e-5)
    return x * inv * g[None, :, None] + b[None, :, None]


def _forward(xyz_low, xyz_high, points_low, points_high, params):
    xh = jnp.transpose(xyz_high, (0, 2, 1))  # [B,N,3]
    xl = jnp.transpose(xyz_low, (0, 2, 1))   # [B,S,3]
    # TransitionUp: MLP on low points
    pl = conv1d(points_low, params['up_w'], params['up_b'])
    pl = bn_eval(pl, params['up_bn_g'], params['up_bn_b'])
    pl = jax.nn.relu(pl)
    # three_nn + three_interpolate
    d2 = sqdist(xh, xl)  # [B,N,S]
    negd, idx3 = jax.lax.top_k(-d2, 3)
    dist = -negd
    dist_recip = 1.0 / (dist + 1e-8)
    norm = jnp.sum(dist_recip, axis=2, keepdims=True)
    weight = dist_recip / norm  # [B,N,3]
    gathered = group_op(pl, idx3)  # [B,HIGH_C,N,3]
    interpolated = jnp.sum(gathered * weight[:, None, :, :], axis=-1)
    points = interpolated + points_high
    # knn on high xyz (shared across attn blocks structurally, computed per block in torch)
    for blk in params['blocks']:
        input_points = points
        x = conv1d(points, blk['before_w'], blk['before_b'])  # [B,MID,N]
        d2h = sqdist(xh, xh)
        _, gidx = jax.lax.top_k(-d2h, K_NEI)  # [B,N,K]
        grouped_xyz = group_op(xyz_high, gidx)  # [B,3,N,K]
        grouped_xyz = xyz_high[:, :, :, None] - grouped_xyz
        rel = conv2d(grouped_xyz, blk['pos_w1'], blk['pos_b1'])
        rel = jax.nn.relu(rel)
        rel = conv2d(rel, blk['pos_w2'], blk['pos_b2'])  # [B,MID,N,K]
        qkv = conv1d(x, blk['qkv_w'])  # [B,3*MID,N]
        q, k_, v = jnp.split(qkv, 3, axis=1)
        qk_rel = q[:, :, :, None] - group_op(k_, gidx)
        v = group_op(v, gidx) + rel
        sim = conv2d(qk_rel + rel, blk['attn_w1'], blk['attn_b1'])
        sim = jax.nn.relu(sim)
        sim = conv2d(sim, blk['attn_w2'], blk['attn_b2'])  # [B,MID,N,K]
        attn = jax.nn.softmax(sim, axis=-1)
        agg = jnp.sum(attn * v, axis=-1)  # [B,MID,N]
        points = input_points + conv1d(agg, blk['after_w'], blk['after_b'])
    return points


def reference(xyz_low, xyz_high, points_low, points_high, params):
    return _forward(xyz_low, xyz_high, points_low, points_high, params)

if __name__ == "__main__":
    import jax
    _d = setup_inputs()
    print(jax.jit(kernel)(*tuple(_d.values())))

</pallas_src>

<mosaic_0001>
#map = affine_map<(d0, d1) -> (0, 0)>
#map1 = affine_map<(d0, d1) -> (0)>
module attributes {stable_mosaic.version = 14 : i64} {
  func.func @k(%arg0: i32, %arg1: i32, %arg2: memref<16384x128xf32, #tpu.memory_space<hbm>>, %arg3: memref<65536xi32, #tpu.memory_space<hbm>>, %arg4: memref<65536x128xf32, #tpu.memory_space<hbm>>, %arg5: memref<512xi32, #tpu.memory_space<vmem>>, %arg6: memref<512x128xf32, #tpu.memory_space<vmem>>, %arg7: memref<!tpu.dma_semaphore, #tpu.memory_space<semaphore_mem>>) attributes {dimension_semantics = [#tpu.dimension_semantics<core_parallel>, #tpu.dimension_semantics<subcore_parallel>], iteration_bounds = array<i64: 2, 16>, scalar_prefetch = 0 : i64, scratch_operands = 3 : i64, tpu.core_type = #tpu.core_type<sc_vector_subcore>, window_params = [{transform_indices = #map}, {transform_indices = #map1}, {transform_indices = #map}]} {
    %mul3A = arith.constant 2 : i32
    %mul3A_0 = arith.muli %arg1, %mul3A : i32
    %add3A = arith.addi %mul3A_0, %arg0 : i32
    %mul3A_1 = arith.constant 2048 : i32
    %mul3A_2 = arith.muli %add3A, %mul3A_1 : i32
    %scan3A = arith.constant 0 : i32
    %scan3A_3 = arith.constant 0 : i32
    %scan3A_4 = arith.constant 4 : i32
    %scan3A_5 = arith.addi %scan3A_3, %scan3A_4 : i32
    %scan3A_6 = arith.constant 1 : i32
    scf.for %scan3A_8 = %scan3A_3 to %scan3A_5 step %scan3A_6  : i32 {
      %mul3A_9 = arith.constant 512 : i32
      %mul3A_10 = arith.muli %scan3A_8, %mul3A_9 : i32
      %add3A_11 = arith.addi %mul3A_2, %mul3A_10 : i32
      "tpu.region"() ({
        %run_scoped3A = tpu.sem_alloc : memref<!tpu.dma_semaphore, #tpu.memory_space<semaphore_mem>>
        %dma_start3A_74 = tpu.memref_slice %arg3[%add3A_11] : memref<65536xi32, #tpu.memory_space<hbm>> -> memref<512xi32, #tpu.memory_space<hbm>>
        %dma_start3A_75 = tpu.memref_slice %arg3[%add3A_11] : memref<65536xi32, #tpu.memory_space<hbm>> -> memref<512xi32, #tpu.memory_space<hbm>>
        tpu.enqueue_dma source(%dma_start3A_75 : memref<512xi32, #tpu.memory_space<hbm>>) target(%arg5 : memref<512xi32, #tpu.memory_space<vmem>>) target_semaphore(%run_scoped3A : memref<!tpu.dma_semaphore, #tpu.memory_space<semaphore_mem>>)
        %dma_wait3A_76 = tpu.memref_slice %arg3[%add3A_11] : memref<65536xi32, #tpu.memory_space<hbm>> -> memref<512xi32, #tpu.memory_space<hbm>>
        %dma_wait3A_77 = tpu.memref_slice %arg3[%add3A_11] : memref<65536xi32, #tpu.memory_space<hbm>> -> memref<512xi32, #tpu.memory_space<hbm>>
        tpu.wait_dma2 semaphore(%run_scoped3A : memref<!tpu.dma_semaphore, #tpu.memory_space<semaphore_mem>>) src(%dma_wait3A_77 : memref<512xi32, #tpu.memory_space<hbm>>) dst(%arg5 : memref<512xi32, #tpu.memory_space<vmem>>)
        tpu.yield
      }) : () -> ()
      %dma_start3A = arith.constant 0 : i32
      %dma_start3A_12 = arith.constant 0 : i32
      %dma_start3A_13 = tpu.memref_slice %arg6[%dma_start3A, %dma_start3A_12] : memref<512x128xf32, #tpu.memory_space<vmem>> -> memref<128x128xf32, #tpu.memory_space<vmem>>
      %dma_start3A_14 = arith.constant 0 : i32
      %dma_start3A_15 = tpu.memref_slice %arg5[%dma_start3A_14] : memref<512xi32, #tpu.memory_space<vmem>> -> memref<128xi32, #tpu.memory_space<vmem>>
      %dma_start3A_16 = arith.constant 0 : i32
      %dma_start3A_17 = arith.constant 0 : i32
      %dma_start3A_18 = tpu.memref_slice %arg2[%dma_start3A_16, %dma_start3A_17] : memref<16384x128xf32, #tpu.memory_space<hbm>> -> memref<16384x128xf32, #tpu.memory_space<hbm>>
      tpu.enqueue_indirect_dma source(%dma_start3A_18 : memref<16384x128xf32, #tpu.memory_space<hbm>>) target(%dma_start3A_13 : memref<128x128xf32, #tpu.memory_space<vmem>>) offsets(%dma_start3A_15 : memref<128xi32, #tpu.memory_space<vmem>>) semaphore(%arg7 : memref<!tpu.dma_semaphore, #tpu.memory_space<semaphore_mem>>)
      %dma_start3A_19 = arith.constant 128 : i32
      %dma_start3A_20 = arith.constant 0 : i32
      %dma_start3A_21 = tpu.memref_slice %arg6[%dma_start3A_19, %dma_start3A_20] : memref<512x128xf32, #tpu.memory_space<vmem>> -> memref<128x128xf32, #tpu.memory_space<vmem>>
      %dma_start3A_22 = arith.constant 128 : i32
      %dma_start3A_23 = tpu.memref_slice %arg5[%dma_start3A_22] : memref<512xi32, #tpu.memory_space<vmem>> -> memref<128xi32, #tpu.memory_space<vmem>>
      %dma_start3A_24 = arith.constant 0 : i32
      %dma_start3A_25 = arith.constant 0 : i32
      %dma_start3A_26 = tpu.memref_slice %arg2[%dma_start3A_24, %dma_start3A_25] : memref<16384x128xf32, #tpu.memory_space<hbm>> -> memref<16384x128xf32, #tpu.memory_space<hbm>>
      tpu.enqueue_indirect_dma source(%dma_start3A_26 : memref<16384x128xf32, #tpu.memory_space<hbm>>) target(%dma_start3A_21 : memref<128x128xf32, #tpu.memory_space<vmem>>) offsets(%dma_start3A_23 : memref<128xi32, #tpu.memory_space<vmem>>) semaphore(%arg7 : memref<!tpu.dma_semaphore, #tpu.memory_space<semaphore_mem>>)
      %dma_start3A_27 = arith.constant 256 : i32
      %dma_start3A_28 = arith.constant 0 : i32
      %dma_start3A_29 = tpu.memref_slice %arg6[%dma_start3A_27, %dma_start3A_28] : memref<512x128xf32, #tpu.memory_space<vmem>> -> memref<128x128xf32, #tpu.memory_space<vmem>>
      %dma_start3A_30 = arith.constant 256 : i32
      %dma_start3A_31 = tpu.memref_slice %arg5[%dma_start3A_30] : memref<512xi32, #tpu.memory_space<vmem>> -> memref<128xi32, #tpu.memory_space<vmem>>
      %dma_start3A_32 = arith.constant 0 : i32
      %dma_start3A_33 = arith.constant 0 : i32
      %dma_start3A_34 = tpu.memref_slice %arg2[%dma_start3A_32, %dma_start3A_33] : memref<16384x128xf32, #tpu.memory_space<hbm>> -> memref<16384x128xf32, #tpu.memory_space<hbm>>
      tpu.enqueue_indirect_dma source(%dma_start3A_34 : memref<16384x128xf32, #tpu.memory_space<hbm>>) target(%dma_start3A_29 : memref<128x128xf32, #tpu.memory_space<vmem>>) offsets(%dma_start3A_31 : memref<128xi32, #tpu.memory_space<vmem>>) semaphore(%arg7 : memref<!tpu.dma_semaphore, #tpu.memory_space<semaphore_mem>>)
      %dma_start3A_35 = arith.constant 384 : i32
      %dma_start3A_36 = arith.constant 0 : i32
      %dma_start3A_37 = tpu.memref_slice %arg6[%dma_start3A_35, %dma_start3A_36] : memref<512x128xf32, #tpu.memory_space<vmem>> -> memref<128x128xf32, #tpu.memory_space<vmem>>
      %dma_start3A_38 = arith.constant 384 : i32
      %dma_start3A_39 = tpu.memref_slice %arg5[%dma_start3A_38] : memref<512xi32, #tpu.memory_space<vmem>> -> memref<128xi32, #tpu.memory_space<vmem>>
      %dma_start3A_40 = arith.constant 0 : i32
      %dma_start3A_41 = arith.constant 0 : i32
      %dma_start3A_42 = tpu.memref_slice %arg2[%dma_start3A_40, %dma_start3A_41] : memref<16384x128xf32, #tpu.memory_space<hbm>> -> memref<16384x128xf32, #tpu.memory_space<hbm>>
      tpu.enqueue_indirect_dma source(%dma_start3A_42 : memref<16384x128xf32, #tpu.memory_space<hbm>>) target(%dma_start3A_37 : memref<128x128xf32, #tpu.memory_space<vmem>>) offsets(%dma_start3A_39 : memref<128xi32, #tpu.memory_space<vmem>>) semaphore(%arg7 : memref<!tpu.dma_semaphore, #tpu.memory_space<semaphore_mem>>)
      %dma_wait3A = arith.constant 0 : i32
      %dma_wait3A_43 = arith.constant 0 : i32
      %dma_wait3A_44 = tpu.memref_slice %arg6[%dma_wait3A, %dma_wait3A_43] : memref<512x128xf32, #tpu.memory_space<vmem>> -> memref<128x128xf32, #tpu.memory_space<vmem>>
      %dma_wait3A_45 = arith.constant 0 : i32
      %dma_wait3A_46 = tpu.memref_slice %arg5[%dma_wait3A_45] : memref<512xi32, #tpu.memory_space<vmem>> -> memref<128xi32, #tpu.memory_space<vmem>>
      %dma_wait3A_47 = arith.constant 0 : i32
      %dma_wait3A_48 = arith.constant 0 : i32
      %dma_wait3A_49 = tpu.memref_slice %arg2[%dma_wait3A_47, %dma_wait3A_48] : memref<16384x128xf32, #tpu.memory_space<hbm>> -> memref<16384x128xf32, #tpu.memory_space<hbm>>
      tpu.wait_indirect_dma semaphore(%arg7 : memref<!tpu.dma_semaphore, #tpu.memory_space<semaphore_mem>>) src(%dma_wait3A_49 : memref<16384x128xf32, #tpu.memory_space<hbm>>) dst(%dma_wait3A_44 : memref<128x128xf32, #tpu.memory_space<vmem>>)
      %dma_wait3A_50 = arith.constant 128 : i32
      %dma_wait3A_51 = arith.constant 0 : i32
      %dma_wait3A_52 = tpu.memref_slice %arg6[%dma_wait3A_50, %dma_wait3A_51] : memref<512x128xf32, #tpu.memory_space<vmem>> -> memref<128x128xf32, #tpu.memory_space<vmem>>
      %dma_wait3A_53 = arith.constant 128 : i32
      %dma_wait3A_54 = tpu.memref_slice %arg5[%dma_wait3A_53] : memref<512xi32, #tpu.memory_space<vmem>> -> memref<128xi32, #tpu.memory_space<vmem>>
      %dma_wait3A_55 = arith.constant 0 : i32
      %dma_wait3A_56 = arith.constant 0 : i32
      %dma_wait3A_57 = tpu.memref_slice %arg2[%dma_wait3A_55, %dma_wait3A_56] : memref<16384x128xf32, #tpu.memory_space<hbm>> -> memref<16384x128xf32, #tpu.memory_space<hbm>>
      tpu.wait_indirect_dma semaphore(%arg7 : memref<!tpu.dma_semaphore, #tpu.memory_space<semaphore_mem>>) src(%dma_wait3A_57 : memref<16384x128xf32, #tpu.memory_space<hbm>>) dst(%dma_wait3A_52 : memref<128x128xf32, #tpu.memory_space<vmem>>)
      %dma_wait3A_58 = arith.constant 256 : i32
      %dma_wait3A_59 = arith.constant 0 : i32
      %dma_wait3A_60 = tpu.memref_slice %arg6[%dma_wait3A_58, %dma_wait3A_59] : memref<512x128xf32, #tpu.memory_space<vmem>> -> memref<128x128xf32, #tpu.memory_space<vmem>>
      %dma_wait3A_61 = arith.constant 256 : i32
      %dma_wait3A_62 = tpu.memref_slice %arg5[%dma_wait3A_61] : memref<512xi32, #tpu.memory_space<vmem>> -> memref<128xi32, #tpu.memory_space<vmem>>
      %dma_wait3A_63 = arith.constant 0 : i32
      %dma_wait3A_64 = arith.constant 0 : i32
      %dma_wait3A_65 = tpu.memref_slice %arg2[%dma_wait3A_63, %dma_wait3A_64] : memref<16384x128xf32, #tpu.memory_space<hbm>> -> memref<16384x128xf32, #tpu.memory_space<hbm>>
      tpu.wait_indirect_dma semaphore(%arg7 : memref<!tpu.dma_semaphore, #tpu.memory_space<semaphore_mem>>) src(%dma_wait3A_65 : memref<16384x128xf32, #tpu.memory_space<hbm>>) dst(%dma_wait3A_60 : memref<128x128xf32, #tpu.memory_space<vmem>>)
      %dma_wait3A_66 = arith.constant 384 : i32
      %dma_wait3A_67 = arith.constant 0 : i32
      %dma_wait3A_68 = tpu.memref_slice %arg6[%dma_wait3A_66, %dma_wait3A_67] : memref<512x128xf32, #tpu.memory_space<vmem>> -> memref<128x128xf32, #tpu.memory_space<vmem>>
      %dma_wait3A_69 = arith.constant 384 : i32
      %dma_wait3A_70 = tpu.memref_slice %arg5[%dma_wait3A_69] : memref<512xi32, #tpu.memory_space<vmem>> -> memref<128xi32, #tpu.memory_space<vmem>>
      %dma_wait3A_71 = arith.constant 0 : i32
      %dma_wait3A_72 = arith.constant 0 : i32
      %dma_wait3A_73 = tpu.memref_slice %arg2[%dma_wait3A_71, %dma_wait3A_72] : memref<16384x128xf32, #tpu.memory_space<hbm>> -> memref<16384x128xf32, #tpu.memory_space<hbm>>
      tpu.wait_indirect_dma semaphore(%arg7 : memref<!tpu.dma_semaphore, #tpu.memory_space<semaphore_mem>>) src(%dma_wait3A_73 : memref<16384x128xf32, #tpu.memory_space<hbm>>) dst(%dma_wait3A_68 : memref<128x128xf32, #tpu.memory_space<vmem>>)
      "tpu.region"() ({
        %run_scoped3A = tpu.sem_alloc : memref<!tpu.dma_semaphore, #tpu.memory_space<semaphore_mem>>
        %dma_start3A_74 = arith.constant 0 : i32
        %dma_start3A_75 = tpu.memref_slice %arg4[%add3A_11, %dma_start3A_74] : memref<65536x128xf32, #tpu.memory_space<hbm>> -> memref<512x128xf32, #tpu.memory_space<hbm>>
        %dma_start3A_76 = arith.constant 0 : i32
        %dma_start3A_77 = tpu.memref_slice %arg4[%add3A_11, %dma_start3A_76] : memref<65536x128xf32, #tpu.memory_space<hbm>> -> memref<512x128xf32, #tpu.memory_space<hbm>>
        tpu.enqueue_dma source(%arg6 : memref<512x128xf32, #tpu.memory_space<vmem>>) target(%dma_start3A_77 : memref<512x128xf32, #tpu.memory_space<hbm>>) target_semaphore(%run_scoped3A : memref<!tpu.dma_semaphore, #tpu.memory_space<semaphore_mem>>)
        %dma_wait3A_78 = arith.constant 0 : i32
        %dma_wait3A_79 = tpu.memref_slice %arg4[%add3A_11, %dma_wait3A_78] : memref<65536x128xf32, #tpu.memory_space<hbm>> -> memref<512x128xf32, #tpu.memory_space<hbm>>
        %dma_wait3A_80 = arith.constant 0 : i32
        %dma_wait3A_81 = tpu.memref_slice %arg4[%add3A_11, %dma_wait3A_80] : memref<65536x128xf32, #tpu.memory_space<hbm>> -> memref<512x128xf32, #tpu.memory_space<hbm>>
        tpu.wait_dma2 semaphore(%run_scoped3A : memref<!tpu.dma_semaphore, #tpu.memory_space<semaphore_mem>>) src(%arg6 : memref<512x128xf32, #tpu.memory_space<vmem>>) dst(%dma_wait3A_81 : memref<512x128xf32, #tpu.memory_space<hbm>>)
        tpu.yield
      }) : () -> ()
    }
    %scan3A_7 = arith.constant 4 : i32
    return
  }
}

#map = affine_map<(d0, d1) -> (0, 0)>
#map1 = affine_map<(d0, d1) -> (0)>
module attributes {stable_mosaic.version = 14 : i64} {
  func.func @k(%arg0: i32, %arg1: i32, %arg2: memref<16384x128xf32, #tpu.memory_space<hbm>>, %arg3: memref<65536xi32, #tpu.memory_space<hbm>>, %arg4: memref<65536x128xf32, #tpu.memory_space<hbm>>, %arg5: memref<512xi32, #tpu.memory_space<vmem>>, %arg6: memref<512x128xf32, #tpu.memory_space<vmem>>, %arg7: memref<!tpu.dma_semaphore, #tpu.memory_space<semaphore_mem>>) attributes {dimension_semantics = [#tpu.dimension_semantics<core_parallel>, #tpu.dimension_semantics<subcore_parallel>], iteration_bounds = array<i64: 2, 16>, scalar_prefetch = 0 : i64, scratch_operands = 3 : i64, tpu.core_type = #tpu.core_type<sc_vector_subcore>, window_params = [{transform_indices = #map}, {transform_indices = #map1}, {transform_indices = #map}]} {
    %mul3A = arith.constant 2 : i32
    %mul3A_0 = arith.muli %arg1, %mul3A : i32
    %add3A = arith.addi %mul3A_0, %arg0 : i32
    %mul3A_1 = arith.constant 2048 : i32
    %mul3A_2 = arith.muli %add3A, %mul3A_1 : i32
    %scan3A = arith.constant 0 : i32
    %scan3A_3 = arith.constant 0 : i32
    %scan3A_4 = arith.constant 4 : i32
    %scan3A_5 = arith.addi %scan3A_3, %scan3A_4 : i32
    %scan3A_6 = arith.constant 1 : i32
    scf.for %scan3A_8 = %scan3A_3 to %scan3A_5 step %scan3A_6  : i32 {
      %mul3A_9 = arith.constant 512 : i32
      %mul3A_10 = arith.muli %scan3A_8, %mul3A_9 : i32
      %add3A_11 = arith.addi %mul3A_2, %mul3A_10 : i32
      "tpu.region"() ({
        %run_scoped3A = tpu.sem_alloc : memref<!tpu.dma_semaphore, #tpu.memory_space<semaphore_mem>>
        %dma_start3A_74 = tpu.memref_slice %arg3[%add3A_11] : memref<65536xi32, #tpu.memory_space<hbm>> -> memref<512xi32, #tpu.memory_space<hbm>>
        %dma_start3A_75 = tpu.memref_slice %arg3[%add3A_11] : memref<65536xi32, #tpu.memory_space<hbm>> -> memref<512xi32, #tpu.memory_space<hbm>>
        tpu.enqueue_dma source(%dma_start3A_75 : memref<512xi32, #tpu.memory_space<hbm>>) target(%arg5 : memref<512xi32, #tpu.memory_space<vmem>>) target_semaphore(%run_scoped3A : memref<!tpu.dma_semaphore, #tpu.memory_space<semaphore_mem>>)
        %dma_wait3A_76 = tpu.memref_slice %arg3[%add3A_11] : memref<65536xi32, #tpu.memory_space<hbm>> -> memref<512xi32, #tpu.memory_space<hbm>>
        %dma_wait3A_77 = tpu.memref_slice %arg3[%add3A_11] : memref<65536xi32, #tpu.memory_space<hbm>> -> memref<512xi32, #tpu.memory_space<hbm>>
        tpu.wait_dma2 semaphore(%run_scoped3A : memref<!tpu.dma_semaphore, #tpu.memory_space<semaphore_mem>>) src(%dma_wait3A_77 : memref<512xi32, #tpu.memory_space<hbm>>) dst(%arg5 : memref<512xi32, #tpu.memory_space<vmem>>)
        tpu.yield
      }) : () -> ()
      %dma_start3A = arith.constant 0 : i32
      %dma_start3A_12 = arith.constant 0 : i32
      %dma_start3A_13 = tpu.memref_slice %arg6[%dma_start3A, %dma_start3A_12] : memref<512x128xf32, #tpu.memory_space<vmem>> -> memref<128x128xf32, #tpu.memory_space<vmem>>
      %dma_start3A_14 = arith.constant 0 : i32
      %dma_start3A_15 = tpu.memref_slice %arg5[%dma_start3A_14] : memref<512xi32, #tpu.memory_space<vmem>> -> memref<128xi32, #tpu.memory_space<vmem>>
      %dma_start3A_16 = arith.constant 0 : i32
      %dma_start3A_17 = arith.constant 0 : i32
      %dma_start3A_18 = tpu.memref_slice %arg2[%dma_start3A_16, %dma_start3A_17] : memref<16384x128xf32, #tpu.memory_space<hbm>> -> memref<16384x128xf32, #tpu.memory_space<hbm>>
      tpu.enqueue_indirect_dma source(%dma_start3A_18 : memref<16384x128xf32, #tpu.memory_space<hbm>>) target(%dma_start3A_13 : memref<128x128xf32, #tpu.memory_space<vmem>>) offsets(%dma_start3A_15 : memref<128xi32, #tpu.memory_space<vmem>>) semaphore(%arg7 : memref<!tpu.dma_semaphore, #tpu.memory_space<semaphore_mem>>)
      %dma_start3A_19 = arith.constant 128 : i32
      %dma_start3A_20 = arith.constant 0 : i32
      %dma_start3A_21 = tpu.memref_slice %arg6[%dma_start3A_19, %dma_start3A_20] : memref<512x128xf32, #tpu.memory_space<vmem>> -> memref<128x128xf32, #tpu.memory_space<vmem>>
      %dma_start3A_22 = arith.constant 128 : i32
      %dma_start3A_23 = tpu.memref_slice %arg5[%dma_start3A_22] : memref<512xi32, #tpu.memory_space<vmem>> -> memref<128xi32, #tpu.memory_space<vmem>>
      %dma_start3A_24 = arith.constant 0 : i32
      %dma_start3A_25 = arith.constant 0 : i32
      %dma_start3A_26 = tpu.memref_slice %arg2[%dma_start3A_24, %dma_start3A_25] : memref<16384x128xf32, #tpu.memory_space<hbm>> -> memref<16384x128xf32, #tpu.memory_space<hbm>>
      tpu.enqueue_indirect_dma source(%dma_start3A_26 : memref<16384x128xf32, #tpu.memory_space<hbm>>) target(%dma_start3A_21 : memref<128x128xf32, #tpu.memory_space<vmem>>) offsets(%dma_start3A_23 : memref<128xi32, #tpu.memory_space<vmem>>) semaphore(%arg7 : memref<!tpu.dma_semaphore, #tpu.memory_space<semaphore_mem>>)
      %dma_start3A_27 = arith.constant 256 : i32
      %dma_start3A_28 = arith.constant 0 : i32
      %dma_start3A_29 = tpu.memref_slice %arg6[%dma_start3A_27, %dma_start3A_28] : memref<512x128xf32, #tpu.memory_space<vmem>> -> memref<128x128xf32, #tpu.memory_space<vmem>>
      %dma_start3A_30 = arith.constant 256 : i32
      %dma_start3A_31 = tpu.memref_slice %arg5[%dma_start3A_30] : memref<512xi32, #tpu.memory_space<vmem>> -> memref<128xi32, #tpu.memory_space<vmem>>
      %dma_start3A_32 = arith.constant 0 : i32
      %dma_start3A_33 = arith.constant 0 : i32
      %dma_start3A_34 = tpu.memref_slice %arg2[%dma_start3A_32, %dma_start3A_33] : memref<16384x128xf32, #tpu.memory_space<hbm>> -> memref<16384x128xf32, #tpu.memory_space<hbm>>
      tpu.enqueue_indirect_dma source(%dma_start3A_34 : memref<16384x128xf32, #tpu.memory_space<hbm>>) target(%dma_start3A_29 : memref<128x128xf32, #tpu.memory_space<vmem>>) offsets(%dma_start3A_31 : memref<128xi32, #tpu.memory_space<vmem>>) semaphore(%arg7 : memref<!tpu.dma_semaphore, #tpu.memory_space<semaphore_mem>>)
      %dma_start3A_35 = arith.constant 384 : i32
      %dma_start3A_36 = arith.constant 0 : i32
      %dma_start3A_37 = tpu.memref_slice %arg6[%dma_start3A_35, %dma_start3A_36] : memref<512x128xf32, #tpu.memory_space<vmem>> -> memref<128x128xf32, #tpu.memory_space<vmem>>
      %dma_start3A_38 = arith.constant 384 : i32
      %dma_start3A_39 = tpu.memref_slice %arg5[%dma_start3A_38] : memref<512xi32, #tpu.memory_space<vmem>> -> memref<128xi32, #tpu.memory_space<vmem>>
      %dma_start3A_40 = arith.constant 0 : i32
      %dma_start3A_41 = arith.constant 0 : i32
      %dma_start3A_42 = tpu.memref_slice %arg2[%dma_start3A_40, %dma_start3A_41] : memref<16384x128xf32, #tpu.memory_space<hbm>> -> memref<16384x128xf32, #tpu.memory_space<hbm>>
      tpu.enqueue_indirect_dma source(%dma_start3A_42 : memref<16384x128xf32, #tpu.memory_space<hbm>>) target(%dma_start3A_37 : memref<128x128xf32, #tpu.memory_space<vmem>>) offsets(%dma_start3A_39 : memref<128xi32, #tpu.memory_space<vmem>>) semaphore(%arg7 : memref<!tpu.dma_semaphore, #tpu.memory_space<semaphore_mem>>)
      %dma_wait3A = arith.constant 0 : i32
      %dma_wait3A_43 = arith.constant 0 : i32
      %dma_wait3A_44 = tpu.memref_slice %arg6[%dma_wait3A, %dma_wait3A_43] : memref<512x128xf32, #tpu.memory_space<vmem>> -> memref<128x128xf32, #tpu.memory_space<vmem>>
      %dma_wait3A_45 = arith.constant 0 : i32
      %dma_wait3A_46 = tpu.memref_slice %arg5[%dma_wait3A_45] : memref<512xi32, #tpu.memory_space<vmem>> -> memref<128xi32, #tpu.memory_space<vmem>>
      %dma_wait3A_47 = arith.constant 0 : i32
      %dma_wait3A_48 = arith.constant 0 : i32
      %dma_wait3A_49 = tpu.memref_slice %arg2[%dma_wait3A_47, %dma_wait3A_48] : memref<16384x128xf32, #tpu.memory_space<hbm>> -> memref<16384x128xf32, #tpu.memory_space<hbm>>
      tpu.wait_indirect_dma semaphore(%arg7 : memref<!tpu.dma_semaphore, #tpu.memory_space<semaphore_mem>>) src(%dma_wait3A_49 : memref<16384x128xf32, #tpu.memory_space<hbm>>) dst(%dma_wait3A_44 : memref<128x128xf32, #tpu.memory_space<vmem>>)
      %dma_wait3A_50 = arith.constant 128 : i32
      %dma_wait3A_51 = arith.constant 0 : i32
      %dma_wait3A_52 = tpu.memref_slice %arg6[%dma_wait3A_50, %dma_wait3A_51] : memref<512x128xf32, #tpu.memory_space<vmem>> -> memref<128x128xf32, #tpu.memory_space<vmem>>
      %dma_wait3A_53 = arith.constant 128 : i32
      %dma_wait3A_54 = tpu.memref_slice %arg5[%dma_wait3A_53] : memref<512xi32, #tpu.memory_space<vmem>> -> memref<128xi32, #tpu.memory_space<vmem>>
      %dma_wait3A_55 = arith.constant 0 : i32
      %dma_wait3A_56 = arith.constant 0 : i32
      %dma_wait3A_57 = tpu.memref_slice %arg2[%dma_wait3A_55, %dma_wait3A_56] : memref<16384x128xf32, #tpu.memory_space<hbm>> -> memref<16384x128xf32, #tpu.memory_space<hbm>>
      tpu.wait_indirect_dma semaphore(%arg7 : memref<!tpu.dma_semaphore, #tpu.memory_space<semaphore_mem>>) src(%dma_wait3A_57 : memref<16384x128xf32, #tpu.memory_space<hbm>>) dst(%dma_wait3A_52 : memref<128x128xf32, #tpu.memory_space<vmem>>)
      %dma_wait3A_58 = arith.constant 256 : i32
      %dma_wait3A_59 = arith.constant 0 : i32
      %dma_wait3A_60 = tpu.memref_slice %arg6[%dma_wait3A_58, %dma_wait3A_59] : memref<512x128xf32, #tpu.memory_space<vmem>> -> memref<128x128xf32, #tpu.memory_space<vmem>>
      %dma_wait3A_61 = arith.constant 256 : i32
      %dma_wait3A_62 = tpu.memref_slice %arg5[%dma_wait3A_61] : memref<512xi32, #tpu.memory_space<vmem>> -> memref<128xi32, #tpu.memory_space<vmem>>
      %dma_wait3A_63 = arith.constant 0 : i32
      %dma_wait3A_64 = arith.constant 0 : i32
      %dma_wait3A_65 = tpu.memref_slice %arg2[%dma_wait3A_63, %dma_wait3A_64] : memref<16384x128xf32, #tpu.memory_space<hbm>> -> memref<16384x128xf32, #tpu.memory_space<hbm>>
      tpu.wait_indirect_dma semaphore(%arg7 : memref<!tpu.dma_semaphore, #tpu.memory_space<semaphore_mem>>) src(%dma_wait3A_65 : memref<16384x128xf32, #tpu.memory_space<hbm>>) dst(%dma_wait3A_60 : memref<128x128xf32, #tpu.memory_space<vmem>>)
      %dma_wait3A_66 = arith.constant 384 : i32
      %dma_wait3A_67 = arith.constant 0 : i32
      %dma_wait3A_68 = tpu.memref_slice %arg6[%dma_wait3A_66, %dma_wait3A_67] : memref<512x128xf32, #tpu.memory_space<vmem>> -> memref<128x128xf32, #tpu.memory_space<vmem>>
      %dma_wait3A_69 = arith.constant 384 : i32
      %dma_wait3A_70 = tpu.memref_slice %arg5[%dma_wait3A_69] : memref<512xi32, #tpu.memory_space<vmem>> -> memref<128xi32, #tpu.memory_space<vmem>>
      %dma_wait3A_71 = arith.constant 0 : i32
      %dma_wait3A_72 = arith.constant 0 : i32
      %dma_wait3A_73 = tpu.memref_slice %arg2[%dma_wait3A_71, %dma_wait3A_72] : memref<16384x128xf32, #tpu.memory_space<hbm>> -> memref<16384x128xf32, #tpu.memory_space<hbm>>
      tpu.wait_indirect_dma semaphore(%arg7 : memref<!tpu.dma_semaphore, #tpu.memory_space<semaphore_mem>>) src(%dma_wait3A_73 : memref<16384x128xf32, #tpu.memory_space<hbm>>) dst(%dma_wait3A_68 : memref<128x128xf32, #tpu.memory_space<vmem>>)
      "tpu.region"() ({
        %run_scoped3A = tpu.sem_alloc : memref<!tpu.dma_semaphore, #tpu.memory_space<semaphore_mem>>
        %dma_start3A_74 = arith.constant 0 : i32
        %dma_start3A_75 = tpu.memref_slice %arg4[%add3A_11, %dma_start3A_74] : memref<65536x128xf32, #tpu.memory_space<hbm>> -> memref<512x128xf32, #tpu.memory_space<hbm>>
        %dma_start3A_76 = arith.constant 0 : i32
        %dma_start3A_77 = tpu.memref_slice %arg4[%add3A_11, %dma_start3A_76] : memref<65536x128xf32, #tpu.memory_space<hbm>> -> memref<512x128xf32, #tpu.memory_space<hbm>>
        tpu.enqueue_dma source(%arg6 : memref<512x128xf32, #tpu.memory_space<vmem>>) target(%dma_start3A_77 : memref<512x128xf32, #tpu.memory_space<hbm>>) target_semaphore(%run_scoped3A : memref<!tpu.dma_semaphore, #tpu.memory_space<semaphore_mem>>)
        %dma_wait3A_78 = arith.constant 0 : i32
        %dma_wait3A_79 = tpu.memref_slice %arg4[%add3A_11, %dma_wait3A_78] : memref<65536x128xf32, #tpu.memory_space<hbm>> -> memref<512x128xf32, #tpu.memory_space<hbm>>
        %dma_wait3A_80 = arith.constant 0 : i32
        %dma_wait3A_81 = tpu.memref_slice %arg4[%add3A_11, %dma_wait3A_80] : memref<65536x128xf32, #tpu.memory_space<hbm>> -> memref<512x128xf32, #tpu.memory_space<hbm>>
        tpu.wait_dma2 semaphore(%run_scoped3A : memref<!tpu.dma_semaphore, #tpu.memory_space<semaphore_mem>>) src(%arg6 : memref<512x128xf32, #tpu.memory_space<vmem>>) dst(%dma_wait3A_81 : memref<512x128xf32, #tpu.memory_space<hbm>>)
        tpu.yield
      }) : () -> ()
    }
    %scan3A_7 = arith.constant 4 : i32
    return
  }
}

#map = affine_map<(d0, d1) -> (0, 0)>
#map1 = affine_map<(d0, d1) -> (0)>
module attributes {stable_mosaic.version = 14 : i64} {
  func.func @k(%arg0: i32, %arg1: i32, %arg2: memref<16384x128xf32, #tpu.memory_space<hbm>>, %arg3: memref<131072xi32, #tpu.memory_space<hbm>>, %arg4: memref<131072x128xf32, #tpu.memory_space<hbm>>, %arg5: memref<512xi32, #tpu.memory_space<vmem>>, %arg6: memref<512x128xf32, #tpu.memory_space<vmem>>, %arg7: memref<!tpu.dma_semaphore, #tpu.memory_space<semaphore_mem>>) attributes {dimension_semantics = [#tpu.dimension_semantics<core_parallel>, #tpu.dimension_semantics<subcore_parallel>], iteration_bounds = array<i64: 2, 16>, scalar_prefetch = 0 : i64, scratch_operands = 3 : i64, tpu.core_type = #tpu.core_type<sc_vector_subcore>, window_params = [{transform_indices = #map}, {transform_indices = #map1}, {transform_indices = #map}]} {
    %mul3A = arith.constant 2 : i32
    %mul3A_0 = arith.muli %arg1, %mul3A : i32
    %add3A = arith.addi %mul3A_0, %arg0 : i32
    %mul3A_1 = arith.constant 4096 : i32
    %mul3A_2 = arith.muli %add3A, %mul3A_1 : i32
    %scan3A = arith.constant 0 : i32
    %scan3A_3 = arith.constant 0 : i32
    %scan3A_4 = arith.constant 8 : i32
    %scan3A_5 = arith.addi %scan3A_3, %scan3A_4 : i32
    %scan3A_6 = arith.constant 1 : i32
    scf.for %scan3A_8 = %scan3A_3 to %scan3A_5 step %scan3A_6  : i32 {
      %mul3A_9 = arith.constant 512 : i32
      %mul3A_10 = arith.muli %scan3A_8, %mul3A_9 : i32
      %add3A_11 = arith.addi %mul3A_2, %mul3A_10 : i32
      "tpu.region"() ({
        %run_scoped3A = tpu.sem_alloc : memref<!tpu.dma_semaphore, #tpu.memory_space<semaphore_mem>>
        %dma_start3A_74 = tpu.memref_slice %arg3[%add3A_11] : memref<131072xi32, #tpu.memory_space<hbm>> -> memref<512xi32, #tpu.memory_space<hbm>>
        %dma_start3A_75 = tpu.memref_slice %arg3[%add3A_11] : memref<131072xi32, #tpu.memory_space<hbm>> -> memref<512xi32, #tpu.memory_space<hbm>>
        tpu.enqueue_dma source(%dma_start3A_75 : memref<512xi32, #tpu.memory_space<hbm>>) target(%arg5 : memref<512xi32, #tpu.memory_space<vmem>>) target_semaphore(%run_scoped3A : memref<!tpu.dma_semaphore, #tpu.memory_space<semaphore_mem>>)
        %dma_wait3A_76 = tpu.memref_slice %arg3[%add3A_11] : memref<131072xi32, #tpu.memory_space<hbm>> -> memref<512xi32, #tpu.memory_space<hbm>>
        %dma_wait3A_77 = tpu.memref_slice %arg3[%add3A_11] : memref<131072xi32, #tpu.memory_space<hbm>> -> memref<512xi32, #tpu.memory_space<hbm>>
        tpu.wait_dma2 semaphore(%run_scoped3A : memref<!tpu.dma_semaphore, #tpu.memory_space<semaphore_mem>>) src(%dma_wait3A_77 : memref<512xi32, #tpu.memory_space<hbm>>) dst(%arg5 : memref<512xi32, #tpu.memory_space<vmem>>)
        tpu.yield
      }) : () -> ()
      %dma_start3A = arith.constant 0 : i32
      %dma_start3A_12 = arith.constant 0 : i32
      %dma_start3A_13 = tpu.memref_slice %arg6[%dma_start3A, %dma_start3A_12] : memref<512x128xf32, #tpu.memory_space<vmem>> -> memref<128x128xf32, #tpu.memory_space<vmem>>
      %dma_start3A_14 = arith.constant 0 : i32
      %dma_start3A_15 = tpu.memref_slice %arg5[%dma_start3A_14] : memref<512xi32, #tpu.memory_space<vmem>> -> memref<128xi32, #tpu.memory_space<vmem>>
      %dma_start3A_16 = arith.constant 0 : i32
      %dma_start3A_17 = arith.constant 0 : i32
      %dma_start3A_18 = tpu.memref_slice %arg2[%dma_start3A_16, %dma_start3A_17] : memref<16384x128xf32, #tpu.memory_space<hbm>> -> memref<16384x128xf32, #tpu.memory_space<hbm>>
      tpu.enqueue_indirect_dma source(%dma_start3A_18 : memref<16384x128xf32, #tpu.memory_space<hbm>>) target(%dma_start3A_13 : memref<128x128xf32, #tpu.memory_space<vmem>>) offsets(%dma_start3A_15 : memref<128xi32, #tpu.memory_space<vmem>>) semaphore(%arg7 : memref<!tpu.dma_semaphore, #tpu.memory_space<semaphore_mem>>)
      %dma_start3A_19 = arith.constant 128 : i32
      %dma_start3A_20 = arith.constant 0 : i32
      %dma_start3A_21 = tpu.memref_slice %arg6[%dma_start3A_19, %dma_start3A_20] : memref<512x128xf32, #tpu.memory_space<vmem>> -> memref<128x128xf32, #tpu.memory_space<vmem>>
      %dma_start3A_22 = arith.constant 128 : i32
      %dma_start3A_23 = tpu.memref_slice %arg5[%dma_start3A_22] : memref<512xi32, #tpu.memory_space<vmem>> -> memref<128xi32, #tpu.memory_space<vmem>>
      %dma_start3A_24 = arith.constant 0 : i32
      %dma_start3A_25 = arith.constant 0 : i32
      %dma_start3A_26 = tpu.memref_slice %arg2[%dma_start3A_24, %dma_start3A_25] : memref<16384x128xf32, #tpu.memory_space<hbm>> -> memref<16384x128xf32, #tpu.memory_space<hbm>>
      tpu.enqueue_indirect_dma source(%dma_start3A_26 : memref<16384x128xf32, #tpu.memory_space<hbm>>) target(%dma_start3A_21 : memref<128x128xf32, #tpu.memory_space<vmem>>) offsets(%dma_start3A_23 : memref<128xi32, #tpu.memory_space<vmem>>) semaphore(%arg7 : memref<!tpu.dma_semaphore, #tpu.memory_space<semaphore_mem>>)
      %dma_start3A_27 = arith.constant 256 : i32
      %dma_start3A_28 = arith.constant 0 : i32
      %dma_start3A_29 = tpu.memref_slice %arg6[%dma_start3A_27, %dma_start3A_28] : memref<512x128xf32, #tpu.memory_space<vmem>> -> memref<128x128xf32, #tpu.memory_space<vmem>>
      %dma_start3A_30 = arith.constant 256 : i32
      %dma_start3A_31 = tpu.memref_slice %arg5[%dma_start3A_30] : memref<512xi32, #tpu.memory_space<vmem>> -> memref<128xi32, #tpu.memory_space<vmem>>
      %dma_start3A_32 = arith.constant 0 : i32
      %dma_start3A_33 = arith.constant 0 : i32
      %dma_start3A_34 = tpu.memref_slice %arg2[%dma_start3A_32, %dma_start3A_33] : memref<16384x128xf32, #tpu.memory_space<hbm>> -> memref<16384x128xf32, #tpu.memory_space<hbm>>
      tpu.enqueue_indirect_dma source(%dma_start3A_34 : memref<16384x128xf32, #tpu.memory_space<hbm>>) target(%dma_start3A_29 : memref<128x128xf32, #tpu.memory_space<vmem>>) offsets(%dma_start3A_31 : memref<128xi32, #tpu.memory_space<vmem>>) semaphore(%arg7 : memref<!tpu.dma_semaphore, #tpu.memory_space<semaphore_mem>>)
      %dma_start3A_35 = arith.constant 384 : i32
      %dma_start3A_36 = arith.constant 0 : i32
      %dma_start3A_37 = tpu.memref_slice %arg6[%dma_start3A_35, %dma_start3A_36] : memref<512x128xf32, #tpu.memory_space<vmem>> -> memref<128x128xf32, #tpu.memory_space<vmem>>
      %dma_start3A_38 = arith.constant 384 : i32
      %dma_start3A_39 = tpu.memref_slice %arg5[%dma_start3A_38] : memref<512xi32, #tpu.memory_space<vmem>> -> memref<128xi32, #tpu.memory_space<vmem>>
      %dma_start3A_40 = arith.constant 0 : i32
      %dma_start3A_41 = arith.constant 0 : i32
      %dma_start3A_42 = tpu.memref_slice %arg2[%dma_start3A_40, %dma_start3A_41] : memref<16384x128xf32, #tpu.memory_space<hbm>> -> memref<16384x128xf32, #tpu.memory_space<hbm>>
      tpu.enqueue_indirect_dma source(%dma_start3A_42 : memref<16384x128xf32, #tpu.memory_space<hbm>>) target(%dma_start3A_37 : memref<128x128xf32, #tpu.memory_space<vmem>>) offsets(%dma_start3A_39 : memref<128xi32, #tpu.memory_space<vmem>>) semaphore(%arg7 : memref<!tpu.dma_semaphore, #tpu.memory_space<semaphore_mem>>)
      %dma_wait3A = arith.constant 0 : i32
      %dma_wait3A_43 = arith.constant 0 : i32
      %dma_wait3A_44 = tpu.memref_slice %arg6[%dma_wait3A, %dma_wait3A_43] : memref<512x128xf32, #tpu.memory_space<vmem>> -> memref<128x128xf32, #tpu.memory_space<vmem>>
      %dma_wait3A_45 = arith.constant 0 : i32
      %dma_wait3A_46 = tpu.memref_slice %arg5[%dma_wait3A_45] : memref<512xi32, #tpu.memory_space<vmem>> -> memref<128xi32, #tpu.memory_space<vmem>>
      %dma_wait3A_47 = arith.constant 0 : i32
      %dma_wait3A_48 = arith.constant 0 : i32
      %dma_wait3A_49 = tpu.memref_slice %arg2[%dma_wait3A_47, %dma_wait3A_48] : memref<16384x128xf32, #tpu.memory_space<hbm>> -> memref<16384x128xf32, #tpu.memory_space<hbm>>
      tpu.wait_indirect_dma semaphore(%arg7 : memref<!tpu.dma_semaphore, #tpu.memory_space<semaphore_mem>>) src(%dma_wait3A_49 : memref<16384x128xf32, #tpu.memory_space<hbm>>) dst(%dma_wait3A_44 : memref<128x128xf32, #tpu.memory_space<vmem>>)
      %dma_wait3A_50 = arith.constant 128 : i32
      %dma_wait3A_51 = arith.constant 0 : i32
      %dma_wait3A_52 = tpu.memref_slice %arg6[%dma_wait3A_50, %dma_wait3A_51] : memref<512x128xf32, #tpu.memory_space<vmem>> -> memref<128x128xf32, #tpu.memory_space<vmem>>
      %dma_wait3A_53 = arith.constant 128 : i32
      %dma_wait3A_54 = tpu.memref_slice %arg5[%dma_wait3A_53] : memref<512xi32, #tpu.memory_space<vmem>> -> memref<128xi32, #tpu.memory_space<vmem>>
      %dma_wait3A_55 = arith.constant 0 : i32
      %dma_wait3A_56 = arith.constant 0 : i32
      %dma_wait3A_57 = tpu.memref_slice %arg2[%dma_wait3A_55, %dma_wait3A_56] : memref<16384x128xf32, #tpu.memory_space<hbm>> -> memref<16384x128xf32, #tpu.memory_space<hbm>>
      tpu.wait_indirect_dma semaphore(%arg7 : memref<!tpu.dma_semaphore, #tpu.memory_space<semaphore_mem>>) src(%dma_wait3A_57 : memref<16384x128xf32, #tpu.memory_space<hbm>>) dst(%dma_wait3A_52 : memref<128x128xf32, #tpu.memory_space<vmem>>)
      %dma_wait3A_58 = arith.constant 256 : i32
      %dma_wait3A_59 = arith.constant 0 : i32
      %dma_wait3A_60 = tpu.memref_slice %arg6[%dma_wait3A_58, %dma_wait3A_59] : memref<512x128xf32, #tpu.memory_space<vmem>> -> memref<128x128xf32, #tpu.memory_space<vmem>>
      %dma_wait3A_61 = arith.constant 256 : i32
      %dma_wait3A_62 = tpu.memref_slice %arg5[%dma_wait3A_61] : memref<512xi32, #tpu.memory_space<vmem>> -> memref<128xi32, #tpu.memory_space<vmem>>
      %dma_wait3A_63 = arith.constant 0 : i32
      %dma_wait3A_64 = arith.constant 0 : i32
      %dma_wait3A_65 = tpu.memref_slice %arg2[%dma_wait3A_63, %dma_wait3A_64] : memref<16384x128xf32, #tpu.memory_space<hbm>> -> memref<16384x128xf32, #tpu.memory_space<hbm>>
      tpu.wait_indirect_dma semaphore(%arg7 : memref<!tpu.dma_semaphore, #tpu.memory_space<semaphore_mem>>) src(%dma_wait3A_65 : memref<16384x128xf32, #tpu.memory_space<hbm>>) dst(%dma_wait3A_60 : memref<128x128xf32, #tpu.memory_space<vmem>>)
      %dma_wait3A_66 = arith.constant 384 : i32
      %dma_wait3A_67 = arith.constant 0 : i32
      %dma_wait3A_68 = tpu.memref_slice %arg6[%dma_wait3A_66, %dma_wait3A_67] : memref<512x128xf32, #tpu.memory_space<vmem>> -> memref<128x128xf32, #tpu.memory_space<vmem>>
      %dma_wait3A_69 = arith.constant 384 : i32
      %dma_wait3A_70 = tpu.memref_slice %arg5[%dma_wait3A_69] : memref<512xi32, #tpu.memory_space<vmem>> -> memref<128xi32, #tpu.memory_space<vmem>>
      %dma_wait3A_71 = arith.constant 0 : i32
      %dma_wait3A_72 = arith.constant 0 : i32
      %dma_wait3A_73 = tpu.memref_slice %arg2[%dma_wait3A_71, %dma_wait3A_72] : memref<16384x128xf32, #tpu.memory_space<hbm>> -> memref<16384x128xf32, #tpu.memory_space<hbm>>
      tpu.wait_indirect_dma semaphore(%arg7 : memref<!tpu.dma_semaphore, #tpu.memory_space<semaphore_mem>>) src(%dma_wait3A_73 : memref<16384x128xf32, #tpu.memory_space<hbm>>) dst(%dma_wait3A_68 : memref<128x128xf32, #tpu.memory_space<vmem>>)
      "tpu.region"() ({
        %run_scoped3A = tpu.sem_alloc : memref<!tpu.dma_semaphore, #tpu.memory_space<semaphore_mem>>
        %dma_start3A_74 = arith.constant 0 : i32
        %dma_start3A_75 = tpu.memref_slice %arg4[%add3A_11, %dma_start3A_74] : memref<131072x128xf32, #tpu.memory_space<hbm>> -> memref<512x128xf32, #tpu.memory_space<hbm>>
        %dma_start3A_76 = arith.constant 0 : i32
        %dma_start3A_77 = tpu.memref_slice %arg4[%add3A_11, %dma_start3A_76] : memref<131072x128xf32, #tpu.memory_space<hbm>> -> memref<512x128xf32, #tpu.memory_space<hbm>>
        tpu.enqueue_dma source(%arg6 : memref<512x128xf32, #tpu.memory_space<vmem>>) target(%dma_start3A_77 : memref<512x128xf32, #tpu.memory_space<hbm>>) target_semaphore(%run_scoped3A : memref<!tpu.dma_semaphore, #tpu.memory_space<semaphore_mem>>)
        %dma_wait3A_78 = arith.constant 0 : i32
        %dma_wait3A_79 = tpu.memref_slice %arg4[%add3A_11, %dma_wait3A_78] : memref<131072x128xf32, #tpu.memory_space<hbm>> -> memref<512x128xf32, #tpu.memory_space<hbm>>
        %dma_wait3A_80 = arith.constant 0 : i32
        %dma_wait3A_81 = tpu.memref_slice %arg4[%add3A_11, %dma_wait3A_80] : memref<131072x128xf32, #tpu.memory_space<hbm>> -> memref<512x128xf32, #tpu.memory_space<hbm>>
        tpu.wait_dma2 semaphore(%run_scoped3A : memref<!tpu.dma_semaphore, #tpu.memory_space<semaphore_mem>>) src(%arg6 : memref<512x128xf32, #tpu.memory_space<vmem>>) dst(%dma_wait3A_81 : memref<512x128xf32, #tpu.memory_space<hbm>>)
        tpu.yield
      }) : () -> ()
    }
    %scan3A_7 = arith.constant 8 : i32
    return
  }
}

#map = affine_map<(d0, d1) -> (0, 0)>
#map1 = affine_map<(d0, d1) -> (0)>
module attributes {stable_mosaic.version = 14 : i64} {
  func.func @k(%arg0: i32, %arg1: i32, %arg2: memref<16384x128xf32, #tpu.memory_space<hbm>>, %arg3: memref<131072xi32, #tpu.memory_space<hbm>>, %arg4: memref<131072x128xf32, #tpu.memory_space<hbm>>, %arg5: memref<512xi32, #tpu.memory_space<vmem>>, %arg6: memref<512x128xf32, #tpu.memory_space<vmem>>, %arg7: memref<!tpu.dma_semaphore, #tpu.memory_space<semaphore_mem>>) attributes {dimension_semantics = [#tpu.dimension_semantics<core_parallel>, #tpu.dimension_semantics<subcore_parallel>], iteration_bounds = array<i64: 2, 16>, scalar_prefetch = 0 : i64, scratch_operands = 3 : i64, tpu.core_type = #tpu.core_type<sc_vector_subcore>, window_params = [{transform_indices = #map}, {transform_indices = #map1}, {transform_indices = #map}]} {
    %mul3A = arith.constant 2 : i32
    %mul3A_0 = arith.muli %arg1, %mul3A : i32
    %add3A = arith.addi %mul3A_0, %arg0 : i32
    %mul3A_1 = arith.constant 4096 : i32
    %mul3A_2 = arith.muli %add3A, %mul3A_1 : i32
    %scan3A = arith.constant 0 : i32
    %scan3A_3 = arith.constant 0 : i32
    %scan3A_4 = arith.constant 8 : i32
    %scan3A_5 = arith.addi %scan3A_3, %scan3A_4 : i32
    %scan3A_6 = arith.constant 1 : i32
    scf.for %scan3A_8 = %scan3A_3 to %scan3A_5 step %scan3A_6  : i32 {
      %mul3A_9 = arith.constant 512 : i32
      %mul3A_10 = arith.muli %scan3A_8, %mul3A_9 : i32
      %add3A_11 = arith.addi %mul3A_2, %mul3A_10 : i32
      "tpu.region"() ({
        %run_scoped3A = tpu.sem_alloc : memref<!tpu.dma_semaphore, #tpu.memory_space<semaphore_mem>>
        %dma_start3A_74 = tpu.memref_slice %arg3[%add3A_11] : memref<131072xi32, #tpu.memory_space<hbm>> -> memref<512xi32, #tpu.memory_space<hbm>>
        %dma_start3A_75 = tpu.memref_slice %arg3[%add3A_11] : memref<131072xi32, #tpu.memory_space<hbm>> -> memref<512xi32, #tpu.memory_space<hbm>>
        tpu.enqueue_dma source(%dma_start3A_75 : memref<512xi32, #tpu.memory_space<hbm>>) target(%arg5 : memref<512xi32, #tpu.memory_space<vmem>>) target_semaphore(%run_scoped3A : memref<!tpu.dma_semaphore, #tpu.memory_space<semaphore_mem>>)
        %dma_wait3A_76 = tpu.memref_slice %arg3[%add3A_11] : memref<131072xi32, #tpu.memory_space<hbm>> -> memref<512xi32, #tpu.memory_space<hbm>>
        %dma_wait3A_77 = tpu.memref_slice %arg3[%add3A_11] : memref<131072xi32, #tpu.memory_space<hbm>> -> memref<512xi32, #tpu.memory_space<hbm>>
        tpu.wait_dma2 semaphore(%run_scoped3A : memref<!tpu.dma_semaphore, #tpu.memory_space<semaphore_mem>>) src(%dma_wait3A_77 : memref<512xi32, #tpu.memory_space<hbm>>) dst(%arg5 : memref<512xi32, #tpu.memory_space<vmem>>)
        tpu.yield
      }) : () -> ()
      %dma_start3A = arith.constant 0 : i32
      %dma_start3A_12 = arith.constant 0 : i32
      %dma_start3A_13 = tpu.memref_slice %arg6[%dma_start3A, %dma_start3A_12] : memref<512x128xf32, #tpu.memory_space<vmem>> -> memref<128x128xf32, #tpu.memory_space<vmem>>
      %dma_start3A_14 = arith.constant 0 : i32
      %dma_start3A_15 = tpu.memref_slice %arg5[%dma_start3A_14] : memref<512xi32, #tpu.memory_space<vmem>> -> memref<128xi32, #tpu.memory_space<vmem>>
      %dma_start3A_16 = arith.constant 0 : i32
      %dma_start3A_17 = arith.constant 0 : i32
      %dma_start3A_18 = tpu.memref_slice %arg2[%dma_start3A_16, %dma_start3A_17] : memref<16384x128xf32, #tpu.memory_space<hbm>> -> memref<16384x128xf32, #tpu.memory_space<hbm>>
      tpu.enqueue_indirect_dma source(%dma_start3A_18 : memref<16384x128xf32, #tpu.memory_space<hbm>>) target(%dma_start3A_13 : memref<128x128xf32, #tpu.memory_space<vmem>>) offsets(%dma_start3A_15 : memref<128xi32, #tpu.memory_space<vmem>>) semaphore(%arg7 : memref<!tpu.dma_semaphore, #tpu.memory_space<semaphore_mem>>)
      %dma_start3A_19 = arith.constant 128 : i32
      %dma_start3A_20 = arith.constant 0 : i32
      %dma_start3A_21 = tpu.memref_slice %arg6[%dma_start3A_19, %dma_start3A_20] : memref<512x128xf32, #tpu.memory_space<vmem>> -> memref<128x128xf32, #tpu.memory_space<vmem>>
      %dma_start3A_22 = arith.constant 128 : i32
      %dma_start3A_23 = tpu.memref_slice %arg5[%dma_start3A_22] : memref<512xi32, #tpu.memory_space<vmem>> -> memref<128xi32, #tpu.memory_space<vmem>>
      %dma_start3A_24 = arith.constant 0 : i32
      %dma_start3A_25 = arith.constant 0 : i32
      %dma_start3A_26 = tpu.memref_slice %arg2[%dma_start3A_24, %dma_start3A_25] : memref<16384x128xf32, #tpu.memory_space<hbm>> -> memref<16384x128xf32, #tpu.memory_space<hbm>>
      tpu.enqueue_indirect_dma source(%dma_start3A_26 : memref<16384x128xf32, #tpu.memory_space<hbm>>) target(%dma_start3A_21 : memref<128x128xf32, #tpu.memory_space<vmem>>) offsets(%dma_start3A_23 : memref<128xi32, #tpu.memory_space<vmem>>) semaphore(%arg7 : memref<!tpu.dma_semaphore, #tpu.memory_space<semaphore_mem>>)
      %dma_start3A_27 = arith.constant 256 : i32
      %dma_start3A_28 = arith.constant 0 : i32
      %dma_start3A_29 = tpu.memref_slice %arg6[%dma_start3A_27, %dma_start3A_28] : memref<512x128xf32, #tpu.memory_space<vmem>> -> memref<128x128xf32, #tpu.memory_space<vmem>>
      %dma_start3A_30 = arith.constant 256 : i32
      %dma_start3A_31 = tpu.memref_slice %arg5[%dma_start3A_30] : memref<512xi32, #tpu.memory_space<vmem>> -> memref<128xi32, #tpu.memory_space<vmem>>
      %dma_start3A_32 = arith.constant 0 : i32
      %dma_start3A_33 = arith.constant 0 : i32
      %dma_start3A_34 = tpu.memref_slice %arg2[%dma_start3A_32, %dma_start3A_33] : memref<16384x128xf32, #tpu.memory_space<hbm>> -> memref<16384x128xf32, #tpu.memory_space<hbm>>
      tpu.enqueue_indirect_dma source(%dma_start3A_34 : memref<16384x128xf32, #tpu.memory_space<hbm>>) target(%dma_start3A_29 : memref<128x128xf32, #tpu.memory_space<vmem>>) offsets(%dma_start3A_31 : memref<128xi32, #tpu.memory_space<vmem>>) semaphore(%arg7 : memref<!tpu.dma_semaphore, #tpu.memory_space<semaphore_mem>>)
      %dma_start3A_35 = arith.constant 384 : i32
      %dma_start3A_36 = arith.constant 0 : i32
      %dma_start3A_37 = tpu.memref_slice %arg6[%dma_start3A_35, %dma_start3A_36] : memref<512x128xf32, #tpu.memory_space<vmem>> -> memref<128x128xf32, #tpu.memory_space<vmem>>
      %dma_start3A_38 = arith.constant 384 : i32
      %dma_start3A_39 = tpu.memref_slice %arg5[%dma_start3A_38] : memref<512xi32, #tpu.memory_space<vmem>> -> memref<128xi32, #tpu.memory_space<vmem>>
      %dma_start3A_40 = arith.constant 0 : i32
      %dma_start3A_41 = arith.constant 0 : i32
      %dma_start3A_42 = tpu.memref_slice %arg2[%dma_start3A_40, %dma_start3A_41] : memref<16384x128xf32, #tpu.memory_space<hbm>> -> memref<16384x128xf32, #tpu.memory_space<hbm>>
      tpu.enqueue_indirect_dma source(%dma_start3A_42 : memref<16384x128xf32, #tpu.memory_space<hbm>>) target(%dma_start3A_37 : memref<128x128xf32, #tpu.memory_space<vmem>>) offsets(%dma_start3A_39 : memref<128xi32, #tpu.memory_space<vmem>>) semaphore(%arg7 : memref<!tpu.dma_semaphore, #tpu.memory_space<semaphore_mem>>)
      %dma_wait3A = arith.constant 0 : i32
      %dma_wait3A_43 = arith.constant 0 : i32
      %dma_wait3A_44 = tpu.memref_slice %arg6[%dma_wait3A, %dma_wait3A_43] : memref<512x128xf32, #tpu.memory_space<vmem>> -> memref<128x128xf32, #tpu.memory_space<vmem>>
      %dma_wait3A_45 = arith.constant 0 : i32
      %dma_wait3A_46 = tpu.memref_slice %arg5[%dma_wait3A_45] : memref<512xi32, #tpu.memory_space<vmem>> -> memref<128xi32, #tpu.memory_space<vmem>>
      %dma_wait3A_47 = arith.constant 0 : i32
      %dma_wait3A_48 = arith.constant 0 : i32
      %dma_wait3A_49 = tpu.memref_slice %arg2[%dma_wait3A_47, %dma_wait3A_48] : memref<16384x128xf32, #tpu.memory_space<hbm>> -> memref<16384x128xf32, #tpu.memory_space<hbm>>
      tpu.wait_indirect_dma semaphore(%arg7 : memref<!tpu.dma_semaphore, #tpu.memory_space<semaphore_mem>>) src(%dma_wait3A_49 : memref<16384x128xf32, #tpu.memory_space<hbm>>) dst(%dma_wait3A_44 : memref<128x128xf32, #tpu.memory_space<vmem>>)
      %dma_wait3A_50 = arith.constant 128 : i32
      %dma_wait3A_51 = arith.constant 0 : i32
      %dma_wait3A_52 = tpu.memref_slice %arg6[%dma_wait3A_50, %dma_wait3A_51] : memref<512x128xf32, #tpu.memory_space<vmem>> -> memref<128x128xf32, #tpu.memory_space<vmem>>
      %dma_wait3A_53 = arith.constant 128 : i32
      %dma_wait3A_54 = tpu.memref_slice %arg5[%dma_wait3A_53] : memref<512xi32, #tpu.memory_space<vmem>> -> memref<128xi32, #tpu.memory_space<vmem>>
      %dma_wait3A_55 = arith.constant 0 : i32
      %dma_wait3A_56 = arith.constant 0 : i32
      %dma_wait3A_57 = tpu.memref_slice %arg2[%dma_wait3A_55, %dma_wait3A_56] : memref<16384x128xf32, #tpu.memory_space<hbm>> -> memref<16384x128xf32, #tpu.memory_space<hbm>>
      tpu.wait_indirect_dma semaphore(%arg7 : memref<!tpu.dma_semaphore, #tpu.memory_space<semaphore_mem>>) src(%dma_wait3A_57 : memref<16384x128xf32, #tpu.memory_space<hbm>>) dst(%dma_wait3A_52 : memref<128x128xf32, #tpu.memory_space<vmem>>)
      %dma_wait3A_58 = arith.constant 256 : i32
      %dma_wait3A_59 = arith.constant 0 : i32
      %dma_wait3A_60 = tpu.memref_slice %arg6[%dma_wait3A_58, %dma_wait3A_59] : memref<512x128xf32, #tpu.memory_space<vmem>> -> memref<128x128xf32, #tpu.memory_space<vmem>>
      %dma_wait3A_61 = arith.constant 256 : i32
      %dma_wait3A_62 = tpu.memref_slice %arg5[%dma_wait3A_61] : memref<512xi32, #tpu.memory_space<vmem>> -> memref<128xi32, #tpu.memory_space<vmem>>
      %dma_wait3A_63 = arith.constant 0 : i32
      %dma_wait3A_64 = arith.constant 0 : i32
      %dma_wait3A_65 = tpu.memref_slice %arg2[%dma_wait3A_63, %dma_wait3A_64] : memref<16384x128xf32, #tpu.memory_space<hbm>> -> memref<16384x128xf32, #tpu.memory_space<hbm>>
      tpu.wait_indirect_dma semaphore(%arg7 : memref<!tpu.dma_semaphore, #tpu.memory_space<semaphore_mem>>) src(%dma_wait3A_65 : memref<16384x128xf32, #tpu.memory_space<hbm>>) dst(%dma_wait3A_60 : memref<128x128xf32, #tpu.memory_space<vmem>>)
      %dma_wait3A_66 = arith.constant 384 : i32
      %dma_wait3A_67 = arith.constant 0 : i32
      %dma_wait3A_68 = tpu.memref_slice %arg6[%dma_wait3A_66, %dma_wait3A_67] : memref<512x128xf32, #tpu.memory_space<vmem>> -> memref<128x128xf32, #tpu.memory_space<vmem>>
      %dma_wait3A_69 = arith.constant 384 : i32
      %dma_wait3A_70 = tpu.memref_slice %arg5[%dma_wait3A_69] : memref<512xi32, #tpu.memory_space<vmem>> -> memref<128xi32, #tpu.memory_space<vmem>>
      %dma_wait3A_71 = arith.constant 0 : i32
      %dma_wait3A_72 = arith.constant 0 : i32
      %dma_wait3A_73 = tpu.memref_slice %arg2[%dma_wait3A_71, %dma_wait3A_72] : memref<16384x128xf32, #tpu.memory_space<hbm>> -> memref<16384x128xf32, #tpu.memory_space<hbm>>
      tpu.wait_indirect_dma semaphore(%arg7 : memref<!tpu.dma_semaphore, #tpu.memory_space<semaphore_mem>>) src(%dma_wait3A_73 : memref<16384x128xf32, #tpu.memory_space<hbm>>) dst(%dma_wait3A_68 : memref<128x128xf32, #tpu.memory_space<vmem>>)
      "tpu.region"() ({
        %run_scoped3A = tpu.sem_alloc : memref<!tpu.dma_semaphore, #tpu.memory_space<semaphore_mem>>
        %dma_start3A_74 = arith.constant 0 : i32
        %dma_start3A_75 = tpu.memref_slice %arg4[%add3A_11, %dma_start3A_74] : memref<131072x128xf32, #tpu.memory_space<hbm>> -> memref<512x128xf32, #tpu.memory_space<hbm>>
        %dma_start3A_76 = arith.constant 0 : i32
        %dma_start3A_77 = tpu.memref_slice %arg4[%add3A_11, %dma_start3A_76] : memref<131072x128xf32, #tpu.memory_space<hbm>> -> memref<512x128xf32, #tpu.memory_space<hbm>>
        tpu.enqueue_dma source(%arg6 : memref<512x128xf32, #tpu.memory_space<vmem>>) target(%dma_start3A_77 : memref<512x128xf32, #tpu.memory_space<hbm>>) target_semaphore(%run_scoped3A : memref<!tpu.dma_semaphore, #tpu.memory_space<semaphore_mem>>)
        %dma_wait3A_78 = arith.constant 0 : i32
        %dma_wait3A_79 = tpu.memref_slice %arg4[%add3A_11, %dma_wait3A_78] : memref<131072x128xf32, #tpu.memory_space<hbm>> -> memref<512x128xf32, #tpu.memory_space<hbm>>
        %dma_wait3A_80 = arith.constant 0 : i32
        %dma_wait3A_81 = tpu.memref_slice %arg4[%add3A_11, %dma_wait3A_80] : memref<131072x128xf32, #tpu.memory_space<hbm>> -> memref<512x128xf32, #tpu.memory_space<hbm>>
        tpu.wait_dma2 semaphore(%run_scoped3A : memref<!tpu.dma_semaphore, #tpu.memory_space<semaphore_mem>>) src(%arg6 : memref<512x128xf32, #tpu.memory_space<vmem>>) dst(%dma_wait3A_81 : memref<512x128xf32, #tpu.memory_space<hbm>>)
        tpu.yield
      }) : () -> ()
    }
    %scan3A_7 = arith.constant 8 : i32
    return
  }
}

#map = affine_map<(d0, d1) -> (0, 0)>
#map1 = affine_map<(d0, d1) -> (0)>
module attributes {stable_mosaic.version = 14 : i64} {
  func.func @k(%arg0: i32, %arg1: i32, %arg2: memref<16384x128xf32, #tpu.memory_space<hbm>>, %arg3: memref<65536xi32, #tpu.memory_space<hbm>>, %arg4: memref<65536x128xf32, #tpu.memory_space<hbm>>, %arg5: memref<512xi32, #tpu.memory_space<vmem>>, %arg6: memref<512x128xf32, #tpu.memory_space<vmem>>, %arg7: memref<!tpu.dma_semaphore, #tpu.memory_space<semaphore_mem>>) attributes {dimension_semantics = [#tpu.dimension_semantics<core_parallel>, #tpu.dimension_semantics<subcore_parallel>], iteration_bounds = array<i64: 2, 16>, scalar_prefetch = 0 : i64, scratch_operands = 3 : i64, tpu.core_type = #tpu.core_type<sc_vector_subcore>, window_params = [{transform_indices = #map}, {transform_indices = #map1}, {transform_indices = #map}]} {
    %mul3A = arith.constant 2 : i32
    %mul3A_0 = arith.muli %arg1, %mul3A : i32
    %add3A = arith.addi %mul3A_0, %arg0 : i32
    %mul3A_1 = arith.constant 2048 : i32
    %mul3A_2 = arith.muli %add3A, %mul3A_1 : i32
    %scan3A = arith.constant 0 : i32
    %scan3A_3 = arith.constant 0 : i32
    %scan3A_4 = arith.constant 4 : i32
    %scan3A_5 = arith.addi %scan3A_3, %scan3A_4 : i32
    %scan3A_6 = arith.constant 1 : i32
    scf.for %scan3A_8 = %scan3A_3 to %scan3A_5 step %scan3A_6  : i32 {
      %mul3A_9 = arith.constant 512 : i32
      %mul3A_10 = arith.muli %scan3A_8, %mul3A_9 : i32
      %add3A_11 = arith.addi %mul3A_2, %mul3A_10 : i32
      "tpu.region"() ({
        %run_scoped3A = tpu.sem_alloc : memref<!tpu.dma_semaphore, #tpu.memory_space<semaphore_mem>>
        %dma_start3A_74 = tpu.memref_slice %arg3[%add3A_11] : memref<65536xi32, #tpu.memory_space<hbm>> -> memref<512xi32, #tpu.memory_space<hbm>>
        %dma_start3A_75 = tpu.memref_slice %arg3[%add3A_11] : memref<65536xi32, #tpu.memory_space<hbm>> -> memref<512xi32, #tpu.memory_space<hbm>>
        tpu.enqueue_dma source(%dma_start3A_75 : memref<512xi32, #tpu.memory_space<hbm>>) target(%arg5 : memref<512xi32, #tpu.memory_space<vmem>>) target_semaphore(%run_scoped3A : memref<!tpu.dma_semaphore, #tpu.memory_space<semaphore_mem>>)
        %dma_wait3A_76 = tpu.memref_slice %arg3[%add3A_11] : memref<65536xi32, #tpu.memory_space<hbm>> -> memref<512xi32, #tpu.memory_space<hbm>>
        %dma_wait3A_77 = tpu.memref_slice %arg3[%add3A_11] : memref<65536xi32, #tpu.memory_space<hbm>> -> memref<512xi32, #tpu.memory_space<hbm>>
        tpu.wait_dma2 semaphore(%run_scoped3A : memref<!tpu.dma_semaphore, #tpu.memory_space<semaphore_mem>>) src(%dma_wait3A_77 : memref<512xi32, #tpu.memory_space<hbm>>) dst(%arg5 : memref<512xi32, #tpu.memory_space<vmem>>)
        tpu.yield
      }) : () -> ()
      %dma_start3A = arith.constant 0 : i32
      %dma_start3A_12 = arith.constant 0 : i32
      %dma_start3A_13 = tpu.memref_slice %arg6[%dma_start3A, %dma_start3A_12] : memref<512x128xf32, #tpu.memory_space<vmem>> -> memref<128x128xf32, #tpu.memory_space<vmem>>
      %dma_start3A_14 = arith.constant 0 : i32
      %dma_start3A_15 = tpu.memref_slice %arg5[%dma_start3A_14] : memref<512xi32, #tpu.memory_space<vmem>> -> memref<128xi32, #tpu.memory_space<vmem>>
      %dma_start3A_16 = arith.constant 0 : i32
      %dma_start3A_17 = arith.constant 0 : i32
      %dma_start3A_18 = tpu.memref_slice %arg2[%dma_start3A_16, %dma_start3A_17] : memref<16384x128xf32, #tpu.memory_space<hbm>> -> memref<16384x128xf32, #tpu.memory_space<hbm>>
      tpu.enqueue_indirect_dma source(%dma_start3A_18 : memref<16384x128xf32, #tpu.memory_space<hbm>>) target(%dma_start3A_13 : memref<128x128xf32, #tpu.memory_space<vmem>>) offsets(%dma_start3A_15 : memref<128xi32, #tpu.memory_space<vmem>>) semaphore(%arg7 : memref<!tpu.dma_semaphore, #tpu.memory_space<semaphore_mem>>)
      %dma_start3A_19 = arith.constant 128 : i32
      %dma_start3A_20 = arith.constant 0 : i32
      %dma_start3A_21 = tpu.memref_slice %arg6[%dma_start3A_19, %dma_start3A_20] : memref<512x128xf32, #tpu.memory_space<vmem>> -> memref<128x128xf32, #tpu.memory_space<vmem>>
      %dma_start3A_22 = arith.constant 128 : i32
      %dma_start3A_23 = tpu.memref_slice %arg5[%dma_start3A_22] : memref<512xi32, #tpu.memory_space<vmem>> -> memref<128xi32, #tpu.memory_space<vmem>>
      %dma_start3A_24 = arith.constant 0 : i32
      %dma_start3A_25 = arith.constant 0 : i32
      %dma_start3A_26 = tpu.memref_slice %arg2[%dma_start3A_24, %dma_start3A_25] : memref<16384x128xf32, #tpu.memory_space<hbm>> -> memref<16384x128xf32, #tpu.memory_space<hbm>>
      tpu.enqueue_indirect_dma source(%dma_start3A_26 : memref<16384x128xf32, #tpu.memory_space<hbm>>) target(%dma_start3A_21 : memref<128x128xf32, #tpu.memory_space<vmem>>) offsets(%dma_start3A_23 : memref<128xi32, #tpu.memory_space<vmem>>) semaphore(%arg7 : memref<!tpu.dma_semaphore, #tpu.memory_space<semaphore_mem>>)
      %dma_start3A_27 = arith.constant 256 : i32
      %dma_start3A_28 = arith.constant 0 : i32
      %dma_start3A_29 = tpu.memref_slice %arg6[%dma_start3A_27, %dma_start3A_28] : memref<512x128xf32, #tpu.memory_space<vmem>> -> memref<128x128xf32, #tpu.memory_space<vmem>>
      %dma_start3A_30 = arith.constant 256 : i32
      %dma_start3A_31 = tpu.memref_slice %arg5[%dma_start3A_30] : memref<512xi32, #tpu.memory_space<vmem>> -> memref<128xi32, #tpu.memory_space<vmem>>
      %dma_start3A_32 = arith.constant 0 : i32
      %dma_start3A_33 = arith.constant 0 : i32
      %dma_start3A_34 = tpu.memref_slice %arg2[%dma_start3A_32, %dma_start3A_33] : memref<16384x128xf32, #tpu.memory_space<hbm>> -> memref<16384x128xf32, #tpu.memory_space<hbm>>
      tpu.enqueue_indirect_dma source(%dma_start3A_34 : memref<16384x128xf32, #tpu.memory_space<hbm>>) target(%dma_start3A_29 : memref<128x128xf32, #tpu.memory_space<vmem>>) offsets(%dma_start3A_31 : memref<128xi32, #tpu.memory_space<vmem>>) semaphore(%arg7 : memref<!tpu.dma_semaphore, #tpu.memory_space<semaphore_mem>>)
      %dma_start3A_35 = arith.constant 384 : i32
      %dma_start3A_36 = arith.constant 0 : i32
      %dma_start3A_37 = tpu.memref_slice %arg6[%dma_start3A_35, %dma_start3A_36] : memref<512x128xf32, #tpu.memory_space<vmem>> -> memref<128x128xf32, #tpu.memory_space<vmem>>
      %dma_start3A_38 = arith.constant 384 : i32
      %dma_start3A_39 = tpu.memref_slice %arg5[%dma_start3A_38] : memref<512xi32, #tpu.memory_space<vmem>> -> memref<128xi32, #tpu.memory_space<vmem>>
      %dma_start3A_40 = arith.constant 0 : i32
      %dma_start3A_41 = arith.constant 0 : i32
      %dma_start3A_42 = tpu.memref_slice %arg2[%dma_start3A_40, %dma_start3A_41] : memref<16384x128xf32, #tpu.memory_space<hbm>> -> memref<16384x128xf32, #tpu.memory_space<hbm>>
      tpu.enqueue_indirect_dma source(%dma_start3A_42 : memref<16384x128xf32, #tpu.memory_space<hbm>>) target(%dma_start3A_37 : memref<128x128xf32, #tpu.memory_space<vmem>>) offsets(%dma_start3A_39 : memref<128xi32, #tpu.memory_space<vmem>>) semaphore(%arg7 : memref<!tpu.dma_semaphore, #tpu.memory_space<semaphore_mem>>)
      %dma_wait3A = arith.constant 0 : i32
      %dma_wait3A_43 = arith.constant 0 : i32
      %dma_wait3A_44 = tpu.memref_slice %arg6[%dma_wait3A, %dma_wait3A_43] : memref<512x128xf32, #tpu.memory_space<vmem>> -> memref<128x128xf32, #tpu.memory_space<vmem>>
      %dma_wait3A_45 = arith.constant 0 : i32
      %dma_wait3A_46 = tpu.memref_slice %arg5[%dma_wait3A_45] : memref<512xi32, #tpu.memory_space<vmem>> -> memref<128xi32, #tpu.memory_space<vmem>>
      %dma_wait3A_47 = arith.constant 0 : i32
      %dma_wait3A_48 = arith.constant 0 : i32
      %dma_wait3A_49 = tpu.memref_slice %arg2[%dma_wait3A_47, %dma_wait3A_48] : memref<16384x128xf32, #tpu.memory_space<hbm>> -> memref<16384x128xf32, #tpu.memory_space<hbm>>
      tpu.wait_indirect_dma semaphore(%arg7 : memref<!tpu.dma_semaphore, #tpu.memory_space<semaphore_mem>>) src(%dma_wait3A_49 : memref<16384x128xf32, #tpu.memory_space<hbm>>) dst(%dma_wait3A_44 : memref<128x128xf32, #tpu.memory_space<vmem>>)
      %dma_wait3A_50 = arith.constant 128 : i32
      %dma_wait3A_51 = arith.constant 0 : i32
      %dma_wait3A_52 = tpu.memref_slice %arg6[%dma_wait3A_50, %dma_wait3A_51] : memref<512x128xf32, #tpu.memory_space<vmem>> -> memref<128x128xf32, #tpu.memory_space<vmem>>
      %dma_wait3A_53 = arith.constant 128 : i32
      %dma_wait3A_54 = tpu.memref_slice %arg5[%dma_wait3A_53] : memref<512xi32, #tpu.memory_space<vmem>> -> memref<128xi32, #tpu.memory_space<vmem>>
      %dma_wait3A_55 = arith.constant 0 : i32
      %dma_wait3A_56 = arith.constant 0 : i32
      %dma_wait3A_57 = tpu.memref_slice %arg2[%dma_wait3A_55, %dma_wait3A_56] : memref<16384x128xf32, #tpu.memory_space<hbm>> -> memref<16384x128xf32, #tpu.memory_space<hbm>>
      tpu.wait_indirect_dma semaphore(%arg7 : memref<!tpu.dma_semaphore, #tpu.memory_space<semaphore_mem>>) src(%dma_wait3A_57 : memref<16384x128xf32, #tpu.memory_space<hbm>>) dst(%dma_wait3A_52 : memref<128x128xf32, #tpu.memory_space<vmem>>)
      %dma_wait3A_58 = arith.constant 256 : i32
      %dma_wait3A_59 = arith.constant 0 : i32
      %dma_wait3A_60 = tpu.memref_slice %arg6[%dma_wait3A_58, %dma_wait3A_59] : memref<512x128xf32, #tpu.memory_space<vmem>> -> memref<128x128xf32, #tpu.memory_space<vmem>>
      %dma_wait3A_61 = arith.constant 256 : i32
      %dma_wait3A_62 = tpu.memref_slice %arg5[%dma_wait3A_61] : memref<512xi32, #tpu.memory_space<vmem>> -> memref<128xi32, #tpu.memory_space<vmem>>
      %dma_wait3A_63 = arith.constant 0 : i32
      %dma_wait3A_64 = arith.constant 0 : i32
      %dma_wait3A_65 = tpu.memref_slice %arg2[%dma_wait3A_63, %dma_wait3A_64] : memref<16384x128xf32, #tpu.memory_space<hbm>> -> memref<16384x128xf32, #tpu.memory_space<hbm>>
      tpu.wait_indirect_dma semaphore(%arg7 : memref<!tpu.dma_semaphore, #tpu.memory_space<semaphore_mem>>) src(%dma_wait3A_65 : memref<16384x128xf32, #tpu.memory_space<hbm>>) dst(%dma_wait3A_60 : memref<128x128xf32, #tpu.memory_space<vmem>>)
      %dma_wait3A_66 = arith.constant 384 : i32
      %dma_wait3A_67 = arith.constant 0 : i32
      %dma_wait3A_68 = tpu.memref_slice %arg6[%dma_wait3A_66, %dma_wait3A_67] : memref<512x128xf32, #tpu.memory_space<vmem>> -> memref<128x128xf32, #tpu.memory_space<vmem>>
      %dma_wait3A_69 = arith.constant 384 : i32
      %dma_wait3A_70 = tpu.memref_slice %arg5[%dma_wait3A_69] : memref<512xi32, #tpu.memory_space<vmem>> -> memref<128xi32, #tpu.memory_space<vmem>>
      %dma_wait3A_71 = arith.constant 0 : i32
      %dma_wait3A_72 = arith.constant 0 : i32
      %dma_wait3A_73 = tpu.memref_slice %arg2[%dma_wait3A_71, %dma_wait3A_72] : memref<16384x128xf32, #tpu.memory_space<hbm>> -> memref<16384x128xf32, #tpu.memory_space<hbm>>
      tpu.wait_indirect_dma semaphore(%arg7 : memref<!tpu.dma_semaphore, #tpu.memory_space<semaphore_mem>>) src(%dma_wait3A_73 : memref<16384x128xf32, #tpu.memory_space<hbm>>) dst(%dma_wait3A_68 : memref<128x128xf32, #tpu.memory_space<vmem>>)
      "tpu.region"() ({
        %run_scoped3A = tpu.sem_alloc : memref<!tpu.dma_semaphore, #tpu.memory_space<semaphore_mem>>
        %dma_start3A_74 = arith.constant 0 : i32
        %dma_start3A_75 = tpu.memref_slice %arg4[%add3A_11, %dma_start3A_74] : memref<65536x128xf32, #tpu.memory_space<hbm>> -> memref<512x128xf32, #tpu.memory_space<hbm>>
        %dma_start3A_76 = arith.constant 0 : i32
        %dma_start3A_77 = tpu.memref_slice %arg4[%add3A_11, %dma_start3A_76] : memref<65536x128xf32, #tpu.memory_space<hbm>> -> memref<512x128xf32, #tpu.memory_space<hbm>>
        tpu.enqueue_dma source(%arg6 : memref<512x128xf32, #tpu.memory_space<vmem>>) target(%dma_start3A_77 : memref<512x128xf32, #tpu.memory_space<hbm>>) target_semaphore(%run_scoped3A : memref<!tpu.dma_semaphore, #tpu.memory_space<semaphore_mem>>)
        %dma_wait3A_78 = arith.constant 0 : i32
        %dma_wait3A_79 = tpu.memref_slice %arg4[%add3A_11, %dma_wait3A_78] : memref<65536x128xf32, #tpu.memory_space<hbm>> -> memref<512x128xf32, #tpu.memory_space<hbm>>
        %dma_wait3A_80 = arith.constant 0 : i32
        %dma_wait3A_81 = tpu.memref_slice %arg4[%add3A_11, %dma_wait3A_80] : memref<65536x128xf32, #tpu.memory_space<hbm>> -> memref<512x128xf32, #tpu.memory_space<hbm>>
        tpu.wait_dma2 semaphore(%run_scoped3A : memref<!tpu.dma_semaphore, #tpu.memory_space<semaphore_mem>>) src(%arg6 : memref<512x128xf32, #tpu.memory_space<vmem>>) dst(%dma_wait3A_81 : memref<512x128xf32, #tpu.memory_space<hbm>>)
        tpu.yield
      }) : () -> ()
    }
    %scan3A_7 = arith.constant 4 : i32
    return
  }
}

#map = affine_map<(d0, d1) -> (0, 0)>
#map1 = affine_map<(d0, d1) -> (0)>
module attributes {stable_mosaic.version = 14 : i64} {
  func.func @k(%arg0: i32, %arg1: i32, %arg2: memref<16384x128xf32, #tpu.memory_space<hbm>>, %arg3: memref<65536xi32, #tpu.memory_space<hbm>>, %arg4: memref<65536x128xf32, #tpu.memory_space<hbm>>, %arg5: memref<512xi32, #tpu.memory_space<vmem>>, %arg6: memref<512x128xf32, #tpu.memory_space<vmem>>, %arg7: memref<!tpu.dma_semaphore, #tpu.memory_space<semaphore_mem>>) attributes {dimension_semantics = [#tpu.dimension_semantics<core_parallel>, #tpu.dimension_semantics<subcore_parallel>], iteration_bounds = array<i64: 2, 16>, scalar_prefetch = 0 : i64, scratch_operands = 3 : i64, tpu.core_type = #tpu.core_type<sc_vector_subcore>, window_params = [{transform_indices = #map}, {transform_indices = #map1}, {transform_indices = #map}]} {
    %mul3A = arith.constant 2 : i32
    %mul3A_0 = arith.muli %arg1, %mul3A : i32
    %add3A = arith.addi %mul3A_0, %arg0 : i32
    %mul3A_1 = arith.constant 2048 : i32
    %mul3A_2 = arith.muli %add3A, %mul3A_1 : i32
    %scan3A = arith.constant 0 : i32
    %scan3A_3 = arith.constant 0 : i32
    %scan3A_4 = arith.constant 4 : i32
    %scan3A_5 = arith.addi %scan3A_3, %scan3A_4 : i32
    %scan3A_6 = arith.constant 1 : i32
    scf.for %scan3A_8 = %scan3A_3 to %scan3A_5 step %scan3A_6  : i32 {
      %mul3A_9 = arith.constant 512 : i32
      %mul3A_10 = arith.muli %scan3A_8, %mul3A_9 : i32
      %add3A_11 = arith.addi %mul3A_2, %mul3A_10 : i32
      "tpu.region"() ({
        %run_scoped3A = tpu.sem_alloc : memref<!tpu.dma_semaphore, #tpu.memory_space<semaphore_mem>>
        %dma_start3A_74 = tpu.memref_slice %arg3[%add3A_11] : memref<65536xi32, #tpu.memory_space<hbm>> -> memref<512xi32, #tpu.memory_space<hbm>>
        %dma_start3A_75 = tpu.memref_slice %arg3[%add3A_11] : memref<65536xi32, #tpu.memory_space<hbm>> -> memref<512xi32, #tpu.memory_space<hbm>>
        tpu.enqueue_dma source(%dma_start3A_75 : memref<512xi32, #tpu.memory_space<hbm>>) target(%arg5 : memref<512xi32, #tpu.memory_space<vmem>>) target_semaphore(%run_scoped3A : memref<!tpu.dma_semaphore, #tpu.memory_space<semaphore_mem>>)
        %dma_wait3A_76 = tpu.memref_slice %arg3[%add3A_11] : memref<65536xi32, #tpu.memory_space<hbm>> -> memref<512xi32, #tpu.memory_space<hbm>>
        %dma_wait3A_77 = tpu.memref_slice %arg3[%add3A_11] : memref<65536xi32, #tpu.memory_space<hbm>> -> memref<512xi32, #tpu.memory_space<hbm>>
        tpu.wait_dma2 semaphore(%run_scoped3A : memref<!tpu.dma_semaphore, #tpu.memory_space<semaphore_mem>>) src(%dma_wait3A_77 : memref<512xi32, #tpu.memory_space<hbm>>) dst(%arg5 : memref<512xi32, #tpu.memory_space<vmem>>)
        tpu.yield
      }) : () -> ()
      %dma_start3A = arith.constant 0 : i32
      %dma_start3A_12 = arith.constant 0 : i32
      %dma_start3A_13 = tpu.memref_slice %arg6[%dma_start3A, %dma_start3A_12] : memref<512x128xf32, #tpu.memory_space<vmem>> -> memref<128x128xf32, #tpu.memory_space<vmem>>
      %dma_start3A_14 = arith.constant 0 : i32
      %dma_start3A_15 = tpu.memref_slice %arg5[%dma_start3A_14] : memref<512xi32, #tpu.memory_space<vmem>> -> memref<128xi32, #tpu.memory_space<vmem>>
      %dma_start3A_16 = arith.constant 0 : i32
      %dma_start3A_17 = arith.constant 0 : i32
      %dma_start3A_18 = tpu.memref_slice %arg2[%dma_start3A_16, %dma_start3A_17] : memref<16384x128xf32, #tpu.memory_space<hbm>> -> memref<16384x128xf32, #tpu.memory_space<hbm>>
      tpu.enqueue_indirect_dma source(%dma_start3A_18 : memref<16384x128xf32, #tpu.memory_space<hbm>>) target(%dma_start3A_13 : memref<128x128xf32, #tpu.memory_space<vmem>>) offsets(%dma_start3A_15 : memref<128xi32, #tpu.memory_space<vmem>>) semaphore(%arg7 : memref<!tpu.dma_semaphore, #tpu.memory_space<semaphore_mem>>)
      %dma_start3A_19 = arith.constant 128 : i32
      %dma_start3A_20 = arith.constant 0 : i32
      %dma_start3A_21 = tpu.memref_slice %arg6[%dma_start3A_19, %dma_start3A_20] : memref<512x128xf32, #tpu.memory_space<vmem>> -> memref<128x128xf32, #tpu.memory_space<vmem>>
      %dma_start3A_22 = arith.constant 128 : i32
      %dma_start3A_23 = tpu.memref_slice %arg5[%dma_start3A_22] : memref<512xi32, #tpu.memory_space<vmem>> -> memref<128xi32, #tpu.memory_space<vmem>>
      %dma_start3A_24 = arith.constant 0 : i32
      %dma_start3A_25 = arith.constant 0 : i32
      %dma_start3A_26 = tpu.memref_slice %arg2[%dma_start3A_24, %dma_start3A_25] : memref<16384x128xf32, #tpu.memory_space<hbm>> -> memref<16384x128xf32, #tpu.memory_space<hbm>>
      tpu.enqueue_indirect_dma source(%dma_start3A_26 : memref<16384x128xf32, #tpu.memory_space<hbm>>) target(%dma_start3A_21 : memref<128x128xf32, #tpu.memory_space<vmem>>) offsets(%dma_start3A_23 : memref<128xi32, #tpu.memory_space<vmem>>) semaphore(%arg7 : memref<!tpu.dma_semaphore, #tpu.memory_space<semaphore_mem>>)
      %dma_start3A_27 = arith.constant 256 : i32
      %dma_start3A_28 = arith.constant 0 : i32
      %dma_start3A_29 = tpu.memref_slice %arg6[%dma_start3A_27, %dma_start3A_28] : memref<512x128xf32, #tpu.memory_space<vmem>> -> memref<128x128xf32, #tpu.memory_space<vmem>>
      %dma_start3A_30 = arith.constant 256 : i32
      %dma_start3A_31 = tpu.memref_slice %arg5[%dma_start3A_30] : memref<512xi32, #tpu.memory_space<vmem>> -> memref<128xi32, #tpu.memory_space<vmem>>
      %dma_start3A_32 = arith.constant 0 : i32
      %dma_start3A_33 = arith.constant 0 : i32
      %dma_start3A_34 = tpu.memref_slice %arg2[%dma_start3A_32, %dma_start3A_33] : memref<16384x128xf32, #tpu.memory_space<hbm>> -> memref<16384x128xf32, #tpu.memory_space<hbm>>
      tpu.enqueue_indirect_dma source(%dma_start3A_34 : memref<16384x128xf32, #tpu.memory_space<hbm>>) target(%dma_start3A_29 : memref<128x128xf32, #tpu.memory_space<vmem>>) offsets(%dma_start3A_31 : memref<128xi32, #tpu.memory_space<vmem>>) semaphore(%arg7 : memref<!tpu.dma_semaphore, #tpu.memory_space<semaphore_mem>>)
      %dma_start3A_35 = arith.constant 384 : i32
      %dma_start3A_36 = arith.constant 0 : i32
      %dma_start3A_37 = tpu.memref_slice %arg6[%dma_start3A_35, %dma_start3A_36] : memref<512x128xf32, #tpu.memory_space<vmem>> -> memref<128x128xf32, #tpu.memory_space<vmem>>
      %dma_start3A_38 = arith.constant 384 : i32
      %dma_start3A_39 = tpu.memref_slice %arg5[%dma_start3A_38] : memref<512xi32, #tpu.memory_space<vmem>> -> memref<128xi32, #tpu.memory_space<vmem>>
      %dma_start3A_40 = arith.constant 0 : i32
      %dma_start3A_41 = arith.constant 0 : i32
      %dma_start3A_42 = tpu.memref_slice %arg2[%dma_start3A_40, %dma_start3A_41] : memref<16384x128xf32, #tpu.memory_space<hbm>> -> memref<16384x128xf32, #tpu.memory_space<hbm>>
      tpu.enqueue_indirect_dma source(%dma_start3A_42 : memref<16384x128xf32, #tpu.memory_space<hbm>>) target(%dma_start3A_37 : memref<128x128xf32, #tpu.memory_space<vmem>>) offsets(%dma_start3A_39 : memref<128xi32, #tpu.memory_space<vmem>>) semaphore(%arg7 : memref<!tpu.dma_semaphore, #tpu.memory_space<semaphore_mem>>)
      %dma_wait3A = arith.constant 0 : i32
      %dma_wait3A_43 = arith.constant 0 : i32
      %dma_wait3A_44 = tpu.memref_slice %arg6[%dma_wait3A, %dma_wait3A_43] : memref<512x128xf32, #tpu.memory_space<vmem>> -> memref<128x128xf32, #tpu.memory_space<vmem>>
      %dma_wait3A_45 = arith.constant 0 : i32
      %dma_wait3A_46 = tpu.memref_slice %arg5[%dma_wait3A_45] : memref<512xi32, #tpu.memory_space<vmem>> -> memref<128xi32, #tpu.memory_space<vmem>>
      %dma_wait3A_47 = arith.constant 0 : i32
      %dma_wait3A_48 = arith.constant 0 : i32
      %dma_wait3A_49 = tpu.memref_slice %arg2[%dma_wait3A_47, %dma_wait3A_48] : memref<16384x128xf32, #tpu.memory_space<hbm>> -> memref<16384x128xf32, #tpu.memory_space<hbm>>
      tpu.wait_indirect_dma semaphore(%arg7 : memref<!tpu.dma_semaphore, #tpu.memory_space<semaphore_mem>>) src(%dma_wait3A_49 : memref<16384x128xf32, #tpu.memory_space<hbm>>) dst(%dma_wait3A_44 : memref<128x128xf32, #tpu.memory_space<vmem>>)
      %dma_wait3A_50 = arith.constant 128 : i32
      %dma_wait3A_51 = arith.constant 0 : i32
      %dma_wait3A_52 = tpu.memref_slice %arg6[%dma_wait3A_50, %dma_wait3A_51] : memref<512x128xf32, #tpu.memory_space<vmem>> -> memref<128x128xf32, #tpu.memory_space<vmem>>
      %dma_wait3A_53 = arith.constant 128 : i32
      %dma_wait3A_54 = tpu.memref_slice %arg5[%dma_wait3A_53] : memref<512xi32, #tpu.memory_space<vmem>> -> memref<128xi32, #tpu.memory_space<vmem>>
      %dma_wait3A_55 = arith.constant 0 : i32
      %dma_wait3A_56 = arith.constant 0 : i32
      %dma_wait3A_57 = tpu.memref_slice %arg2[%dma_wait3A_55, %dma_wait3A_56] : memref<16384x128xf32, #tpu.memory_space<hbm>> -> memref<16384x128xf32, #tpu.memory_space<hbm>>
      tpu.wait_indirect_dma semaphore(%arg7 : memref<!tpu.dma_semaphore, #tpu.memory_space<semaphore_mem>>) src(%dma_wait3A_57 : memref<16384x128xf32, #tpu.memory_space<hbm>>) dst(%dma_wait3A_52 : memref<128x128xf32, #tpu.memory_space<vmem>>)
      %dma_wait3A_58 = arith.constant 256 : i32
      %dma_wait3A_59 = arith.constant 0 : i32
      %dma_wait3A_60 = tpu.memref_slice %arg6[%dma_wait3A_58, %dma_wait3A_59] : memref<512x128xf32, #tpu.memory_space<vmem>> -> memref<128x128xf32, #tpu.memory_space<vmem>>
      %dma_wait3A_61 = arith.constant 256 : i32
      %dma_wait3A_62 = tpu.memref_slice %arg5[%dma_wait3A_61] : memref<512xi32, #tpu.memory_space<vmem>> -> memref<128xi32, #tpu.memory_space<vmem>>
      %dma_wait3A_63 = arith.constant 0 : i32
      %dma_wait3A_64 = arith.constant 0 : i32
      %dma_wait3A_65 = tpu.memref_slice %arg2[%dma_wait3A_63, %dma_wait3A_64] : memref<16384x128xf32, #tpu.memory_space<hbm>> -> memref<16384x128xf32, #tpu.memory_space<hbm>>
      tpu.wait_indirect_dma semaphore(%arg7 : memref<!tpu.dma_semaphore, #tpu.memory_space<semaphore_mem>>) src(%dma_wait3A_65 : memref<16384x128xf32, #tpu.memory_space<hbm>>) dst(%dma_wait3A_60 : memref<128x128xf32, #tpu.memory_space<vmem>>)
      %dma_wait3A_66 = arith.constant 384 : i32
      %dma_wait3A_67 = arith.constant 0 : i32
      %dma_wait3A_68 = tpu.memref_slice %arg6[%dma_wait3A_66, %dma_wait3A_67] : memref<512x128xf32, #tpu.memory_space<vmem>> -> memref<128x128xf32, #tpu.memory_space<vmem>>
      %dma_wait3A_69 = arith.constant 384 : i32
      %dma_wait3A_70 = tpu.memref_slice %arg5[%dma_wait3A_69] : memref<512xi32, #tpu.memory_space<vmem>> -> memref<128xi32, #tpu.memory_space<vmem>>
      %dma_wait3A_71 = arith.constant 0 : i32
      %dma_wait3A_72 = arith.constant 0 : i32
      %dma_wait3A_73 = tpu.memref_slice %arg2[%dma_wait3A_71, %dma_wait3A_72] : memref<16384x128xf32, #tpu.memory_space<hbm>> -> memref<16384x128xf32, #tpu.memory_space<hbm>>
      tpu.wait_indirect_dma semaphore(%arg7 : memref<!tpu.dma_semaphore, #tpu.memory_space<semaphore_mem>>) src(%dma_wait3A_73 : memref<16384x128xf32, #tpu.memory_space<hbm>>) dst(%dma_wait3A_68 : memref<128x128xf32, #tpu.memory_space<vmem>>)
      "tpu.region"() ({
        %run_scoped3A = tpu.sem_alloc : memref<!tpu.dma_semaphore, #tpu.memory_space<semaphore_mem>>
        %dma_start3A_74 = arith.constant 0 : i32
        %dma_start3A_75 = tpu.memref_slice %arg4[%add3A_11, %dma_start3A_74] : memref<65536x128xf32, #tpu.memory_space<hbm>> -> memref<512x128xf32, #tpu.memory_space<hbm>>
        %dma_start3A_76 = arith.constant 0 : i32
        %dma_start3A_77 = tpu.memref_slice %arg4[%add3A_11, %dma_start3A_76] : memref<65536x128xf32, #tpu.memory_space<hbm>> -> memref<512x128xf32, #tpu.memory_space<hbm>>
        tpu.enqueue_dma source(%arg6 : memref<512x128xf32, #tpu.memory_space<vmem>>) target(%dma_start3A_77 : memref<512x128xf32, #tpu.memory_space<hbm>>) target_semaphore(%run_scoped3A : memref<!tpu.dma_semaphore, #tpu.memory_space<semaphore_mem>>)
        %dma_wait3A_78 = arith.constant 0 : i32
        %dma_wait3A_79 = tpu.memref_slice %arg4[%add3A_11, %dma_wait3A_78] : memref<65536x128xf32, #tpu.memory_space<hbm>> -> memref<512x128xf32, #tpu.memory_space<hbm>>
        %dma_wait3A_80 = arith.constant 0 : i32
        %dma_wait3A_81 = tpu.memref_slice %arg4[%add3A_11, %dma_wait3A_80] : memref<65536x128xf32, #tpu.memory_space<hbm>> -> memref<512x128xf32, #tpu.memory_space<hbm>>
        tpu.wait_dma2 semaphore(%run_scoped3A : memref<!tpu.dma_semaphore, #tpu.memory_space<semaphore_mem>>) src(%arg6 : memref<512x128xf32, #tpu.memory_space<vmem>>) dst(%dma_wait3A_81 : memref<512x128xf32, #tpu.memory_space<hbm>>)
        tpu.yield
      }) : () -> ()
    }
    %scan3A_7 = arith.constant 4 : i32
    return
  }
}

module attributes {stable_mosaic.version = 14 : i64} {
  func.func @_knn_body(%arg0: i32, %arg1: i32, %arg2: memref<1x256x3xf32, #tpu.memory_space<vmem>>, %arg3: memref<1x3x2048xf32, #tpu.memory_space<vmem>>, %arg4: memref<1x256x16xi32, #tpu.memory_space<vmem>>) attributes {dimension_semantics = [#tpu.dimension_semantics<arbitrary>, #tpu.dimension_semantics<arbitrary>], iteration_bounds = array<i64: 8, 4>, scalar_prefetch = 0 : i64, scratch_operands = 0 : i64, tpu.core_type = #tpu.core_type<tc>, window_params = [{transform_indices = @transform_0, window_bounds = array<i64: 1, 256, 3>}, {transform_indices = @transform_1, window_bounds = array<i64: 1, 3, 2048>}, {transform_indices = @transform_2, window_bounds = array<i64: 1, 256, 16>}]} {
    %get3A = arith.constant 0 : index
    %get3A_0 = arith.constant 0 : index
    %get3A_1 = arith.constant 0 : index
    %get3A_2 = vector.load %arg2[%get3A, %get3A_0, %get3A_1] : memref<1x256x3xf32, #tpu.memory_space<vmem>>, vector<1x256x3xf32>
    %get3A_3 = vector.shape_cast %get3A_2 : vector<1x256x3xf32> to vector<256x3xf32>
    %get3A_4 = arith.constant 0 : index
    %get3A_5 = arith.constant 0 : index
    %get3A_6 = arith.constant 0 : index
    %get3A_7 = vector.load %arg3[%get3A_4, %get3A_5, %get3A_6] : memref<1x3x2048xf32, #tpu.memory_space<vmem>>, vector<1x3x2048xf32>
    %get3A_8 = vector.shape_cast %get3A_7 : vector<1x3x2048xf32> to vector<3x2048xf32>
    %mul3A = arith.mulf %get3A_3, %get3A_3 : vector<256x3xf32>
    %reduce_sum3A = arith.constant dense<0.000000e+00> : vector<256xf32>
    %reduce_sum3A_9 = vector.multi_reduction <add>, %mul3A, %reduce_sum3A [1] : vector<256x3xf32> to vector<256xf32>
    %broadcast_in_dim3A = vector.shape_cast %reduce_sum3A_9 : vector<256xf32> to vector<256x1xf32>
    %mul3A_10 = arith.mulf %get3A_8, %get3A_8 : vector<3x2048xf32>
    %reduce_sum3A_11 = arith.constant dense<0.000000e+00> : vector<2048xf32>
    %reduce_sum3A_12 = vector.multi_reduction <add>, %mul3A_10, %reduce_sum3A_11 [0] : vector<3x2048xf32> to vector<2048xf32>
    %broadcast_in_dim3A_13 = vector.shape_cast %reduce_sum3A_12 : vector<2048xf32> to vector<1x2048xf32>
    %add3A = vector.broadcast %broadcast_in_dim3A : vector<256x1xf32> to vector<256x2048xf32>
    %add3A_14 = vector.broadcast %broadcast_in_dim3A_13 : vector<1x2048xf32> to vector<256x2048xf32>
    %add3A_15 = arith.addf %add3A, %add3A_14 : vector<256x2048xf32>
    %dot_general3A = arith.constant dense<0.000000e+00> : vector<256x2048xf32>
    %dot_general3A_16 = tpu.matmul %get3A_3, %get3A_8, %dot_general3A {dimension_numbers = #tpu.dot_dimension_numbers<[1], [0], [0], [1], [0, 0, 1, 1], [], []>, transpose_lhs_hint = false} : vector<256x3xf32>, vector<3x2048xf32>, vector<256x2048xf32> -> vector<256x2048xf32>
    %mul3A_17 = arith.constant 2.000000e+00 : f32
    %mul3A_18 = vector.broadcast %mul3A_17 : f32 to vector<256x2048xf32>
    %mul3A_19 = arith.mulf %mul3A_18, %dot_general3A_16 : vector<256x2048xf32>
    %sub3A = arith.subf %add3A_15, %mul3A_19 : vector<256x2048xf32>
    %iota3A = tpu.iota {dimensions = array<i32: 1>} : vector<256x2048xi32>
    %bitcast_convert_type3A = tpu.bitcast %sub3A : vector<256x2048xf32> -> vector<256x2048xi32>
    %and3A = arith.constant -2048 : i32
    %and3A_20 = vector.broadcast %and3A : i32 to vector<256x2048xi32>
    %and3A_21 = arith.andi %bitcast_convert_type3A, %and3A_20 : vector<256x2048xi32>
    %or3A = arith.ori %and3A_21, %iota3A : vector<256x2048xi32>
    %bitcast_convert_type3A_22 = tpu.bitcast %or3A : vector<256x2048xi32> -> vector<256x2048xf32>
    %reduce_min3A = arith.constant dense<0x7F800000> : vector<256xf32>
    %reduce_min3A_23 = vector.multi_reduction <minimumf>, %bitcast_convert_type3A_22, %reduce_min3A [1] : vector<256x2048xf32> to vector<256xf32>
    %broadcast_in_dim3A_24 = vector.shape_cast %reduce_min3A_23 : vector<256xf32> to vector<256x1xf32>
    %eq3A = vector.broadcast %broadcast_in_dim3A_24 : vector<256x1xf32> to vector<256x2048xf32>
    %eq3A_25 = arith.cmpf oeq, %bitcast_convert_type3A_22, %eq3A : vector<256x2048xf32>
    %jit3A = arith.constant 0x7F800000 : f32
    %broadcast_in_dim3A_26 = vector.broadcast %jit3A : f32 to vector<256x2048xf32>
    %select_n3A = arith.select %eq3A_25, %broadcast_in_dim3A_26, %bitcast_convert_type3A_22 : vector<256x2048xi1>, vector<256x2048xf32>
    %bitcast_convert_type3A_27 = tpu.bitcast %broadcast_in_dim3A_24 : vector<256x1xf32> -> vector<256x1xi32>
    %and3A_28 = arith.constant 2047 : i32
    %and3A_29 = vector.broadcast %and3A_28 : i32 to vector<256x1xi32>
    %and3A_30 = arith.andi %bitcast_convert_type3A_27, %and3A_29 : vector<256x1xi32>
    %reduce_min3A_31 = arith.constant dense<0x7F800000> : vector<256xf32>
    %reduce_min3A_32 = vector.multi_reduction <minimumf>, %select_n3A, %reduce_min3A_31 [1] : vector<256x2048xf32> to vector<256xf32>
    %broadcast_in_dim3A_33 = vector.shape_cast %reduce_min3A_32 : vector<256xf32> to vector<256x1xf32>
    %eq3A_34 = vector.broadcast %broadcast_in_dim3A_33 : vector<256x1xf32> to vector<256x2048xf32>
    %eq3A_35 = arith.cmpf oeq, %select_n3A, %eq3A_34 : vector<256x2048xf32>
    %jit3A_36 = arith.constant 0x7F800000 : f32
    %broadcast_in_dim3A_37 = vector.broadcast %jit3A_36 : f32 to vector<256x2048xf32>
    %select_n3A_38 = arith.select %eq3A_35, %broadcast_in_dim3A_37, %select_n3A : vector<256x2048xi1>, vector<256x2048xf32>
    %bitcast_convert_type3A_39 = tpu.bitcast %broadcast_in_dim3A_33 : vector<256x1xf32> -> vector<256x1xi32>
    %and3A_40 = arith.constant 2047 : i32
    %and3A_41 = vector.broadcast %and3A_40 : i32 to vector<256x1xi32>
    %and3A_42 = arith.andi %bitcast_convert_type3A_39, %and3A_41 : vector<256x1xi32>
    %reduce_min3A_43 = arith.constant dense<0x7F800000> : vector<256xf32>
    %reduce_min3A_44 = vector.multi_reduction <minimumf>, %select_n3A_38, %reduce_min3A_43 [1] : vector<256x2048xf32> to vector<256xf32>
    %broadcast_in_dim3A_45 = vector.shape_cast %reduce_min3A_44 : vector<256xf32> to vector<256x1xf32>
    %eq3A_46 = vector.broadcast %broadcast_in_dim3A_45 : vector<256x1xf32> to vector<256x2048xf32>
    %eq3A_47 = arith.cmpf oeq, %select_n3A_38, %eq3A_46 : vector<256x2048xf32>
    %jit3A_48 = arith.constant 0x7F800000 : f32
    %broadcast_in_dim3A_49 = vector.broadcast %jit3A_48 : f32 to vector<256x2048xf32>
    %select_n3A_50 = arith.select %eq3A_47, %broadcast_in_dim3A_49, %select_n3A_38 : vector<256x2048xi1>, vector<256x2048xf32>
    %bitcast_convert_type3A_51 = tpu.bitcast %broadcast_in_dim3A_45 : vector<256x1xf32> -> vector<256x1xi32>
    %and3A_52 = arith.constant 2047 : i32
    %and3A_53 = vector.broadcast %and3A_52 : i32 to vector<256x1xi32>
    %and3A_54 = arith.andi %bitcast_convert_type3A_51, %and3A_53 : vector<256x1xi32>
    %reduce_min3A_55 = arith.constant dense<0x7F800000> : vector<256xf32>
    %reduce_min3A_56 = vector.multi_reduction <minimumf>, %select_n3A_50, %reduce_min3A_55 [1] : vector<256x2048xf32> to vector<256xf32>
    %broadcast_in_dim3A_57 = vector.shape_cast %reduce_min3A_56 : vector<256xf32> to vector<256x1xf32>
    %eq3A_58 = vector.broadcast %broadcast_in_dim3A_57 : vector<256x1xf32> to vector<256x2048xf32>
    %eq3A_59 = arith.cmpf oeq, %select_n3A_50, %eq3A_58 : vector<256x2048xf32>
    %jit3A_60 = arith.constant 0x7F800000 : f32
    %broadcast_in_dim3A_61 = vector.broadcast %jit3A_60 : f32 to vector<256x2048xf32>
    %select_n3A_62 = arith.select %eq3A_59, %broadcast_in_dim3A_61, %select_n3A_50 : vector<256x2048xi1>, vector<256x2048xf32>
    %bitcast_convert_type3A_63 = tpu.bitcast %broadcast_in_dim3A_57 : vector<256x1xf32> -> vector<256x1xi32>
    %and3A_64 = arith.constant 2047 : i32
    %and3A_65 = vector.broadcast %and3A_64 : i32 to vector<256x1xi32>
    %and3A_66 = arith.andi %bitcast_convert_type3A_63, %and3A_65 : vector<256x1xi32>
    %reduce_min3A_67 = arith.constant dense<0x7F800000> : vector<256xf32>
    %reduce_min3A_68 = vector.multi_reduction <minimumf>, %select_n3A_62, %reduce_min3A_67 [1] : vector<256x2048xf32> to vector<256xf32>
    %broadcast_in_dim3A_69 = vector.shape_cast %reduce_min3A_68 : vector<256xf32> to vector<256x1xf32>
    %eq3A_70 = vector.broadcast %broadcast_in_dim3A_69 : vector<256x1xf32> to vector<256x2048xf32>
    %eq3A_71 = arith.cmpf oeq, %select_n3A_62, %eq3A_70 : vector<256x2048xf32>
    %jit3A_72 = arith.constant 0x7F800000 : f32
    %broadcast_in_dim3A_73 = vector.broadcast %jit3A_72 : f32 to vector<256x2048xf32>
    %select_n3A_74 = arith.select %eq3A_71, %broadcast_in_dim3A_73, %select_n3A_62 : vector<256x2048xi1>, vector<256x2048xf32>
    %bitcast_convert_type3A_75 = tpu.bitcast %broadcast_in_dim3A_69 : vector<256x1xf32> -> vector<256x1xi32>
    %and3A_76 = arith.constant 2047 : i32
    %and3A_77 = vector.broadcast %and3A_76 : i32 to vector<256x1xi32>
    %and3A_78 = arith.andi %bitcast_convert_type3A_75, %and3A_77 : vector<256x1xi32>
    %reduce_min3A_79 = arith.constant dense<0x7F800000> : vector<256xf32>
    %reduce_min3A_80 = vector.multi_reduction <minimumf>, %select_n3A_74, %reduce_min3A_79 [1] : vector<256x2048xf32> to vector<256xf32>
    %broadcast_in_dim3A_81 = vector.shape_cast %reduce_min3A_80 : vector<256xf32> to vector<256x1xf32>
    %eq3A_82 = vector.broadcast %broadcast_in_dim3A_81 : vector<256x1xf32> to vector<256x2048xf32>
    %eq3A_83 = arith.cmpf oeq, %select_n3A_74, %eq3A_82 : vector<256x2048xf32>
    %jit3A_84 = arith.constant 0x7F800000 : f32
    %broadcast_in_dim3A_85 = vector.broadcast %jit3A_84 : f32 to vector<256x2048xf32>
    %select_n3A_86 = arith.select %eq3A_83, %broadcast_in_dim3A_85, %select_n3A_74 : vector<256x2048xi1>, vector<256x2048xf32>
    %bitcast_convert_type3A_87 = tpu.bitcast %broadcast_in_dim3A_81 : vector<256x1xf32> -> vector<256x1xi32>
    %and3A_88 = arith.constant 2047 : i32
    %and3A_89 = vector.broadcast %and3A_88 : i32 to vector<256x1xi32>
    %and3A_90 = arith.andi %bitcast_convert_type3A_87, %and3A_89 : vector<256x1xi32>
    %reduce_min3A_91 = arith.constant dense<0x7F800000> : vector<256xf32>
    %reduce_min3A_92 = vector.multi_reduction <minimumf>, %select_n3A_86, %reduce_min3A_91 [1] : vector<256x2048xf32> to vector<256xf32>
    %broadcast_in_dim3A_93 = vector.shape_cast %reduce_min3A_92 : vector<256xf32> to vector<256x1xf32>
    %eq3A_94 = vector.broadcast %broadcast_in_dim3A_93 : vector<256x1xf32> to vector<256x2048xf32>
    %eq3A_95 = arith.cmpf oeq, %select_n3A_86, %eq3A_94 : vector<256x2048xf32>
    %jit3A_96 = arith.constant 0x7F800000 : f32
    %broadcast_in_dim3A_97 = vector.broadcast %jit3A_96 : f32 to vector<256x2048xf32>
    %select_n3A_98 = arith.select %eq3A_95, %broadcast_in_dim3A_97, %select_n3A_86 : vector<256x2048xi1>, vector<256x2048xf32>
    %bitcast_convert_type3A_99 = tpu.bitcast %broadcast_in_dim3A_93 : vector<256x1xf32> -> vector<256x1xi32>
    %and3A_100 = arith.constant 2047 : i32
    %and3A_101 = vector.broadcast %and3A_100 : i32 to vector<256x1xi32>
    %and3A_102 = arith.andi %bitcast_convert_type3A_99, %and3A_101 : vector<256x1xi32>
    %reduce_min3A_103 = arith.constant dense<0x7F800000> : vector<256xf32>
    %reduce_min3A_104 = vector.multi_reduction <minimumf>, %select_n3A_98, %reduce_min3A_103 [1] : vector<256x2048xf32> to vector<256xf32>
    %broadcast_in_dim3A_105 = vector.shape_cast %reduce_min3A_104 : vector<256xf32> to vector<256x1xf32>
    %eq3A_106 = vector.broadcast %broadcast_in_dim3A_105 : vector<256x1xf32> to vector<256x2048xf32>
    %eq3A_107 = arith.cmpf oeq, %select_n3A_98, %eq3A_106 : vector<256x2048xf32>
    %jit3A_108 = arith.constant 0x7F800000 : f32
    %broadcast_in_dim3A_109 = vector.broadcast %jit3A_108 : f32 to vector<256x2048xf32>
    %select_n3A_110 = arith.select %eq3A_107, %broadcast_in_dim3A_109, %select_n3A_98 : vector<256x2048xi1>, vector<256x2048xf32>
    %bitcast_convert_type3A_111 = tpu.bitcast %broadcast_in_dim3A_105 : vector<256x1xf32> -> vector<256x1xi32>
    %and3A_112 = arith.constant 2047 : i32
    %and3A_113 = vector.broadcast %and3A_112 : i32 to vector<256x1xi32>
    %and3A_114 = arith.andi %bitcast_convert_type3A_111, %and3A_113 : vector<256x1xi32>
    %reduce_min3A_115 = arith.constant dense<0x7F800000> : vector<256xf32>
    %reduce_min3A_116 = vector.multi_reduction <minimumf>, %select_n3A_110, %reduce_min3A_115 [1] : vector<256x2048xf32> to vector<256xf32>
    %broadcast_in_dim3A_117 = vector.shape_cast %reduce_min3A_116 : vector<256xf32> to vector<256x1xf32>
    %eq3A_118 = vector.broadcast %broadcast_in_dim3A_117 : vector<256x1xf32> to vector<256x2048xf32>
    %eq3A_119 = arith.cmpf oeq, %select_n3A_110, %eq3A_118 : vector<256x2048xf32>
    %jit3A_120 = arith.constant 0x7F800000 : f32
    %broadcast_in_dim3A_121 = vector.broadcast %jit3A_120 : f32 to vector<256x2048xf32>
    %select_n3A_122 = arith.select %eq3A_119, %broadcast_in_dim3A_121, %select_n3A_110 : vector<256x2048xi1>, vector<256x2048xf32>
    %bitcast_convert_type3A_123 = tpu.bitcast %broadcast_in_dim3A_117 : vector<256x1xf32> -> vector<256x1xi32>
    %and3A_124 = arith.constant 2047 : i32
    %and3A_125 = vector.broadcast %and3A_124 : i32 to vector<256x1xi32>
    %and3A_126 = arith.andi %bitcast_convert_type3A_123, %and3A_125 : vector<256x1xi32>
    %reduce_min3A_127 = arith.constant dense<0x7F800000> : vector<256xf32>
    %reduce_min3A_128 = vector.multi_reduction <minimumf>, %select_n3A_122, %reduce_min3A_127 [1] : vector<256x2048xf32> to vector<256xf32>
    %broadcast_in_dim3A_129 = vector.shape_cast %reduce_min3A_128 : vector<256xf32> to vector<256x1xf32>
    %eq3A_130 = vector.broadcast %broadcast_in_dim3A_129 : vector<256x1xf32> to vector<256x2048xf32>
    %eq3A_131 = arith.cmpf oeq, %select_n3A_122, %eq3A_130 : vector<256x2048xf32>
    %jit3A_132 = arith.constant 0x7F800000 : f32
    %broadcast_in_dim3A_133 = vector.broadcast %jit3A_132 : f32 to vector<256x2048xf32>
    %select_n3A_134 = arith.select %eq3A_131, %broadcast_in_dim3A_133, %select_n3A_122 : vector<256x2048xi1>, vector<256x2048xf32>
    %bitcast_convert_type3A_135 = tpu.bitcast %broadcast_in_dim3A_129 : vector<256x1xf32> -> vector<256x1xi32>
    %and3A_136 = arith.constant 2047 : i32
    %and3A_137 = vector.broadcast %and3A_136 : i32 to vector<256x1xi32>
    %and3A_138 = arith.andi %bitcast_convert_type3A_135, %and3A_137 : vector<256x1xi32>
    %reduce_min3A_139 = arith.constant dense<0x7F800000> : vector<256xf32>
    %reduce_min3A_140 = vector.multi_reduction <minimumf>, %select_n3A_134, %reduce_min3A_139 [1] : vector<256x2048xf32> to vector<256xf32>
    %broadcast_in_dim3A_141 = vector.shape_cast %reduce_min3A_140 : vector<256xf32> to vector<256x1xf32>
    %eq3A_142 = vector.broadcast %broadcast_in_dim3A_141 : vector<256x1xf32> to vector<256x2048xf32>
    %eq3A_143 = arith.cmpf oeq, %select_n3A_134, %eq3A_142 : vector<256x2048xf32>
    %jit3A_144 = arith.constant 0x7F800000 : f32
    %broadcast_in_dim3A_145 = vector.broadcast %jit3A_144 : f32 to vector<256x2048xf32>
    %select_n3A_146 = arith.select %eq3A_143, %broadcast_in_dim3A_145, %select_n3A_134 : vector<256x2048xi1>, vector<256x2048xf32>
    %bitcast_convert_type3A_147 = tpu.bitcast %broadcast_in_dim3A_141 : vector<256x1xf32> -> vector<256x1xi32>
    %and3A_148 = arith.constant 2047 : i32
    %and3A_149 = vector.broadcast %and3A_148 : i32 to vector<256x1xi32>
    %and3A_150 = arith.andi %bitcast_convert_type3A_147, %and3A_149 : vector<256x1xi32>
    %reduce_min3A_151 = arith.constant dense<0x7F800000> : vector<256xf32>
    %reduce_min3A_152 = vector.multi_reduction <minimumf>, %select_n3A_146, %reduce_min3A_151 [1] : vector<256x2048xf32> to vector<256xf32>
    %broadcast_in_dim3A_153 = vector.shape_cast %reduce_min3A_152 : vector<256xf32> to vector<256x1xf32>
    %eq3A_154 = vector.broadcast %broadcast_in_dim3A_153 : vector<256x1xf32> to vector<256x2048xf32>
    %eq3A_155 = arith.cmpf oeq, %select_n3A_146, %eq3A_154 : vector<256x2048xf32>
    %jit3A_156 = arith.constant 0x7F800000 : f32
    %broadcast_in_dim3A_157 = vector.broadcast %jit3A_156 : f32 to vector<256x2048xf32>
    %select_n3A_158 = arith.select %eq3A_155, %broadcast_in_dim3A_157, %select_n3A_146 : vector<256x2048xi1>, vector<256x2048xf32>
    %bitcast_convert_type3A_159 = tpu.bitcast %broadcast_in_dim3A_153 : vector<256x1xf32> -> vector<256x1xi32>
    %and3A_160 = arith.constant 2047 : i32
    %and3A_161 = vector.broadcast %and3A_160 : i32 to vector<256x1xi32>
    %and3A_162 = arith.andi %bitcast_convert_type3A_159, %and3A_161 : vector<256x1xi32>
    %reduce_min3A_163 = arith.constant dense<0x7F800000> : vector<256xf32>
    %reduce_min3A_164 = vector.multi_reduction <minimumf>, %select_n3A_158, %reduce_min3A_163 [1] : vector<256x2048xf32> to vector<256xf32>
    %broadcast_in_dim3A_165 = vector.shape_cast %reduce_min3A_164 : vector<256xf32> to vector<256x1xf32>
    %eq3A_166 = vector.broadcast %broadcast_in_dim3A_165 : vector<256x1xf32> to vector<256x2048xf32>
    %eq3A_167 = arith.cmpf oeq, %select_n3A_158, %eq3A_166 : vector<256x2048xf32>
    %jit3A_168 = arith.constant 0x7F800000 : f32
    %broadcast_in_dim3A_169 = vector.broadcast %jit3A_168 : f32 to vector<256x2048xf32>
    %select_n3A_170 = arith.select %eq3A_167, %broadcast_in_dim3A_169, %select_n3A_158 : vector<256x2048xi1>, vector<256x2048xf32>
    %bitcast_convert_type3A_171 = tpu.bitcast %broadcast_in_dim3A_165 : vector<256x1xf32> -> vector<256x1xi32>
    %and3A_172 = arith.constant 2047 : i32
    %and3A_173 = vector.broadcast %and3A_172 : i32 to vector<256x1xi32>
    %and3A_174 = arith.andi %bitcast_convert_type3A_171, %and3A_173 : vector<256x1xi32>
    %reduce_min3A_175 = arith.constant dense<0x7F800000> : vector<256xf32>
    %reduce_min3A_176 = vector.multi_reduction <minimumf>, %select_n3A_170, %reduce_min3A_175 [1] : vector<256x2048xf32> to vector<256xf32>
    %broadcast_in_dim3A_177 = vector.shape_cast %reduce_min3A_176 : vector<256xf32> to vector<256x1xf32>
    %eq3A_178 = vector.broadcast %broadcast_in_dim3A_177 : vector<256x1xf32> to vector<256x2048xf32>
    %eq3A_179 = arith.cmpf oeq, %select_n3A_170, %eq3A_178 : vector<256x2048xf32>
    %jit3A_180 = arith.constant 0x7F800000 : f32
    %broadcast_in_dim3A_181 = vector.broadcast %jit3A_180 : f32 to vector<256x2048xf32>
    %select_n3A_182 = arith.select %eq3A_179, %broadcast_in_dim3A_181, %select_n3A_170 : vector<256x2048xi1>, vector<256x2048xf32>
    %bitcast_convert_type3A_183 = tpu.bitcast %broadcast_in_dim3A_177 : vector<256x1xf32> -> vector<256x1xi32>
    %and3A_184 = arith.constant 2047 : i32
    %and3A_185 = vector.broadcast %and3A_184 : i32 to vector<256x1xi32>
    %and3A_186 = arith.andi %bitcast_convert_type3A_183, %and3A_185 : vector<256x1xi32>
    %reduce_min3A_187 = arith.constant dense<0x7F800000> : vector<256xf32>
    %reduce_min3A_188 = vector.multi_reduction <minimumf>, %select_n3A_182, %reduce_min3A_187 [1] : vector<256x2048xf32> to vector<256xf32>
    %broadcast_in_dim3A_189 = vector.shape_cast %reduce_min3A_188 : vector<256xf32> to vector<256x1xf32>
    %eq3A_190 = vector.broadcast %broadcast_in_dim3A_189 : vector<256x1xf32> to vector<256x2048xf32>
    %eq3A_191 = arith.cmpf oeq, %select_n3A_182, %eq3A_190 : vector<256x2048xf32>
    %jit3A_192 = arith.constant 0x7F800000 : f32
    %broadcast_in_dim3A_193 = vector.broadcast %jit3A_192 : f32 to vector<256x2048xf32>
    %select_n3A_194 = arith.select %eq3A_191, %broadcast_in_dim3A_193, %select_n3A_182 : vector<256x2048xi1>, vector<256x2048xf32>
    %bitcast_convert_type3A_195 = tpu.bitcast %broadcast_in_dim3A_189 : vector<256x1xf32> -> vector<256x1xi32>
    %and3A_196 = arith.constant 2047 : i32
    %and3A_197 = vector.broadcast %and3A_196 : i32 to vector<256x1xi32>
    %and3A_198 = arith.andi %bitcast_convert_type3A_195, %and3A_197 : vector<256x1xi32>
    %reduce_min3A_199 = arith.constant dense<0x7F800000> : vector<256xf32>
    %reduce_min3A_200 = vector.multi_reduction <minimumf>, %select_n3A_194, %reduce_min3A_199 [1] : vector<256x2048xf32> to vector<256xf32>
    %broadcast_in_dim3A_201 = vector.shape_cast %reduce_min3A_200 : vector<256xf32> to vector<256x1xf32>
    %bitcast_convert_type3A_202 = tpu.bitcast %broadcast_in_dim3A_201 : vector<256x1xf32> -> vector<256x1xi32>
    %and3A_203 = arith.constant 2047 : i32
    %and3A_204 = vector.broadcast %and3A_203 : i32 to vector<256x1xi32>
    %and3A_205 = arith.andi %bitcast_convert_type3A_202, %and3A_204 : vector<256x1xi32>
    %concatenate3A = tpu.concatenate %and3A_30, %and3A_42, %and3A_54, %and3A_66, %and3A_78, %and3A_90, %and3A_102, %and3A_114, %and3A_126, %and3A_138, %and3A_150, %and3A_162, %and3A_174, %and3A_186, %and3A_198, %and3A_205 in 1 : vector<256x1xi32>, vector<256x1xi32>, vector<256x1xi32>, vector<256x1xi32>, vector<256x1xi32>, vector<256x1xi32>, vector<256x1xi32>, vector<256x1xi32>, vector<256x1xi32>, vector<256x1xi32>, vector<256x1xi32>, vector<256x1xi32>, vector<256x1xi32>, vector<256x1xi32>, vector<256x1xi32>, vector<256x1xi32> -> vector<256x16xi32>
    %mul3A_206 = arith.constant 2048 : i32
    %mul3A_207 = arith.muli %arg0, %mul3A_206 : i32
    %add3A_208 = vector.broadcast %mul3A_207 : i32 to vector<256x16xi32>
    %add3A_209 = arith.addi %concatenate3A, %add3A_208 : vector<256x16xi32>
    %swap3A = arith.constant 0 : index
    %swap3A_210 = arith.constant 0 : index
    %swap3A_211 = arith.constant 0 : index
    %swap3A_212 = vector.load %arg4[%swap3A, %swap3A_210, %swap3A_211] : memref<1x256x16xi32, #tpu.memory_space<vmem>>, vector<1x256x16xi32>
    %swap3A_213 = vector.shape_cast %swap3A_212 : vector<1x256x16xi32> to vector<256x16xi32>
    %swap3A_214 = vector.shape_cast %add3A_209 : vector<256x16xi32> to vector<1x256x16xi32>
    tpu.vector_store %arg4[%swap3A, %swap3A_210, %swap3A_211], %swap3A_214 {strides = array<i32>} : memref<1x256x16xi32, #tpu.memory_space<vmem>>, vector<1x256x16xi32>,
    return
  }
  func.func @transform_0(%arg0: i32, %arg1: i32) -> (i32, i32, i32) {
    %add3A = arith.constant 4 : i32
    %add3A_0 = arith.addi %add3A, %arg1 : i32
    %c0_i32 = arith.constant 0 : i32
    %c0_i32_1 = arith.constant 0 : i32
    return %arg0, %add3A_0, %c0_i32 : i32, i32, i32
  }
  func.func @transform_1(%arg0: i32, %arg1: i32) -> (i32, i32, i32) {
    %c0_i32 = arith.constant 0 : i32
    %c0_i32_0 = arith.constant 0 : i32
    %c0_i32_1 = arith.constant 0 : i32
    return %arg0, %c0_i32, %c0_i32_0 : i32, i32, i32
  }
  func.func @transform_2(%arg0: i32, %arg1: i32) -> (i32, i32, i32) {
    %c0_i32 = arith.constant 0 : i32
    %c0_i32_0 = arith.constant 0 : i32
    return %arg0, %arg1, %c0_i32 : i32, i32, i32
  }
}

module attributes {stable_mosaic.version = 14 : i64} {
  func.func @_interp_body(%arg0: i32, %arg1: memref<1x256x512xf32, #tpu.memory_space<vmem>>, %arg2: memref<128x256xf32, #tpu.memory_space<vmem>>, %arg3: memref<128x1xf32, #tpu.memory_space<vmem>>, %arg4: memref<1x512x3xf32, #tpu.memory_space<vmem>>, %arg5: memref<1x3x2048xf32, #tpu.memory_space<vmem>>, %arg6: memref<1x128x2048xf32, #tpu.memory_space<vmem>>, %arg7: memref<1x128x2048xf32, #tpu.memory_space<vmem>>) attributes {dimension_semantics = [#tpu.dimension_semantics<arbitrary>], iteration_bounds = array<i64: 8>, scalar_prefetch = 0 : i64, scratch_operands = 0 : i64, tpu.core_type = #tpu.core_type<tc>, window_params = [{transform_indices = @transform_0, window_bounds = array<i64: 1, 256, 512>}, {pipeline_mode = #tpu.pipeline_mode<synchronous>, transform_indices = @transform_1, window_bounds = array<i64: 128, 256>}, {pipeline_mode = #tpu.pipeline_mode<synchronous>, transform_indices = @transform_2, window_bounds = array<i64: 128, 1>}, {transform_indices = @transform_3, window_bounds = array<i64: 1, 512, 3>}, {transform_indices = @transform_4, window_bounds = array<i64: 1, 3, 2048>}, {transform_indices = @transform_5, window_bounds = array<i64: 1, 128, 2048>}, {transform_indices = @transform_6, window_bounds = array<i64: 1, 128, 2048>}]} {
    %get3A = arith.constant 0 : index
    %get3A_0 = arith.constant 0 : index
    %get3A_1 = vector.load %arg2[%get3A, %get3A_0] : memref<128x256xf32, #tpu.memory_space<vmem>>, vector<128x256xf32>
    %get3A_2 = arith.constant 0 : index
    %get3A_3 = arith.constant 0 : index
    %get3A_4 = arith.constant 0 : index
    %get3A_5 = vector.load %arg1[%get3A_2, %get3A_3, %get3A_4] : memref<1x256x512xf32, #tpu.memory_space<vmem>>, vector<1x256x512xf32>
    %get3A_6 = vector.shape_cast %get3A_5 : vector<1x256x512xf32> to vector<256x512xf32>
    %dot_general3A = arith.constant dense<0.000000e+00> : vector<128x512xf32>
    %dot_general3A_7 = tpu.matmul %get3A_1, %get3A_6, %dot_general3A {dimension_numbers = #tpu.dot_dimension_numbers<[1], [0], [0], [1], [0, 0, 1, 1], [], []>, transpose_lhs_hint = false} : vector<128x256xf32>, vector<256x512xf32>, vector<128x512xf32> -> vector<128x512xf32>
    %get3A_8 = arith.constant 0 : index
    %get3A_9 = arith.constant 0 : index
    %get3A_10 = vector.load %arg3[%get3A_8, %get3A_9] : memref<128x1xf32, #tpu.memory_space<vmem>>, vector<128x1xf32>
    %add3A = vector.broadcast %get3A_10 : vector<128x1xf32> to vector<128x512xf32>
    %add3A_11 = arith.addf %dot_general3A_7, %add3A : vector<128x512xf32>
    %max3A = arith.constant 0.000000e+00 : f32
    %max3A_12 = vector.broadcast %max3A : f32 to vector<128x512xf32>
    %max3A_13 = arith.maximumf %add3A_11, %max3A_12 : vector<128x512xf32>
    %get3A_14 = arith.constant 0 : index
    %get3A_15 = arith.constant 0 : index
    %get3A_16 = arith.constant 0 : index
    %get3A_17 = vector.load %arg4[%get3A_14, %get3A_15, %get3A_16] : memref<1x512x3xf32, #tpu.memory_space<vmem>>, vector<1x512x3xf32>
    %get3A_18 = vector.shape_cast %get3A_17 : vector<1x512x3xf32> to vector<512x3xf32>
    %get3A_19 = arith.constant 0 : index
    %get3A_20 = arith.constant 0 : index
    %get3A_21 = arith.constant 0 : index
    %get3A_22 = vector.load %arg5[%get3A_19, %get3A_20, %get3A_21] : memref<1x3x2048xf32, #tpu.memory_space<vmem>>, vector<1x3x2048xf32>
    %get3A_23 = vector.shape_cast %get3A_22 : vector<1x3x2048xf32> to vector<3x2048xf32>
    %mul3A = arith.mulf %get3A_18, %get3A_18 : vector<512x3xf32>
    %reduce_sum3A = arith.constant dense<0.000000e+00> : vector<512xf32>
    %reduce_sum3A_24 = vector.multi_reduction <add>, %mul3A, %reduce_sum3A [1] : vector<512x3xf32> to vector<512xf32>
    %broadcast_in_dim3A = vector.shape_cast %reduce_sum3A_24 : vector<512xf32> to vector<512x1xf32>
    %mul3A_25 = arith.mulf %get3A_23, %get3A_23 : vector<3x2048xf32>
    %reduce_sum3A_26 = arith.constant dense<0.000000e+00> : vector<2048xf32>
    %reduce_sum3A_27 = vector.multi_reduction <add>, %mul3A_25, %reduce_sum3A_26 [0] : vector<3x2048xf32> to vector<2048xf32>
    %broadcast_in_dim3A_28 = vector.shape_cast %reduce_sum3A_27 : vector<2048xf32> to vector<1x2048xf32>
    %add3A_29 = vector.broadcast %broadcast_in_dim3A : vector<512x1xf32> to vector<512x2048xf32>
    %add3A_30 = vector.broadcast %broadcast_in_dim3A_28 : vector<1x2048xf32> to vector<512x2048xf32>
    %add3A_31 = arith.addf %add3A_29, %add3A_30 : vector<512x2048xf32>
    %dot_general3A_32 = arith.constant dense<0.000000e+00> : vector<512x2048xf32>
    %dot_general3A_33 = tpu.matmul %get3A_18, %get3A_23, %dot_general3A_32 {dimension_numbers = #tpu.dot_dimension_numbers<[1], [0], [0], [1], [0, 0, 1, 1], [], []>, transpose_lhs_hint = false} : vector<512x3xf32>, vector<3x2048xf32>, vector<512x2048xf32> -> vector<512x2048xf32>
    %mul3A_34 = arith.constant 2.000000e+00 : f32
    %mul3A_35 = vector.broadcast %mul3A_34 : f32 to vector<512x2048xf32>
    %mul3A_36 = arith.mulf %mul3A_35, %dot_general3A_33 : vector<512x2048xf32>
    %sub3A = arith.subf %add3A_31, %mul3A_36 : vector<512x2048xf32>
    %iota3A = tpu.iota {dimensions = array<i32: 0>} : vector<512x2048xi32>
    %broadcast_in_dim3A_37 = arith.constant 0.000000e+00 : f32
    %broadcast_in_dim3A_38 = vector.broadcast %broadcast_in_dim3A_37 : f32 to vector<512x2048xf32>
    %broadcast_in_dim3A_39 = arith.constant 0.000000e+00 : f32
    %broadcast_in_dim3A_40 = vector.broadcast %broadcast_in_dim3A_39 : f32 to vector<1x2048xf32>
    %reduce_min3A = arith.constant dense<0x7F800000> : vector<2048xf32>
    %reduce_min3A_41 = vector.multi_reduction <minimumf>, %sub3A, %reduce_min3A [0] : vector<512x2048xf32> to vector<2048xf32>
    %broadcast_in_dim3A_42 = vector.shape_cast %reduce_min3A_41 : vector<2048xf32> to vector<1x2048xf32>
    %eq3A = vector.broadcast %broadcast_in_dim3A_42 : vector<1x2048xf32> to vector<512x2048xf32>
    %eq3A_43 = arith.cmpf oeq, %sub3A, %eq3A : vector<512x2048xf32>
    %jit3A = arith.constant 512 : i32
    %broadcast_in_dim3A_44 = vector.broadcast %jit3A : i32 to vector<512x2048xi32>
    %select_n3A = arith.select %eq3A_43, %iota3A, %broadcast_in_dim3A_44 : vector<512x2048xi1>, vector<512x2048xi32>
    %reduce_min3A_45 = arith.constant dense<2147483647> : vector<2048xi32>
    %reduce_min3A_46 = vector.multi_reduction <minsi>, %select_n3A, %reduce_min3A_45 [0] : vector<512x2048xi32> to vector<2048xi32>
    %broadcast_in_dim3A_47 = vector.shape_cast %reduce_min3A_46 : vector<2048xi32> to vector<1x2048xi32>
    %eq3A_48 = vector.broadcast %broadcast_in_dim3A_47 : vector<1x2048xi32> to vector<512x2048xi32>
    %eq3A_49 = arith.cmpi eq, %iota3A, %eq3A_48 : vector<512x2048xi32>
    %jit3A_50 = arith.constant 0x7F800000 : f32
    %broadcast_in_dim3A_51 = vector.broadcast %jit3A_50 : f32 to vector<512x2048xf32>
    %select_n3A_52 = arith.select %eq3A_49, %broadcast_in_dim3A_51, %sub3A : vector<512x2048xi1>, vector<512x2048xf32>
    %add3A_53 = arith.constant 9.99999993E-9 : f32
    %add3A_54 = vector.broadcast %add3A_53 : f32 to vector<1x2048xf32>
    %add3A_55 = arith.addf %broadcast_in_dim3A_42, %add3A_54 : vector<1x2048xf32>
    %div3A = arith.constant 1.000000e+00 : f32
    %div3A_56 = vector.broadcast %div3A : f32 to vector<1x2048xf32>
    %div3A_57 = arith.divf %div3A_56, %add3A_55 : vector<1x2048xf32>
    %add3A_58 = arith.addf %broadcast_in_dim3A_40, %div3A_57 : vector<1x2048xf32>
    %jit3A_59 = arith.constant 0.000000e+00 : f32
    %broadcast_in_dim3A_60 = vector.shape_cast %div3A_57 : vector<1x2048xf32> to vector<1x2048xf32>
    %broadcast_in_dim3A_61 = vector.broadcast %broadcast_in_dim3A_60 : vector<1x2048xf32> to vector<512x2048xf32>
    %broadcast_in_dim3A_62 = vector.broadcast %jit3A_59 : f32 to vector<512x2048xf32>
    %select_n3A_63 = arith.select %eq3A_49, %broadcast_in_dim3A_61, %broadcast_in_dim3A_62 : vector<512x2048xi1>, vector<512x2048xf32>
    %add3A_64 = arith.addf %broadcast_in_dim3A_38, %select_n3A_63 : vector<512x2048xf32>
    %reduce_min3A_65 = arith.constant dense<0x7F800000> : vector<2048xf32>
    %reduce_min3A_66 = vector.multi_reduction <minimumf>, %select_n3A_52, %reduce_min3A_65 [0] : vector<512x2048xf32> to vector<2048xf32>
    %broadcast_in_dim3A_67 = vector.shape_cast %reduce_min3A_66 : vector<2048xf32> to vector<1x2048xf32>
    %eq3A_68 = vector.broadcast %broadcast_in_dim3A_67 : vector<1x2048xf32> to vector<512x2048xf32>
    %eq3A_69 = arith.cmpf oeq, %select_n3A_52, %eq3A_68 : vector<512x2048xf32>
    %jit3A_70 = arith.constant 512 : i32
    %broadcast_in_dim3A_71 = vector.broadcast %jit3A_70 : i32 to vector<512x2048xi32>
    %select_n3A_72 = arith.select %eq3A_69, %iota3A, %broadcast_in_dim3A_71 : vector<512x2048xi1>, vector<512x2048xi32>
    %reduce_min3A_73 = arith.constant dense<2147483647> : vector<2048xi32>
    %reduce_min3A_74 = vector.multi_reduction <minsi>, %select_n3A_72, %reduce_min3A_73 [0] : vector<512x2048xi32> to vector<2048xi32>
    %broadcast_in_dim3A_75 = vector.shape_cast %reduce_min3A_74 : vector<2048xi32> to vector<1x2048xi32>
    %eq3A_76 = vector.broadcast %broadcast_in_dim3A_75 : vector<1x2048xi32> to vector<512x2048xi32>
    %eq3A_77 = arith.cmpi eq, %iota3A, %eq3A_76 : vector<512x2048xi32>
    %jit3A_78 = arith.constant 0x7F800000 : f32
    %broadcast_in_dim3A_79 = vector.broadcast %jit3A_78 : f32 to vector<512x2048xf32>
    %select_n3A_80 = arith.select %eq3A_77, %broadcast_in_dim3A_79, %select_n3A_52 : vector<512x2048xi1>, vector<512x2048xf32>
    %add3A_81 = arith.constant 9.99999993E-9 : f32
    %add3A_82 = vector.broadcast %add3A_81 : f32 to vector<1x2048xf32>
    %add3A_83 = arith.addf %broadcast_in_dim3A_67, %add3A_82 : vector<1x2048xf32>
    %div3A_84 = arith.constant 1.000000e+00 : f32
    %div3A_85 = vector.broadcast %div3A_84 : f32 to vector<1x2048xf32>
    %div3A_86 = arith.divf %div3A_85, %add3A_83 : vector<1x2048xf32>
    %add3A_87 = arith.addf %add3A_58, %div3A_86 : vector<1x2048xf32>
    %jit3A_88 = arith.constant 0.000000e+00 : f32
    %broadcast_in_dim3A_89 = vector.shape_cast %div3A_86 : vector<1x2048xf32> to vector<1x2048xf32>
    %broadcast_in_dim3A_90 = vector.broadcast %broadcast_in_dim3A_89 : vector<1x2048xf32> to vector<512x2048xf32>
    %broadcast_in_dim3A_91 = vector.broadcast %jit3A_88 : f32 to vector<512x2048xf32>
    %select_n3A_92 = arith.select %eq3A_77, %broadcast_in_dim3A_90, %broadcast_in_dim3A_91 : vector<512x2048xi1>, vector<512x2048xf32>
    %add3A_93 = arith.addf %add3A_64, %select_n3A_92 : vector<512x2048xf32>
    %reduce_min3A_94 = arith.constant dense<0x7F800000> : vector<2048xf32>
    %reduce_min3A_95 = vector.multi_reduction <minimumf>, %select_n3A_80, %reduce_min3A_94 [0] : vector<512x2048xf32> to vector<2048xf32>
    %broadcast_in_dim3A_96 = vector.shape_cast %reduce_min3A_95 : vector<2048xf32> to vector<1x2048xf32>
    %eq3A_97 = vector.broadcast %broadcast_in_dim3A_96 : vector<1x2048xf32> to vector<512x2048xf32>
    %eq3A_98 = arith.cmpf oeq, %select_n3A_80, %eq3A_97 : vector<512x2048xf32>
    %jit3A_99 = arith.constant 512 : i32
    %broadcast_in_dim3A_100 = vector.broadcast %jit3A_99 : i32 to vector<512x2048xi32>
    %select_n3A_101 = arith.select %eq3A_98, %iota3A, %broadcast_in_dim3A_100 : vector<512x2048xi1>, vector<512x2048xi32>
    %reduce_min3A_102 = arith.constant dense<2147483647> : vector<2048xi32>
    %reduce_min3A_103 = vector.multi_reduction <minsi>, %select_n3A_101, %reduce_min3A_102 [0] : vector<512x2048xi32> to vector<2048xi32>
    %broadcast_in_dim3A_104 = vector.shape_cast %reduce_min3A_103 : vector<2048xi32> to vector<1x2048xi32>
    %eq3A_105 = vector.broadcast %broadcast_in_dim3A_104 : vector<1x2048xi32> to vector<512x2048xi32>
    %eq3A_106 = arith.cmpi eq, %iota3A, %eq3A_105 : vector<512x2048xi32>
    %add3A_107 = arith.constant 9.99999993E-9 : f32
    %add3A_108 = vector.broadcast %add3A_107 : f32 to vector<1x2048xf32>
    %add3A_109 = arith.addf %broadcast_in_dim3A_96, %add3A_108 : vector<1x2048xf32>
    %div3A_110 = arith.constant 1.000000e+00 : f32
    %div3A_111 = vector.broadcast %div3A_110 : f32 to vector<1x2048xf32>
    %div3A_112 = arith.divf %div3A_111, %add3A_109 : vector<1x2048xf32>
    %add3A_113 = arith.addf %add3A_87, %div3A_112 : vector<1x2048xf32>
    %jit3A_114 = arith.constant 0.000000e+00 : f32
    %broadcast_in_dim3A_115 = vector.shape_cast %div3A_112 : vector<1x2048xf32> to vector<1x2048xf32>
    %broadcast_in_dim3A_116 = vector.broadcast %broadcast_in_dim3A_115 : vector<1x2048xf32> to vector<512x2048xf32>
    %broadcast_in_dim3A_117 = vector.broadcast %jit3A_114 : f32 to vector<512x2048xf32>
    %select_n3A_118 = arith.select %eq3A_106, %broadcast_in_dim3A_116, %broadcast_in_dim3A_117 : vector<512x2048xi1>, vector<512x2048xf32>
    %add3A_119 = arith.addf %add3A_93, %select_n3A_118 : vector<512x2048xf32>
    %div3A_120 = vector.broadcast %add3A_113 : vector<1x2048xf32> to vector<512x2048xf32>
    %div3A_121 = arith.divf %add3A_119, %div3A_120 : vector<512x2048xf32>
    %dot_general3A_122 = arith.constant dense<0.000000e+00> : vector<128x2048xf32>
    %dot_general3A_123 = tpu.matmul %max3A_13, %div3A_121, %dot_general3A_122 {dimension_numbers = #tpu.dot_dimension_numbers<[1], [0], [0], [1], [0, 0, 1, 1], [], []>, transpose_lhs_hint = false} : vector<128x512xf32>, vector<512x2048xf32>, vector<128x2048xf32> -> vector<128x2048xf32>
    %get3A_124 = arith.constant 0 : index
    %get3A_125 = arith.constant 0 : index
    %get3A_126 = arith.constant 0 : index
    %get3A_127 = vector.load %arg6[%get3A_124, %get3A_125, %get3A_126] : memref<1x128x2048xf32, #tpu.memory_space<vmem>>, vector<1x128x2048xf32>
    %get3A_128 = vector.shape_cast %get3A_127 : vector<1x128x2048xf32> to vector<128x2048xf32>
    %add3A_129 = arith.addf %dot_general3A_123, %get3A_128 : vector<128x2048xf32>
    %swap3A = arith.constant 0 : index
    %swap3A_130 = arith.constant 0 : index
    %swap3A_131 = arith.constant 0 : index
    %swap3A_132 = vector.load %arg7[%swap3A, %swap3A_130, %swap3A_131] : memref<1x128x2048xf32, #tpu.memory_space<vmem>>, vector<1x128x2048xf32>
    %swap3A_133 = vector.shape_cast %swap3A_132 : vector<1x128x2048xf32> to vector<128x2048xf32>
    %swap3A_134 = vector.shape_cast %add3A_129 : vector<128x2048xf32> to vector<1x128x2048xf32>
    tpu.vector_store %arg7[%swap3A, %swap3A_130, %swap3A_131], %swap3A_134 {strides = array<i32>} : memref<1x128x2048xf32, #tpu.memory_space<vmem>>, vector<1x128x2048xf32>,
    return
  }
  func.func @transform_0(%arg0: i32) -> (i32, i32, i32) {
    %c0_i32 = arith.constant 0 : i32
    %c0_i32_0 = arith.constant 0 : i32
    %c0_i32_1 = arith.constant 0 : i32
    return %arg0, %c0_i32, %c0_i32_0 : i32, i32, i32
  }
  func.func @transform_1(%arg0: i32) -> (i32, i32) {
    %c0_i32 = arith.constant 0 : i32
    %c0_i32_0 = arith.constant 0 : i32
    %c0_i32_1 = arith.constant 0 : i32
    return %c0_i32, %c0_i32_0 : i32, i32
  }
  func.func @transform_2(%arg0: i32) -> (i32, i32) {
    %c0_i32 = arith.constant 0 : i32
    %c0_i32_0 = arith.constant 0 : i32
    %c0_i32_1 = arith.constant 0 : i32
    return %c0_i32, %c0_i32_0 : i32, i32
  }
  func.func @transform_3(%arg0: i32) -> (i32, i32, i32) {
    %c0_i32 = arith.constant 0 : i32
    %c0_i32_0 = arith.constant 0 : i32
    %c0_i32_1 = arith.constant 0 : i32
    return %arg0, %c0_i32, %c0_i32_0 : i32, i32, i32
  }
  func.func @transform_4(%arg0: i32) -> (i32, i32, i32) {
    %c0_i32 = arith.constant 0 : i32
    %c0_i32_0 = arith.constant 0 : i32
    %c0_i32_1 = arith.constant 0 : i32
    return %arg0, %c0_i32, %c0_i32_0 : i32, i32, i32
  }
  func.func @transform_5(%arg0: i32) -> (i32, i32, i32) {
    %c0_i32 = arith.constant 0 : i32
    %c0_i32_0 = arith.constant 0 : i32
    %c0_i32_1 = arith.constant 0 : i32
    return %arg0, %c0_i32, %c0_i32_0 : i32, i32, i32
  }
  func.func @transform_6(%arg0: i32) -> (i32, i32, i32) {
    %c0_i32 = arith.constant 0 : i32
    %c0_i32_0 = arith.constant 0 : i32
    %c0_i32_1 = arith.constant 0 : i32
    return %arg0, %c0_i32, %c0_i32_0 : i32, i32, i32
  }
}

module attributes {stable_mosaic.version = 14 : i64} {
  func.func @_qkv_body(%arg0: i32, %arg1: memref<1x128x2048xf32, #tpu.memory_space<vmem>>, %arg2: memref<1x2048x16xf32, #tpu.memory_space<vmem>>, %arg3: memref<32x128xf32, #tpu.memory_space<vmem>>, %arg4: memref<32x1xf32, #tpu.memory_space<vmem>>, %arg5: memref<96x32xf32, #tpu.memory_space<vmem>>, %arg6: memref<1x32x2048xf32, #tpu.memory_space<vmem>>, %arg7: memref<1x2048x128xf32, #tpu.memory_space<vmem>>) attributes {dimension_semantics = [#tpu.dimension_semantics<arbitrary>], iteration_bounds = array<i64: 8>, scalar_prefetch = 0 : i64, scratch_operands = 0 : i64, tpu.core_type = #tpu.core_type<tc>, window_params = [{transform_indices = @transform_0, window_bounds = array<i64: 1, 128, 2048>}, {transform_indices = @transform_1, window_bounds = array<i64: 1, 2048, 16>}, {pipeline_mode = #tpu.pipeline_mode<synchronous>, transform_indices = @transform_2, window_bounds = array<i64: 32, 128>}, {pipeline_mode = #tpu.pipeline_mode<synchronous>, transform_indices = @transform_3, window_bounds = array<i64: 32, 1>}, {pipeline_mode = #tpu.pipeline_mode<synchronous>, transform_indices = @transform_4, window_bounds = array<i64: 96, 32>}, {transform_indices = @transform_5, window_bounds = array<i64: 1, 32, 2048>}, {transform_indices = @transform_6, window_bounds = array<i64: 1, 2048, 128>}]} {
    %get3A = arith.constant 0 : index
    %get3A_0 = arith.constant 0 : index
    %get3A_1 = vector.load %arg3[%get3A, %get3A_0] : memref<32x128xf32, #tpu.memory_space<vmem>>, vector<32x128xf32>
    %get3A_2 = arith.constant 0 : index
    %get3A_3 = arith.constant 0 : index
    %get3A_4 = arith.constant 0 : index
    %get3A_5 = vector.load %arg1[%get3A_2, %get3A_3, %get3A_4] : memref<1x128x2048xf32, #tpu.memory_space<vmem>>, vector<1x128x2048xf32>
    %get3A_6 = vector.shape_cast %get3A_5 : vector<1x128x2048xf32> to vector<128x2048xf32>
    %dot_general3A = arith.constant dense<0.000000e+00> : vector<32x2048xf32>
    %dot_general3A_7 = tpu.matmul %get3A_1, %get3A_6, %dot_general3A {dimension_numbers = #tpu.dot_dimension_numbers<[1], [0], [0], [1], [0, 0, 1, 1], [], []>, transpose_lhs_hint = false} : vector<32x128xf32>, vector<128x2048xf32>, vector<32x2048xf32> -> vector<32x2048xf32>
    %get3A_8 = arith.constant 0 : index
    %get3A_9 = arith.constant 0 : index
    %get3A_10 = vector.load %arg4[%get3A_8, %get3A_9] : memref<32x1xf32, #tpu.memory_space<vmem>>, vector<32x1xf32>
    %add3A = vector.broadcast %get3A_10 : vector<32x1xf32> to vector<32x2048xf32>
    %add3A_11 = arith.addf %dot_general3A_7, %add3A : vector<32x2048xf32>
    %get3A_12 = arith.constant 0 : index
    %get3A_13 = arith.constant 0 : index
    %get3A_14 = vector.load %arg5[%get3A_12, %get3A_13] : memref<96x32xf32, #tpu.memory_space<vmem>>, vector<96x32xf32>
    %dot_general3A_15 = arith.constant dense<0.000000e+00> : vector<96x2048xf32>
    %dot_general3A_16 = tpu.matmul %get3A_14, %add3A_11, %dot_general3A_15 {dimension_numbers = #tpu.dot_dimension_numbers<[1], [0], [0], [1], [0, 0, 1, 1], [], []>, transpose_lhs_hint = false} : vector<96x32xf32>, vector<32x2048xf32>, vector<96x2048xf32> -> vector<96x2048xf32>
    %slice3A = vector.extract_strided_slice %dot_general3A_16 {offsets = [0, 0], sizes = [32, 2048], strides = [1, 1]} : vector<96x2048xf32> to vector<32x2048xf32>
    %swap3A = arith.constant 0 : index
    %swap3A_17 = arith.constant 0 : index
    %swap3A_18 = arith.constant 0 : index
    %swap3A_19 = vector.load %arg6[%swap3A, %swap3A_17, %swap3A_18] : memref<1x32x2048xf32, #tpu.memory_space<vmem>>, vector<1x32x2048xf32>
    %swap3A_20 = vector.shape_cast %swap3A_19 : vector<1x32x2048xf32> to vector<32x2048xf32>
    %swap3A_21 = vector.shape_cast %slice3A : vector<32x2048xf32> to vector<1x32x2048xf32>
    tpu.vector_store %arg6[%swap3A, %swap3A_17, %swap3A_18], %swap3A_21 {strides = array<i32>} : memref<1x32x2048xf32, #tpu.memory_space<vmem>>, vector<1x32x2048xf32>,
    %slice3A_22 = vector.extract_strided_slice %dot_general3A_16 {offsets = [32, 0], sizes = [64, 2048], strides = [1, 1]} : vector<96x2048xf32> to vector<64x2048xf32>
    %transpose3A = tpu.transpose %slice3A_22, [1, 0] : vector<64x2048xf32> -> vector<2048x64xf32>
    %get3A_23 = arith.constant 0 : index
    %get3A_24 = arith.constant 0 : index
    %get3A_25 = arith.constant 0 : index
    %get3A_26 = vector.load %arg2[%get3A_23, %get3A_24, %get3A_25] : memref<1x2048x16xf32, #tpu.memory_space<vmem>>, vector<1x2048x16xf32>
    %get3A_27 = vector.shape_cast %get3A_26 : vector<1x2048x16xf32> to vector<2048x16xf32>
    %broadcast_in_dim3A = arith.constant 0.000000e+00 : f32
    %broadcast_in_dim3A_28 = vector.broadcast %broadcast_in_dim3A : f32 to vector<2048x48xf32>
    %concatenate3A = tpu.concatenate %transpose3A, %get3A_27, %broadcast_in_dim3A_28 in 1 : vector<2048x64xf32>, vector<2048x16xf32>, vector<2048x48xf32> -> vector<2048x128xf32>
    %swap3A_29 = arith.constant 0 : index
    %swap3A_30 = arith.constant 0 : index
    %swap3A_31 = arith.constant 0 : index
    %swap3A_32 = vector.load %arg7[%swap3A_29, %swap3A_30, %swap3A_31] : memref<1x2048x128xf32, #tpu.memory_space<vmem>>, vector<1x2048x128xf32>
    %swap3A_33 = vector.shape_cast %swap3A_32 : vector<1x2048x128xf32> to vector<2048x128xf32>
    %swap3A_34 = vector.shape_cast %concatenate3A : vector<2048x128xf32> to vector<1x2048x128xf32>
    tpu.vector_store %arg7[%swap3A_29, %swap3A_30, %swap3A_31], %swap3A_34 {strides = array<i32>} : memref<1x2048x128xf32, #tpu.memory_space<vmem>>, vector<1x2048x128xf32>,
    return
  }
  func.func @transform_0(%arg0: i32) -> (i32, i32, i32) {
    %c0_i32 = arith.constant 0 : i32
    %c0_i32_0 = arith.constant 0 : i32
    %c0_i32_1 = arith.constant 0 : i32
    return %arg0, %c0_i32, %c0_i32_0 : i32, i32, i32
  }
  func.func @transform_1(%arg0: i32) -> (i32, i32, i32) {
    %c0_i32 = arith.constant 0 : i32
    %c0_i32_0 = arith.constant 0 : i32
    %c0_i32_1 = arith.constant 0 : i32
    return %arg0, %c0_i32, %c0_i32_0 : i32, i32, i32
  }
  func.func @transform_2(%arg0: i32) -> (i32, i32) {
    %c0_i32 = arith.constant 0 : i32
    %c0_i32_0 = arith.constant 0 : i32
    %c0_i32_1 = arith.constant 0 : i32
    return %c0_i32, %c0_i32_0 : i32, i32
  }
  func.func @transform_3(%arg0: i32) -> (i32, i32) {
    %c0_i32 = arith.constant 0 : i32
    %c0_i32_0 = arith.constant 0 : i32
    %c0_i32_1 = arith.constant 0 : i32
    return %c0_i32, %c0_i32_0 : i32, i32
  }
  func.func @transform_4(%arg0: i32) -> (i32, i32) {
    %c0_i32 = arith.constant 0 : i32
    %c0_i32_0 = arith.constant 0 : i32
    %c0_i32_1 = arith.constant 0 : i32
    return %c0_i32, %c0_i32_0 : i32, i32
  }
  func.func @transform_5(%arg0: i32) -> (i32, i32, i32) {
    %c0_i32 = arith.constant 0 : i32
    %c0_i32_0 = arith.constant 0 : i32
    %c0_i32_1 = arith.constant 0 : i32
    return %arg0, %c0_i32, %c0_i32_0 : i32, i32, i32
  }
  func.func @transform_6(%arg0: i32) -> (i32, i32, i32) {
    %c0_i32 = arith.constant 0 : i32
    %c0_i32_0 = arith.constant 0 : i32
    %c0_i32_1 = arith.constant 0 : i32
    return %arg0, %c0_i32, %c0_i32_0 : i32, i32, i32
  }
}

module attributes {stable_mosaic.version = 14 : i64} {
  func.func @_knn_body(%arg0: i32, %arg1: i32, %arg2: memref<1x256x3xf32, #tpu.memory_space<vmem>>, %arg3: memref<1x3x2048xf32, #tpu.memory_space<vmem>>, %arg4: memref<1x256x16xi32, #tpu.memory_space<vmem>>) attributes {dimension_semantics = [#tpu.dimension_semantics<arbitrary>, #tpu.dimension_semantics<arbitrary>], iteration_bounds = array<i64: 8, 4>, scalar_prefetch = 0 : i64, scratch_operands = 0 : i64, tpu.core_type = #tpu.core_type<tc>, window_params = [{transform_indices = @transform_0, window_bounds = array<i64: 1, 256, 3>}, {transform_indices = @transform_1, window_bounds = array<i64: 1, 3, 2048>}, {transform_indices = @transform_2, window_bounds = array<i64: 1, 256, 16>}]} {
    %get3A = arith.constant 0 : index
    %get3A_0 = arith.constant 0 : index
    %get3A_1 = arith.constant 0 : index
    %get3A_2 = vector.load %arg2[%get3A, %get3A_0, %get3A_1] : memref<1x256x3xf32, #tpu.memory_space<vmem>>, vector<1x256x3xf32>
    %get3A_3 = vector.shape_cast %get3A_2 : vector<1x256x3xf32> to vector<256x3xf32>
    %get3A_4 = arith.constant 0 : index
    %get3A_5 = arith.constant 0 : index
    %get3A_6 = arith.constant 0 : index
    %get3A_7 = vector.load %arg3[%get3A_4, %get3A_5, %get3A_6] : memref<1x3x2048xf32, #tpu.memory_space<vmem>>, vector<1x3x2048xf32>
    %get3A_8 = vector.shape_cast %get3A_7 : vector<1x3x2048xf32> to vector<3x2048xf32>
    %mul3A = arith.mulf %get3A_3, %get3A_3 : vector<256x3xf32>
    %reduce_sum3A = arith.constant dense<0.000000e+00> : vector<256xf32>
    %reduce_sum3A_9 = vector.multi_reduction <add>, %mul3A, %reduce_sum3A [1] : vector<256x3xf32> to vector<256xf32>
    %broadcast_in_dim3A = vector.shape_cast %reduce_sum3A_9 : vector<256xf32> to vector<256x1xf32>
    %mul3A_10 = arith.mulf %get3A_8, %get3A_8 : vector<3x2048xf32>
    %reduce_sum3A_11 = arith.constant dense<0.000000e+00> : vector<2048xf32>
    %reduce_sum3A_12 = vector.multi_reduction <add>, %mul3A_10, %reduce_sum3A_11 [0] : vector<3x2048xf32> to vector<2048xf32>
    %broadcast_in_dim3A_13 = vector.shape_cast %reduce_sum3A_12 : vector<2048xf32> to vector<1x2048xf32>
    %add3A = vector.broadcast %broadcast_in_dim3A : vector<256x1xf32> to vector<256x2048xf32>
    %add3A_14 = vector.broadcast %broadcast_in_dim3A_13 : vector<1x2048xf32> to vector<256x2048xf32>
    %add3A_15 = arith.addf %add3A, %add3A_14 : vector<256x2048xf32>
    %dot_general3A = arith.constant dense<0.000000e+00> : vector<256x2048xf32>
    %dot_general3A_16 = tpu.matmul %get3A_3, %get3A_8, %dot_general3A {dimension_numbers = #tpu.dot_dimension_numbers<[1], [0], [0], [1], [0, 0, 1, 1], [], []>, transpose_lhs_hint = false} : vector<256x3xf32>, vector<3x2048xf32>, vector<256x2048xf32> -> vector<256x2048xf32>
    %mul3A_17 = arith.constant 2.000000e+00 : f32
    %mul3A_18 = vector.broadcast %mul3A_17 : f32 to vector<256x2048xf32>
    %mul3A_19 = arith.mulf %mul3A_18, %dot_general3A_16 : vector<256x2048xf32>
    %sub3A = arith.subf %add3A_15, %mul3A_19 : vector<256x2048xf32>
    %iota3A = tpu.iota {dimensions = array<i32: 1>} : vector<256x2048xi32>
    %bitcast_convert_type3A = tpu.bitcast %sub3A : vector<256x2048xf32> -> vector<256x2048xi32>
    %and3A = arith.constant -2048 : i32
    %and3A_20 = vector.broadcast %and3A : i32 to vector<256x2048xi32>
    %and3A_21 = arith.andi %bitcast_convert_type3A, %and3A_20 : vector<256x2048xi32>
    %or3A = arith.ori %and3A_21, %iota3A : vector<256x2048xi32>
    %bitcast_convert_type3A_22 = tpu.bitcast %or3A : vector<256x2048xi32> -> vector<256x2048xf32>
    %reduce_min3A = arith.constant dense<0x7F800000> : vector<256xf32>
    %reduce_min3A_23 = vector.multi_reduction <minimumf>, %bitcast_convert_type3A_22, %reduce_min3A [1] : vector<256x2048xf32> to vector<256xf32>
    %broadcast_in_dim3A_24 = vector.shape_cast %reduce_min3A_23 : vector<256xf32> to vector<256x1xf32>
    %eq3A = vector.broadcast %broadcast_in_dim3A_24 : vector<256x1xf32> to vector<256x2048xf32>
    %eq3A_25 = arith.cmpf oeq, %bitcast_convert_type3A_22, %eq3A : vector<256x2048xf32>
    %jit3A = arith.constant 0x7F800000 : f32
    %broadcast_in_dim3A_26 = vector.broadcast %jit3A : f32 to vector<256x2048xf32>
    %select_n3A = arith.select %eq3A_25, %broadcast_in_dim3A_26, %bitcast_convert_type3A_22 : vector<256x2048xi1>, vector<256x2048xf32>
    %bitcast_convert_type3A_27 = tpu.bitcast %broadcast_in_dim3A_24 : vector<256x1xf32> -> vector<256x1xi32>
    %and3A_28 = arith.constant 2047 : i32
    %and3A_29 = vector.broadcast %and3A_28 : i32 to vector<256x1xi32>
    %and3A_30 = arith.andi %bitcast_convert_type3A_27, %and3A_29 : vector<256x1xi32>
    %reduce_min3A_31 = arith.constant dense<0x7F800000> : vector<256xf32>
    %reduce_min3A_32 = vector.multi_reduction <minimumf>, %select_n3A, %reduce_min3A_31 [1] : vector<256x2048xf32> to vector<256xf32>
    %broadcast_in_dim3A_33 = vector.shape_cast %reduce_min3A_32 : vector<256xf32> to vector<256x1xf32>
    %eq3A_34 = vector.broadcast %broadcast_in_dim3A_33 : vector<256x1xf32> to vector<256x2048xf32>
    %eq3A_35 = arith.cmpf oeq, %select_n3A, %eq3A_34 : vector<256x2048xf32>
    %jit3A_36 = arith.constant 0x7F800000 : f32
    %broadcast_in_dim3A_37 = vector.broadcast %jit3A_36 : f32 to vector<256x2048xf32>
    %select_n3A_38 = arith.select %eq3A_35, %broadcast_in_dim3A_37, %select_n3A : vector<256x2048xi1>, vector<256x2048xf32>
    %bitcast_convert_type3A_39 = tpu.bitcast %broadcast_in_dim3A_33 : vector<256x1xf32> -> vector<256x1xi32>
    %and3A_40 = arith.constant 2047 : i32
    %and3A_41 = vector.broadcast %and3A_40 : i32 to vector<256x1xi32>
    %and3A_42 = arith.andi %bitcast_convert_type3A_39, %and3A_41 : vector<256x1xi32>
    %reduce_min3A_43 = arith.constant dense<0x7F800000> : vector<256xf32>
    %reduce_min3A_44 = vector.multi_reduction <minimumf>, %select_n3A_38, %reduce_min3A_43 [1] : vector<256x2048xf32> to vector<256xf32>
    %broadcast_in_dim3A_45 = vector.shape_cast %reduce_min3A_44 : vector<256xf32> to vector<256x1xf32>
    %eq3A_46 = vector.broadcast %broadcast_in_dim3A_45 : vector<256x1xf32> to vector<256x2048xf32>
    %eq3A_47 = arith.cmpf oeq, %select_n3A_38, %eq3A_46 : vector<256x2048xf32>
    %jit3A_48 = arith.constant 0x7F800000 : f32
    %broadcast_in_dim3A_49 = vector.broadcast %jit3A_48 : f32 to vector<256x2048xf32>
    %select_n3A_50 = arith.select %eq3A_47, %broadcast_in_dim3A_49, %select_n3A_38 : vector<256x2048xi1>, vector<256x2048xf32>
    %bitcast_convert_type3A_51 = tpu.bitcast %broadcast_in_dim3A_45 : vector<256x1xf32> -> vector<256x1xi32>
    %and3A_52 = arith.constant 2047 : i32
    %and3A_53 = vector.broadcast %and3A_52 : i32 to vector<256x1xi32>
    %and3A_54 = arith.andi %bitcast_convert_type3A_51, %and3A_53 : vector<256x1xi32>
    %reduce_min3A_55 = arith.constant dense<0x7F800000> : vector<256xf32>
    %reduce_min3A_56 = vector.multi_reduction <minimumf>, %select_n3A_50, %reduce_min3A_55 [1] : vector<256x2048xf32> to vector<256xf32>
    %broadcast_in_dim3A_57 = vector.shape_cast %reduce_min3A_56 : vector<256xf32> to vector<256x1xf32>
    %eq3A_58 = vector.broadcast %broadcast_in_dim3A_57 : vector<256x1xf32> to vector<256x2048xf32>
    %eq3A_59 = arith.cmpf oeq, %select_n3A_50, %eq3A_58 : vector<256x2048xf32>
    %jit3A_60 = arith.constant 0x7F800000 : f32
    %broadcast_in_dim3A_61 = vector.broadcast %jit3A_60 : f32 to vector<256x2048xf32>
    %select_n3A_62 = arith.select %eq3A_59, %broadcast_in_dim3A_61, %select_n3A_50 : vector<256x2048xi1>, vector<256x2048xf32>
    %bitcast_convert_type3A_63 = tpu.bitcast %broadcast_in_dim3A_57 : vector<256x1xf32> -> vector<256x1xi32>
    %and3A_64 = arith.constant 2047 : i32
    %and3A_65 = vector.broadcast %and3A_64 : i32 to vector<256x1xi32>
    %and3A_66 = arith.andi %bitcast_convert_type3A_63, %and3A_65 : vector<256x1xi32>
    %reduce_min3A_67 = arith.constant dense<0x7F800000> : vector<256xf32>
    %reduce_min3A_68 = vector.multi_reduction <minimumf>, %select_n3A_62, %reduce_min3A_67 [1] : vector<256x2048xf32> to vector<256xf32>
    %broadcast_in_dim3A_69 = vector.shape_cast %reduce_min3A_68 : vector<256xf32> to vector<256x1xf32>
    %eq3A_70 = vector.broadcast %broadcast_in_dim3A_69 : vector<256x1xf32> to vector<256x2048xf32>
    %eq3A_71 = arith.cmpf oeq, %select_n3A_62, %eq3A_70 : vector<256x2048xf32>
    %jit3A_72 = arith.constant 0x7F800000 : f32
    %broadcast_in_dim3A_73 = vector.broadcast %jit3A_72 : f32 to vector<256x2048xf32>
    %select_n3A_74 = arith.select %eq3A_71, %broadcast_in_dim3A_73, %select_n3A_62 : vector<256x2048xi1>, vector<256x2048xf32>
    %bitcast_convert_type3A_75 = tpu.bitcast %broadcast_in_dim3A_69 : vector<256x1xf32> -> vector<256x1xi32>
    %and3A_76 = arith.constant 2047 : i32
    %and3A_77 = vector.broadcast %and3A_76 : i32 to vector<256x1xi32>
    %and3A_78 = arith.andi %bitcast_convert_type3A_75, %and3A_77 : vector<256x1xi32>
    %reduce_min3A_79 = arith.constant dense<0x7F800000> : vector<256xf32>
    %reduce_min3A_80 = vector.multi_reduction <minimumf>, %select_n3A_74, %reduce_min3A_79 [1] : vector<256x2048xf32> to vector<256xf32>
    %broadcast_in_dim3A_81 = vector.shape_cast %reduce_min3A_80 : vector<256xf32> to vector<256x1xf32>
    %eq3A_82 = vector.broadcast %broadcast_in_dim3A_81 : vector<256x1xf32> to vector<256x2048xf32>
    %eq3A_83 = arith.cmpf oeq, %select_n3A_74, %eq3A_82 : vector<256x2048xf32>
    %jit3A_84 = arith.constant 0x7F800000 : f32
    %broadcast_in_dim3A_85 = vector.broadcast %jit3A_84 : f32 to vector<256x2048xf32>
    %select_n3A_86 = arith.select %eq3A_83, %broadcast_in_dim3A_85, %select_n3A_74 : vector<256x2048xi1>, vector<256x2048xf32>
    %bitcast_convert_type3A_87 = tpu.bitcast %broadcast_in_dim3A_81 : vector<256x1xf32> -> vector<256x1xi32>
    %and3A_88 = arith.constant 2047 : i32
    %and3A_89 = vector.broadcast %and3A_88 : i32 to vector<256x1xi32>
    %and3A_90 = arith.andi %bitcast_convert_type3A_87, %and3A_89 : vector<256x1xi32>
    %reduce_min3A_91 = arith.constant dense<0x7F800000> : vector<256xf32>
    %reduce_min3A_92 = vector.multi_reduction <minimumf>, %select_n3A_86, %reduce_min3A_91 [1] : vector<256x2048xf32> to vector<256xf32>
    %broadcast_in_dim3A_93 = vector.shape_cast %reduce_min3A_92 : vector<256xf32> to vector<256x1xf32>
    %eq3A_94 = vector.broadcast %broadcast_in_dim3A_93 : vector<256x1xf32> to vector<256x2048xf32>
    %eq3A_95 = arith.cmpf oeq, %select_n3A_86, %eq3A_94 : vector<256x2048xf32>
    %jit3A_96 = arith.constant 0x7F800000 : f32
    %broadcast_in_dim3A_97 = vector.broadcast %jit3A_96 : f32 to vector<256x2048xf32>
    %select_n3A_98 = arith.select %eq3A_95, %broadcast_in_dim3A_97, %select_n3A_86 : vector<256x2048xi1>, vector<256x2048xf32>
    %bitcast_convert_type3A_99 = tpu.bitcast %broadcast_in_dim3A_93 : vector<256x1xf32> -> vector<256x1xi32>
    %and3A_100 = arith.constant 2047 : i32
    %and3A_101 = vector.broadcast %and3A_100 : i32 to vector<256x1xi32>
    %and3A_102 = arith.andi %bitcast_convert_type3A_99, %and3A_101 : vector<256x1xi32>
    %reduce_min3A_103 = arith.constant dense<0x7F800000> : vector<256xf32>
    %reduce_min3A_104 = vector.multi_reduction <minimumf>, %select_n3A_98, %reduce_min3A_103 [1] : vector<256x2048xf32> to vector<256xf32>
    %broadcast_in_dim3A_105 = vector.shape_cast %reduce_min3A_104 : vector<256xf32> to vector<256x1xf32>
    %eq3A_106 = vector.broadcast %broadcast_in_dim3A_105 : vector<256x1xf32> to vector<256x2048xf32>
    %eq3A_107 = arith.cmpf oeq, %select_n3A_98, %eq3A_106 : vector<256x2048xf32>
    %jit3A_108 = arith.constant 0x7F800000 : f32
    %broadcast_in_dim3A_109 = vector.broadcast %jit3A_108 : f32 to vector<256x2048xf32>
    %select_n3A_110 = arith.select %eq3A_107, %broadcast_in_dim3A_109, %select_n3A_98 : vector<256x2048xi1>, vector<256x2048xf32>
    %bitcast_convert_type3A_111 = tpu.bitcast %broadcast_in_dim3A_105 : vector<256x1xf32> -> vector<256x1xi32>
    %and3A_112 = arith.constant 2047 : i32
    %and3A_113 = vector.broadcast %and3A_112 : i32 to vector<256x1xi32>
    %and3A_114 = arith.andi %bitcast_convert_type3A_111, %and3A_113 : vector<256x1xi32>
    %reduce_min3A_115 = arith.constant dense<0x7F800000> : vector<256xf32>
    %reduce_min3A_116 = vector.multi_reduction <minimumf>, %select_n3A_110, %reduce_min3A_115 [1] : vector<256x2048xf32> to vector<256xf32>
    %broadcast_in_dim3A_117 = vector.shape_cast %reduce_min3A_116 : vector<256xf32> to vector<256x1xf32>
    %eq3A_118 = vector.broadcast %broadcast_in_dim3A_117 : vector<256x1xf32> to vector<256x2048xf32>
    %eq3A_119 = arith.cmpf oeq, %select_n3A_110, %eq3A_118 : vector<256x2048xf32>
    %jit3A_120 = arith.constant 0x7F800000 : f32
    %broadcast_in_dim3A_121 = vector.broadcast %jit3A_120 : f32 to vector<256x2048xf32>
    %select_n3A_122 = arith.select %eq3A_119, %broadcast_in_dim3A_121, %select_n3A_110 : vector<256x2048xi1>, vector<256x2048xf32>
    %bitcast_convert_type3A_123 = tpu.bitcast %broadcast_in_dim3A_117 : vector<256x1xf32> -> vector<256x1xi32>
    %and3A_124 = arith.constant 2047 : i32
    %and3A_125 = vector.broadcast %and3A_124 : i32 to vector<256x1xi32>
    %and3A_126 = arith.andi %bitcast_convert_type3A_123, %and3A_125 : vector<256x1xi32>
    %reduce_min3A_127 = arith.constant dense<0x7F800000> : vector<256xf32>
    %reduce_min3A_128 = vector.multi_reduction <minimumf>, %select_n3A_122, %reduce_min3A_127 [1] : vector<256x2048xf32> to vector<256xf32>
    %broadcast_in_dim3A_129 = vector.shape_cast %reduce_min3A_128 : vector<256xf32> to vector<256x1xf32>
    %eq3A_130 = vector.broadcast %broadcast_in_dim3A_129 : vector<256x1xf32> to vector<256x2048xf32>
    %eq3A_131 = arith.cmpf oeq, %select_n3A_122, %eq3A_130 : vector<256x2048xf32>
    %jit3A_132 = arith.constant 0x7F800000 : f32
    %broadcast_in_dim3A_133 = vector.broadcast %jit3A_132 : f32 to vector<256x2048xf32>
    %select_n3A_134 = arith.select %eq3A_131, %broadcast_in_dim3A_133, %select_n3A_122 : vector<256x2048xi1>, vector<256x2048xf32>
    %bitcast_convert_type3A_135 = tpu.bitcast %broadcast_in_dim3A_129 : vector<256x1xf32> -> vector<256x1xi32>
    %and3A_136 = arith.constant 2047 : i32
    %and3A_137 = vector.broadcast %and3A_136 : i32 to vector<256x1xi32>
    %and3A_138 = arith.andi %bitcast_convert_type3A_135, %and3A_137 : vector<256x1xi32>
    %reduce_min3A_139 = arith.constant dense<0x7F800000> : vector<256xf32>
    %reduce_min3A_140 = vector.multi_reduction <minimumf>, %select_n3A_134, %reduce_min3A_139 [1] : vector<256x2048xf32> to vector<256xf32>
    %broadcast_in_dim3A_141 = vector.shape_cast %reduce_min3A_140 : vector<256xf32> to vector<256x1xf32>
    %eq3A_142 = vector.broadcast %broadcast_in_dim3A_141 : vector<256x1xf32> to vector<256x2048xf32>
    %eq3A_143 = arith.cmpf oeq, %select_n3A_134, %eq3A_142 : vector<256x2048xf32>
    %jit3A_144 = arith.constant 0x7F800000 : f32
    %broadcast_in_dim3A_145 = vector.broadcast %jit3A_144 : f32 to vector<256x2048xf32>
    %select_n3A_146 = arith.select %eq3A_143, %broadcast_in_dim3A_145, %select_n3A_134 : vector<256x2048xi1>, vector<256x2048xf32>
    %bitcast_convert_type3A_147 = tpu.bitcast %broadcast_in_dim3A_141 : vector<256x1xf32> -> vector<256x1xi32>
    %and3A_148 = arith.constant 2047 : i32
    %and3A_149 = vector.broadcast %and3A_148 : i32 to vector<256x1xi32>
    %and3A_150 = arith.andi %bitcast_convert_type3A_147, %and3A_149 : vector<256x1xi32>
    %reduce_min3A_151 = arith.constant dense<0x7F800000> : vector<256xf32>
    %reduce_min3A_152 = vector.multi_reduction <minimumf>, %select_n3A_146, %reduce_min3A_151 [1] : vector<256x2048xf32> to vector<256xf32>
    %broadcast_in_dim3A_153 = vector.shape_cast %reduce_min3A_152 : vector<256xf32> to vector<256x1xf32>
    %eq3A_154 = vector.broadcast %broadcast_in_dim3A_153 : vector<256x1xf32> to vector<256x2048xf32>
    %eq3A_155 = arith.cmpf oeq, %select_n3A_146, %eq3A_154 : vector<256x2048xf32>
    %jit3A_156 = arith.constant 0x7F800000 : f32
    %broadcast_in_dim3A_157 = vector.broadcast %jit3A_156 : f32 to vector<256x2048xf32>
    %select_n3A_158 = arith.select %eq3A_155, %broadcast_in_dim3A_157, %select_n3A_146 : vector<256x2048xi1>, vector<256x2048xf32>
    %bitcast_convert_type3A_159 = tpu.bitcast %broadcast_in_dim3A_153 : vector<256x1xf32> -> vector<256x1xi32>
    %and3A_160 = arith.constant 2047 : i32
    %and3A_161 = vector.broadcast %and3A_160 : i32 to vector<256x1xi32>
    %and3A_162 = arith.andi %bitcast_convert_type3A_159, %and3A_161 : vector<256x1xi32>
    %reduce_min3A_163 = arith.constant dense<0x7F800000> : vector<256xf32>
    %reduce_min3A_164 = vector.multi_reduction <minimumf>, %select_n3A_158, %reduce_min3A_163 [1] : vector<256x2048xf32> to vector<256xf32>
    %broadcast_in_dim3A_165 = vector.shape_cast %reduce_min3A_164 : vector<256xf32> to vector<256x1xf32>
    %eq3A_166 = vector.broadcast %broadcast_in_dim3A_165 : vector<256x1xf32> to vector<256x2048xf32>
    %eq3A_167 = arith.cmpf oeq, %select_n3A_158, %eq3A_166 : vector<256x2048xf32>
    %jit3A_168 = arith.constant 0x7F800000 : f32
    %broadcast_in_dim3A_169 = vector.broadcast %jit3A_168 : f32 to vector<256x2048xf32>
    %select_n3A_170 = arith.select %eq3A_167, %broadcast_in_dim3A_169, %select_n3A_158 : vector<256x2048xi1>, vector<256x2048xf32>
    %bitcast_convert_type3A_171 = tpu.bitcast %broadcast_in_dim3A_165 : vector<256x1xf32> -> vector<256x1xi32>
    %and3A_172 = arith.constant 2047 : i32
    %and3A_173 = vector.broadcast %and3A_172 : i32 to vector<256x1xi32>
    %and3A_174 = arith.andi %bitcast_convert_type3A_171, %and3A_173 : vector<256x1xi32>
    %reduce_min3A_175 = arith.constant dense<0x7F800000> : vector<256xf32>
    %reduce_min3A_176 = vector.multi_reduction <minimumf>, %select_n3A_170, %reduce_min3A_175 [1] : vector<256x2048xf32> to vector<256xf32>
    %broadcast_in_dim3A_177 = vector.shape_cast %reduce_min3A_176 : vector<256xf32> to vector<256x1xf32>
    %eq3A_178 = vector.broadcast %broadcast_in_dim3A_177 : vector<256x1xf32> to vector<256x2048xf32>
    %eq3A_179 = arith.cmpf oeq, %select_n3A_170, %eq3A_178 : vector<256x2048xf32>
    %jit3A_180 = arith.constant 0x7F800000 : f32
    %broadcast_in_dim3A_181 = vector.broadcast %jit3A_180 : f32 to vector<256x2048xf32>
    %select_n3A_182 = arith.select %eq3A_179, %broadcast_in_dim3A_181, %select_n3A_170 : vector<256x2048xi1>, vector<256x2048xf32>
    %bitcast_convert_type3A_183 = tpu.bitcast %broadcast_in_dim3A_177 : vector<256x1xf32> -> vector<256x1xi32>
    %and3A_184 = arith.constant 2047 : i32
    %and3A_185 = vector.broadcast %and3A_184 : i32 to vector<256x1xi32>
    %and3A_186 = arith.andi %bitcast_convert_type3A_183, %and3A_185 : vector<256x1xi32>
    %reduce_min3A_187 = arith.constant dense<0x7F800000> : vector<256xf32>
    %reduce_min3A_188 = vector.multi_reduction <minimumf>, %select_n3A_182, %reduce_min3A_187 [1] : vector<256x2048xf32> to vector<256xf32>
    %broadcast_in_dim3A_189 = vector.shape_cast %reduce_min3A_188 : vector<256xf32> to vector<256x1xf32>
    %eq3A_190 = vector.broadcast %broadcast_in_dim3A_189 : vector<256x1xf32> to vector<256x2048xf32>
    %eq3A_191 = arith.cmpf oeq, %select_n3A_182, %eq3A_190 : vector<256x2048xf32>
    %jit3A_192 = arith.constant 0x7F800000 : f32
    %broadcast_in_dim3A_193 = vector.broadcast %jit3A_192 : f32 to vector<256x2048xf32>
    %select_n3A_194 = arith.select %eq3A_191, %broadcast_in_dim3A_193, %select_n3A_182 : vector<256x2048xi1>, vector<256x2048xf32>
    %bitcast_convert_type3A_195 = tpu.bitcast %broadcast_in_dim3A_189 : vector<256x1xf32> -> vector<256x1xi32>
    %and3A_196 = arith.constant 2047 : i32
    %and3A_197 = vector.broadcast %and3A_196 : i32 to vector<256x1xi32>
    %and3A_198 = arith.andi %bitcast_convert_type3A_195, %and3A_197 : vector<256x1xi32>
    %reduce_min3A_199 = arith.constant dense<0x7F800000> : vector<256xf32>
    %reduce_min3A_200 = vector.multi_reduction <minimumf>, %select_n3A_194, %reduce_min3A_199 [1] : vector<256x2048xf32> to vector<256xf32>
    %broadcast_in_dim3A_201 = vector.shape_cast %reduce_min3A_200 : vector<256xf32> to vector<256x1xf32>
    %bitcast_convert_type3A_202 = tpu.bitcast %broadcast_in_dim3A_201 : vector<256x1xf32> -> vector<256x1xi32>
    %and3A_203 = arith.constant 2047 : i32
    %and3A_204 = vector.broadcast %and3A_203 : i32 to vector<256x1xi32>
    %and3A_205 = arith.andi %bitcast_convert_type3A_202, %and3A_204 : vector<256x1xi32>
    %concatenate3A = tpu.concatenate %and3A_30, %and3A_42, %and3A_54, %and3A_66, %and3A_78, %and3A_90, %and3A_102, %and3A_114, %and3A_126, %and3A_138, %and3A_150, %and3A_162, %and3A_174, %and3A_186, %and3A_198, %and3A_205 in 1 : vector<256x1xi32>, vector<256x1xi32>, vector<256x1xi32>, vector<256x1xi32>, vector<256x1xi32>, vector<256x1xi32>, vector<256x1xi32>, vector<256x1xi32>, vector<256x1xi32>, vector<256x1xi32>, vector<256x1xi32>, vector<256x1xi32>, vector<256x1xi32>, vector<256x1xi32>, vector<256x1xi32>, vector<256x1xi32> -> vector<256x16xi32>
    %mul3A_206 = arith.constant 2048 : i32
    %mul3A_207 = arith.muli %arg0, %mul3A_206 : i32
    %add3A_208 = vector.broadcast %mul3A_207 : i32 to vector<256x16xi32>
    %add3A_209 = arith.addi %concatenate3A, %add3A_208 : vector<256x16xi32>
    %swap3A = arith.constant 0 : index
    %swap3A_210 = arith.constant 0 : index
    %swap3A_211 = arith.constant 0 : index
    %swap3A_212 = vector.load %arg4[%swap3A, %swap3A_210, %swap3A_211] : memref<1x256x16xi32, #tpu.memory_space<vmem>>, vector<1x256x16xi32>
    %swap3A_213 = vector.shape_cast %swap3A_212 : vector<1x256x16xi32> to vector<256x16xi32>
    %swap3A_214 = vector.shape_cast %add3A_209 : vector<256x16xi32> to vector<1x256x16xi32>
    tpu.vector_store %arg4[%swap3A, %swap3A_210, %swap3A_211], %swap3A_214 {strides = array<i32>} : memref<1x256x16xi32, #tpu.memory_space<vmem>>, vector<1x256x16xi32>,
    return
  }
  func.func @transform_0(%arg0: i32, %arg1: i32) -> (i32, i32, i32) {
    %add3A = arith.constant 0 : i32
    %add3A_0 = arith.addi %add3A, %arg1 : i32
    %c0_i32 = arith.constant 0 : i32
    %c0_i32_1 = arith.constant 0 : i32
    return %arg0, %add3A_0, %c0_i32 : i32, i32, i32
  }
  func.func @transform_1(%arg0: i32, %arg1: i32) -> (i32, i32, i32) {
    %c0_i32 = arith.constant 0 : i32
    %c0_i32_0 = arith.constant 0 : i32
    %c0_i32_1 = arith.constant 0 : i32
    return %arg0, %c0_i32, %c0_i32_0 : i32, i32, i32
  }
  func.func @transform_2(%arg0: i32, %arg1: i32) -> (i32, i32, i32) {
    %c0_i32 = arith.constant 0 : i32
    %c0_i32_0 = arith.constant 0 : i32
    return %arg0, %arg1, %c0_i32 : i32, i32, i32
  }
}

module attributes {stable_mosaic.version = 14 : i64} {
  func.func @_attn_body(%arg0: i32, %arg1: i32, %arg2: memref<1x128x512xf32, #tpu.memory_space<vmem>>, %arg3: memref<1x32x512xf32, #tpu.memory_space<vmem>>, %arg4: memref<8192x128xf32, #tpu.memory_space<vmem>>, %arg5: memref<1x512x16xf32, #tpu.memory_space<vmem>>, %arg6: memref<16x64xf32, #tpu.memory_space<vmem>>, %arg7: memref<1x64xf32, #tpu.memory_space<vmem>>, %arg8: memref<64x32xf32, #tpu.memory_space<vmem>>, %arg9: memref<1x32xf32, #tpu.memory_space<vmem>>, %arg10: memref<32x128xf32, #tpu.memory_space<vmem>>, %arg11: memref<1x128xf32, #tpu.memory_space<vmem>>, %arg12: memref<128x32xf32, #tpu.memory_space<vmem>>, %arg13: memref<1x32xf32, #tpu.memory_space<vmem>>, %arg14: memref<128x32xf32, #tpu.memory_space<vmem>>, %arg15: memref<128x1xf32, #tpu.memory_space<vmem>>, %arg16: memref<1x128x512xf32, #tpu.memory_space<vmem>>) attributes {dimension_semantics = [#tpu.dimension_semantics<arbitrary>, #tpu.dimension_semantics<arbitrary>], iteration_bounds = array<i64: 8, 2>, scalar_prefetch = 0 : i64, scratch_operands = 0 : i64, tpu.core_type = #tpu.core_type<tc>, window_params = [{transform_indices = @transform_0, window_bounds = array<i64: 1, 128, 512>}, {transform_indices = @transform_1, window_bounds = array<i64: 1, 32, 512>}, {transform_indices = @transform_2, window_bounds = array<i64: 8192, 128>}, {transform_indices = @transform_3, window_bounds = array<i64: 1, 512, 16>}, {pipeline_mode = #tpu.pipeline_mode<synchronous>, transform_indices = @transform_4, window_bounds = array<i64: 16, 64>}, {pipeline_mode = #tpu.pipeline_mode<synchronous>, transform_indices = @transform_5, window_bounds = array<i64: 1, 64>}, {pipeline_mode = #tpu.pipeline_mode<synchronous>, transform_indices = @transform_6, window_bounds = array<i64: 64, 32>}, {pipeline_mode = #tpu.pipeline_mode<synchronous>, transform_indices = @transform_7, window_bounds = array<i64: 1, 32>}, {pipeline_mode = #tpu.pipeline_mode<synchronous>, transform_indices = @transform_8, window_bounds = array<i64: 32, 128>}, {pipeline_mode = #tpu.pipeline_mode<synchronous>, transform_indices = @transform_9, window_bounds = array<i64: 1, 128>}, {pipeline_mode = #tpu.pipeline_mode<synchronous>, transform_indices = @transform_10, window_bounds = array<i64: 128, 32>}, {pipeline_mode = #tpu.pipeline_mode<synchronous>, transform_indices = @transform_11, window_bounds = array<i64: 1, 32>}, {pipeline_mode = #tpu.pipeline_mode<synchronous>, transform_indices = @transform_12, window_bounds = array<i64: 128, 32>}, {pipeline_mode = #tpu.pipeline_mode<synchronous>, transform_indices = @transform_13, window_bounds = array<i64: 128, 1>}, {transform_indices = @transform_14, window_bounds = array<i64: 1, 128, 512>}]} {
    %get3A = arith.constant 0 : index
    %get3A_0 = arith.constant 0 : index
    %get3A_1 = vector.load %arg4[%get3A, %get3A_0] : memref<8192x128xf32, #tpu.memory_space<vmem>>, vector<8192x128xf32>
    %slice3A = vector.extract_strided_slice %get3A_1 {offsets = [0, 0], sizes = [8192, 32], strides = [1, 1]} : vector<8192x128xf32> to vector<8192x32xf32>
    %slice3A_2 = vector.extract_strided_slice %get3A_1 {offsets = [0, 32], sizes = [8192, 32], strides = [1, 1]} : vector<8192x128xf32> to vector<8192x32xf32>
    %slice3A_3 = vector.extract_strided_slice %get3A_1 {offsets = [0, 64], sizes = [8192, 16], strides = [1, 1]} : vector<8192x128xf32> to vector<8192x16xf32>
    %get3A_4 = arith.constant 0 : index
    %get3A_5 = arith.constant 0 : index
    %get3A_6 = arith.constant 0 : index
    %get3A_7 = vector.load %arg5[%get3A_4, %get3A_5, %get3A_6] : memref<1x512x16xf32, #tpu.memory_space<vmem>>, vector<1x512x16xf32>
    %get3A_8 = vector.shape_cast %get3A_7 : vector<1x512x16xf32> to vector<512x16xf32>
    %broadcast_in_dim3A = vector.shape_cast %get3A_8 : vector<512x16xf32> to vector<512x1x16xf32>
    %broadcast_in_dim3A_9 = vector.shape_cast %broadcast_in_dim3A : vector<512x1x16xf32> to vector<512x1x16xf32>
    %broadcast_in_dim3A_10 = vector.broadcast %broadcast_in_dim3A_9 : vector<512x1x16xf32> to vector<512x16x16xf32>
    %reshape3A = vector.shape_cast %broadcast_in_dim3A_10 : vector<512x16x16xf32> to vector<8192x16xf32>
    %get3A_11 = arith.constant 0 : index
    %get3A_12 = arith.constant 0 : index
    %get3A_13 = arith.constant 0 : index
    %get3A_14 = vector.load %arg3[%get3A_11, %get3A_12, %get3A_13] : memref<1x32x512xf32, #tpu.memory_space<vmem>>, vector<1x32x512xf32>
    %get3A_15 = vector.shape_cast %get3A_14 : vector<1x32x512xf32> to vector<32x512xf32>
    %transpose3A = tpu.transpose %get3A_15, [1, 0] : vector<32x512xf32> -> vector<512x32xf32>
    %broadcast_in_dim3A_16 = vector.shape_cast %transpose3A : vector<512x32xf32> to vector<512x1x32xf32>
    %broadcast_in_dim3A_17 = vector.shape_cast %broadcast_in_dim3A_16 : vector<512x1x32xf32> to vector<512x1x32xf32>
    %broadcast_in_dim3A_18 = vector.broadcast %broadcast_in_dim3A_17 : vector<512x1x32xf32> to vector<512x16x32xf32>
    %reshape3A_19 = vector.shape_cast %broadcast_in_dim3A_18 : vector<512x16x32xf32> to vector<8192x32xf32>
    %sub3A = arith.subf %reshape3A, %slice3A_3 : vector<8192x16xf32>
    %get3A_20 = arith.constant 0 : index
    %get3A_21 = arith.constant 0 : index
    %get3A_22 = vector.load %arg6[%get3A_20, %get3A_21] : memref<16x64xf32, #tpu.memory_space<vmem>>, vector<16x64xf32>
    %dot_general3A = arith.constant dense<0.000000e+00> : vector<8192x64xf32>
    %dot_general3A_23 = tpu.matmul %sub3A, %get3A_22, %dot_general3A {dimension_numbers = #tpu.dot_dimension_numbers<[1], [0], [0], [1], [0, 0, 1, 1], [], []>, transpose_lhs_hint = false} : vector<8192x16xf32>, vector<16x64xf32>, vector<8192x64xf32> -> vector<8192x64xf32>
    %get3A_24 = arith.constant 0 : index
    %get3A_25 = arith.constant 0 : index
    %get3A_26 = vector.load %arg7[%get3A_24, %get3A_25] : memref<1x64xf32, #tpu.memory_space<vmem>>, vector<1x64xf32>
    %add3A = vector.broadcast %get3A_26 : vector<1x64xf32> to vector<8192x64xf32>
    %add3A_27 = arith.addf %dot_general3A_23, %add3A : vector<8192x64xf32>
    %max3A = arith.constant 0.000000e+00 : f32
    %max3A_28 = vector.broadcast %max3A : f32 to vector<8192x64xf32>
    %max3A_29 = arith.maximumf %add3A_27, %max3A_28 : vector<8192x64xf32>
    %get3A_30 = arith.constant 0 : index
    %get3A_31 = arith.constant 0 : index
    %get3A_32 = vector.load %arg8[%get3A_30, %get3A_31] : memref<64x32xf32, #tpu.memory_space<vmem>>, vector<64x32xf32>
    %dot_general3A_33 = arith.constant dense<0.000000e+00> : vector<8192x32xf32>
    %dot_general3A_34 = tpu.matmul %max3A_29, %get3A_32, %dot_general3A_33 {dimension_numbers = #tpu.dot_dimension_numbers<[1], [0], [0], [1], [0, 0, 1, 1], [], []>, transpose_lhs_hint = false} : vector<8192x64xf32>, vector<64x32xf32>, vector<8192x32xf32> -> vector<8192x32xf32>
    %get3A_35 = arith.constant 0 : index
    %get3A_36 = arith.constant 0 : index
    %get3A_37 = vector.load %arg9[%get3A_35, %get3A_36] : memref<1x32xf32, #tpu.memory_space<vmem>>, vector<1x32xf32>
    %add3A_38 = vector.broadcast %get3A_37 : vector<1x32xf32> to vector<8192x32xf32>
    %add3A_39 = arith.addf %dot_general3A_34, %add3A_38 : vector<8192x32xf32>
    %sub3A_40 = arith.subf %reshape3A_19, %slice3A : vector<8192x32xf32>
    %add3A_41 = arith.addf %sub3A_40, %add3A_39 : vector<8192x32xf32>
    %convert_element_type3A = arith.truncf %add3A_41 : vector<8192x32xf32> to vector<8192x32xbf16>
    %get3A_42 = arith.constant 0 : index
    %get3A_43 = arith.constant 0 : index
    %get3A_44 = vector.load %arg10[%get3A_42, %get3A_43] : memref<32x128xf32, #tpu.memory_space<vmem>>, vector<32x128xf32>
    %convert_element_type3A_45 = arith.truncf %get3A_44 : vector<32x128xf32> to vector<32x128xbf16>
    %dot_general3A_46 = arith.constant dense<0.000000e+00> : vector<8192x128xf32>
    %dot_general3A_47 = tpu.matmul %convert_element_type3A, %convert_element_type3A_45, %dot_general3A_46 {dimension_numbers = #tpu.dot_dimension_numbers<[1], [0], [0], [1], [0, 0, 1, 1], [], []>, transpose_lhs_hint = false} : vector<8192x32xbf16>, vector<32x128xbf16>, vector<8192x128xf32> -> vector<8192x128xf32>
    %get3A_48 = arith.constant 0 : index
    %get3A_49 = arith.constant 0 : index
    %get3A_50 = vector.load %arg11[%get3A_48, %get3A_49] : memref<1x128xf32, #tpu.memory_space<vmem>>, vector<1x128xf32>
    %add3A_51 = vector.broadcast %get3A_50 : vector<1x128xf32> to vector<8192x128xf32>
    %add3A_52 = arith.addf %dot_general3A_47, %add3A_51 : vector<8192x128xf32>
    %max3A_53 = arith.constant 0.000000e+00 : f32
    %max3A_54 = vector.broadcast %max3A_53 : f32 to vector<8192x128xf32>
    %max3A_55 = arith.maximumf %add3A_52, %max3A_54 : vector<8192x128xf32>
    %convert_element_type3A_56 = arith.truncf %max3A_55 : vector<8192x128xf32> to vector<8192x128xbf16>
    %get3A_57 = arith.constant 0 : index
    %get3A_58 = arith.constant 0 : index
    %get3A_59 = vector.load %arg12[%get3A_57, %get3A_58] : memref<128x32xf32, #tpu.memory_space<vmem>>, vector<128x32xf32>
    %convert_element_type3A_60 = arith.truncf %get3A_59 : vector<128x32xf32> to vector<128x32xbf16>
    %dot_general3A_61 = arith.constant dense<0.000000e+00> : vector<8192x32xf32>
    %dot_general3A_62 = tpu.matmul %convert_element_type3A_56, %convert_element_type3A_60, %dot_general3A_61 {dimension_numbers = #tpu.dot_dimension_numbers<[1], [0], [0], [1], [0, 0, 1, 1], [], []>, transpose_lhs_hint = false} : vector<8192x128xbf16>, vector<128x32xbf16>, vector<8192x32xf32> -> vector<8192x32xf32>
    %get3A_63 = arith.constant 0 : index
    %get3A_64 = arith.constant 0 : index
    %get3A_65 = vector.load %arg13[%get3A_63, %get3A_64] : memref<1x32xf32, #tpu.memory_space<vmem>>, vector<1x32xf32>
    %add3A_66 = vector.broadcast %get3A_65 : vector<1x32xf32> to vector<8192x32xf32>
    %add3A_67 = arith.addf %dot_general3A_62, %add3A_66 : vector<8192x32xf32>
    %exp3A = math.exp %add3A_67 : vector<8192x32xf32>
    %add3A_68 = arith.addf %slice3A_2, %add3A_39 : vector<8192x32xf32>
    %mul3A = arith.mulf %exp3A, %add3A_68 : vector<8192x32xf32>
    %reshape3A_69 = vector.shape_cast %mul3A : vector<8192x32xf32> to vector<512x16x32xf32>
    %reduce_sum3A = arith.constant dense<0.000000e+00> : vector<512x32xf32>
    %reduce_sum3A_70 = vector.multi_reduction <add>, %reshape3A_69, %reduce_sum3A [1] : vector<512x16x32xf32> to vector<512x32xf32>
    %reshape3A_71 = vector.shape_cast %exp3A : vector<8192x32xf32> to vector<512x16x32xf32>
    %reduce_sum3A_72 = arith.constant dense<0.000000e+00> : vector<512x32xf32>
    %reduce_sum3A_73 = vector.multi_reduction <add>, %reshape3A_71, %reduce_sum3A_72 [1] : vector<512x16x32xf32> to vector<512x32xf32>
    %div3A = arith.divf %reduce_sum3A_70, %reduce_sum3A_73 : vector<512x32xf32>
    %transpose3A_74 = tpu.transpose %div3A, [1, 0] : vector<512x32xf32> -> vector<32x512xf32>
    %get3A_75 = arith.constant 0 : index
    %get3A_76 = arith.constant 0 : index
    %get3A_77 = arith.constant 0 : index
    %get3A_78 = vector.load %arg2[%get3A_75, %get3A_76, %get3A_77] : memref<1x128x512xf32, #tpu.memory_space<vmem>>, vector<1x128x512xf32>
    %get3A_79 = vector.shape_cast %get3A_78 : vector<1x128x512xf32> to vector<128x512xf32>
    %get3A_80 = arith.constant 0 : index
    %get3A_81 = arith.constant 0 : index
    %get3A_82 = vector.load %arg14[%get3A_80, %get3A_81] : memref<128x32xf32, #tpu.memory_space<vmem>>, vector<128x32xf32>
    %dot_general3A_83 = arith.constant dense<0.000000e+00> : vector<128x512xf32>
    %dot_general3A_84 = tpu.matmul %get3A_82, %transpose3A_74, %dot_general3A_83 {dimension_numbers = #tpu.dot_dimension_numbers<[1], [0], [0], [1], [0, 0, 1, 1], [], []>, transpose_lhs_hint = false} : vector<128x32xf32>, vector<32x512xf32>, vector<128x512xf32> -> vector<128x512xf32>
    %add3A_85 = arith.addf %get3A_79, %dot_general3A_84 : vector<128x512xf32>
    %get3A_86 = arith.constant 0 : index
    %get3A_87 = arith.constant 0 : index
    %get3A_88 = vector.load %arg15[%get3A_86, %get3A_87] : memref<128x1xf32, #tpu.memory_space<vmem>>, vector<128x1xf32>
    %add3A_89 = vector.broadcast %get3A_88 : vector<128x1xf32> to vector<128x512xf32>
    %add3A_90 = arith.addf %add3A_85, %add3A_89 : vector<128x512xf32>
    %swap3A = arith.constant 0 : index
    %swap3A_91 = arith.constant 0 : index
    %swap3A_92 = arith.constant 0 : index
    %swap3A_93 = vector.load %arg16[%swap3A, %swap3A_91, %swap3A_92] : memref<1x128x512xf32, #tpu.memory_space<vmem>>, vector<1x128x512xf32>
    %swap3A_94 = vector.shape_cast %swap3A_93 : vector<1x128x512xf32> to vector<128x512xf32>
    %swap3A_95 = vector.shape_cast %add3A_90 : vector<128x512xf32> to vector<1x128x512xf32>
    tpu.vector_store %arg16[%swap3A, %swap3A_91, %swap3A_92], %swap3A_95 {strides = array<i32>} : memref<1x128x512xf32, #tpu.memory_space<vmem>>, vector<1x128x512xf32>,
    return
  }
  func.func @transform_0(%arg0: i32, %arg1: i32) -> (i32, i32, i32) {
    %add3A = arith.constant 2 : i32
    %add3A_0 = arith.addi %add3A, %arg1 : i32
    %c0_i32 = arith.constant 0 : i32
    %c0_i32_1 = arith.constant 0 : i32
    return %arg0, %c0_i32, %add3A_0 : i32, i32, i32
  }
  func.func @transform_1(%arg0: i32, %arg1: i32) -> (i32, i32, i32) {
    %add3A = arith.constant 2 : i32
    %add3A_0 = arith.addi %add3A, %arg1 : i32
    %c0_i32 = arith.constant 0 : i32
    %c0_i32_1 = arith.constant 0 : i32
    return %arg0, %c0_i32, %add3A_0 : i32, i32, i32
  }
  func.func @transform_2(%arg0: i32, %arg1: i32) -> (i32, i32) {
    %mul3A = arith.constant 2 : i32
    %mul3A_0 = arith.muli %arg0, %mul3A : i32
    %add3A = arith.addi %mul3A_0, %arg1 : i32
    %c0_i32 = arith.constant 0 : i32
    %c0_i32_1 = arith.constant 0 : i32
    return %add3A, %c0_i32 : i32, i32
  }
  func.func @transform_3(%arg0: i32, %arg1: i32) -> (i32, i32, i32) {
    %add3A = arith.constant 2 : i32
    %add3A_0 = arith.addi %add3A, %arg1 : i32
    %c0_i32 = arith.constant 0 : i32
    %c0_i32_1 = arith.constant 0 : i32
    return %arg0, %add3A_0, %c0_i32 : i32, i32, i32
  }
  func.func @transform_4(%arg0: i32, %arg1: i32) -> (i32, i32) {
    %c0_i32 = arith.constant 0 : i32
    %c0_i32_0 = arith.constant 0 : i32
    %c0_i32_1 = arith.constant 0 : i32
    return %c0_i32, %c0_i32_0 : i32, i32
  }
  func.func @transform_5(%arg0: i32, %arg1: i32) -> (i32, i32) {
    %c0_i32 = arith.constant 0 : i32
    %c0_i32_0 = arith.constant 0 : i32
    %c0_i32_1 = arith.constant 0 : i32
    return %c0_i32, %c0_i32_0 : i32, i32
  }
  func.func @transform_6(%arg0: i32, %arg1: i32) -> (i32, i32) {
    %c0_i32 = arith.constant 0 : i32
    %c0_i32_0 = arith.constant 0 : i32
    %c0_i32_1 = arith.constant 0 : i32
    return %c0_i32, %c0_i32_0 : i32, i32
  }
  func.func @transform_7(%arg0: i32, %arg1: i32) -> (i32, i32) {
    %c0_i32 = arith.constant 0 : i32
    %c0_i32_0 = arith.constant 0 : i32
    %c0_i32_1 = arith.constant 0 : i32
    return %c0_i32, %c0_i32_0 : i32, i32
  }
  func.func @transform_8(%arg0: i32, %arg1: i32) -> (i32, i32) {
    %c0_i32 = arith.constant 0 : i32
    %c0_i32_0 = arith.constant 0 : i32
    %c0_i32_1 = arith.constant 0 : i32
    return %c0_i32, %c0_i32_0 : i32, i32
  }
  func.func @transform_9(%arg0: i32, %arg1: i32) -> (i32, i32) {
    %c0_i32 = arith.constant 0 : i32
    %c0_i32_0 = arith.constant 0 : i32
    %c0_i32_1 = arith.constant 0 : i32
    return %c0_i32, %c0_i32_0 : i32, i32
  }
  func.func @transform_10(%arg0: i32, %arg1: i32) -> (i32, i32) {
    %c0_i32 = arith.constant 0 : i32
    %c0_i32_0 = arith.constant 0 : i32
    %c0_i32_1 = arith.constant 0 : i32
    return %c0_i32, %c0_i32_0 : i32, i32
  }
  func.func @transform_11(%arg0: i32, %arg1: i32) -> (i32, i32) {
    %c0_i32 = arith.constant 0 : i32
    %c0_i32_0 = arith.constant 0 : i32
    %c0_i32_1 = arith.constant 0 : i32
    return %c0_i32, %c0_i32_0 : i32, i32
  }
  func.func @transform_12(%arg0: i32, %arg1: i32) -> (i32, i32) {
    %c0_i32 = arith.constant 0 : i32
    %c0_i32_0 = arith.constant 0 : i32
    %c0_i32_1 = arith.constant 0 : i32
    return %c0_i32, %c0_i32_0 : i32, i32
  }
  func.func @transform_13(%arg0: i32, %arg1: i32) -> (i32, i32) {
    %c0_i32 = arith.constant 0 : i32
    %c0_i32_0 = arith.constant 0 : i32
    %c0_i32_1 = arith.constant 0 : i32
    return %c0_i32, %c0_i32_0 : i32, i32
  }
  func.func @transform_14(%arg0: i32, %arg1: i32) -> (i32, i32, i32) {
    %c0_i32 = arith.constant 0 : i32
    %c0_i32_0 = arith.constant 0 : i32
    return %arg0, %c0_i32, %arg1 : i32, i32, i32
  }
}

module attributes {stable_mosaic.version = 14 : i64} {
  func.func @_attn_body(%arg0: i32, %arg1: i32, %arg2: memref<1x128x512xf32, #tpu.memory_space<vmem>>, %arg3: memref<1x32x512xf32, #tpu.memory_space<vmem>>, %arg4: memref<8192x128xf32, #tpu.memory_space<vmem>>, %arg5: memref<1x512x16xf32, #tpu.memory_space<vmem>>, %arg6: memref<16x64xf32, #tpu.memory_space<vmem>>, %arg7: memref<1x64xf32, #tpu.memory_space<vmem>>, %arg8: memref<64x32xf32, #tpu.memory_space<vmem>>, %arg9: memref<1x32xf32, #tpu.memory_space<vmem>>, %arg10: memref<32x128xf32, #tpu.memory_space<vmem>>, %arg11: memref<1x128xf32, #tpu.memory_space<vmem>>, %arg12: memref<128x32xf32, #tpu.memory_space<vmem>>, %arg13: memref<1x32xf32, #tpu.memory_space<vmem>>, %arg14: memref<128x32xf32, #tpu.memory_space<vmem>>, %arg15: memref<128x1xf32, #tpu.memory_space<vmem>>, %arg16: memref<1x128x512xf32, #tpu.memory_space<vmem>>) attributes {dimension_semantics = [#tpu.dimension_semantics<arbitrary>, #tpu.dimension_semantics<arbitrary>], iteration_bounds = array<i64: 8, 2>, scalar_prefetch = 0 : i64, scratch_operands = 0 : i64, tpu.core_type = #tpu.core_type<tc>, window_params = [{transform_indices = @transform_0, window_bounds = array<i64: 1, 128, 512>}, {transform_indices = @transform_1, window_bounds = array<i64: 1, 32, 512>}, {transform_indices = @transform_2, window_bounds = array<i64: 8192, 128>}, {transform_indices = @transform_3, window_bounds = array<i64: 1, 512, 16>}, {pipeline_mode = #tpu.pipeline_mode<synchronous>, transform_indices = @transform_4, window_bounds = array<i64: 16, 64>}, {pipeline_mode = #tpu.pipeline_mode<synchronous>, transform_indices = @transform_5, window_bounds = array<i64: 1, 64>}, {pipeline_mode = #tpu.pipeline_mode<synchronous>, transform_indices = @transform_6, window_bounds = array<i64: 64, 32>}, {pipeline_mode = #tpu.pipeline_mode<synchronous>, transform_indices = @transform_7, window_bounds = array<i64: 1, 32>}, {pipeline_mode = #tpu.pipeline_mode<synchronous>, transform_indices = @transform_8, window_bounds = array<i64: 32, 128>}, {pipeline_mode = #tpu.pipeline_mode<synchronous>, transform_indices = @transform_9, window_bounds = array<i64: 1, 128>}, {pipeline_mode = #tpu.pipeline_mode<synchronous>, transform_indices = @transform_10, window_bounds = array<i64: 128, 32>}, {pipeline_mode = #tpu.pipeline_mode<synchronous>, transform_indices = @transform_11, window_bounds = array<i64: 1, 32>}, {pipeline_mode = #tpu.pipeline_mode<synchronous>, transform_indices = @transform_12, window_bounds = array<i64: 128, 32>}, {pipeline_mode = #tpu.pipeline_mode<synchronous>, transform_indices = @transform_13, window_bounds = array<i64: 128, 1>}, {transform_indices = @transform_14, window_bounds = array<i64: 1, 128, 512>}]} {
    %get3A = arith.constant 0 : index
    %get3A_0 = arith.constant 0 : index
    %get3A_1 = vector.load %arg4[%get3A, %get3A_0] : memref<8192x128xf32, #tpu.memory_space<vmem>>, vector<8192x128xf32>
    %slice3A = vector.extract_strided_slice %get3A_1 {offsets = [0, 0], sizes = [8192, 32], strides = [1, 1]} : vector<8192x128xf32> to vector<8192x32xf32>
    %slice3A_2 = vector.extract_strided_slice %get3A_1 {offsets = [0, 32], sizes = [8192, 32], strides = [1, 1]} : vector<8192x128xf32> to vector<8192x32xf32>
    %slice3A_3 = vector.extract_strided_slice %get3A_1 {offsets = [0, 64], sizes = [8192, 16], strides = [1, 1]} : vector<8192x128xf32> to vector<8192x16xf32>
    %get3A_4 = arith.constant 0 : index
    %get3A_5 = arith.constant 0 : index
    %get3A_6 = arith.constant 0 : index
    %get3A_7 = vector.load %arg5[%get3A_4, %get3A_5, %get3A_6] : memref<1x512x16xf32, #tpu.memory_space<vmem>>, vector<1x512x16xf32>
    %get3A_8 = vector.shape_cast %get3A_7 : vector<1x512x16xf32> to vector<512x16xf32>
    %broadcast_in_dim3A = vector.shape_cast %get3A_8 : vector<512x16xf32> to vector<512x1x16xf32>
    %broadcast_in_dim3A_9 = vector.shape_cast %broadcast_in_dim3A : vector<512x1x16xf32> to vector<512x1x16xf32>
    %broadcast_in_dim3A_10 = vector.broadcast %broadcast_in_dim3A_9 : vector<512x1x16xf32> to vector<512x16x16xf32>
    %reshape3A = vector.shape_cast %broadcast_in_dim3A_10 : vector<512x16x16xf32> to vector<8192x16xf32>
    %get3A_11 = arith.constant 0 : index
    %get3A_12 = arith.constant 0 : index
    %get3A_13 = arith.constant 0 : index
    %get3A_14 = vector.load %arg3[%get3A_11, %get3A_12, %get3A_13] : memref<1x32x512xf32, #tpu.memory_space<vmem>>, vector<1x32x512xf32>
    %get3A_15 = vector.shape_cast %get3A_14 : vector<1x32x512xf32> to vector<32x512xf32>
    %transpose3A = tpu.transpose %get3A_15, [1, 0] : vector<32x512xf32> -> vector<512x32xf32>
    %broadcast_in_dim3A_16 = vector.shape_cast %transpose3A : vector<512x32xf32> to vector<512x1x32xf32>
    %broadcast_in_dim3A_17 = vector.shape_cast %broadcast_in_dim3A_16 : vector<512x1x32xf32> to vector<512x1x32xf32>
    %broadcast_in_dim3A_18 = vector.broadcast %broadcast_in_dim3A_17 : vector<512x1x32xf32> to vector<512x16x32xf32>
    %reshape3A_19 = vector.shape_cast %broadcast_in_dim3A_18 : vector<512x16x32xf32> to vector<8192x32xf32>
    %sub3A = arith.subf %reshape3A, %slice3A_3 : vector<8192x16xf32>
    %get3A_20 = arith.constant 0 : index
    %get3A_21 = arith.constant 0 : index
    %get3A_22 = vector.load %arg6[%get3A_20, %get3A_21] : memref<16x64xf32, #tpu.memory_space<vmem>>, vector<16x64xf32>
    %dot_general3A = arith.constant dense<0.000000e+00> : vector<8192x64xf32>
    %dot_general3A_23 = tpu.matmul %sub3A, %get3A_22, %dot_general3A {dimension_numbers = #tpu.dot_dimension_numbers<[1], [0], [0], [1], [0, 0, 1, 1], [], []>, transpose_lhs_hint = false} : vector<8192x16xf32>, vector<16x64xf32>, vector<8192x64xf32> -> vector<8192x64xf32>
    %get3A_24 = arith.constant 0 : index
    %get3A_25 = arith.constant 0 : index
    %get3A_26 = vector.load %arg7[%get3A_24, %get3A_25] : memref<1x64xf32, #tpu.memory_space<vmem>>, vector<1x64xf32>
    %add3A = vector.broadcast %get3A_26 : vector<1x64xf32> to vector<8192x64xf32>
    %add3A_27 = arith.addf %dot_general3A_23, %add3A : vector<8192x64xf32>
    %max3A = arith.constant 0.000000e+00 : f32
    %max3A_28 = vector.broadcast %max3A : f32 to vector<8192x64xf32>
    %max3A_29 = arith.maximumf %add3A_27, %max3A_28 : vector<8192x64xf32>
    %get3A_30 = arith.constant 0 : index
    %get3A_31 = arith.constant 0 : index
    %get3A_32 = vector.load %arg8[%get3A_30, %get3A_31] : memref<64x32xf32, #tpu.memory_space<vmem>>, vector<64x32xf32>
    %dot_general3A_33 = arith.constant dense<0.000000e+00> : vector<8192x32xf32>
    %dot_general3A_34 = tpu.matmul %max3A_29, %get3A_32, %dot_general3A_33 {dimension_numbers = #tpu.dot_dimension_numbers<[1], [0], [0], [1], [0, 0, 1, 1], [], []>, transpose_lhs_hint = false} : vector<8192x64xf32>, vector<64x32xf32>, vector<8192x32xf32> -> vector<8192x32xf32>
    %get3A_35 = arith.constant 0 : index
    %get3A_36 = arith.constant 0 : index
    %get3A_37 = vector.load %arg9[%get3A_35, %get3A_36] : memref<1x32xf32, #tpu.memory_space<vmem>>, vector<1x32xf32>
    %add3A_38 = vector.broadcast %get3A_37 : vector<1x32xf32> to vector<8192x32xf32>
    %add3A_39 = arith.addf %dot_general3A_34, %add3A_38 : vector<8192x32xf32>
    %sub3A_40 = arith.subf %reshape3A_19, %slice3A : vector<8192x32xf32>
    %add3A_41 = arith.addf %sub3A_40, %add3A_39 : vector<8192x32xf32>
    %convert_element_type3A = arith.truncf %add3A_41 : vector<8192x32xf32> to vector<8192x32xbf16>
    %get3A_42 = arith.constant 0 : index
    %get3A_43 = arith.constant 0 : index
    %get3A_44 = vector.load %arg10[%get3A_42, %get3A_43] : memref<32x128xf32, #tpu.memory_space<vmem>>, vector<32x128xf32>
    %convert_element_type3A_45 = arith.truncf %get3A_44 : vector<32x128xf32> to vector<32x128xbf16>
    %dot_general3A_46 = arith.constant dense<0.000000e+00> : vector<8192x128xf32>
    %dot_general3A_47 = tpu.matmul %convert_element_type3A, %convert_element_type3A_45, %dot_general3A_46 {dimension_numbers = #tpu.dot_dimension_numbers<[1], [0], [0], [1], [0, 0, 1, 1], [], []>, transpose_lhs_hint = false} : vector<8192x32xbf16>, vector<32x128xbf16>, vector<8192x128xf32> -> vector<8192x128xf32>
    %get3A_48 = arith.constant 0 : index
    %get3A_49 = arith.constant 0 : index
    %get3A_50 = vector.load %arg11[%get3A_48, %get3A_49] : memref<1x128xf32, #tpu.memory_space<vmem>>, vector<1x128xf32>
    %add3A_51 = vector.broadcast %get3A_50 : vector<1x128xf32> to vector<8192x128xf32>
    %add3A_52 = arith.addf %dot_general3A_47, %add3A_51 : vector<8192x128xf32>
    %max3A_53 = arith.constant 0.000000e+00 : f32
    %max3A_54 = vector.broadcast %max3A_53 : f32 to vector<8192x128xf32>
    %max3A_55 = arith.maximumf %add3A_52, %max3A_54 : vector<8192x128xf32>
    %convert_element_type3A_56 = arith.truncf %max3A_55 : vector<8192x128xf32> to vector<8192x128xbf16>
    %get3A_57 = arith.constant 0 : index
    %get3A_58 = arith.constant 0 : index
    %get3A_59 = vector.load %arg12[%get3A_57, %get3A_58] : memref<128x32xf32, #tpu.memory_space<vmem>>, vector<128x32xf32>
    %convert_element_type3A_60 = arith.truncf %get3A_59 : vector<128x32xf32> to vector<128x32xbf16>
    %dot_general3A_61 = arith.constant dense<0.000000e+00> : vector<8192x32xf32>
    %dot_general3A_62 = tpu.matmul %convert_element_type3A_56, %convert_element_type3A_60, %dot_general3A_61 {dimension_numbers = #tpu.dot_dimension_numbers<[1], [0], [0], [1], [0, 0, 1, 1], [], []>, transpose_lhs_hint = false} : vector<8192x128xbf16>, vector<128x32xbf16>, vector<8192x32xf32> -> vector<8192x32xf32>
    %get3A_63 = arith.constant 0 : index
    %get3A_64 = arith.constant 0 : index
    %get3A_65 = vector.load %arg13[%get3A_63, %get3A_64] : memref<1x32xf32, #tpu.memory_space<vmem>>, vector<1x32xf32>
    %add3A_66 = vector.broadcast %get3A_65 : vector<1x32xf32> to vector<8192x32xf32>
    %add3A_67 = arith.addf %dot_general3A_62, %add3A_66 : vector<8192x32xf32>
    %exp3A = math.exp %add3A_67 : vector<8192x32xf32>
    %add3A_68 = arith.addf %slice3A_2, %add3A_39 : vector<8192x32xf32>
    %mul3A = arith.mulf %exp3A, %add3A_68 : vector<8192x32xf32>
    %reshape3A_69 = vector.shape_cast %mul3A : vector<8192x32xf32> to vector<512x16x32xf32>
    %reduce_sum3A = arith.constant dense<0.000000e+00> : vector<512x32xf32>
    %reduce_sum3A_70 = vector.multi_reduction <add>, %reshape3A_69, %reduce_sum3A [1] : vector<512x16x32xf32> to vector<512x32xf32>
    %reshape3A_71 = vector.shape_cast %exp3A : vector<8192x32xf32> to vector<512x16x32xf32>
    %reduce_sum3A_72 = arith.constant dense<0.000000e+00> : vector<512x32xf32>
    %reduce_sum3A_73 = vector.multi_reduction <add>, %reshape3A_71, %reduce_sum3A_72 [1] : vector<512x16x32xf32> to vector<512x32xf32>
    %div3A = arith.divf %reduce_sum3A_70, %reduce_sum3A_73 : vector<512x32xf32>
    %transpose3A_74 = tpu.transpose %div3A, [1, 0] : vector<512x32xf32> -> vector<32x512xf32>
    %get3A_75 = arith.constant 0 : index
    %get3A_76 = arith.constant 0 : index
    %get3A_77 = arith.constant 0 : index
    %get3A_78 = vector.load %arg2[%get3A_75, %get3A_76, %get3A_77] : memref<1x128x512xf32, #tpu.memory_space<vmem>>, vector<1x128x512xf32>
    %get3A_79 = vector.shape_cast %get3A_78 : vector<1x128x512xf32> to vector<128x512xf32>
    %get3A_80 = arith.constant 0 : index
    %get3A_81 = arith.constant 0 : index
    %get3A_82 = vector.load %arg14[%get3A_80, %get3A_81] : memref<128x32xf32, #tpu.memory_space<vmem>>, vector<128x32xf32>
    %dot_general3A_83 = arith.constant dense<0.000000e+00> : vector<128x512xf32>
    %dot_general3A_84 = tpu.matmul %get3A_82, %transpose3A_74, %dot_general3A_83 {dimension_numbers = #tpu.dot_dimension_numbers<[1], [0], [0], [1], [0, 0, 1, 1], [], []>, transpose_lhs_hint = false} : vector<128x32xf32>, vector<32x512xf32>, vector<128x512xf32> -> vector<128x512xf32>
    %add3A_85 = arith.addf %get3A_79, %dot_general3A_84 : vector<128x512xf32>
    %get3A_86 = arith.constant 0 : index
    %get3A_87 = arith.constant 0 : index
    %get3A_88 = vector.load %arg15[%get3A_86, %get3A_87] : memref<128x1xf32, #tpu.memory_space<vmem>>, vector<128x1xf32>
    %add3A_89 = vector.broadcast %get3A_88 : vector<128x1xf32> to vector<128x512xf32>
    %add3A_90 = arith.addf %add3A_85, %add3A_89 : vector<128x512xf32>
    %swap3A = arith.constant 0 : index
    %swap3A_91 = arith.constant 0 : index
    %swap3A_92 = arith.constant 0 : index
    %swap3A_93 = vector.load %arg16[%swap3A, %swap3A_91, %swap3A_92] : memref<1x128x512xf32, #tpu.memory_space<vmem>>, vector<1x128x512xf32>
    %swap3A_94 = vector.shape_cast %swap3A_93 : vector<1x128x512xf32> to vector<128x512xf32>
    %swap3A_95 = vector.shape_cast %add3A_90 : vector<128x512xf32> to vector<1x128x512xf32>
    tpu.vector_store %arg16[%swap3A, %swap3A_91, %swap3A_92], %swap3A_95 {strides = array<i32>} : memref<1x128x512xf32, #tpu.memory_space<vmem>>, vector<1x128x512xf32>,
    return
  }
  func.func @transform_0(%arg0: i32, %arg1: i32) -> (i32, i32, i32) {
    %add3A = arith.constant 0 : i32
    %add3A_0 = arith.addi %add3A, %arg1 : i32
    %c0_i32 = arith.constant 0 : i32
    %c0_i32_1 = arith.constant 0 : i32
    return %arg0, %c0_i32, %add3A_0 : i32, i32, i32
  }
  func.func @transform_1(%arg0: i32, %arg1: i32) -> (i32, i32, i32) {
    %add3A = arith.constant 0 : i32
    %add3A_0 = arith.addi %add3A, %arg1 : i32
    %c0_i32 = arith.constant 0 : i32
    %c0_i32_1 = arith.constant 0 : i32
    return %arg0, %c0_i32, %add3A_0 : i32, i32, i32
  }
  func.func @transform_2(%arg0: i32, %arg1: i32) -> (i32, i32) {
    %mul3A = arith.constant 2 : i32
    %mul3A_0 = arith.muli %arg0, %mul3A : i32
    %add3A = arith.addi %mul3A_0, %arg1 : i32
    %c0_i32 = arith.constant 0 : i32
    %c0_i32_1 = arith.constant 0 : i32
    return %add3A, %c0_i32 : i32, i32
  }
  func.func @transform_3(%arg0: i32, %arg1: i32) -> (i32, i32, i32) {
    %add3A = arith.constant 0 : i32
    %add3A_0 = arith.addi %add3A, %arg1 : i32
    %c0_i32 = arith.constant 0 : i32
    %c0_i32_1 = arith.constant 0 : i32
    return %arg0, %add3A_0, %c0_i32 : i32, i32, i32
  }
  func.func @transform_4(%arg0: i32, %arg1: i32) -> (i32, i32) {
    %c0_i32 = arith.constant 0 : i32
    %c0_i32_0 = arith.constant 0 : i32
    %c0_i32_1 = arith.constant 0 : i32
    return %c0_i32, %c0_i32_0 : i32, i32
  }
  func.func @transform_5(%arg0: i32, %arg1: i32) -> (i32, i32) {
    %c0_i32 = arith.constant 0 : i32
    %c0_i32_0 = arith.constant 0 : i32
    %c0_i32_1 = arith.constant 0 : i32
    return %c0_i32, %c0_i32_0 : i32, i32
  }
  func.func @transform_6(%arg0: i32, %arg1: i32) -> (i32, i32) {
    %c0_i32 = arith.constant 0 : i32
    %c0_i32_0 = arith.constant 0 : i32
    %c0_i32_1 = arith.constant 0 : i32
    return %c0_i32, %c0_i32_0 : i32, i32
  }
  func.func @transform_7(%arg0: i32, %arg1: i32) -> (i32, i32) {
    %c0_i32 = arith.constant 0 : i32
    %c0_i32_0 = arith.constant 0 : i32
    %c0_i32_1 = arith.constant 0 : i32
    return %c0_i32, %c0_i32_0 : i32, i32
  }
  func.func @transform_8(%arg0: i32, %arg1: i32) -> (i32, i32) {
    %c0_i32 = arith.constant 0 : i32
    %c0_i32_0 = arith.constant 0 : i32
    %c0_i32_1 = arith.constant 0 : i32
    return %c0_i32, %c0_i32_0 : i32, i32
  }
  func.func @transform_9(%arg0: i32, %arg1: i32) -> (i32, i32) {
    %c0_i32 = arith.constant 0 : i32
    %c0_i32_0 = arith.constant 0 : i32
    %c0_i32_1 = arith.constant 0 : i32
    return %c0_i32, %c0_i32_0 : i32, i32
  }
  func.func @transform_10(%arg0: i32, %arg1: i32) -> (i32, i32) {
    %c0_i32 = arith.constant 0 : i32
    %c0_i32_0 = arith.constant 0 : i32
    %c0_i32_1 = arith.constant 0 : i32
    return %c0_i32, %c0_i32_0 : i32, i32
  }
  func.func @transform_11(%arg0: i32, %arg1: i32) -> (i32, i32) {
    %c0_i32 = arith.constant 0 : i32
    %c0_i32_0 = arith.constant 0 : i32
    %c0_i32_1 = arith.constant 0 : i32
    return %c0_i32, %c0_i32_0 : i32, i32
  }
  func.func @transform_12(%arg0: i32, %arg1: i32) -> (i32, i32) {
    %c0_i32 = arith.constant 0 : i32
    %c0_i32_0 = arith.constant 0 : i32
    %c0_i32_1 = arith.constant 0 : i32
    return %c0_i32, %c0_i32_0 : i32, i32
  }
  func.func @transform_13(%arg0: i32, %arg1: i32) -> (i32, i32) {
    %c0_i32 = arith.constant 0 : i32
    %c0_i32_0 = arith.constant 0 : i32
    %c0_i32_1 = arith.constant 0 : i32
    return %c0_i32, %c0_i32_0 : i32, i32
  }
  func.func @transform_14(%arg0: i32, %arg1: i32) -> (i32, i32, i32) {
    %c0_i32 = arith.constant 0 : i32
    %c0_i32_0 = arith.constant 0 : i32
    return %arg0, %c0_i32, %arg1 : i32, i32, i32
  }
}

module attributes {stable_mosaic.version = 14 : i64} {
  func.func @_attn_body(%arg0: i32, %arg1: i32, %arg2: memref<1x128x512xf32, #tpu.memory_space<vmem>>, %arg3: memref<1x32x512xf32, #tpu.memory_space<vmem>>, %arg4: memref<8192x128xf32, #tpu.memory_space<vmem>>, %arg5: memref<1x512x16xf32, #tpu.memory_space<vmem>>, %arg6: memref<16x64xf32, #tpu.memory_space<vmem>>, %arg7: memref<1x64xf32, #tpu.memory_space<vmem>>, %arg8: memref<64x32xf32, #tpu.memory_space<vmem>>, %arg9: memref<1x32xf32, #tpu.memory_space<vmem>>, %arg10: memref<32x128xf32, #tpu.memory_space<vmem>>, %arg11: memref<1x128xf32, #tpu.memory_space<vmem>>, %arg12: memref<128x32xf32, #tpu.memory_space<vmem>>, %arg13: memref<1x32xf32, #tpu.memory_space<vmem>>, %arg14: memref<128x32xf32, #tpu.memory_space<vmem>>, %arg15: memref<128x1xf32, #tpu.memory_space<vmem>>, %arg16: memref<1x128x512xf32, #tpu.memory_space<vmem>>) attributes {dimension_semantics = [#tpu.dimension_semantics<arbitrary>, #tpu.dimension_semantics<arbitrary>], iteration_bounds = array<i64: 8, 1>, scalar_prefetch = 0 : i64, scratch_operands = 0 : i64, tpu.core_type = #tpu.core_type<tc>, window_params = [{transform_indices = @transform_0, window_bounds = array<i64: 1, 128, 512>}, {transform_indices = @transform_1, window_bounds = array<i64: 1, 32, 512>}, {transform_indices = @transform_2, window_bounds = array<i64: 8192, 128>}, {transform_indices = @transform_3, window_bounds = array<i64: 1, 512, 16>}, {pipeline_mode = #tpu.pipeline_mode<synchronous>, transform_indices = @transform_4, window_bounds = array<i64: 16, 64>}, {pipeline_mode = #tpu.pipeline_mode<synchronous>, transform_indices = @transform_5, window_bounds = array<i64: 1, 64>}, {pipeline_mode = #tpu.pipeline_mode<synchronous>, transform_indices = @transform_6, window_bounds = array<i64: 64, 32>}, {pipeline_mode = #tpu.pipeline_mode<synchronous>, transform_indices = @transform_7, window_bounds = array<i64: 1, 32>}, {pipeline_mode = #tpu.pipeline_mode<synchronous>, transform_indices = @transform_8, window_bounds = array<i64: 32, 128>}, {pipeline_mode = #tpu.pipeline_mode<synchronous>, transform_indices = @transform_9, window_bounds = array<i64: 1, 128>}, {pipeline_mode = #tpu.pipeline_mode<synchronous>, transform_indices = @transform_10, window_bounds = array<i64: 128, 32>}, {pipeline_mode = #tpu.pipeline_mode<synchronous>, transform_indices = @transform_11, window_bounds = array<i64: 1, 32>}, {pipeline_mode = #tpu.pipeline_mode<synchronous>, transform_indices = @transform_12, window_bounds = array<i64: 128, 32>}, {pipeline_mode = #tpu.pipeline_mode<synchronous>, transform_indices = @transform_13, window_bounds = array<i64: 128, 1>}, {transform_indices = @transform_14, window_bounds = array<i64: 1, 128, 512>}]} {
    %get3A = arith.constant 0 : index
    %get3A_0 = arith.constant 0 : index
    %get3A_1 = vector.load %arg4[%get3A, %get3A_0] : memref<8192x128xf32, #tpu.memory_space<vmem>>, vector<8192x128xf32>
    %slice3A = vector.extract_strided_slice %get3A_1 {offsets = [0, 0], sizes = [8192, 32], strides = [1, 1]} : vector<8192x128xf32> to vector<8192x32xf32>
    %slice3A_2 = vector.extract_strided_slice %get3A_1 {offsets = [0, 32], sizes = [8192, 32], strides = [1, 1]} : vector<8192x128xf32> to vector<8192x32xf32>
    %slice3A_3 = vector.extract_strided_slice %get3A_1 {offsets = [0, 64], sizes = [8192, 16], strides = [1, 1]} : vector<8192x128xf32> to vector<8192x16xf32>
    %get3A_4 = arith.constant 0 : index
    %get3A_5 = arith.constant 0 : index
    %get3A_6 = arith.constant 0 : index
    %get3A_7 = vector.load %arg5[%get3A_4, %get3A_5, %get3A_6] : memref<1x512x16xf32, #tpu.memory_space<vmem>>, vector<1x512x16xf32>
    %get3A_8 = vector.shape_cast %get3A_7 : vector<1x512x16xf32> to vector<512x16xf32>
    %broadcast_in_dim3A = vector.shape_cast %get3A_8 : vector<512x16xf32> to vector<512x1x16xf32>
    %broadcast_in_dim3A_9 = vector.shape_cast %broadcast_in_dim3A : vector<512x1x16xf32> to vector<512x1x16xf32>
    %broadcast_in_dim3A_10 = vector.broadcast %broadcast_in_dim3A_9 : vector<512x1x16xf32> to vector<512x16x16xf32>
    %reshape3A = vector.shape_cast %broadcast_in_dim3A_10 : vector<512x16x16xf32> to vector<8192x16xf32>
    %get3A_11 = arith.constant 0 : index
    %get3A_12 = arith.constant 0 : index
    %get3A_13 = arith.constant 0 : index
    %get3A_14 = vector.load %arg3[%get3A_11, %get3A_12, %get3A_13] : memref<1x32x512xf32, #tpu.memory_space<vmem>>, vector<1x32x512xf32>
    %get3A_15 = vector.shape_cast %get3A_14 : vector<1x32x512xf32> to vector<32x512xf32>
    %transpose3A = tpu.transpose %get3A_15, [1, 0] : vector<32x512xf32> -> vector<512x32xf32>
    %broadcast_in_dim3A_16 = vector.shape_cast %transpose3A : vector<512x32xf32> to vector<512x1x32xf32>
    %broadcast_in_dim3A_17 = vector.shape_cast %broadcast_in_dim3A_16 : vector<512x1x32xf32> to vector<512x1x32xf32>
    %broadcast_in_dim3A_18 = vector.broadcast %broadcast_in_dim3A_17 : vector<512x1x32xf32> to vector<512x16x32xf32>
    %reshape3A_19 = vector.shape_cast %broadcast_in_dim3A_18 : vector<512x16x32xf32> to vector<8192x32xf32>
    %sub3A = arith.subf %reshape3A, %slice3A_3 : vector<8192x16xf32>
    %get3A_20 = arith.constant 0 : index
    %get3A_21 = arith.constant 0 : index
    %get3A_22 = vector.load %arg6[%get3A_20, %get3A_21] : memref<16x64xf32, #tpu.memory_space<vmem>>, vector<16x64xf32>
    %dot_general3A = arith.constant dense<0.000000e+00> : vector<8192x64xf32>
    %dot_general3A_23 = tpu.matmul %sub3A, %get3A_22, %dot_general3A {dimension_numbers = #tpu.dot_dimension_numbers<[1], [0], [0], [1], [0, 0, 1, 1], [], []>, transpose_lhs_hint = false} : vector<8192x16xf32>, vector<16x64xf32>, vector<8192x64xf32> -> vector<8192x64xf32>
    %get3A_24 = arith.constant 0 : index
    %get3A_25 = arith.constant 0 : index
    %get3A_26 = vector.load %arg7[%get3A_24, %get3A_25] : memref<1x64xf32, #tpu.memory_space<vmem>>, vector<1x64xf32>
    %add3A = vector.broadcast %get3A_26 : vector<1x64xf32> to vector<8192x64xf32>
    %add3A_27 = arith.addf %dot_general3A_23, %add3A : vector<8192x64xf32>
    %max3A = arith.constant 0.000000e+00 : f32
    %max3A_28 = vector.broadcast %max3A : f32 to vector<8192x64xf32>
    %max3A_29 = arith.maximumf %add3A_27, %max3A_28 : vector<8192x64xf32>
    %get3A_30 = arith.constant 0 : index
    %get3A_31 = arith.constant 0 : index
    %get3A_32 = vector.load %arg8[%get3A_30, %get3A_31] : memref<64x32xf32, #tpu.memory_space<vmem>>, vector<64x32xf32>
    %dot_general3A_33 = arith.constant dense<0.000000e+00> : vector<8192x32xf32>
    %dot_general3A_34 = tpu.matmul %max3A_29, %get3A_32, %dot_general3A_33 {dimension_numbers = #tpu.dot_dimension_numbers<[1], [0], [0], [1], [0, 0, 1, 1], [], []>, transpose_lhs_hint = false} : vector<8192x64xf32>, vector<64x32xf32>, vector<8192x32xf32> -> vector<8192x32xf32>
    %get3A_35 = arith.constant 0 : index
    %get3A_36 = arith.constant 0 : index
    %get3A_37 = vector.load %arg9[%get3A_35, %get3A_36] : memref<1x32xf32, #tpu.memory_space<vmem>>, vector<1x32xf32>
    %add3A_38 = vector.broadcast %get3A_37 : vector<1x32xf32> to vector<8192x32xf32>
    %add3A_39 = arith.addf %dot_general3A_34, %add3A_38 : vector<8192x32xf32>
    %sub3A_40 = arith.subf %reshape3A_19, %slice3A : vector<8192x32xf32>
    %add3A_41 = arith.addf %sub3A_40, %add3A_39 : vector<8192x32xf32>
    %convert_element_type3A = arith.truncf %add3A_41 : vector<8192x32xf32> to vector<8192x32xbf16>
    %get3A_42 = arith.constant 0 : index
    %get3A_43 = arith.constant 0 : index
    %get3A_44 = vector.load %arg10[%get3A_42, %get3A_43] : memref<32x128xf32, #tpu.memory_space<vmem>>, vector<32x128xf32>
    %convert_element_type3A_45 = arith.truncf %get3A_44 : vector<32x128xf32> to vector<32x128xbf16>
    %dot_general3A_46 = arith.constant dense<0.000000e+00> : vector<8192x128xf32>
    %dot_general3A_47 = tpu.matmul %convert_element_type3A, %convert_element_type3A_45, %dot_general3A_46 {dimension_numbers = #tpu.dot_dimension_numbers<[1], [0], [0], [1], [0, 0, 1, 1], [], []>, transpose_lhs_hint = false} : vector<8192x32xbf16>, vector<32x128xbf16>, vector<8192x128xf32> -> vector<8192x128xf32>
    %get3A_48 = arith.constant 0 : index
    %get3A_49 = arith.constant 0 : index
    %get3A_50 = vector.load %arg11[%get3A_48, %get3A_49] : memref<1x128xf32, #tpu.memory_space<vmem>>, vector<1x128xf32>
    %add3A_51 = vector.broadcast %get3A_50 : vector<1x128xf32> to vector<8192x128xf32>
    %add3A_52 = arith.addf %dot_general3A_47, %add3A_51 : vector<8192x128xf32>
    %max3A_53 = arith.constant 0.000000e+00 : f32
    %max3A_54 = vector.broadcast %max3A_53 : f32 to vector<8192x128xf32>
    %max3A_55 = arith.maximumf %add3A_52, %max3A_54 : vector<8192x128xf32>
    %convert_element_type3A_56 = arith.truncf %max3A_55 : vector<8192x128xf32> to vector<8192x128xbf16>
    %get3A_57 = arith.constant 0 : index
    %get3A_58 = arith.constant 0 : index
    %get3A_59 = vector.load %arg12[%get3A_57, %get3A_58] : memref<128x32xf32, #tpu.memory_space<vmem>>, vector<128x32xf32>
    %convert_element_type3A_60 = arith.truncf %get3A_59 : vector<128x32xf32> to vector<128x32xbf16>
    %dot_general3A_61 = arith.constant dense<0.000000e+00> : vector<8192x32xf32>
    %dot_general3A_62 = tpu.matmul %convert_element_type3A_56, %convert_element_type3A_60, %dot_general3A_61 {dimension_numbers = #tpu.dot_dimension_numbers<[1], [0], [0], [1], [0, 0, 1, 1], [], []>, transpose_lhs_hint = false} : vector<8192x128xbf16>, vector<128x32xbf16>, vector<8192x32xf32> -> vector<8192x32xf32>
    %get3A_63 = arith.constant 0 : index
    %get3A_64 = arith.constant 0 : index
    %get3A_65 = vector.load %arg13[%get3A_63, %get3A_64] : memref<1x32xf32, #tpu.memory_space<vmem>>, vector<1x32xf32>
    %add3A_66 = vector.broadcast %get3A_65 : vector<1x32xf32> to vector<8192x32xf32>
    %add3A_67 = arith.addf %dot_general3A_62, %add3A_66 : vector<8192x32xf32>
    %exp3A = math.exp %add3A_67 : vector<8192x32xf32>
    %add3A_68 = arith.addf %slice3A_2, %add3A_39 : vector<8192x32xf32>
    %mul3A = arith.mulf %exp3A, %add3A_68 : vector<8192x32xf32>
    %reshape3A_69 = vector.shape_cast %mul3A : vector<8192x32xf32> to vector<512x16x32xf32>
    %reduce_sum3A = arith.constant dense<0.000000e+00> : vector<512x32xf32>
    %reduce_sum3A_70 = vector.multi_reduction <add>, %reshape3A_69, %reduce_sum3A [1] : vector<512x16x32xf32> to vector<512x32xf32>
    %reshape3A_71 = vector.shape_cast %exp3A : vector<8192x32xf32> to vector<512x16x32xf32>
    %reduce_sum3A_72 = arith.constant dense<0.000000e+00> : vector<512x32xf32>
    %reduce_sum3A_73 = vector.multi_reduction <add>, %reshape3A_71, %reduce_sum3A_72 [1] : vector<512x16x32xf32> to vector<512x32xf32>
    %div3A = arith.divf %reduce_sum3A_70, %reduce_sum3A_73 : vector<512x32xf32>
    %transpose3A_74 = tpu.transpose %div3A, [1, 0] : vector<512x32xf32> -> vector<32x512xf32>
    %get3A_75 = arith.constant 0 : index
    %get3A_76 = arith.constant 0 : index
    %get3A_77 = arith.constant 0 : index
    %get3A_78 = vector.load %arg2[%get3A_75, %get3A_76, %get3A_77] : memref<1x128x512xf32, #tpu.memory_space<vmem>>, vector<1x128x512xf32>
    %get3A_79 = vector.shape_cast %get3A_78 : vector<1x128x512xf32> to vector<128x512xf32>
    %get3A_80 = arith.constant 0 : index
    %get3A_81 = arith.constant 0 : index
    %get3A_82 = vector.load %arg14[%get3A_80, %get3A_81] : memref<128x32xf32, #tpu.memory_space<vmem>>, vector<128x32xf32>
    %dot_general3A_83 = arith.constant dense<0.000000e+00> : vector<128x512xf32>
    %dot_general3A_84 = tpu.matmul %get3A_82, %transpose3A_74, %dot_general3A_83 {dimension_numbers = #tpu.dot_dimension_numbers<[1], [0], [0], [1], [0, 0, 1, 1], [], []>, transpose_lhs_hint = false} : vector<128x32xf32>, vector<32x512xf32>, vector<128x512xf32> -> vector<128x512xf32>
    %add3A_85 = arith.addf %get3A_79, %dot_general3A_84 : vector<128x512xf32>
    %get3A_86 = arith.constant 0 : index
    %get3A_87 = arith.constant 0 : index
    %get3A_88 = vector.load %arg15[%get3A_86, %get3A_87] : memref<128x1xf32, #tpu.memory_space<vmem>>, vector<128x1xf32>
    %add3A_89 = vector.broadcast %get3A_88 : vector<128x1xf32> to vector<128x512xf32>
    %add3A_90 = arith.addf %add3A_85, %add3A_89 : vector<128x512xf32>
    %swap3A = arith.constant 0 : index
    %swap3A_91 = arith.constant 0 : index
    %swap3A_92 = arith.constant 0 : index
    %swap3A_93 = vector.load %arg16[%swap3A, %swap3A_91, %swap3A_92] : memref<1x128x512xf32, #tpu.memory_space<vmem>>, vector<1x128x512xf32>
    %swap3A_94 = vector.shape_cast %swap3A_93 : vector<1x128x512xf32> to vector<128x512xf32>
    %swap3A_95 = vector.shape_cast %add3A_90 : vector<128x512xf32> to vector<1x128x512xf32>
    tpu.vector_store %arg16[%swap3A, %swap3A_91, %swap3A_92], %swap3A_95 {strides = array<i32>} : memref<1x128x512xf32, #tpu.memory_space<vmem>>, vector<1x128x512xf32>,
    return
  }
  func.func @transform_0(%arg0: i32, %arg1: i32) -> (i32, i32, i32) {
    %add3A = arith.constant 3 : i32
    %add3A_0 = arith.addi %add3A, %arg1 : i32
    %c0_i32 = arith.constant 0 : i32
    %c0_i32_1 = arith.constant 0 : i32
    return %arg0, %c0_i32, %add3A_0 : i32, i32, i32
  }
  func.func @transform_1(%arg0: i32, %arg1: i32) -> (i32, i32, i32) {
    %add3A = arith.constant 3 : i32
    %add3A_0 = arith.addi %add3A, %arg1 : i32
    %c0_i32 = arith.constant 0 : i32
    %c0_i32_1 = arith.constant 0 : i32
    return %arg0, %c0_i32, %add3A_0 : i32, i32, i32
  }
  func.func @transform_2(%arg0: i32, %arg1: i32) -> (i32, i32) {
    %mul3A = arith.constant 1 : i32
    %mul3A_0 = arith.muli %arg0, %mul3A : i32
    %add3A = arith.addi %mul3A_0, %arg1 : i32
    %c0_i32 = arith.constant 0 : i32
    %c0_i32_1 = arith.constant 0 : i32
    return %add3A, %c0_i32 : i32, i32
  }
  func.func @transform_3(%arg0: i32, %arg1: i32) -> (i32, i32, i32) {
    %add3A = arith.constant 3 : i32
    %add3A_0 = arith.addi %add3A, %arg1 : i32
    %c0_i32 = arith.constant 0 : i32
    %c0_i32_1 = arith.constant 0 : i32
    return %arg0, %add3A_0, %c0_i32 : i32, i32, i32
  }
  func.func @transform_4(%arg0: i32, %arg1: i32) -> (i32, i32) {
    %c0_i32 = arith.constant 0 : i32
    %c0_i32_0 = arith.constant 0 : i32
    %c0_i32_1 = arith.constant 0 : i32
    return %c0_i32, %c0_i32_0 : i32, i32
  }
  func.func @transform_5(%arg0: i32, %arg1: i32) -> (i32, i32) {
    %c0_i32 = arith.constant 0 : i32
    %c0_i32_0 = arith.constant 0 : i32
    %c0_i32_1 = arith.constant 0 : i32
    return %c0_i32, %c0_i32_0 : i32, i32
  }
  func.func @transform_6(%arg0: i32, %arg1: i32) -> (i32, i32) {
    %c0_i32 = arith.constant 0 : i32
    %c0_i32_0 = arith.constant 0 : i32
    %c0_i32_1 = arith.constant 0 : i32
    return %c0_i32, %c0_i32_0 : i32, i32
  }
  func.func @transform_7(%arg0: i32, %arg1: i32) -> (i32, i32) {
    %c0_i32 = arith.constant 0 : i32
    %c0_i32_0 = arith.constant 0 : i32
    %c0_i32_1 = arith.constant 0 : i32
    return %c0_i32, %c0_i32_0 : i32, i32
  }
  func.func @transform_8(%arg0: i32, %arg1: i32) -> (i32, i32) {
    %c0_i32 = arith.constant 0 : i32
    %c0_i32_0 = arith.constant 0 : i32
    %c0_i32_1 = arith.constant 0 : i32
    return %c0_i32, %c0_i32_0 : i32, i32
  }
  func.func @transform_9(%arg0: i32, %arg1: i32) -> (i32, i32) {
    %c0_i32 = arith.constant 0 : i32
    %c0_i32_0 = arith.constant 0 : i32
    %c0_i32_1 = arith.constant 0 : i32
    return %c0_i32, %c0_i32_0 : i32, i32
  }
  func.func @transform_10(%arg0: i32, %arg1: i32) -> (i32, i32) {
    %c0_i32 = arith.constant 0 : i32
    %c0_i32_0 = arith.constant 0 : i32
    %c0_i32_1 = arith.constant 0 : i32
    return %c0_i32, %c0_i32_0 : i32, i32
  }
  func.func @transform_11(%arg0: i32, %arg1: i32) -> (i32, i32) {
    %c0_i32 = arith.constant 0 : i32
    %c0_i32_0 = arith.constant 0 : i32
    %c0_i32_1 = arith.constant 0 : i32
    return %c0_i32, %c0_i32_0 : i32, i32
  }
  func.func @transform_12(%arg0: i32, %arg1: i32) -> (i32, i32) {
    %c0_i32 = arith.constant 0 : i32
    %c0_i32_0 = arith.constant 0 : i32
    %c0_i32_1 = arith.constant 0 : i32
    return %c0_i32, %c0_i32_0 : i32, i32
  }
  func.func @transform_13(%arg0: i32, %arg1: i32) -> (i32, i32) {
    %c0_i32 = arith.constant 0 : i32
    %c0_i32_0 = arith.constant 0 : i32
    %c0_i32_1 = arith.constant 0 : i32
    return %c0_i32, %c0_i32_0 : i32, i32
  }
  func.func @transform_14(%arg0: i32, %arg1: i32) -> (i32, i32, i32) {
    %c0_i32 = arith.constant 0 : i32
    %c0_i32_0 = arith.constant 0 : i32
    return %arg0, %c0_i32, %arg1 : i32, i32, i32
  }
}

module attributes {stable_mosaic.version = 14 : i64} {
  func.func @_attn_body(%arg0: i32, %arg1: i32, %arg2: memref<1x128x512xf32, #tpu.memory_space<vmem>>, %arg3: memref<1x32x512xf32, #tpu.memory_space<vmem>>, %arg4: memref<8192x128xf32, #tpu.memory_space<vmem>>, %arg5: memref<1x512x16xf32, #tpu.memory_space<vmem>>, %arg6: memref<16x64xf32, #tpu.memory_space<vmem>>, %arg7: memref<1x64xf32, #tpu.memory_space<vmem>>, %arg8: memref<64x32xf32, #tpu.memory_space<vmem>>, %arg9: memref<1x32xf32, #tpu.memory_space<vmem>>, %arg10: memref<32x128xf32, #tpu.memory_space<vmem>>, %arg11: memref<1x128xf32, #tpu.memory_space<vmem>>, %arg12: memref<128x32xf32, #tpu.memory_space<vmem>>, %arg13: memref<1x32xf32, #tpu.memory_space<vmem>>, %arg14: memref<128x32xf32, #tpu.memory_space<vmem>>, %arg15: memref<128x1xf32, #tpu.memory_space<vmem>>, %arg16: memref<1x128x512xf32, #tpu.memory_space<vmem>>) attributes {dimension_semantics = [#tpu.dimension_semantics<arbitrary>, #tpu.dimension_semantics<arbitrary>], iteration_bounds = array<i64: 8, 1>, scalar_prefetch = 0 : i64, scratch_operands = 0 : i64, tpu.core_type = #tpu.core_type<tc>, window_params = [{transform_indices = @transform_0, window_bounds = array<i64: 1, 128, 512>}, {transform_indices = @transform_1, window_bounds = array<i64: 1, 32, 512>}, {transform_indices = @transform_2, window_bounds = array<i64: 8192, 128>}, {transform_indices = @transform_3, window_bounds = array<i64: 1, 512, 16>}, {pipeline_mode = #tpu.pipeline_mode<synchronous>, transform_indices = @transform_4, window_bounds = array<i64: 16, 64>}, {pipeline_mode = #tpu.pipeline_mode<synchronous>, transform_indices = @transform_5, window_bounds = array<i64: 1, 64>}, {pipeline_mode = #tpu.pipeline_mode<synchronous>, transform_indices = @transform_6, window_bounds = array<i64: 64, 32>}, {pipeline_mode = #tpu.pipeline_mode<synchronous>, transform_indices = @transform_7, window_bounds = array<i64: 1, 32>}, {pipeline_mode = #tpu.pipeline_mode<synchronous>, transform_indices = @transform_8, window_bounds = array<i64: 32, 128>}, {pipeline_mode = #tpu.pipeline_mode<synchronous>, transform_indices = @transform_9, window_bounds = array<i64: 1, 128>}, {pipeline_mode = #tpu.pipeline_mode<synchronous>, transform_indices = @transform_10, window_bounds = array<i64: 128, 32>}, {pipeline_mode = #tpu.pipeline_mode<synchronous>, transform_indices = @transform_11, window_bounds = array<i64: 1, 32>}, {pipeline_mode = #tpu.pipeline_mode<synchronous>, transform_indices = @transform_12, window_bounds = array<i64: 128, 32>}, {pipeline_mode = #tpu.pipeline_mode<synchronous>, transform_indices = @transform_13, window_bounds = array<i64: 128, 1>}, {transform_indices = @transform_14, window_bounds = array<i64: 1, 128, 512>}]} {
    %get3A = arith.constant 0 : index
    %get3A_0 = arith.constant 0 : index
    %get3A_1 = vector.load %arg4[%get3A, %get3A_0] : memref<8192x128xf32, #tpu.memory_space<vmem>>, vector<8192x128xf32>
    %slice3A = vector.extract_strided_slice %get3A_1 {offsets = [0, 0], sizes = [8192, 32], strides = [1, 1]} : vector<8192x128xf32> to vector<8192x32xf32>
    %slice3A_2 = vector.extract_strided_slice %get3A_1 {offsets = [0, 32], sizes = [8192, 32], strides = [1, 1]} : vector<8192x128xf32> to vector<8192x32xf32>
    %slice3A_3 = vector.extract_strided_slice %get3A_1 {offsets = [0, 64], sizes = [8192, 16], strides = [1, 1]} : vector<8192x128xf32> to vector<8192x16xf32>
    %get3A_4 = arith.constant 0 : index
    %get3A_5 = arith.constant 0 : index
    %get3A_6 = arith.constant 0 : index
    %get3A_7 = vector.load %arg5[%get3A_4, %get3A_5, %get3A_6] : memref<1x512x16xf32, #tpu.memory_space<vmem>>, vector<1x512x16xf32>
    %get3A_8 = vector.shape_cast %get3A_7 : vector<1x512x16xf32> to vector<512x16xf32>
    %broadcast_in_dim3A = vector.shape_cast %get3A_8 : vector<512x16xf32> to vector<512x1x16xf32>
    %broadcast_in_dim3A_9 = vector.shape_cast %broadcast_in_dim3A : vector<512x1x16xf32> to vector<512x1x16xf32>
    %broadcast_in_dim3A_10 = vector.broadcast %broadcast_in_dim3A_9 : vector<512x1x16xf32> to vector<512x16x16xf32>
    %reshape3A = vector.shape_cast %broadcast_in_dim3A_10 : vector<512x16x16xf32> to vector<8192x16xf32>
    %get3A_11 = arith.constant 0 : index
    %get3A_12 = arith.constant 0 : index
    %get3A_13 = arith.constant 0 : index
    %get3A_14 = vector.load %arg3[%get3A_11, %get3A_12, %get3A_13] : memref<1x32x512xf32, #tpu.memory_space<vmem>>, vector<1x32x512xf32>
    %get3A_15 = vector.shape_cast %get3A_14 : vector<1x32x512xf32> to vector<32x512xf32>
    %transpose3A = tpu.transpose %get3A_15, [1, 0] : vector<32x512xf32> -> vector<512x32xf32>
    %broadcast_in_dim3A_16 = vector.shape_cast %transpose3A : vector<512x32xf32> to vector<512x1x32xf32>
    %broadcast_in_dim3A_17 = vector.shape_cast %broadcast_in_dim3A_16 : vector<512x1x32xf32> to vector<512x1x32xf32>
    %broadcast_in_dim3A_18 = vector.broadcast %broadcast_in_dim3A_17 : vector<512x1x32xf32> to vector<512x16x32xf32>
    %reshape3A_19 = vector.shape_cast %broadcast_in_dim3A_18 : vector<512x16x32xf32> to vector<8192x32xf32>
    %sub3A = arith.subf %reshape3A, %slice3A_3 : vector<8192x16xf32>
    %get3A_20 = arith.constant 0 : index
    %get3A_21 = arith.constant 0 : index
    %get3A_22 = vector.load %arg6[%get3A_20, %get3A_21] : memref<16x64xf32, #tpu.memory_space<vmem>>, vector<16x64xf32>
    %dot_general3A = arith.constant dense<0.000000e+00> : vector<8192x64xf32>
    %dot_general3A_23 = tpu.matmul %sub3A, %get3A_22, %dot_general3A {dimension_numbers = #tpu.dot_dimension_numbers<[1], [0], [0], [1], [0, 0, 1, 1], [], []>, transpose_lhs_hint = false} : vector<8192x16xf32>, vector<16x64xf32>, vector<8192x64xf32> -> vector<8192x64xf32>
    %get3A_24 = arith.constant 0 : index
    %get3A_25 = arith.constant 0 : index
    %get3A_26 = vector.load %arg7[%get3A_24, %get3A_25] : memref<1x64xf32, #tpu.memory_space<vmem>>, vector<1x64xf32>
    %add3A = vector.broadcast %get3A_26 : vector<1x64xf32> to vector<8192x64xf32>
    %add3A_27 = arith.addf %dot_general3A_23, %add3A : vector<8192x64xf32>
    %max3A = arith.constant 0.000000e+00 : f32
    %max3A_28 = vector.broadcast %max3A : f32 to vector<8192x64xf32>
    %max3A_29 = arith.maximumf %add3A_27, %max3A_28 : vector<8192x64xf32>
    %get3A_30 = arith.constant 0 : index
    %get3A_31 = arith.constant 0 : index
    %get3A_32 = vector.load %arg8[%get3A_30, %get3A_31] : memref<64x32xf32, #tpu.memory_space<vmem>>, vector<64x32xf32>
    %dot_general3A_33 = arith.constant dense<0.000000e+00> : vector<8192x32xf32>
    %dot_general3A_34 = tpu.matmul %max3A_29, %get3A_32, %dot_general3A_33 {dimension_numbers = #tpu.dot_dimension_numbers<[1], [0], [0], [1], [0, 0, 1, 1], [], []>, transpose_lhs_hint = false} : vector<8192x64xf32>, vector<64x32xf32>, vector<8192x32xf32> -> vector<8192x32xf32>
    %get3A_35 = arith.constant 0 : index
    %get3A_36 = arith.constant 0 : index
    %get3A_37 = vector.load %arg9[%get3A_35, %get3A_36] : memref<1x32xf32, #tpu.memory_space<vmem>>, vector<1x32xf32>
    %add3A_38 = vector.broadcast %get3A_37 : vector<1x32xf32> to vector<8192x32xf32>
    %add3A_39 = arith.addf %dot_general3A_34, %add3A_38 : vector<8192x32xf32>
    %sub3A_40 = arith.subf %reshape3A_19, %slice3A : vector<8192x32xf32>
    %add3A_41 = arith.addf %sub3A_40, %add3A_39 : vector<8192x32xf32>
    %convert_element_type3A = arith.truncf %add3A_41 : vector<8192x32xf32> to vector<8192x32xbf16>
    %get3A_42 = arith.constant 0 : index
    %get3A_43 = arith.constant 0 : index
    %get3A_44 = vector.load %arg10[%get3A_42, %get3A_43] : memref<32x128xf32, #tpu.memory_space<vmem>>, vector<32x128xf32>
    %convert_element_type3A_45 = arith.truncf %get3A_44 : vector<32x128xf32> to vector<32x128xbf16>
    %dot_general3A_46 = arith.constant dense<0.000000e+00> : vector<8192x128xf32>
    %dot_general3A_47 = tpu.matmul %convert_element_type3A, %convert_element_type3A_45, %dot_general3A_46 {dimension_numbers = #tpu.dot_dimension_numbers<[1], [0], [0], [1], [0, 0, 1, 1], [], []>, transpose_lhs_hint = false} : vector<8192x32xbf16>, vector<32x128xbf16>, vector<8192x128xf32> -> vector<8192x128xf32>
    %get3A_48 = arith.constant 0 : index
    %get3A_49 = arith.constant 0 : index
    %get3A_50 = vector.load %arg11[%get3A_48, %get3A_49] : memref<1x128xf32, #tpu.memory_space<vmem>>, vector<1x128xf32>
    %add3A_51 = vector.broadcast %get3A_50 : vector<1x128xf32> to vector<8192x128xf32>
    %add3A_52 = arith.addf %dot_general3A_47, %add3A_51 : vector<8192x128xf32>
    %max3A_53 = arith.constant 0.000000e+00 : f32
    %max3A_54 = vector.broadcast %max3A_53 : f32 to vector<8192x128xf32>
    %max3A_55 = arith.maximumf %add3A_52, %max3A_54 : vector<8192x128xf32>
    %convert_element_type3A_56 = arith.truncf %max3A_55 : vector<8192x128xf32> to vector<8192x128xbf16>
    %get3A_57 = arith.constant 0 : index
    %get3A_58 = arith.constant 0 : index
    %get3A_59 = vector.load %arg12[%get3A_57, %get3A_58] : memref<128x32xf32, #tpu.memory_space<vmem>>, vector<128x32xf32>
    %convert_element_type3A_60 = arith.truncf %get3A_59 : vector<128x32xf32> to vector<128x32xbf16>
    %dot_general3A_61 = arith.constant dense<0.000000e+00> : vector<8192x32xf32>
    %dot_general3A_62 = tpu.matmul %convert_element_type3A_56, %convert_element_type3A_60, %dot_general3A_61 {dimension_numbers = #tpu.dot_dimension_numbers<[1], [0], [0], [1], [0, 0, 1, 1], [], []>, transpose_lhs_hint = false} : vector<8192x128xbf16>, vector<128x32xbf16>, vector<8192x32xf32> -> vector<8192x32xf32>
    %get3A_63 = arith.constant 0 : index
    %get3A_64 = arith.constant 0 : index
    %get3A_65 = vector.load %arg13[%get3A_63, %get3A_64] : memref<1x32xf32, #tpu.memory_space<vmem>>, vector<1x32xf32>
    %add3A_66 = vector.broadcast %get3A_65 : vector<1x32xf32> to vector<8192x32xf32>
    %add3A_67 = arith.addf %dot_general3A_62, %add3A_66 : vector<8192x32xf32>
    %exp3A = math.exp %add3A_67 : vector<8192x32xf32>
    %add3A_68 = arith.addf %slice3A_2, %add3A_39 : vector<8192x32xf32>
    %mul3A = arith.mulf %exp3A, %add3A_68 : vector<8192x32xf32>
    %reshape3A_69 = vector.shape_cast %mul3A : vector<8192x32xf32> to vector<512x16x32xf32>
    %reduce_sum3A = arith.constant dense<0.000000e+00> : vector<512x32xf32>
    %reduce_sum3A_70 = vector.multi_reduction <add>, %reshape3A_69, %reduce_sum3A [1] : vector<512x16x32xf32> to vector<512x32xf32>
    %reshape3A_71 = vector.shape_cast %exp3A : vector<8192x32xf32> to vector<512x16x32xf32>
    %reduce_sum3A_72 = arith.constant dense<0.000000e+00> : vector<512x32xf32>
    %reduce_sum3A_73 = vector.multi_reduction <add>, %reshape3A_71, %reduce_sum3A_72 [1] : vector<512x16x32xf32> to vector<512x32xf32>
    %div3A = arith.divf %reduce_sum3A_70, %reduce_sum3A_73 : vector<512x32xf32>
    %transpose3A_74 = tpu.transpose %div3A, [1, 0] : vector<512x32xf32> -> vector<32x512xf32>
    %get3A_75 = arith.constant 0 : index
    %get3A_76 = arith.constant 0 : index
    %get3A_77 = arith.constant 0 : index
    %get3A_78 = vector.load %arg2[%get3A_75, %get3A_76, %get3A_77] : memref<1x128x512xf32, #tpu.memory_space<vmem>>, vector<1x128x512xf32>
    %get3A_79 = vector.shape_cast %get3A_78 : vector<1x128x512xf32> to vector<128x512xf32>
    %get3A_80 = arith.constant 0 : index
    %get3A_81 = arith.constant 0 : index
    %get3A_82 = vector.load %arg14[%get3A_80, %get3A_81] : memref<128x32xf32, #tpu.memory_space<vmem>>, vector<128x32xf32>
    %dot_general3A_83 = arith.constant dense<0.000000e+00> : vector<128x512xf32>
    %dot_general3A_84 = tpu.matmul %get3A_82, %transpose3A_74, %dot_general3A_83 {dimension_numbers = #tpu.dot_dimension_numbers<[1], [0], [0], [1], [0, 0, 1, 1], [], []>, transpose_lhs_hint = false} : vector<128x32xf32>, vector<32x512xf32>, vector<128x512xf32> -> vector<128x512xf32>
    %add3A_85 = arith.addf %get3A_79, %dot_general3A_84 : vector<128x512xf32>
    %get3A_86 = arith.constant 0 : index
    %get3A_87 = arith.constant 0 : index
    %get3A_88 = vector.load %arg15[%get3A_86, %get3A_87] : memref<128x1xf32, #tpu.memory_space<vmem>>, vector<128x1xf32>
    %add3A_89 = vector.broadcast %get3A_88 : vector<128x1xf32> to vector<128x512xf32>
    %add3A_90 = arith.addf %add3A_85, %add3A_89 : vector<128x512xf32>
    %swap3A = arith.constant 0 : index
    %swap3A_91 = arith.constant 0 : index
    %swap3A_92 = arith.constant 0 : index
    %swap3A_93 = vector.load %arg16[%swap3A, %swap3A_91, %swap3A_92] : memref<1x128x512xf32, #tpu.memory_space<vmem>>, vector<1x128x512xf32>
    %swap3A_94 = vector.shape_cast %swap3A_93 : vector<1x128x512xf32> to vector<128x512xf32>
    %swap3A_95 = vector.shape_cast %add3A_90 : vector<128x512xf32> to vector<1x128x512xf32>
    tpu.vector_store %arg16[%swap3A, %swap3A_91, %swap3A_92], %swap3A_95 {strides = array<i32>} : memref<1x128x512xf32, #tpu.memory_space<vmem>>, vector<1x128x512xf32>,
    return
  }
  func.func @transform_0(%arg0: i32, %arg1: i32) -> (i32, i32, i32) {
    %add3A = arith.constant 2 : i32
    %add3A_0 = arith.addi %add3A, %arg1 : i32
    %c0_i32 = arith.constant 0 : i32
    %c0_i32_1 = arith.constant 0 : i32
    return %arg0, %c0_i32, %add3A_0 : i32, i32, i32
  }
  func.func @transform_1(%arg0: i32, %arg1: i32) -> (i32, i32, i32) {
    %add3A = arith.constant 2 : i32
    %add3A_0 = arith.addi %add3A, %arg1 : i32
    %c0_i32 = arith.constant 0 : i32
    %c0_i32_1 = arith.constant 0 : i32
    return %arg0, %c0_i32, %add3A_0 : i32, i32, i32
  }
  func.func @transform_2(%arg0: i32, %arg1: i32) -> (i32, i32) {
    %mul3A = arith.constant 1 : i32
    %mul3A_0 = arith.muli %arg0, %mul3A : i32
    %add3A = arith.addi %mul3A_0, %arg1 : i32
    %c0_i32 = arith.constant 0 : i32
    %c0_i32_1 = arith.constant 0 : i32
    return %add3A, %c0_i32 : i32, i32
  }
  func.func @transform_3(%arg0: i32, %arg1: i32) -> (i32, i32, i32) {
    %add3A = arith.constant 2 : i32
    %add3A_0 = arith.addi %add3A, %arg1 : i32
    %c0_i32 = arith.constant 0 : i32
    %c0_i32_1 = arith.constant 0 : i32
    return %arg0, %add3A_0, %c0_i32 : i32, i32, i32
  }
  func.func @transform_4(%arg0: i32, %arg1: i32) -> (i32, i32) {
    %c0_i32 = arith.constant 0 : i32
    %c0_i32_0 = arith.constant 0 : i32
    %c0_i32_1 = arith.constant 0 : i32
    return %c0_i32, %c0_i32_0 : i32, i32
  }
  func.func @transform_5(%arg0: i32, %arg1: i32) -> (i32, i32) {
    %c0_i32 = arith.constant 0 : i32
    %c0_i32_0 = arith.constant 0 : i32
    %c0_i32_1 = arith.constant 0 : i32
    return %c0_i32, %c0_i32_0 : i32, i32
  }
  func.func @transform_6(%arg0: i32, %arg1: i32) -> (i32, i32) {
    %c0_i32 = arith.constant 0 : i32
    %c0_i32_0 = arith.constant 0 : i32
    %c0_i32_1 = arith.constant 0 : i32
    return %c0_i32, %c0_i32_0 : i32, i32
  }
  func.func @transform_7(%arg0: i32, %arg1: i32) -> (i32, i32) {
    %c0_i32 = arith.constant 0 : i32
    %c0_i32_0 = arith.constant 0 : i32
    %c0_i32_1 = arith.constant 0 : i32
    return %c0_i32, %c0_i32_0 : i32, i32
  }
  func.func @transform_8(%arg0: i32, %arg1: i32) -> (i32, i32) {
    %c0_i32 = arith.constant 0 : i32
    %c0_i32_0 = arith.constant 0 : i32
    %c0_i32_1 = arith.constant 0 : i32
    return %c0_i32, %c0_i32_0 : i32, i32
  }
  func.func @transform_9(%arg0: i32, %arg1: i32) -> (i32, i32) {
    %c0_i32 = arith.constant 0 : i32
    %c0_i32_0 = arith.constant 0 : i32
    %c0_i32_1 = arith.constant 0 : i32
    return %c0_i32, %c0_i32_0 : i32, i32
  }
  func.func @transform_10(%arg0: i32, %arg1: i32) -> (i32, i32) {
    %c0_i32 = arith.constant 0 : i32
    %c0_i32_0 = arith.constant 0 : i32
    %c0_i32_1 = arith.constant 0 : i32
    return %c0_i32, %c0_i32_0 : i32, i32
  }
  func.func @transform_11(%arg0: i32, %arg1: i32) -> (i32, i32) {
    %c0_i32 = arith.constant 0 : i32
    %c0_i32_0 = arith.constant 0 : i32
    %c0_i32_1 = arith.constant 0 : i32
    return %c0_i32, %c0_i32_0 : i32, i32
  }
  func.func @transform_12(%arg0: i32, %arg1: i32) -> (i32, i32) {
    %c0_i32 = arith.constant 0 : i32
    %c0_i32_0 = arith.constant 0 : i32
    %c0_i32_1 = arith.constant 0 : i32
    return %c0_i32, %c0_i32_0 : i32, i32
  }
  func.func @transform_13(%arg0: i32, %arg1: i32) -> (i32, i32) {
    %c0_i32 = arith.constant 0 : i32
    %c0_i32_0 = arith.constant 0 : i32
    %c0_i32_1 = arith.constant 0 : i32
    return %c0_i32, %c0_i32_0 : i32, i32
  }
  func.func @transform_14(%arg0: i32, %arg1: i32) -> (i32, i32, i32) {
    %c0_i32 = arith.constant 0 : i32
    %c0_i32_0 = arith.constant 0 : i32
    return %arg0, %c0_i32, %arg1 : i32, i32, i32
  }
}

module attributes {stable_mosaic.version = 14 : i64} {
  func.func @_attn_body(%arg0: i32, %arg1: i32, %arg2: memref<1x128x512xf32, #tpu.memory_space<vmem>>, %arg3: memref<1x32x512xf32, #tpu.memory_space<vmem>>, %arg4: memref<8192x128xf32, #tpu.memory_space<vmem>>, %arg5: memref<1x512x16xf32, #tpu.memory_space<vmem>>, %arg6: memref<16x64xf32, #tpu.memory_space<vmem>>, %arg7: memref<1x64xf32, #tpu.memory_space<vmem>>, %arg8: memref<64x32xf32, #tpu.memory_space<vmem>>, %arg9: memref<1x32xf32, #tpu.memory_space<vmem>>, %arg10: memref<32x128xf32, #tpu.memory_space<vmem>>, %arg11: memref<1x128xf32, #tpu.memory_space<vmem>>, %arg12: memref<128x32xf32, #tpu.memory_space<vmem>>, %arg13: memref<1x32xf32, #tpu.memory_space<vmem>>, %arg14: memref<128x32xf32, #tpu.memory_space<vmem>>, %arg15: memref<128x1xf32, #tpu.memory_space<vmem>>, %arg16: memref<1x128x512xf32, #tpu.memory_space<vmem>>) attributes {dimension_semantics = [#tpu.dimension_semantics<arbitrary>, #tpu.dimension_semantics<arbitrary>], iteration_bounds = array<i64: 8, 1>, scalar_prefetch = 0 : i64, scratch_operands = 0 : i64, tpu.core_type = #tpu.core_type<tc>, window_params = [{transform_indices = @transform_0, window_bounds = array<i64: 1, 128, 512>}, {transform_indices = @transform_1, window_bounds = array<i64: 1, 32, 512>}, {transform_indices = @transform_2, window_bounds = array<i64: 8192, 128>}, {transform_indices = @transform_3, window_bounds = array<i64: 1, 512, 16>}, {pipeline_mode = #tpu.pipeline_mode<synchronous>, transform_indices = @transform_4, window_bounds = array<i64: 16, 64>}, {pipeline_mode = #tpu.pipeline_mode<synchronous>, transform_indices = @transform_5, window_bounds = array<i64: 1, 64>}, {pipeline_mode = #tpu.pipeline_mode<synchronous>, transform_indices = @transform_6, window_bounds = array<i64: 64, 32>}, {pipeline_mode = #tpu.pipeline_mode<synchronous>, transform_indices = @transform_7, window_bounds = array<i64: 1, 32>}, {pipeline_mode = #tpu.pipeline_mode<synchronous>, transform_indices = @transform_8, window_bounds = array<i64: 32, 128>}, {pipeline_mode = #tpu.pipeline_mode<synchronous>, transform_indices = @transform_9, window_bounds = array<i64: 1, 128>}, {pipeline_mode = #tpu.pipeline_mode<synchronous>, transform_indices = @transform_10, window_bounds = array<i64: 128, 32>}, {pipeline_mode = #tpu.pipeline_mode<synchronous>, transform_indices = @transform_11, window_bounds = array<i64: 1, 32>}, {pipeline_mode = #tpu.pipeline_mode<synchronous>, transform_indices = @transform_12, window_bounds = array<i64: 128, 32>}, {pipeline_mode = #tpu.pipeline_mode<synchronous>, transform_indices = @transform_13, window_bounds = array<i64: 128, 1>}, {transform_indices = @transform_14, window_bounds = array<i64: 1, 128, 512>}]} {
    %get3A = arith.constant 0 : index
    %get3A_0 = arith.constant 0 : index
    %get3A_1 = vector.load %arg4[%get3A, %get3A_0] : memref<8192x128xf32, #tpu.memory_space<vmem>>, vector<8192x128xf32>
    %slice3A = vector.extract_strided_slice %get3A_1 {offsets = [0, 0], sizes = [8192, 32], strides = [1, 1]} : vector<8192x128xf32> to vector<8192x32xf32>
    %slice3A_2 = vector.extract_strided_slice %get3A_1 {offsets = [0, 32], sizes = [8192, 32], strides = [1, 1]} : vector<8192x128xf32> to vector<8192x32xf32>
    %slice3A_3 = vector.extract_strided_slice %get3A_1 {offsets = [0, 64], sizes = [8192, 16], strides = [1, 1]} : vector<8192x128xf32> to vector<8192x16xf32>
    %get3A_4 = arith.constant 0 : index
    %get3A_5 = arith.constant 0 : index
    %get3A_6 = arith.constant 0 : index
    %get3A_7 = vector.load %arg5[%get3A_4, %get3A_5, %get3A_6] : memref<1x512x16xf32, #tpu.memory_space<vmem>>, vector<1x512x16xf32>
    %get3A_8 = vector.shape_cast %get3A_7 : vector<1x512x16xf32> to vector<512x16xf32>
    %broadcast_in_dim3A = vector.shape_cast %get3A_8 : vector<512x16xf32> to vector<512x1x16xf32>
    %broadcast_in_dim3A_9 = vector.shape_cast %broadcast_in_dim3A : vector<512x1x16xf32> to vector<512x1x16xf32>
    %broadcast_in_dim3A_10 = vector.broadcast %broadcast_in_dim3A_9 : vector<512x1x16xf32> to vector<512x16x16xf32>
    %reshape3A = vector.shape_cast %broadcast_in_dim3A_10 : vector<512x16x16xf32> to vector<8192x16xf32>
    %get3A_11 = arith.constant 0 : index
    %get3A_12 = arith.constant 0 : index
    %get3A_13 = arith.constant 0 : index
    %get3A_14 = vector.load %arg3[%get3A_11, %get3A_12, %get3A_13] : memref<1x32x512xf32, #tpu.memory_space<vmem>>, vector<1x32x512xf32>
    %get3A_15 = vector.shape_cast %get3A_14 : vector<1x32x512xf32> to vector<32x512xf32>
    %transpose3A = tpu.transpose %get3A_15, [1, 0] : vector<32x512xf32> -> vector<512x32xf32>
    %broadcast_in_dim3A_16 = vector.shape_cast %transpose3A : vector<512x32xf32> to vector<512x1x32xf32>
    %broadcast_in_dim3A_17 = vector.shape_cast %broadcast_in_dim3A_16 : vector<512x1x32xf32> to vector<512x1x32xf32>
    %broadcast_in_dim3A_18 = vector.broadcast %broadcast_in_dim3A_17 : vector<512x1x32xf32> to vector<512x16x32xf32>
    %reshape3A_19 = vector.shape_cast %broadcast_in_dim3A_18 : vector<512x16x32xf32> to vector<8192x32xf32>
    %sub3A = arith.subf %reshape3A, %slice3A_3 : vector<8192x16xf32>
    %get3A_20 = arith.constant 0 : index
    %get3A_21 = arith.constant 0 : index
    %get3A_22 = vector.load %arg6[%get3A_20, %get3A_21] : memref<16x64xf32, #tpu.memory_space<vmem>>, vector<16x64xf32>
    %dot_general3A = arith.constant dense<0.000000e+00> : vector<8192x64xf32>
    %dot_general3A_23 = tpu.matmul %sub3A, %get3A_22, %dot_general3A {dimension_numbers = #tpu.dot_dimension_numbers<[1], [0], [0], [1], [0, 0, 1, 1], [], []>, transpose_lhs_hint = false} : vector<8192x16xf32>, vector<16x64xf32>, vector<8192x64xf32> -> vector<8192x64xf32>
    %get3A_24 = arith.constant 0 : index
    %get3A_25 = arith.constant 0 : index
    %get3A_26 = vector.load %arg7[%get3A_24, %get3A_25] : memref<1x64xf32, #tpu.memory_space<vmem>>, vector<1x64xf32>
    %add3A = vector.broadcast %get3A_26 : vector<1x64xf32> to vector<8192x64xf32>
    %add3A_27 = arith.addf %dot_general3A_23, %add3A : vector<8192x64xf32>
    %max3A = arith.constant 0.000000e+00 : f32
    %max3A_28 = vector.broadcast %max3A : f32 to vector<8192x64xf32>
    %max3A_29 = arith.maximumf %add3A_27, %max3A_28 : vector<8192x64xf32>
    %get3A_30 = arith.constant 0 : index
    %get3A_31 = arith.constant 0 : index
    %get3A_32 = vector.load %arg8[%get3A_30, %get3A_31] : memref<64x32xf32, #tpu.memory_space<vmem>>, vector<64x32xf32>
    %dot_general3A_33 = arith.constant dense<0.000000e+00> : vector<8192x32xf32>
    %dot_general3A_34 = tpu.matmul %max3A_29, %get3A_32, %dot_general3A_33 {dimension_numbers = #tpu.dot_dimension_numbers<[1], [0], [0], [1], [0, 0, 1, 1], [], []>, transpose_lhs_hint = false} : vector<8192x64xf32>, vector<64x32xf32>, vector<8192x32xf32> -> vector<8192x32xf32>
    %get3A_35 = arith.constant 0 : index
    %get3A_36 = arith.constant 0 : index
    %get3A_37 = vector.load %arg9[%get3A_35, %get3A_36] : memref<1x32xf32, #tpu.memory_space<vmem>>, vector<1x32xf32>
    %add3A_38 = vector.broadcast %get3A_37 : vector<1x32xf32> to vector<8192x32xf32>
    %add3A_39 = arith.addf %dot_general3A_34, %add3A_38 : vector<8192x32xf32>
    %sub3A_40 = arith.subf %reshape3A_19, %slice3A : vector<8192x32xf32>
    %add3A_41 = arith.addf %sub3A_40, %add3A_39 : vector<8192x32xf32>
    %convert_element_type3A = arith.truncf %add3A_41 : vector<8192x32xf32> to vector<8192x32xbf16>
    %get3A_42 = arith.constant 0 : index
    %get3A_43 = arith.constant 0 : index
    %get3A_44 = vector.load %arg10[%get3A_42, %get3A_43] : memref<32x128xf32, #tpu.memory_space<vmem>>, vector<32x128xf32>
    %convert_element_type3A_45 = arith.truncf %get3A_44 : vector<32x128xf32> to vector<32x128xbf16>
    %dot_general3A_46 = arith.constant dense<0.000000e+00> : vector<8192x128xf32>
    %dot_general3A_47 = tpu.matmul %convert_element_type3A, %convert_element_type3A_45, %dot_general3A_46 {dimension_numbers = #tpu.dot_dimension_numbers<[1], [0], [0], [1], [0, 0, 1, 1], [], []>, transpose_lhs_hint = false} : vector<8192x32xbf16>, vector<32x128xbf16>, vector<8192x128xf32> -> vector<8192x128xf32>
    %get3A_48 = arith.constant 0 : index
    %get3A_49 = arith.constant 0 : index
    %get3A_50 = vector.load %arg11[%get3A_48, %get3A_49] : memref<1x128xf32, #tpu.memory_space<vmem>>, vector<1x128xf32>
    %add3A_51 = vector.broadcast %get3A_50 : vector<1x128xf32> to vector<8192x128xf32>
    %add3A_52 = arith.addf %dot_general3A_47, %add3A_51 : vector<8192x128xf32>
    %max3A_53 = arith.constant 0.000000e+00 : f32
    %max3A_54 = vector.broadcast %max3A_53 : f32 to vector<8192x128xf32>
    %max3A_55 = arith.maximumf %add3A_52, %max3A_54 : vector<8192x128xf32>
    %convert_element_type3A_56 = arith.truncf %max3A_55 : vector<8192x128xf32> to vector<8192x128xbf16>
    %get3A_57 = arith.constant 0 : index
    %get3A_58 = arith.constant 0 : index
    %get3A_59 = vector.load %arg12[%get3A_57, %get3A_58] : memref<128x32xf32, #tpu.memory_space<vmem>>, vector<128x32xf32>
    %convert_element_type3A_60 = arith.truncf %get3A_59 : vector<128x32xf32> to vector<128x32xbf16>
    %dot_general3A_61 = arith.constant dense<0.000000e+00> : vector<8192x32xf32>
    %dot_general3A_62 = tpu.matmul %convert_element_type3A_56, %convert_element_type3A_60, %dot_general3A_61 {dimension_numbers = #tpu.dot_dimension_numbers<[1], [0], [0], [1], [0, 0, 1, 1], [], []>, transpose_lhs_hint = false} : vector<8192x128xbf16>, vector<128x32xbf16>, vector<8192x32xf32> -> vector<8192x32xf32>
    %get3A_63 = arith.constant 0 : index
    %get3A_64 = arith.constant 0 : index
    %get3A_65 = vector.load %arg13[%get3A_63, %get3A_64] : memref<1x32xf32, #tpu.memory_space<vmem>>, vector<1x32xf32>
    %add3A_66 = vector.broadcast %get3A_65 : vector<1x32xf32> to vector<8192x32xf32>
    %add3A_67 = arith.addf %dot_general3A_62, %add3A_66 : vector<8192x32xf32>
    %exp3A = math.exp %add3A_67 : vector<8192x32xf32>
    %add3A_68 = arith.addf %slice3A_2, %add3A_39 : vector<8192x32xf32>
    %mul3A = arith.mulf %exp3A, %add3A_68 : vector<8192x32xf32>
    %reshape3A_69 = vector.shape_cast %mul3A : vector<8192x32xf32> to vector<512x16x32xf32>
    %reduce_sum3A = arith.constant dense<0.000000e+00> : vector<512x32xf32>
    %reduce_sum3A_70 = vector.multi_reduction <add>, %reshape3A_69, %reduce_sum3A [1] : vector<512x16x32xf32> to vector<512x32xf32>
    %reshape3A_71 = vector.shape_cast %exp3A : vector<8192x32xf32> to vector<512x16x32xf32>
    %reduce_sum3A_72 = arith.constant dense<0.000000e+00> : vector<512x32xf32>
    %reduce_sum3A_73 = vector.multi_reduction <add>, %reshape3A_71, %reduce_sum3A_72 [1] : vector<512x16x32xf32> to vector<512x32xf32>
    %div3A = arith.divf %reduce_sum3A_70, %reduce_sum3A_73 : vector<512x32xf32>
    %transpose3A_74 = tpu.transpose %div3A, [1, 0] : vector<512x32xf32> -> vector<32x512xf32>
    %get3A_75 = arith.constant 0 : index
    %get3A_76 = arith.constant 0 : index
    %get3A_77 = arith.constant 0 : index
    %get3A_78 = vector.load %arg2[%get3A_75, %get3A_76, %get3A_77] : memref<1x128x512xf32, #tpu.memory_space<vmem>>, vector<1x128x512xf32>
    %get3A_79 = vector.shape_cast %get3A_78 : vector<1x128x512xf32> to vector<128x512xf32>
    %get3A_80 = arith.constant 0 : index
    %get3A_81 = arith.constant 0 : index
    %get3A_82 = vector.load %arg14[%get3A_80, %get3A_81] : memref<128x32xf32, #tpu.memory_space<vmem>>, vector<128x32xf32>
    %dot_general3A_83 = arith.constant dense<0.000000e+00> : vector<128x512xf32>
    %dot_general3A_84 = tpu.matmul %get3A_82, %transpose3A_74, %dot_general3A_83 {dimension_numbers = #tpu.dot_dimension_numbers<[1], [0], [0], [1], [0, 0, 1, 1], [], []>, transpose_lhs_hint = false} : vector<128x32xf32>, vector<32x512xf32>, vector<128x512xf32> -> vector<128x512xf32>
    %add3A_85 = arith.addf %get3A_79, %dot_general3A_84 : vector<128x512xf32>
    %get3A_86 = arith.constant 0 : index
    %get3A_87 = arith.constant 0 : index
    %get3A_88 = vector.load %arg15[%get3A_86, %get3A_87] : memref<128x1xf32, #tpu.memory_space<vmem>>, vector<128x1xf32>
    %add3A_89 = vector.broadcast %get3A_88 : vector<128x1xf32> to vector<128x512xf32>
    %add3A_90 = arith.addf %add3A_85, %add3A_89 : vector<128x512xf32>
    %swap3A = arith.constant 0 : index
    %swap3A_91 = arith.constant 0 : index
    %swap3A_92 = arith.constant 0 : index
    %swap3A_93 = vector.load %arg16[%swap3A, %swap3A_91, %swap3A_92] : memref<1x128x512xf32, #tpu.memory_space<vmem>>, vector<1x128x512xf32>
    %swap3A_94 = vector.shape_cast %swap3A_93 : vector<1x128x512xf32> to vector<128x512xf32>
    %swap3A_95 = vector.shape_cast %add3A_90 : vector<128x512xf32> to vector<1x128x512xf32>
    tpu.vector_store %arg16[%swap3A, %swap3A_91, %swap3A_92], %swap3A_95 {strides = array<i32>} : memref<1x128x512xf32, #tpu.memory_space<vmem>>, vector<1x128x512xf32>,
    return
  }
  func.func @transform_0(%arg0: i32, %arg1: i32) -> (i32, i32, i32) {
    %add3A = arith.constant 1 : i32
    %add3A_0 = arith.addi %add3A, %arg1 : i32
    %c0_i32 = arith.constant 0 : i32
    %c0_i32_1 = arith.constant 0 : i32
    return %arg0, %c0_i32, %add3A_0 : i32, i32, i32
  }
  func.func @transform_1(%arg0: i32, %arg1: i32) -> (i32, i32, i32) {
    %add3A = arith.constant 1 : i32
    %add3A_0 = arith.addi %add3A, %arg1 : i32
    %c0_i32 = arith.constant 0 : i32
    %c0_i32_1 = arith.constant 0 : i32
    return %arg0, %c0_i32, %add3A_0 : i32, i32, i32
  }
  func.func @transform_2(%arg0: i32, %arg1: i32) -> (i32, i32) {
    %mul3A = arith.constant 1 : i32
    %mul3A_0 = arith.muli %arg0, %mul3A : i32
    %add3A = arith.addi %mul3A_0, %arg1 : i32
    %c0_i32 = arith.constant 0 : i32
    %c0_i32_1 = arith.constant 0 : i32
    return %add3A, %c0_i32 : i32, i32
  }
  func.func @transform_3(%arg0: i32, %arg1: i32) -> (i32, i32, i32) {
    %add3A = arith.constant 1 : i32
    %add3A_0 = arith.addi %add3A, %arg1 : i32
    %c0_i32 = arith.constant 0 : i32
    %c0_i32_1 = arith.constant 0 : i32
    return %arg0, %add3A_0, %c0_i32 : i32, i32, i32
  }
  func.func @transform_4(%arg0: i32, %arg1: i32) -> (i32, i32) {
    %c0_i32 = arith.constant 0 : i32
    %c0_i32_0 = arith.constant 0 : i32
    %c0_i32_1 = arith.constant 0 : i32
    return %c0_i32, %c0_i32_0 : i32, i32
  }
  func.func @transform_5(%arg0: i32, %arg1: i32) -> (i32, i32) {
    %c0_i32 = arith.constant 0 : i32
    %c0_i32_0 = arith.constant 0 : i32
    %c0_i32_1 = arith.constant 0 : i32
    return %c0_i32, %c0_i32_0 : i32, i32
  }
  func.func @transform_6(%arg0: i32, %arg1: i32) -> (i32, i32) {
    %c0_i32 = arith.constant 0 : i32
    %c0_i32_0 = arith.constant 0 : i32
    %c0_i32_1 = arith.constant 0 : i32
    return %c0_i32, %c0_i32_0 : i32, i32
  }
  func.func @transform_7(%arg0: i32, %arg1: i32) -> (i32, i32) {
    %c0_i32 = arith.constant 0 : i32
    %c0_i32_0 = arith.constant 0 : i32
    %c0_i32_1 = arith.constant 0 : i32
    return %c0_i32, %c0_i32_0 : i32, i32
  }
  func.func @transform_8(%arg0: i32, %arg1: i32) -> (i32, i32) {
    %c0_i32 = arith.constant 0 : i32
    %c0_i32_0 = arith.constant 0 : i32
    %c0_i32_1 = arith.constant 0 : i32
    return %c0_i32, %c0_i32_0 : i32, i32
  }
  func.func @transform_9(%arg0: i32, %arg1: i32) -> (i32, i32) {
    %c0_i32 = arith.constant 0 : i32
    %c0_i32_0 = arith.constant 0 : i32
    %c0_i32_1 = arith.constant 0 : i32
    return %c0_i32, %c0_i32_0 : i32, i32
  }
  func.func @transform_10(%arg0: i32, %arg1: i32) -> (i32, i32) {
    %c0_i32 = arith.constant 0 : i32
    %c0_i32_0 = arith.constant 0 : i32
    %c0_i32_1 = arith.constant 0 : i32
    return %c0_i32, %c0_i32_0 : i32, i32
  }
  func.func @transform_11(%arg0: i32, %arg1: i32) -> (i32, i32) {
    %c0_i32 = arith.constant 0 : i32
    %c0_i32_0 = arith.constant 0 : i32
    %c0_i32_1 = arith.constant 0 : i32
    return %c0_i32, %c0_i32_0 : i32, i32
  }
  func.func @transform_12(%arg0: i32, %arg1: i32) -> (i32, i32) {
    %c0_i32 = arith.constant 0 : i32
    %c0_i32_0 = arith.constant 0 : i32
    %c0_i32_1 = arith.constant 0 : i32
    return %c0_i32, %c0_i32_0 : i32, i32
  }
  func.func @transform_13(%arg0: i32, %arg1: i32) -> (i32, i32) {
    %c0_i32 = arith.constant 0 : i32
    %c0_i32_0 = arith.constant 0 : i32
    %c0_i32_1 = arith.constant 0 : i32
    return %c0_i32, %c0_i32_0 : i32, i32
  }
  func.func @transform_14(%arg0: i32, %arg1: i32) -> (i32, i32, i32) {
    %c0_i32 = arith.constant 0 : i32
    %c0_i32_0 = arith.constant 0 : i32
    return %arg0, %c0_i32, %arg1 : i32, i32, i32
  }
}

module attributes {stable_mosaic.version = 14 : i64} {
  func.func @_attn_body(%arg0: i32, %arg1: i32, %arg2: memref<1x128x512xf32, #tpu.memory_space<vmem>>, %arg3: memref<1x32x512xf32, #tpu.memory_space<vmem>>, %arg4: memref<8192x128xf32, #tpu.memory_space<vmem>>, %arg5: memref<1x512x16xf32, #tpu.memory_space<vmem>>, %arg6: memref<16x64xf32, #tpu.memory_space<vmem>>, %arg7: memref<1x64xf32, #tpu.memory_space<vmem>>, %arg8: memref<64x32xf32, #tpu.memory_space<vmem>>, %arg9: memref<1x32xf32, #tpu.memory_space<vmem>>, %arg10: memref<32x128xf32, #tpu.memory_space<vmem>>, %arg11: memref<1x128xf32, #tpu.memory_space<vmem>>, %arg12: memref<128x32xf32, #tpu.memory_space<vmem>>, %arg13: memref<1x32xf32, #tpu.memory_space<vmem>>, %arg14: memref<128x32xf32, #tpu.memory_space<vmem>>, %arg15: memref<128x1xf32, #tpu.memory_space<vmem>>, %arg16: memref<1x128x512xf32, #tpu.memory_space<vmem>>) attributes {dimension_semantics = [#tpu.dimension_semantics<arbitrary>, #tpu.dimension_semantics<arbitrary>], iteration_bounds = array<i64: 8, 1>, scalar_prefetch = 0 : i64, scratch_operands = 0 : i64, tpu.core_type = #tpu.core_type<tc>, window_params = [{transform_indices = @transform_0, window_bounds = array<i64: 1, 128, 512>}, {transform_indices = @transform_1, window_bounds = array<i64: 1, 32, 512>}, {transform_indices = @transform_2, window_bounds = array<i64: 8192, 128>}, {transform_indices = @transform_3, window_bounds = array<i64: 1, 512, 16>}, {pipeline_mode = #tpu.pipeline_mode<synchronous>, transform_indices = @transform_4, window_bounds = array<i64: 16, 64>}, {pipeline_mode = #tpu.pipeline_mode<synchronous>, transform_indices = @transform_5, window_bounds = array<i64: 1, 64>}, {pipeline_mode = #tpu.pipeline_mode<synchronous>, transform_indices = @transform_6, window_bounds = array<i64: 64, 32>}, {pipeline_mode = #tpu.pipeline_mode<synchronous>, transform_indices = @transform_7, window_bounds = array<i64: 1, 32>}, {pipeline_mode = #tpu.pipeline_mode<synchronous>, transform_indices = @transform_8, window_bounds = array<i64: 32, 128>}, {pipeline_mode = #tpu.pipeline_mode<synchronous>, transform_indices = @transform_9, window_bounds = array<i64: 1, 128>}, {pipeline_mode = #tpu.pipeline_mode<synchronous>, transform_indices = @transform_10, window_bounds = array<i64: 128, 32>}, {pipeline_mode = #tpu.pipeline_mode<synchronous>, transform_indices = @transform_11, window_bounds = array<i64: 1, 32>}, {pipeline_mode = #tpu.pipeline_mode<synchronous>, transform_indices = @transform_12, window_bounds = array<i64: 128, 32>}, {pipeline_mode = #tpu.pipeline_mode<synchronous>, transform_indices = @transform_13, window_bounds = array<i64: 128, 1>}, {transform_indices = @transform_14, window_bounds = array<i64: 1, 128, 512>}]} {
    %get3A = arith.constant 0 : index
    %get3A_0 = arith.constant 0 : index
    %get3A_1 = vector.load %arg4[%get3A, %get3A_0] : memref<8192x128xf32, #tpu.memory_space<vmem>>, vector<8192x128xf32>
    %slice3A = vector.extract_strided_slice %get3A_1 {offsets = [0, 0], sizes = [8192, 32], strides = [1, 1]} : vector<8192x128xf32> to vector<8192x32xf32>
    %slice3A_2 = vector.extract_strided_slice %get3A_1 {offsets = [0, 32], sizes = [8192, 32], strides = [1, 1]} : vector<8192x128xf32> to vector<8192x32xf32>
    %slice3A_3 = vector.extract_strided_slice %get3A_1 {offsets = [0, 64], sizes = [8192, 16], strides = [1, 1]} : vector<8192x128xf32> to vector<8192x16xf32>
    %get3A_4 = arith.constant 0 : index
    %get3A_5 = arith.constant 0 : index
    %get3A_6 = arith.constant 0 : index
    %get3A_7 = vector.load %arg5[%get3A_4, %get3A_5, %get3A_6] : memref<1x512x16xf32, #tpu.memory_space<vmem>>, vector<1x512x16xf32>
    %get3A_8 = vector.shape_cast %get3A_7 : vector<1x512x16xf32> to vector<512x16xf32>
    %broadcast_in_dim3A = vector.shape_cast %get3A_8 : vector<512x16xf32> to vector<512x1x16xf32>
    %broadcast_in_dim3A_9 = vector.shape_cast %broadcast_in_dim3A : vector<512x1x16xf32> to vector<512x1x16xf32>
    %broadcast_in_dim3A_10 = vector.broadcast %broadcast_in_dim3A_9 : vector<512x1x16xf32> to vector<512x16x16xf32>
    %reshape3A = vector.shape_cast %broadcast_in_dim3A_10 : vector<512x16x16xf32> to vector<8192x16xf32>
    %get3A_11 = arith.constant 0 : index
    %get3A_12 = arith.constant 0 : index
    %get3A_13 = arith.constant 0 : index
    %get3A_14 = vector.load %arg3[%get3A_11, %get3A_12, %get3A_13] : memref<1x32x512xf32, #tpu.memory_space<vmem>>, vector<1x32x512xf32>
    %get3A_15 = vector.shape_cast %get3A_14 : vector<1x32x512xf32> to vector<32x512xf32>
    %transpose3A = tpu.transpose %get3A_15, [1, 0] : vector<32x512xf32> -> vector<512x32xf32>
    %broadcast_in_dim3A_16 = vector.shape_cast %transpose3A : vector<512x32xf32> to vector<512x1x32xf32>
    %broadcast_in_dim3A_17 = vector.shape_cast %broadcast_in_dim3A_16 : vector<512x1x32xf32> to vector<512x1x32xf32>
    %broadcast_in_dim3A_18 = vector.broadcast %broadcast_in_dim3A_17 : vector<512x1x32xf32> to vector<512x16x32xf32>
    %reshape3A_19 = vector.shape_cast %broadcast_in_dim3A_18 : vector<512x16x32xf32> to vector<8192x32xf32>
    %sub3A = arith.subf %reshape3A, %slice3A_3 : vector<8192x16xf32>
    %get3A_20 = arith.constant 0 : index
    %get3A_21 = arith.constant 0 : index
    %get3A_22 = vector.load %arg6[%get3A_20, %get3A_21] : memref<16x64xf32, #tpu.memory_space<vmem>>, vector<16x64xf32>
    %dot_general3A = arith.constant dense<0.000000e+00> : vector<8192x64xf32>
    %dot_general3A_23 = tpu.matmul %sub3A, %get3A_22, %dot_general3A {dimension_numbers = #tpu.dot_dimension_numbers<[1], [0], [0], [1], [0, 0, 1, 1], [], []>, transpose_lhs_hint = false} : vector<8192x16xf32>, vector<16x64xf32>, vector<8192x64xf32> -> vector<8192x64xf32>
    %get3A_24 = arith.constant 0 : index
    %get3A_25 = arith.constant 0 : index
    %get3A_26 = vector.load %arg7[%get3A_24, %get3A_25] : memref<1x64xf32, #tpu.memory_space<vmem>>, vector<1x64xf32>
    %add3A = vector.broadcast %get3A_26 : vector<1x64xf32> to vector<8192x64xf32>
    %add3A_27 = arith.addf %dot_general3A_23, %add3A : vector<8192x64xf32>
    %max3A = arith.constant 0.000000e+00 : f32
    %max3A_28 = vector.broadcast %max3A : f32 to vector<8192x64xf32>
    %max3A_29 = arith.maximumf %add3A_27, %max3A_28 : vector<8192x64xf32>
    %get3A_30 = arith.constant 0 : index
    %get3A_31 = arith.constant 0 : index
    %get3A_32 = vector.load %arg8[%get3A_30, %get3A_31] : memref<64x32xf32, #tpu.memory_space<vmem>>, vector<64x32xf32>
    %dot_general3A_33 = arith.constant dense<0.000000e+00> : vector<8192x32xf32>
    %dot_general3A_34 = tpu.matmul %max3A_29, %get3A_32, %dot_general3A_33 {dimension_numbers = #tpu.dot_dimension_numbers<[1], [0], [0], [1], [0, 0, 1, 1], [], []>, transpose_lhs_hint = false} : vector<8192x64xf32>, vector<64x32xf32>, vector<8192x32xf32> -> vector<8192x32xf32>
    %get3A_35 = arith.constant 0 : index
    %get3A_36 = arith.constant 0 : index
    %get3A_37 = vector.load %arg9[%get3A_35, %get3A_36] : memref<1x32xf32, #tpu.memory_space<vmem>>, vector<1x32xf32>
    %add3A_38 = vector.broadcast %get3A_37 : vector<1x32xf32> to vector<8192x32xf32>
    %add3A_39 = arith.addf %dot_general3A_34, %add3A_38 : vector<8192x32xf32>
    %sub3A_40 = arith.subf %reshape3A_19, %slice3A : vector<8192x32xf32>
    %add3A_41 = arith.addf %sub3A_40, %add3A_39 : vector<8192x32xf32>
    %convert_element_type3A = arith.truncf %add3A_41 : vector<8192x32xf32> to vector<8192x32xbf16>
    %get3A_42 = arith.constant 0 : index
    %get3A_43 = arith.constant 0 : index
    %get3A_44 = vector.load %arg10[%get3A_42, %get3A_43] : memref<32x128xf32, #tpu.memory_space<vmem>>, vector<32x128xf32>
    %convert_element_type3A_45 = arith.truncf %get3A_44 : vector<32x128xf32> to vector<32x128xbf16>
    %dot_general3A_46 = arith.constant dense<0.000000e+00> : vector<8192x128xf32>
    %dot_general3A_47 = tpu.matmul %convert_element_type3A, %convert_element_type3A_45, %dot_general3A_46 {dimension_numbers = #tpu.dot_dimension_numbers<[1], [0], [0], [1], [0, 0, 1, 1], [], []>, transpose_lhs_hint = false} : vector<8192x32xbf16>, vector<32x128xbf16>, vector<8192x128xf32> -> vector<8192x128xf32>
    %get3A_48 = arith.constant 0 : index
    %get3A_49 = arith.constant 0 : index
    %get3A_50 = vector.load %arg11[%get3A_48, %get3A_49] : memref<1x128xf32, #tpu.memory_space<vmem>>, vector<1x128xf32>
    %add3A_51 = vector.broadcast %get3A_50 : vector<1x128xf32> to vector<8192x128xf32>
    %add3A_52 = arith.addf %dot_general3A_47, %add3A_51 : vector<8192x128xf32>
    %max3A_53 = arith.constant 0.000000e+00 : f32
    %max3A_54 = vector.broadcast %max3A_53 : f32 to vector<8192x128xf32>
    %max3A_55 = arith.maximumf %add3A_52, %max3A_54 : vector<8192x128xf32>
    %convert_element_type3A_56 = arith.truncf %max3A_55 : vector<8192x128xf32> to vector<8192x128xbf16>
    %get3A_57 = arith.constant 0 : index
    %get3A_58 = arith.constant 0 : index
    %get3A_59 = vector.load %arg12[%get3A_57, %get3A_58] : memref<128x32xf32, #tpu.memory_space<vmem>>, vector<128x32xf32>
    %convert_element_type3A_60 = arith.truncf %get3A_59 : vector<128x32xf32> to vector<128x32xbf16>
    %dot_general3A_61 = arith.constant dense<0.000000e+00> : vector<8192x32xf32>
    %dot_general3A_62 = tpu.matmul %convert_element_type3A_56, %convert_element_type3A_60, %dot_general3A_61 {dimension_numbers = #tpu.dot_dimension_numbers<[1], [0], [0], [1], [0, 0, 1, 1], [], []>, transpose_lhs_hint = false} : vector<8192x128xbf16>, vector<128x32xbf16>, vector<8192x32xf32> -> vector<8192x32xf32>
    %get3A_63 = arith.constant 0 : index
    %get3A_64 = arith.constant 0 : index
    %get3A_65 = vector.load %arg13[%get3A_63, %get3A_64] : memref<1x32xf32, #tpu.memory_space<vmem>>, vector<1x32xf32>
    %add3A_66 = vector.broadcast %get3A_65 : vector<1x32xf32> to vector<8192x32xf32>
    %add3A_67 = arith.addf %dot_general3A_62, %add3A_66 : vector<8192x32xf32>
    %exp3A = math.exp %add3A_67 : vector<8192x32xf32>
    %add3A_68 = arith.addf %slice3A_2, %add3A_39 : vector<8192x32xf32>
    %mul3A = arith.mulf %exp3A, %add3A_68 : vector<8192x32xf32>
    %reshape3A_69 = vector.shape_cast %mul3A : vector<8192x32xf32> to vector<512x16x32xf32>
    %reduce_sum3A = arith.constant dense<0.000000e+00> : vector<512x32xf32>
    %reduce_sum3A_70 = vector.multi_reduction <add>, %reshape3A_69, %reduce_sum3A [1] : vector<512x16x32xf32> to vector<512x32xf32>
    %reshape3A_71 = vector.shape_cast %exp3A : vector<8192x32xf32> to vector<512x16x32xf32>
    %reduce_sum3A_72 = arith.constant dense<0.000000e+00> : vector<512x32xf32>
    %reduce_sum3A_73 = vector.multi_reduction <add>, %reshape3A_71, %reduce_sum3A_72 [1] : vector<512x16x32xf32> to vector<512x32xf32>
    %div3A = arith.divf %reduce_sum3A_70, %reduce_sum3A_73 : vector<512x32xf32>
    %transpose3A_74 = tpu.transpose %div3A, [1, 0] : vector<512x32xf32> -> vector<32x512xf32>
    %get3A_75 = arith.constant 0 : index
    %get3A_76 = arith.constant 0 : index
    %get3A_77 = arith.constant 0 : index
    %get3A_78 = vector.load %arg2[%get3A_75, %get3A_76, %get3A_77] : memref<1x128x512xf32, #tpu.memory_space<vmem>>, vector<1x128x512xf32>
    %get3A_79 = vector.shape_cast %get3A_78 : vector<1x128x512xf32> to vector<128x512xf32>
    %get3A_80 = arith.constant 0 : index
    %get3A_81 = arith.constant 0 : index
    %get3A_82 = vector.load %arg14[%get3A_80, %get3A_81] : memref<128x32xf32, #tpu.memory_space<vmem>>, vector<128x32xf32>
    %dot_general3A_83 = arith.constant dense<0.000000e+00> : vector<128x512xf32>
    %dot_general3A_84 = tpu.matmul %get3A_82, %transpose3A_74, %dot_general3A_83 {dimension_numbers = #tpu.dot_dimension_numbers<[1], [0], [0], [1], [0, 0, 1, 1], [], []>, transpose_lhs_hint = false} : vector<128x32xf32>, vector<32x512xf32>, vector<128x512xf32> -> vector<128x512xf32>
    %add3A_85 = arith.addf %get3A_79, %dot_general3A_84 : vector<128x512xf32>
    %get3A_86 = arith.constant 0 : index
    %get3A_87 = arith.constant 0 : index
    %get3A_88 = vector.load %arg15[%get3A_86, %get3A_87] : memref<128x1xf32, #tpu.memory_space<vmem>>, vector<128x1xf32>
    %add3A_89 = vector.broadcast %get3A_88 : vector<128x1xf32> to vector<128x512xf32>
    %add3A_90 = arith.addf %add3A_85, %add3A_89 : vector<128x512xf32>
    %swap3A = arith.constant 0 : index
    %swap3A_91 = arith.constant 0 : index
    %swap3A_92 = arith.constant 0 : index
    %swap3A_93 = vector.load %arg16[%swap3A, %swap3A_91, %swap3A_92] : memref<1x128x512xf32, #tpu.memory_space<vmem>>, vector<1x128x512xf32>
    %swap3A_94 = vector.shape_cast %swap3A_93 : vector<1x128x512xf32> to vector<128x512xf32>
    %swap3A_95 = vector.shape_cast %add3A_90 : vector<128x512xf32> to vector<1x128x512xf32>
    tpu.vector_store %arg16[%swap3A, %swap3A_91, %swap3A_92], %swap3A_95 {strides = array<i32>} : memref<1x128x512xf32, #tpu.memory_space<vmem>>, vector<1x128x512xf32>,
    return
  }
  func.func @transform_0(%arg0: i32, %arg1: i32) -> (i32, i32, i32) {
    %add3A = arith.constant 0 : i32
    %add3A_0 = arith.addi %add3A, %arg1 : i32
    %c0_i32 = arith.constant 0 : i32
    %c0_i32_1 = arith.constant 0 : i32
    return %arg0, %c0_i32, %add3A_0 : i32, i32, i32
  }
  func.func @transform_1(%arg0: i32, %arg1: i32) -> (i32, i32, i32) {
    %add3A = arith.constant 0 : i32
    %add3A_0 = arith.addi %add3A, %arg1 : i32
    %c0_i32 = arith.constant 0 : i32
    %c0_i32_1 = arith.constant 0 : i32
    return %arg0, %c0_i32, %add3A_0 : i32, i32, i32
  }
  func.func @transform_2(%arg0: i32, %arg1: i32) -> (i32, i32) {
    %mul3A = arith.constant 1 : i32
    %mul3A_0 = arith.muli %arg0, %mul3A : i32
    %add3A = arith.addi %mul3A_0, %arg1 : i32
    %c0_i32 = arith.constant 0 : i32
    %c0_i32_1 = arith.constant 0 : i32
    return %add3A, %c0_i32 : i32, i32
  }
  func.func @transform_3(%arg0: i32, %arg1: i32) -> (i32, i32, i32) {
    %add3A = arith.constant 0 : i32
    %add3A_0 = arith.addi %add3A, %arg1 : i32
    %c0_i32 = arith.constant 0 : i32
    %c0_i32_1 = arith.constant 0 : i32
    return %arg0, %add3A_0, %c0_i32 : i32, i32, i32
  }
  func.func @transform_4(%arg0: i32, %arg1: i32) -> (i32, i32) {
    %c0_i32 = arith.constant 0 : i32
    %c0_i32_0 = arith.constant 0 : i32
    %c0_i32_1 = arith.constant 0 : i32
    return %c0_i32, %c0_i32_0 : i32, i32
  }
  func.func @transform_5(%arg0: i32, %arg1: i32) -> (i32, i32) {
    %c0_i32 = arith.constant 0 : i32
    %c0_i32_0 = arith.constant 0 : i32
    %c0_i32_1 = arith.constant 0 : i32
    return %c0_i32, %c0_i32_0 : i32, i32
  }
  func.func @transform_6(%arg0: i32, %arg1: i32) -> (i32, i32) {
    %c0_i32 = arith.constant 0 : i32
    %c0_i32_0 = arith.constant 0 : i32
    %c0_i32_1 = arith.constant 0 : i32
    return %c0_i32, %c0_i32_0 : i32, i32
  }
  func.func @transform_7(%arg0: i32, %arg1: i32) -> (i32, i32) {
    %c0_i32 = arith.constant 0 : i32
    %c0_i32_0 = arith.constant 0 : i32
    %c0_i32_1 = arith.constant 0 : i32
    return %c0_i32, %c0_i32_0 : i32, i32
  }
  func.func @transform_8(%arg0: i32, %arg1: i32) -> (i32, i32) {
    %c0_i32 = arith.constant 0 : i32
    %c0_i32_0 = arith.constant 0 : i32
    %c0_i32_1 = arith.constant 0 : i32
    return %c0_i32, %c0_i32_0 : i32, i32
  }
  func.func @transform_9(%arg0: i32, %arg1: i32) -> (i32, i32) {
    %c0_i32 = arith.constant 0 : i32
    %c0_i32_0 = arith.constant 0 : i32
    %c0_i32_1 = arith.constant 0 : i32
    return %c0_i32, %c0_i32_0 : i32, i32
  }
  func.func @transform_10(%arg0: i32, %arg1: i32) -> (i32, i32) {
    %c0_i32 = arith.constant 0 : i32
    %c0_i32_0 = arith.constant 0 : i32
    %c0_i32_1 = arith.constant 0 : i32
    return %c0_i32, %c0_i32_0 : i32, i32
  }
  func.func @transform_11(%arg0: i32, %arg1: i32) -> (i32, i32) {
    %c0_i32 = arith.constant 0 : i32
    %c0_i32_0 = arith.constant 0 : i32
    %c0_i32_1 = arith.constant 0 : i32
    return %c0_i32, %c0_i32_0 : i32, i32
  }
  func.func @transform_12(%arg0: i32, %arg1: i32) -> (i32, i32) {
    %c0_i32 = arith.constant 0 : i32
    %c0_i32_0 = arith.constant 0 : i32
    %c0_i32_1 = arith.constant 0 : i32
    return %c0_i32, %c0_i32_0 : i32, i32
  }
  func.func @transform_13(%arg0: i32, %arg1: i32) -> (i32, i32) {
    %c0_i32 = arith.constant 0 : i32
    %c0_i32_0 = arith.constant 0 : i32
    %c0_i32_1 = arith.constant 0 : i32
    return %c0_i32, %c0_i32_0 : i32, i32
  }
  func.func @transform_14(%arg0: i32, %arg1: i32) -> (i32, i32, i32) {
    %c0_i32 = arith.constant 0 : i32
    %c0_i32_0 = arith.constant 0 : i32
    return %arg0, %c0_i32, %arg1 : i32, i32, i32
  }
}

</mosaic_0001>

<sc_bundles>
// kernel: kernel.19.cloned.1.call-start
scs
__scs_entry_jumppad:
0x0: {  	(pc) =	sbr.rel $0x88, $3  }
0x1: {  	(tag) =	ssettag $0x0;
	lr =	simm.s32 $0x1  }
0x2: {  	[smem:$0x3F7F] =	sst lr;
	_ =	strace $0xD0000000  }
0x3: {  	_ = 	snop  }
0x4: {  	_ = 	snop  }
0x5: {  	_ = 	snop  }
0x6: {  	_ = 	snop  }
0x7: {  	_ = 	snop  }
__scs_overlays_trampoline_lowered:
0x8: {  	[smem:$0x3F8E] =	sst s0  }
0x9: {  	[smem:$0x3F8F] =	sst s1  }
0xa: {  	[smem:$0x3F90] =	sst s2  }
0xb: {  	[smem:$0x3F91] =	sst s3  }
0xc: {  	[smem:$0x3F92] =	sst s4  }
0xd: {  	[smem:$0x3F93] =	sst s5  }
0xe: {  	[smem:$0x3F94] =	sst s6  }
0xf: {  	[smem:$0x3F95] =	sst s7  }
0x10: {  	[smem:$0x3F96] =	sst s8  }
0x11: {  	[smem:$0x3F97] =	sst s9;
	s0 =	simm.s32 @!p0 $0x0  }
0x12: {  	s1 =	sld [smem:$0x3F7D];
	s0 =	simm.s32 @p0 $0x1  }
0x13: {  	[smem:$0x3F98] =	sst s0;
	s0 =	simm.s32 @!p1 $0x0  }
0x14: {  	s2 =	sld [smem:$0x3F7C];
	s0 =	simm.s32 @p1 $0x1  }
0x15: {  	[smem:$0x3F99] =	sst s0;
	s0 =	simm.s32 @!p2 $0x0  }
0x16: {  	s3 =	sld [smem:$0x3FDB];
	s0 =	simm.s32 @p2 $0x1  }
0x17: {  	s4 =	simm.s32 $0x1BF5;
	[smem:$0x3F9B] =	sst s0  }
0x18: {  	s0 =	sld [smem:$0x3F7E];
	_ =	swait.ge [sflag:s4], $0x0  }
0x19: {  	s7 =	sld [smem:$0x3F7F]  }
0x1a: {  	s8 =	sadd.s32 $0xFFFFE003, lr  }
0x1b: {  	s9 =	sadd.s32 $0xFFFFFEF7, lr;
	s5 =	simm.s32 $0xFFFFFFFF;
	p2 =	slt.u32 s8, $0xFFFFF086  }
0x1c: {  	p1 =	slt.u32 s9, $0xF7A;
	s5 =	simm.s32 @!p2 $0x0  }
0x1d: {  	s5 =	simm.s32 @p1 $0x1;
	p0 =	seq.s32 s7, s2  }
0x1e: {  	s7 =	smul.u32 @!p0 $0xF7A, s2;
	p2 =	seq.s32 @!p0 s5, $0x0  }
0x1f: {  	s9 =	smul.u32 $0xF7A, s1;
	s8 =	simm.s32 @!p0 $0x1BF5;
	p2 =	por !p2, p0  }
0x20: {  	[sflag:s8] =	ssyncset.s32 @!p0 $0xFFFFF086;
	s6 =	sadd.s32 @!p0 s3, s7;
	s7 =	simm.s32 @!p0 $0x108  }
0x21: {  	s3 =	sadd.s32 s3, s9;
	s6 =	sadd.s32 @!p0 $0x88, s6;
	s7 =	simm.s32 @p2 $0x1082  }
0x22: {  	[simem:s7], [sflag:s8] =	dma.local @!p0 [hbm:s6], $0xF7A  }
0x23: {  	s9 =	sor.u32 $0xD0000000, s2;
	s6 =	simm.s32 $0x108;
	_ =	swait.ge @!p0 [sflag:s8], $0x0  }
0x24: {  	s3 =	sadd.s32 $0x88, s3;
	s6 =	simm.s32 @!p1 $0x1082;
	[sflag:s4] =	ssyncset.s32 $0xFFFFF086  }
0x25: {  	[simem:s6], [sflag:s4] =	dma.local [hbm:s3], $0xF7A  }
0x26: {  	[smem:$0x3F7F] =	sst s1;
	(tag) =	ssettag s2;
	_ =	strace s9  }
0x27: {  	s1 =	sld [smem:$0x3F8F]  }
0x28: {  	s2 =	sld [smem:$0x3F90]  }
0x29: {  	s4 =	sld [smem:$0x3F92]  }
0x2a: {  	p0 =	seq.s32 s5, $0x0;
	s5 =	sld [smem:$0x3F93]  }
0x2b: {  	s6 =	sld [smem:$0x3F94]  }
0x2c: {  	s7 =	sld [smem:$0x3F95]  }
0x2d: {  	s3 =	simm.s32 $0x108;
	s8 =	sld [smem:$0x3F96]  }
0x2e: {  	s3 =	simm.s32 @!p0 $0x1082;
	s9 =	sld [smem:$0x3F97]  }
0x2f: {  	lr =	sadd.s32 s0, s3;
	s0 =	sld [smem:$0x3F8E]  }
0x30: {  	s3 =	sld [smem:$0x3F91]  }
0x31: {  	[smem:$0x3F9A] =	sst s10  }
0x32: {  	s10 =	sld [smem:$0x3F98];
	_ =	sdelay $0x3  }
0x33: {  	p0 =	seq.s32 s10, $0x1;
	s10 =	sld [smem:$0x3F9A];
	_ =	sdelay $0x3  }
0x34: {  	[smem:$0x3F9A] =	sst s10  }
0x35: {  	s10 =	sld [smem:$0x3F99];
	_ =	sdelay $0x3  }
0x36: {  	p1 =	seq.s32 s10, $0x1;
	s10 =	sld [smem:$0x3F9A];
	_ =	sdelay $0x3  }
0x37: {  	[smem:$0x3F9A] =	sst s10  }
0x38: {  	s10 =	sld [smem:$0x3F9B]  }
0x39: {  	_ = 	snop;
	(pc) =	sbr.ind lr, $3  }
0x3a: {  	_ = 	snop  }
0x3b: {  	_ = 	snop  }
0x3c: {  	p2 =	seq.s32 s10, $0x1;
	s10 =	sld [smem:$0x3F9A]  }
0x3d: {  	_ =	shalt  }
0x3e: {  	_ =	shalt  }
0x3f: {  	_ =	shalt  }
0x40: {  	_ =	shalt  }
0x41: {  	_ =	shalt  }
0x42: {  	_ =	shalt  }
0x43: {  	_ =	shalt  }
0x44: {  	_ =	shalt  }
0x45: {  	_ =	shalt  }
0x46: {  	_ =	shalt  }
0x47: {  	_ =	shalt  }
0x48: {  	_ =	shalt  }
0x49: {  	_ =	shalt  }
0x4a: {  	_ =	shalt  }
0x4b: {  	_ =	shalt  }
0x4c: {  	_ =	shalt  }
0x4d: {  	_ =	shalt  }
0x4e: {  	_ =	shalt  }
0x4f: {  	_ =	shalt  }
0x50: {  	_ =	shalt  }
0x51: {  	_ =	shalt  }
0x52: {  	_ =	shalt  }
0x53: {  	_ =	shalt  }
0x54: {  	_ =	shalt  }
0x55: {  	_ =	shalt  }
0x56: {  	_ =	shalt  }
0x57: {  	_ =	shalt  }
0x58: {  	_ =	shalt  }
0x59: {  	_ =	shalt  }
0x5a: {  	_ =	shalt  }
0x5b: {  	_ =	shalt  }
0x5c: {  	_ =	shalt  }
0x5d: {  	_ =	shalt  }
0x5e: {  	_ =	shalt  }
0x5f: {  	_ =	shalt  }
0x60: {  	_ =	shalt  }
0x61: {  	_ =	shalt  }
0x62: {  	_ =	shalt  }
0x63: {  	_ =	shalt  }
0x64: {  	_ =	shalt  }
0x65: {  	_ =	shalt  }
0x66: {  	_ =	shalt  }
0x67: {  	_ =	shalt  }
0x68: {  	_ =	shalt  }
0x69: {  	_ =	shalt  }
0x6a: {  	_ =	shalt  }
0x6b: {  	_ =	shalt  }
0x6c: {  	_ =	shalt  }
0x6d: {  	_ =	shalt  }
0x6e: {  	_ =	shalt  }
0x6f: {  	_ =	shalt  }
0x70: {  	_ =	shalt  }
0x71: {  	_ =	shalt  }
0x72: {  	_ =	shalt  }
0x73: {  	_ =	shalt  }
0x74: {  	_ =	shalt  }
0x75: {  	_ =	shalt  }
0x76: {  	_ =	shalt  }
0x77: {  	_ =	shalt  }
0x78: {  	_ =	shalt  }
0x79: {  	_ =	shalt  }
0x7a: {  	_ =	shalt  }
0x7b: {  	_ =	shalt  }
0x7c: {  	_ =	shalt  }
0x7d: {  	_ =	shalt  }
0x7e: {  	_ =	shalt  }
0x7f: {  	_ =	shalt  }
0x80: {  	_ =	shalt  }
0x81: {  	_ =	shalt  }
0x82: {  	_ =	shalt  }
0x83: {  	_ =	shalt  }
0x84: {  	_ =	shalt  }
0x85: {  	_ =	shalt  }
0x86: {  	_ =	shalt  }
0x87: {  	_ =	shalt  }
.Lfunc_end0:
.L_simem_size_0:
called_computation_lowered:
.L_overlay_start_0:
0x88: {  	s2 =	sld [smem:$0x3FD9]  }
0x89: {  	s3 =	sld [smem:$0x3FFE];
	_ =	sdelay $0x1  }
0x8a: {  	s1 =	srdreg.scid  }
0x8b: {  	s0 =	sand.u32 $0x1, s1  }
0x8c: {  	s17 =	sshll.u32 s0, $0xA;
	s2 =	sadd.s32 s3, s2  }
0x8d: {  	s2 =	sadd.s32 s2, s17  }
0x8e: {  	[smem:$0x3FA6] =	sst s2  }
0x8f: {  	_ = 	snop  }
0x90: {  	(tm) =	ssettm $0x1  }
0x91: {  	s18 =	sld [smem:$0x3FFB];
	_ =	sdelay $0x3  }
0x92: {  	_ =	strace s18  }
0x93: {  	s2 =	sld [smem:$0x3FFC];
	_ =	sdelay $0x3  }
0x94: {  	_ =	strace s2  }
0x95: {  	s2 =	sld [smem:$0x3FFD];
	_ =	sdelay $0x3  }
0x96: {  	_ =	strace s2  }
0x97: {  	_ =	strace $0x8FFFFFFF  }
0x98: {  	s19 =	sld [smem:$0x3FDB];
	_ =	sdelay $0x1  }
0x99: {  	s20 =	simm.s32 $_scs_section_size  }
0x9a: {  	s4 =	simm.s32 $_size__tile_overlayer_lowered;
	s5 =	simm.s32 $_tile_overlayer_lowered  }
0x9b: {  	s6 =	simm.s32 $0x1BFF;
	s21 =	sshll.u32 s5, $0x1;
	s3 =	sadd.s32 s20, s19  }
0x9c: {  	s22 =	simm.s32 $0x0;
	s4 =	sshll.u32 s4, $0x1;
	s5 =	sadd.s32 s21, s3  }
0x9d: {  	[timem:s22], [sflag:s6] =	dma.local [hbm:s5], s4  }
0x9e: {  	_ =	swait.ge [sflag:s6], s4  }
0x9f: {  	s4 =	ssub.s32 $0x0, s4;
	[sflag:s6] =	ssyncset.done $0x0  }
0xa0: {  	[sflag:s6] =	ssyncadd.s32 s4;
	_ =	sdelay $0x1  }
0xa1: {  	s23 =	simm.s32 $0x1B8B  }
0xa2: {  	_ =	swait.ge [sflag:s23], $0x1  }
0xa3: {  	[sflag:s23] =	ssyncset.done $0x0  }
0xa4: {  	[sflag:s23] =	ssyncadd.s32 $0xFFFFFFFF  }
0xa5: {  	s4 =	sld [smem:$0x0]  }
0xa6: {  	s5 =	sand.u32 $0xFFFFFFFE, s1  }
0xa7: {  	p0 =	sne.s32 s1, s5  }
0xa8: {  	s5 =	sshll.u32 @p0 s5, $0xE  }
0xa9: {  	s5 =	sadd.s32 @p0 $0x11B8D, s5;
	s6 =	sshll.u32 @p0 s4, $0x11  }
0xaa: {  	s5 =	sor.u32 @p0 s6, s5  }
0xab: {  	[sflag:s5] =	ssyncadd.remote.s32 @p0 $0x1;
	_ =	sdelay $0x1  }
0xac: {  	s5 =	simm.s32 @p0 $0x1B8D  }
0xad: {  	_ =	swait.eq @p0 [sflag:s5], $0x1  }
0xae: {  	[sflag:s5] =	ssyncadd.s32 @p0 $0xFFFFFFFF  }
0xaf: {  	s6 =	sshll.u32 @!p0 s1, $0xE  }
0xb0: {  	s6 =	sor.u32 @!p0 $0x4000, s6;
	s5 =	simm.s32 @!p0 $0x1B8D  }
0xb1: {  	s4 =	sshll.u32 @!p0 s4, $0x11;
	s6 =	sadd.s32 @!p0 $0x11B8D, s6;
	_ =	swait.eq @!p0 [sflag:s5], $0x1  }
0xb2: {  	s4 =	sor.u32 @!p0 s4, s6;
	[sflag:s5] =	ssyncadd.s32 @!p0 $0xFFFFFFFF  }
0xb3: {  	s25 =	simm.s32 $0x1B8E;
	s24 =	sld [smem:$0x3FFE];
	[sflag:s4] =	ssyncadd.remote.s32 @!p0 $0x1  }
0xb4: {  	s26 =	simm.s32 $execute0_lowered;
	[smem:$0x3FD2] =	sst s25  }
0xb5: {  	s5 =	sshll.u32 s26, $0x1;
	_ =	strace $0x80000049;
	[dreg:$0x1] =	wrdreg $0xFFFFFFFF  }
0xb6: {  	s28 =	simm.s32 $_size_execute0_lowered;
	s3 =	sadd.s32 s3, s5;
	[dreg:$0x0] =	wrdreg $0x0  }
0xb7: {  	s5 =	sshll.u32 s28, $0x1;
	[dreg:$0x2] =	wrdreg s3  }
0xb8: {  	[dreg:$0x3] =	wrdreg s5  }
0xb9: {  	[dreg:$0x4] =	wrdreg $0xC0  }
0xba: {  	_ =	task [dreg:s22], $0x5FFFF  }
0xbb: {  	[dreg:$0x1] =	wrdreg $0xFFFFFFFF  }
0xbc: {  	[dreg:$0x0] =	wrdreg $0x60  }
0xbd: {  	[dreg:$0x2] =	wrdreg s24  }
0xbe: {  	[dreg:$0x3] =	wrdreg $0x9  }
0xbf: {  	_ =	task.clear_ibuf [dreg:s22], $0x4FFFF;
	_ =	strace $0x90000049  }
0xc0: {  	s29 =	simm.s32 $0x9;
	_ =	strace $0x8000004B  }
0xc1: {  	_ =	swait.ge [sflag:s29], $0x1  }
0xc2: {  	[sflag:s29] =	ssyncadd.s32 $0xFFFFFFFF  }
0xc3: {  	_ =	strace $0x9000004B  }
0xc4: {  	_ =	sfence  }
0xc5: {  	s30 =	sld [smem:$0x0];
	_ =	sdelay $0x2  }
0xc6: {  	s31 =	sshll.u32 s1, $0xD;
	s1 =	sshrl.u32 s1, $0x2  }
0xc7: {  	s4 =	sand.u32 $0x4000, s31;
	s1 =	sadd.s32 s1, s30  }
0xc8: {  	s0 =	sor.u32 s4, s0;
	s1 =	sshll.u32 s1, $0x11  }
0xc9: {  	s0 =	sor.u32 s1, s0  }
0xca: {  	s0 =	sadd.s32 $0x8F2B, s0  }
0xcb: {  	[sflag:s0] =	ssyncadd.remote.s32 $0x1  }
0xcc: {  	_ =	sfence.sel $0xFFFF  }
0xcd: {  	[dreg:$0x0] =	wrdreg $0xFFFFFFFF;
	(pc) =	sbr.abs _section_cstart, $3  }
0xce: {  	[dreg:$0x1] =	wrdreg $0xFFFFFFFF  }
0xcf: {  	_ =	task.clear_ibuf [dreg:s22], $0x2FFFF;
	_ =	strace $0x9FFFFFFF  }
0xd0: {  	(tm) =	ssettm $0x7FFFFFFF  }
0xd1: {  	_ =	shalt  }
tec
execute0_lowered:
.L_overlay_start_1:
0x0: {  	(tag) =	ssettag $0x1  }
0x1: {  	s4 =	rddreg [dreg:$0x0]  }
0x2: {  	s0 =	rddreg [dreg:$0x1];
	s2 =	simm.s32 $0x0;
	s3 =	srdreg.scid  }
0x3: {  	s1 =	stileid.u32;
	s10 =	simm.s32 $0x4200;
	s11 =	simm.s32 $0x100  }
0x4: {  	s12 =	simm.s32 $0x8200;
	s13 =	simm.s32 $0x180;
	s14 =	simm.s32 $0xC200  }
0x5: {  	s15 =	simm.s32 $0x1;
	s16 =	simm.s32 $0x0;
	[smem:$0x7FF] =	sst s2  }
0x6: {  	s5 =	sand.u32 $0x1, s3;
	s6 =	sshll.u32 s1, $0xD;
	s3 =	sadd.s32 $0x6D200, s4  }
0x7: {  	s8 =	sshll.u32 s1, $0x11;
	_ =	strace $0x8000004A;
	s7 =	sshll.u32 s5, $0xC  }
0x8: {  	s31 =	ssub.s32 $0x2, s5;
	s8 =	sadd.s32 s8, s4;
	s5 =	sshll.u32 s5, $0x10  }
0x9: {  	s6 =	sor.u32 s7, s6;
	s9 =	sshrl.u32 s31, $0x1;
	s5 =	sadd.s32 s5, s8  }
0xa: {  	s8 =	simm.s32 $0x80;
	s6 =	sshrl.u32 s6, $0x3;
	s7 =	ssub.s32 s31, s9  }
0xb: {  	s5 =	sadd.s32 $0x2E1200, s5;
	s9 =	simm.s32 $0x200;
	s6 =	sadd.s32 s6, s4  }
0xc: {  	s4 =	smax.u32 s7, $0x1;
	s7 =	simm.s32 $0x2;
	s6 =	sadd.s32 $0x2DD200, s6  }
.LBB2_1:
0xd: {  	s17 =	sadd.s32 $0x0, s6  }
0xe: {  	[tilespmem:s2], [sflag:$0x2] =	stream.linear.gather [hbm4b:s17+s2], $0x200, $0x38;
	[tilespmem:$0x10200] =	vst v63  }
0xf: {  	_ =	swait.ge [sflag:s7], $0x200  }
0x10: {  	[sflag:s7] =	ssyncset.done $0x0  }
0x11: {  	[sflag:s7] =	ssyncadd.s32 $0xFFFFFE00  }
0x12: {  	[tilespmem:s9], [sflag:$0x1] =	stream.indirect.gather [hbm4b:s3+s8], $0x80, s2, s8, $0xb8;
	[tilespmem:$0x10200] =	vst v63  }
0x13: {  	_ = 	snop  }
0x14: {  	[tilespmem:s10], [sflag:$0x1] =	stream.indirect.gather [hbm4b:s3+s8], $0x80, s8, s8, $0xb8;
	[tilespmem:$0x10200] =	vst v63  }
0x15: {  	_ = 	snop  }
0x16: {  	[tilespmem:s12], [sflag:$0x1] =	stream.indirect.gather [hbm4b:s3+s8], $0x80, s11, s8, $0xb8;
	[tilespmem:$0x10200] =	vst v63  }
0x17: {  	_ = 	snop  }
0x18: {  	[tilespmem:s14], [sflag:$0x1] =	stream.indirect.gather [hbm4b:s3+s8], $0x80, s13, s8, $0xb8;
	[tilespmem:$0x10200] =	vst v63  }
0x19: {  	_ =	swait.ge [sflag:s15], $0x4000  }
0x1a: {  	[sflag:s15] =	ssyncset.done $0x0  }
0x1b: {  	[sflag:s15] =	ssyncadd.s32 $0xFFFFC000  }
0x1c: {  	_ =	swait.ge [sflag:s15], $0x4000  }
0x1d: {  	[sflag:s15] =	ssyncset.done $0x0  }
0x1e: {  	[sflag:s15] =	ssyncadd.s32 $0xFFFFC000  }
0x1f: {  	_ =	swait.ge [sflag:s15], $0x4000  }
0x20: {  	[sflag:s15] =	ssyncset.done $0x0  }
0x21: {  	[sflag:s15] =	ssyncadd.s32 $0xFFFFC000  }
0x22: {  	_ =	swait.ge [sflag:s15], $0x4000  }
0x23: {  	[sflag:s15] =	ssyncset.done $0x0  }
0x24: {  	[sflag:s15] =	ssyncadd.s32 $0xFFFFC000  }
0x25: {  	[hbm4b:s5+s2] =	stream.linear.scatter [tilespmem:s9], [sflag:$0x2], $0x10000, $0x38;
	[tilespmem:$0x10200] =	vst v63  }
0x26: {  	s18 =	simm.s32 $0x40;
	_ =	swait.ge [sflag:s7], $0x10000  }
0x27: {  	s19 =	simm.s32 $0x80;
	s17 =	sadd.s32 $0x2000, s5;
	[sflag:s7] =	ssyncset.done $0x0  }
.LBB2_2:
0x28: {  	s20 =	sadd.s32 s18, s6  }
0x29: {  	[sflag:s7] =	ssyncadd.s32 $0xFFFF0000;
	s18 =	smov.u32 s19;
	s21 =	sadd.s32 $0x40, s19  }
0x2a: {  	[tilespmem:s2], [sflag:$0x2] =	stream.linear.gather [hbm4b:s20+s2], $0x200, $0x38;
	[tilespmem:$0x10200] =	vst v63  }
0x2b: {  	p0 =	sne.s32 s19, $0x1C0;
	_ =	swait.ge [sflag:s7], $0x200  }
0x2c: {  	[sflag:s7] =	ssyncset.done $0x0  }
0x2d: {  	[sflag:s7] =	ssyncadd.s32 $0xFFFFFE00  }
0x2e: {  	[tilespmem:s9], [sflag:$0x1] =	stream.indirect.gather [hbm4b:s3+s8], $0x80, s2, s8, $0xb8;
	[tilespmem:$0x10200] =	vst v63  }
0x2f: {  	_ = 	snop  }
0x30: {  	[tilespmem:s10], [sflag:$0x1] =	stream.indirect.gather [hbm4b:s3+s8], $0x80, s8, s8, $0xb8;
	[tilespmem:$0x10200] =	vst v63  }
0x31: {  	_ = 	snop  }
0x32: {  	[tilespmem:s12], [sflag:$0x1] =	stream.indirect.gather [hbm4b:s3+s8], $0x80, s11, s8, $0xb8;
	[tilespmem:$0x10200] =	vst v63  }
0x33: {  	_ = 	snop  }
0x34: {  	[tilespmem:s14], [sflag:$0x1] =	stream.indirect.gather [hbm4b:s3+s8], $0x80, s13, s8, $0xb8;
	[tilespmem:$0x10200] =	vst v63  }
0x35: {  	_ =	swait.ge [sflag:s15], $0x4000  }
0x36: {  	[sflag:s15] =	ssyncset.done $0x0  }
0x37: {  	[sflag:s15] =	ssyncadd.s32 $0xFFFFC000  }
0x38: {  	_ =	swait.ge [sflag:s15], $0x4000  }
0x39: {  	[sflag:s15] =	ssyncset.done $0x0  }
0x3a: {  	[sflag:s15] =	ssyncadd.s32 $0xFFFFC000  }
0x3b: {  	_ =	swait.ge [sflag:s15], $0x4000  }
0x3c: {  	[sflag:s15] =	ssyncset.done $0x0  }
0x3d: {  	[sflag:s15] =	ssyncadd.s32 $0xFFFFC000  }
0x3e: {  	_ =	swait.ge [sflag:s15], $0x4000  }
.Ltmp0:
0x3f: {  	[sflag:s15] =	ssyncset.done $0x0;
	(pc) =	sbr.rel @p0 .LBB2_2-.Ltmp0, $4  }
0x40: {  	[sflag:s15] =	ssyncadd.s32 $0xFFFFC000  }
0x41: {  	[hbm4b:s17+s2] =	stream.linear.scatter [tilespmem:s9], [sflag:$0x2], $0x10000, $0x38;
	[tilespmem:$0x10200] =	vst v63  }
0x42: {  	_ =	swait.ge [sflag:s7], $0x10000  }
0x43: {  	s19 =	smov.u32 s21;
	s17 =	sadd.s32 $0x2000, s17;
	[sflag:s7] =	ssyncset.done $0x0  }
0x44: {  	s18 =	sadd.s32 s18, s6;
	[sflag:s7] =	ssyncadd.s32 $0xFFFF0000  }
0x45: {  	[tilespmem:s2], [sflag:$0x2] =	stream.linear.gather [hbm4b:s18+s2], $0x200, $0x38;
	[tilespmem:$0x10200] =	vst v63  }
0x46: {  	_ =	swait.ge [sflag:s7], $0x200  }
0x47: {  	[sflag:s7] =	ssyncset.done $0x0  }
0x48: {  	[sflag:s7] =	ssyncadd.s32 $0xFFFFFE00  }
0x49: {  	[tilespmem:s9], [sflag:$0x1] =	stream.indirect.gather [hbm4b:s3+s8], $0x80, s2, s8, $0xb8;
	[tilespmem:$0x10200] =	vst v63  }
0x4a: {  	_ = 	snop  }
0x4b: {  	[tilespmem:s10], [sflag:$0x1] =	stream.indirect.gather [hbm4b:s3+s8], $0x80, s8, s8, $0xb8;
	[tilespmem:$0x10200] =	vst v63  }
0x4c: {  	_ = 	snop  }
0x4d: {  	[tilespmem:s12], [sflag:$0x1] =	stream.indirect.gather [hbm4b:s3+s8], $0x80, s11, s8, $0xb8;
	[tilespmem:$0x10200] =	vst v63  }
0x4e: {  	_ = 	snop  }
0x4f: {  	[tilespmem:s14], [sflag:$0x1] =	stream.indirect.gather [hbm4b:s3+s8], $0x80, s13, s8, $0xb8;
	[tilespmem:$0x10200] =	vst v63  }
0x50: {  	_ =	swait.ge [sflag:s15], $0x4000  }
0x51: {  	[sflag:s15] =	ssyncset.done $0x0  }
0x52: {  	[sflag:s15] =	ssyncadd.s32 $0xFFFFC000  }
0x53: {  	_ =	swait.ge [sflag:s15], $0x4000  }
0x54: {  	[sflag:s15] =	ssyncset.done $0x0  }
0x55: {  	[sflag:s15] =	ssyncadd.s32 $0xFFFFC000  }
0x56: {  	_ =	swait.ge [sflag:s15], $0x4000  }
0x57: {  	[sflag:s15] =	ssyncset.done $0x0  }
0x58: {  	[sflag:s15] =	ssyncadd.s32 $0xFFFFC000  }
0x59: {  	s16 =	sadd.s32 $0x1, s16;
	_ =	swait.ge [sflag:s15], $0x4000  }
0x5a: {  	p0 =	sne.s32 s16, s4;
	[sflag:s15] =	ssyncset.done $0x0  }
.Ltmp1:
0x5b: {  	[sflag:s15] =	ssyncadd.s32 $0xFFFFC000;
	(pc) =	sbr.rel @p0 .LBB2_1-.Ltmp1, $4  }
0x5c: {  	[hbm4b:s17+s2] =	stream.linear.scatter [tilespmem:s9], [sflag:$0x2], $0x10000, $0x38;
	[tilespmem:$0x10200] =	vst v63  }
0x5d: {  	_ =	swait.ge [sflag:s7], $0x10000  }
0x5e: {  	[sflag:s7] =	ssyncset.done $0x0  }
0x5f: {  	[sflag:s7] =	ssyncadd.s32 $0xFFFF0000  }
0x60: {  	_ =	sfence.sel $0x180000  }
0x61: {  	[bflag:$0x0] =	sbarrier.arrive $0xFFFF  }
0x62: {  	p0 =	sne.s32 s1, $0x0;
	_ =	strace $0x9000004A  }
0x63: {  	s0 =	sadd.s32 @!p0 $0x100000, s0;
	[bflag:$0x2] =	sbarrier.arrive $0xFFFF  }
0x64: {  	[sflag:s0] =	ssyncadd.tile.s32 @!p0 $0x1;
	_ =	shalt  }
.Lfunc_end2:
_tile_overlayer_lowered:
.L_overlay_start_2:
0x65: {  	(tag) =	ssettag $0x2  }
0x66: {  	s0 =	rddreg [dreg:$0x0];
	s2 =	stileid.u32  }
0x67: {  	s1 =	rddreg [dreg:$0x1];
	p0 =	sne.s32 s2, $0x0  }
0x68: {  	s3 =	rddreg [dreg:$0x2];
	[bflag:$0x3] =	sbarrier.arrive $0xFFFF;
	s2 =	simm.s32 @!p0 $0x1C02  }
0x69: {  	[timem:s3], [sflag:s2] =	dma.local @!p0 [hbm:s0], s1  }
0x6a: {  	s0 =	simm.s32 @!p0 $0x2  }
0x6b: {  	_ =	swait.ge @!p0 [sflag:s0], s1  }
0x6c: {  	s1 =	ssub.s32 @!p0 $0x0, s1;
	[sflag:s0] =	ssyncset.done @!p0 $0x0  }
0x6d: {  	[sflag:s0] =	ssyncadd.s32 @!p0 s1  }
0x6e: {  	[bflag:$0x3] =	sbarrier.arrive $0xFFFF  }
0x6f: {  	_ =	shalt  }

// kernel: kernel.22.cloned.1.call-start
scs
__scs_entry_jumppad:
0x0: {  	(pc) =	sbr.rel $0x88, $3  }
0x1: {  	(tag) =	ssettag $0x0;
	lr =	simm.s32 $0x1  }
0x2: {  	[smem:$0x3F7F] =	sst lr;
	_ =	strace $0xD0000000  }
0x3: {  	_ = 	snop  }
0x4: {  	_ = 	snop  }
0x5: {  	_ = 	snop  }
0x6: {  	_ = 	snop  }
0x7: {  	_ = 	snop  }
__scs_overlays_trampoline_lowered:
0x8: {  	[smem:$0x3F8E] =	sst s0  }
0x9: {  	[smem:$0x3F8F] =	sst s1  }
0xa: {  	[smem:$0x3F90] =	sst s2  }
0xb: {  	[smem:$0x3F91] =	sst s3  }
0xc: {  	[smem:$0x3F92] =	sst s4  }
0xd: {  	[smem:$0x3F93] =	sst s5  }
0xe: {  	[smem:$0x3F94] =	sst s6  }
0xf: {  	[smem:$0x3F95] =	sst s7  }
0x10: {  	[smem:$0x3F96] =	sst s8  }
0x11: {  	[smem:$0x3F97] =	sst s9;
	s0 =	simm.s32 @!p0 $0x0  }
0x12: {  	s1 =	sld [smem:$0x3F7D];
	s0 =	simm.s32 @p0 $0x1  }
0x13: {  	[smem:$0x3F98] =	sst s0;
	s0 =	simm.s32 @!p1 $0x0  }
0x14: {  	s2 =	sld [smem:$0x3F7C];
	s0 =	simm.s32 @p1 $0x1  }
0x15: {  	[smem:$0x3F99] =	sst s0;
	s0 =	simm.s32 @!p2 $0x0  }
0x16: {  	s3 =	sld [smem:$0x3FDB];
	s0 =	simm.s32 @p2 $0x1  }
0x17: {  	s4 =	simm.s32 $0x1BF5;
	[smem:$0x3F9B] =	sst s0  }
0x18: {  	s0 =	sld [smem:$0x3F7E];
	_ =	swait.ge [sflag:s4], $0x0  }
0x19: {  	s7 =	sld [smem:$0x3F7F]  }
0x1a: {  	s8 =	sadd.s32 $0xFFFFE003, lr  }
0x1b: {  	s9 =	sadd.s32 $0xFFFFFEF7, lr;
	s5 =	simm.s32 $0xFFFFFFFF;
	p2 =	slt.u32 s8, $0xFFFFF086  }
0x1c: {  	p1 =	slt.u32 s9, $0xF7A;
	s5 =	simm.s32 @!p2 $0x0  }
0x1d: {  	s5 =	simm.s32 @p1 $0x1;
	p0 =	seq.s32 s7, s2  }
0x1e: {  	s7 =	smul.u32 @!p0 $0xF7A, s2;
	p2 =	seq.s32 @!p0 s5, $0x0  }
0x1f: {  	s9 =	smul.u32 $0xF7A, s1;
	s8 =	simm.s32 @!p0 $0x1BF5;
	p2 =	por !p2, p0  }
0x20: {  	[sflag:s8] =	ssyncset.s32 @!p0 $0xFFFFF086;
	s6 =	sadd.s32 @!p0 s3, s7;
	s7 =	simm.s32 @!p0 $0x108  }
0x21: {  	s3 =	sadd.s32 s3, s9;
	s6 =	sadd.s32 @!p0 $0x88, s6;
	s7 =	simm.s32 @p2 $0x1082  }
0x22: {  	[simem:s7], [sflag:s8] =	dma.local @!p0 [hbm:s6], $0xF7A  }
0x23: {  	s9 =	sor.u32 $0xD0000000, s2;
	s6 =	simm.s32 $0x108;
	_ =	swait.ge @!p0 [sflag:s8], $0x0  }
0x24: {  	s3 =	sadd.s32 $0x88, s3;
	s6 =	simm.s32 @!p1 $0x1082;
	[sflag:s4] =	ssyncset.s32 $0xFFFFF086  }
0x25: {  	[simem:s6], [sflag:s4] =	dma.local [hbm:s3], $0xF7A  }
0x26: {  	[smem:$0x3F7F] =	sst s1;
	(tag) =	ssettag s2;
	_ =	strace s9  }
0x27: {  	s1 =	sld [smem:$0x3F8F]  }
0x28: {  	s2 =	sld [smem:$0x3F90]  }
0x29: {  	s4 =	sld [smem:$0x3F92]  }
0x2a: {  	p0 =	seq.s32 s5, $0x0;
	s5 =	sld [smem:$0x3F93]  }
0x2b: {  	s6 =	sld [smem:$0x3F94]  }
0x2c: {  	s7 =	sld [smem:$0x3F95]  }
0x2d: {  	s3 =	simm.s32 $0x108;
	s8 =	sld [smem:$0x3F96]  }
0x2e: {  	s3 =	simm.s32 @!p0 $0x1082;
	s9 =	sld [smem:$0x3F97]  }
0x2f: {  	lr =	sadd.s32 s0, s3;
	s0 =	sld [smem:$0x3F8E]  }
0x30: {  	s3 =	sld [smem:$0x3F91]  }
0x31: {  	[smem:$0x3F9A] =	sst s10  }
0x32: {  	s10 =	sld [smem:$0x3F98];
	_ =	sdelay $0x3  }
0x33: {  	p0 =	seq.s32 s10, $0x1;
	s10 =	sld [smem:$0x3F9A];
	_ =	sdelay $0x3  }
0x34: {  	[smem:$0x3F9A] =	sst s10  }
0x35: {  	s10 =	sld [smem:$0x3F99];
	_ =	sdelay $0x3  }
0x36: {  	p1 =	seq.s32 s10, $0x1;
	s10 =	sld [smem:$0x3F9A];
	_ =	sdelay $0x3  }
0x37: {  	[smem:$0x3F9A] =	sst s10  }
0x38: {  	s10 =	sld [smem:$0x3F9B]  }
0x39: {  	_ = 	snop;
	(pc) =	sbr.ind lr, $3  }
0x3a: {  	_ = 	snop  }
0x3b: {  	_ = 	snop  }
0x3c: {  	p2 =	seq.s32 s10, $0x1;
	s10 =	sld [smem:$0x3F9A]  }
0x3d: {  	_ =	shalt  }
0x3e: {  	_ =	shalt  }
0x3f: {  	_ =	shalt  }
0x40: {  	_ =	shalt  }
0x41: {  	_ =	shalt  }
0x42: {  	_ =	shalt  }
0x43: {  	_ =	shalt  }
0x44: {  	_ =	shalt  }
0x45: {  	_ =	shalt  }
0x46: {  	_ =	shalt  }
0x47: {  	_ =	shalt  }
0x48: {  	_ =	shalt  }
0x49: {  	_ =	shalt  }
0x4a: {  	_ =	shalt  }
0x4b: {  	_ =	shalt  }
0x4c: {  	_ =	shalt  }
0x4d: {  	_ =	shalt  }
0x4e: {  	_ =	shalt  }
0x4f: {  	_ =	shalt  }
0x50: {  	_ =	shalt  }
0x51: {  	_ =	shalt  }
0x52: {  	_ =	shalt  }
0x53: {  	_ =	shalt  }
0x54: {  	_ =	shalt  }
0x55: {  	_ =	shalt  }
0x56: {  	_ =	shalt  }
0x57: {  	_ =	shalt  }
0x58: {  	_ =	shalt  }
0x59: {  	_ =	shalt  }
0x5a: {  	_ =	shalt  }
0x5b: {  	_ =	shalt  }
0x5c: {  	_ =	shalt  }
0x5d: {  	_ =	shalt  }
0x5e: {  	_ =	shalt  }
0x5f: {  	_ =	shalt  }
0x60: {  	_ =	shalt  }
0x61: {  	_ =	shalt  }
0x62: {  	_ =	shalt  }
0x63: {  	_ =	shalt  }
0x64: {  	_ =	shalt  }
0x65: {  	_ =	shalt  }
0x66: {  	_ =	shalt  }
0x67: {  	_ =	shalt  }
0x68: {  	_ =	shalt  }
0x69: {  	_ =	shalt  }
0x6a: {  	_ =	shalt  }
0x6b: {  	_ =	shalt  }
0x6c: {  	_ =	shalt  }
0x6d: {  	_ =	shalt  }
0x6e: {  	_ =	shalt  }
0x6f: {  	_ =	shalt  }
0x70: {  	_ =	shalt  }
0x71: {  	_ =	shalt  }
0x72: {  	_ =	shalt  }
0x73: {  	_ =	shalt  }
0x74: {  	_ =	shalt  }
0x75: {  	_ =	shalt  }
0x76: {  	_ =	shalt  }
0x77: {  	_ =	shalt  }
0x78: {  	_ =	shalt  }
0x79: {  	_ =	shalt  }
0x7a: {  	_ =	shalt  }
0x7b: {  	_ =	shalt  }
0x7c: {  	_ =	shalt  }
0x7d: {  	_ =	shalt  }
0x7e: {  	_ =	shalt  }
0x7f: {  	_ =	shalt  }
0x80: {  	_ =	shalt  }
0x81: {  	_ =	shalt  }
0x82: {  	_ =	shalt  }
0x83: {  	_ =	shalt  }
0x84: {  	_ =	shalt  }
0x85: {  	_ =	shalt  }
0x86: {  	_ =	shalt  }
0x87: {  	_ =	shalt  }
.Lfunc_end0:
.L_simem_size_0:
called_computation.1_lowered:
.L_overlay_start_0:
0x88: {  	s2 =	sld [smem:$0x3FD9]  }
0x89: {  	s3 =	sld [smem:$0x3FFE];
	_ =	sdelay $0x1  }
0x8a: {  	s1 =	srdreg.scid  }
0x8b: {  	s0 =	sand.u32 $0x1, s1  }
0x8c: {  	s16 =	sshll.u32 s0, $0xA;
	s2 =	sadd.s32 s3, s2  }
0x8d: {  	s2 =	sadd.s32 s2, s16  }
0x8e: {  	[smem:$0x3FA6] =	sst s2  }
0x8f: {  	_ = 	snop  }
0x90: {  	(tm) =	ssettm $0x1  }
0x91: {  	s17 =	sld [smem:$0x3FFB];
	_ =	sdelay $0x3  }
0x92: {  	_ =	strace s17  }
0x93: {  	s2 =	sld [smem:$0x3FFC];
	_ =	sdelay $0x3  }
0x94: {  	_ =	strace s2  }
0x95: {  	s2 =	sld [smem:$0x3FFD];
	_ =	sdelay $0x3  }
0x96: {  	_ =	strace s2  }
0x97: {  	_ =	strace $0x8FFFFFFF  }
0x98: {  	s18 =	sld [smem:$0x3FDB];
	_ =	sdelay $0x1  }
0x99: {  	s19 =	simm.s32 $_scs_section_size  }
0x9a: {  	s4 =	simm.s32 $_size__tile_overlayer_lowered;
	s5 =	simm.s32 $_tile_overlayer_lowered  }
0x9b: {  	s22 =	simm.s32 $0x1BFF;
	s21 =	sshll.u32 s5, $0x1;
	s2 =	sadd.s32 s19, s18  }
0x9c: {  	s6 =	simm.s32 $0x0;
	s20 =	sshll.u32 s4, $0x1;
	s4 =	sadd.s32 s21, s2  }
0x9d: {  	[timem:s6], [sflag:s22] =	dma.local [hbm:s4], s20  }
0x9e: {  	_ =	swait.ge [sflag:s22], s20  }
0x9f: {  	s3 =	ssub.s32 $0x0, s20;
	[sflag:s22] =	ssyncset.done $0x0  }
0xa0: {  	[sflag:s22] =	ssyncadd.s32 s3;
	_ =	sdelay $0x1  }
0xa1: {  	s23 =	simm.s32 $0x1B8B  }
0xa2: {  	_ =	swait.ge [sflag:s23], $0x1  }
0xa3: {  	[sflag:s23] =	ssyncset.done $0x0  }
0xa4: {  	s25 =	simm.s32 $0x1B8E;
	s24 =	sld [smem:$0x3FFE];
	[sflag:s23] =	ssyncadd.s32 $0xFFFFFFFF  }
0xa5: {  	s26 =	simm.s32 $execute0_lowered;
	[smem:$0x3FD2] =	sst s25  }
0xa6: {  	s4 =	sshll.u32 s26, $0x1;
	_ =	strace $0x80000046;
	[dreg:$0x1] =	wrdreg $0xFFFFFFFF  }
0xa7: {  	s28 =	simm.s32 $_size_execute0_lowered;
	s2 =	sadd.s32 s2, s4;
	[dreg:$0x0] =	wrdreg $0x0  }
0xa8: {  	s4 =	sshll.u32 s28, $0x1;
	[dreg:$0x2] =	wrdreg s2  }
0xa9: {  	[dreg:$0x3] =	wrdreg s4  }
0xaa: {  	[dreg:$0x4] =	wrdreg $0xC0  }
0xab: {  	_ =	task [dreg:s6], $0x5FFFF  }
0xac: {  	[dreg:$0x1] =	wrdreg $0xFFFFFFFF  }
0xad: {  	[dreg:$0x0] =	wrdreg $0x60  }
0xae: {  	[dreg:$0x2] =	wrdreg s24  }
0xaf: {  	[dreg:$0x3] =	wrdreg $0xA  }
0xb0: {  	_ =	task.clear_ibuf [dreg:s6], $0x4FFFF;
	_ =	strace $0x90000046  }
0xb1: {  	s29 =	simm.s32 $0xA;
	_ =	strace $0x80000048  }
0xb2: {  	_ =	swait.ge [sflag:s29], $0x1  }
0xb3: {  	[sflag:s29] =	ssyncadd.s32 $0xFFFFFFFF  }
0xb4: {  	_ =	strace $0x90000048  }
0xb5: {  	_ =	sfence  }
0xb6: {  	s30 =	sld [smem:$0x0];
	_ =	sdelay $0x2  }
0xb7: {  	s31 =	sshll.u32 s1, $0xD;
	s1 =	sshrl.u32 s1, $0x2  }
0xb8: {  	s3 =	sand.u32 $0x4000, s31;
	s1 =	sadd.s32 s1, s30  }
0xb9: {  	s0 =	sor.u32 s3, s0;
	s1 =	sshll.u32 s1, $0x11  }
0xba: {  	s0 =	sor.u32 s1, s0  }
0xbb: {  	s0 =	sadd.s32 $0x8F2B, s0  }
0xbc: {  	[sflag:s0] =	ssyncadd.remote.s32 $0x1  }
0xbd: {  	_ =	sfence.sel $0xFFFF  }
0xbe: {  	[dreg:$0x0] =	wrdreg $0xFFFFFFFF;
	(pc) =	sbr.abs _section_cstart, $3  }
0xbf: {  	[dreg:$0x1] =	wrdreg $0xFFFFFFFF  }
0xc0: {  	_ =	task.clear_ibuf [dreg:s6], $0x2FFFF;
	_ =	strace $0x9FFFFFFF  }
0xc1: {  	(tm) =	ssettm $0x7FFFFFFF  }
tec
execute0_lowered:
.L_overlay_start_1:
0x0: {  	(tag) =	ssettag $0x1  }
0x1: {  	s4 =	rddreg [dreg:$0x0]  }
0x2: {  	s0 =	rddreg [dreg:$0x1];
	s2 =	simm.s32 $0x0;
	s3 =	srdreg.scid  }
0x3: {  	s1 =	stileid.u32;
	s10 =	simm.s32 $0x4200;
	s11 =	simm.s32 $0x100  }
0x4: {  	s12 =	simm.s32 $0x8200;
	s13 =	simm.s32 $0x180;
	s14 =	simm.s32 $0xC200  }
0x5: {  	s15 =	simm.s32 $0x1;
	s16 =	simm.s32 $0x0;
	[smem:$0x7FF] =	sst s2  }
0x6: {  	s5 =	sand.u32 $0x1, s3;
	s6 =	sshll.u32 s1, $0xD;
	s3 =	sadd.s32 $0x6D200, s4  }
0x7: {  	s8 =	sshll.u32 s1, $0x11;
	_ =	strace $0x80000047;
	s7 =	sshll.u32 s5, $0xC  }
0x8: {  	s31 =	ssub.s32 $0x2, s5;
	s8 =	sadd.s32 s8, s4;
	s5 =	sshll.u32 s5, $0x10  }
0x9: {  	s6 =	sor.u32 s7, s6;
	s9 =	sshrl.u32 s31, $0x1;
	s5 =	sadd.s32 s5, s8  }
0xa: {  	s8 =	simm.s32 $0x80;
	s6 =	sshrl.u32 s6, $0x3;
	s7 =	ssub.s32 s31, s9  }
0xb: {  	s5 =	sadd.s32 $0xBD200, s5;
	s9 =	simm.s32 $0x200;
	s6 =	sadd.s32 s6, s4  }
0xc: {  	s4 =	smax.u32 s7, $0x1;
	s7 =	simm.s32 $0x2;
	s6 =	sadd.s32 $0x29200, s6  }
.LBB2_1:
0xd: {  	s17 =	sadd.s32 $0x0, s6  }
0xe: {  	[tilespmem:s2], [sflag:$0x2] =	stream.linear.gather [hbm4b:s17+s2], $0x200, $0x38;
	[tilespmem:$0x10200] =	vst v63  }
0xf: {  	_ =	swait.ge [sflag:s7], $0x200  }
0x10: {  	[sflag:s7] =	ssyncset.done $0x0  }
0x11: {  	[sflag:s7] =	ssyncadd.s32 $0xFFFFFE00  }
0x12: {  	[tilespmem:s9], [sflag:$0x1] =	stream.indirect.gather [hbm4b:s3+s8], $0x80, s2, s8, $0xb8;
	[tilespmem:$0x10200] =	vst v63  }
0x13: {  	_ = 	snop  }
0x14: {  	[tilespmem:s10], [sflag:$0x1] =	stream.indirect.gather [hbm4b:s3+s8], $0x80, s8, s8, $0xb8;
	[tilespmem:$0x10200] =	vst v63  }
0x15: {  	_ = 	snop  }
0x16: {  	[tilespmem:s12], [sflag:$0x1] =	stream.indirect.gather [hbm4b:s3+s8], $0x80, s11, s8, $0xb8;
	[tilespmem:$0x10200] =	vst v63  }
0x17: {  	_ = 	snop  }
0x18: {  	[tilespmem:s14], [sflag:$0x1] =	stream.indirect.gather [hbm4b:s3+s8], $0x80, s13, s8, $0xb8;
	[tilespmem:$0x10200] =	vst v63  }
0x19: {  	_ =	swait.ge [sflag:s15], $0x4000  }
0x1a: {  	[sflag:s15] =	ssyncset.done $0x0  }
0x1b: {  	[sflag:s15] =	ssyncadd.s32 $0xFFFFC000  }
0x1c: {  	_ =	swait.ge [sflag:s15], $0x4000  }
0x1d: {  	[sflag:s15] =	ssyncset.done $0x0  }
0x1e: {  	[sflag:s15] =	ssyncadd.s32 $0xFFFFC000  }
0x1f: {  	_ =	swait.ge [sflag:s15], $0x4000  }
0x20: {  	[sflag:s15] =	ssyncset.done $0x0  }
0x21: {  	[sflag:s15] =	ssyncadd.s32 $0xFFFFC000  }
0x22: {  	_ =	swait.ge [sflag:s15], $0x4000  }
0x23: {  	[sflag:s15] =	ssyncset.done $0x0  }
0x24: {  	[sflag:s15] =	ssyncadd.s32 $0xFFFFC000  }
0x25: {  	[hbm4b:s5+s2] =	stream.linear.scatter [tilespmem:s9], [sflag:$0x2], $0x10000, $0x38;
	[tilespmem:$0x10200] =	vst v63  }
0x26: {  	s18 =	simm.s32 $0x40;
	_ =	swait.ge [sflag:s7], $0x10000  }
0x27: {  	s19 =	simm.s32 $0x80;
	s17 =	sadd.s32 $0x2000, s5;
	[sflag:s7] =	ssyncset.done $0x0  }
.LBB2_2:
0x28: {  	s20 =	sadd.s32 s18, s6  }
0x29: {  	[sflag:s7] =	ssyncadd.s32 $0xFFFF0000;
	s18 =	smov.u32 s19;
	s21 =	sadd.s32 $0x40, s19  }
0x2a: {  	[tilespmem:s2], [sflag:$0x2] =	stream.linear.gather [hbm4b:s20+s2], $0x200, $0x38;
	[tilespmem:$0x10200] =	vst v63  }
0x2b: {  	p0 =	sne.s32 s19, $0x1C0;
	_ =	swait.ge [sflag:s7], $0x200  }
0x2c: {  	[sflag:s7] =	ssyncset.done $0x0  }
0x2d: {  	[sflag:s7] =	ssyncadd.s32 $0xFFFFFE00  }
0x2e: {  	[tilespmem:s9], [sflag:$0x1] =	stream.indirect.gather [hbm4b:s3+s8], $0x80, s2, s8, $0xb8;
	[tilespmem:$0x10200] =	vst v63  }
0x2f: {  	_ = 	snop  }
0x30: {  	[tilespmem:s10], [sflag:$0x1] =	stream.indirect.gather [hbm4b:s3+s8], $0x80, s8, s8, $0xb8;
	[tilespmem:$0x10200] =	vst v63  }
0x31: {  	_ = 	snop  }
0x32: {  	[tilespmem:s12], [sflag:$0x1] =	stream.indirect.gather [hbm4b:s3+s8], $0x80, s11, s8, $0xb8;
	[tilespmem:$0x10200] =	vst v63  }
0x33: {  	_ = 	snop  }
0x34: {  	[tilespmem:s14], [sflag:$0x1] =	stream.indirect.gather [hbm4b:s3+s8], $0x80, s13, s8, $0xb8;
	[tilespmem:$0x10200] =	vst v63  }
0x35: {  	_ =	swait.ge [sflag:s15], $0x4000  }
0x36: {  	[sflag:s15] =	ssyncset.done $0x0  }
0x37: {  	[sflag:s15] =	ssyncadd.s32 $0xFFFFC000  }
0x38: {  	_ =	swait.ge [sflag:s15], $0x4000  }
0x39: {  	[sflag:s15] =	ssyncset.done $0x0  }
0x3a: {  	[sflag:s15] =	ssyncadd.s32 $0xFFFFC000  }
0x3b: {  	_ =	swait.ge [sflag:s15], $0x4000  }
0x3c: {  	[sflag:s15] =	ssyncset.done $0x0  }
0x3d: {  	[sflag:s15] =	ssyncadd.s32 $0xFFFFC000  }
0x3e: {  	_ =	swait.ge [sflag:s15], $0x4000  }
.Ltmp0:
0x3f: {  	[sflag:s15] =	ssyncset.done $0x0;
	(pc) =	sbr.rel @p0 .LBB2_2-.Ltmp0, $4  }
0x40: {  	[sflag:s15] =	ssyncadd.s32 $0xFFFFC000  }
0x41: {  	[hbm4b:s17+s2] =	stream.linear.scatter [tilespmem:s9], [sflag:$0x2], $0x10000, $0x38;
	[tilespmem:$0x10200] =	vst v63  }
0x42: {  	_ =	swait.ge [sflag:s7], $0x10000  }
0x43: {  	s19 =	smov.u32 s21;
	s17 =	sadd.s32 $0x2000, s17;
	[sflag:s7] =	ssyncset.done $0x0  }
0x44: {  	s18 =	sadd.s32 s18, s6;
	[sflag:s7] =	ssyncadd.s32 $0xFFFF0000  }
0x45: {  	[tilespmem:s2], [sflag:$0x2] =	stream.linear.gather [hbm4b:s18+s2], $0x200, $0x38;
	[tilespmem:$0x10200] =	vst v63  }
0x46: {  	_ =	swait.ge [sflag:s7], $0x200  }
0x47: {  	[sflag:s7] =	ssyncset.done $0x0  }
0x48: {  	[sflag:s7] =	ssyncadd.s32 $0xFFFFFE00  }
0x49: {  	[tilespmem:s9], [sflag:$0x1] =	stream.indirect.gather [hbm4b:s3+s8], $0x80, s2, s8, $0xb8;
	[tilespmem:$0x10200] =	vst v63  }
0x4a: {  	_ = 	snop  }
0x4b: {  	[tilespmem:s10], [sflag:$0x1] =	stream.indirect.gather [hbm4b:s3+s8], $0x80, s8, s8, $0xb8;
	[tilespmem:$0x10200] =	vst v63  }
0x4c: {  	_ = 	snop  }
0x4d: {  	[tilespmem:s12], [sflag:$0x1] =	stream.indirect.gather [hbm4b:s3+s8], $0x80, s11, s8, $0xb8;
	[tilespmem:$0x10200] =	vst v63  }
0x4e: {  	_ = 	snop  }
0x4f: {  	[tilespmem:s14], [sflag:$0x1] =	stream.indirect.gather [hbm4b:s3+s8], $0x80, s13, s8, $0xb8;
	[tilespmem:$0x10200] =	vst v63  }
0x50: {  	_ =	swait.ge [sflag:s15], $0x4000  }
0x51: {  	[sflag:s15] =	ssyncset.done $0x0  }
0x52: {  	[sflag:s15] =	ssyncadd.s32 $0xFFFFC000  }
0x53: {  	_ =	swait.ge [sflag:s15], $0x4000  }
0x54: {  	[sflag:s15] =	ssyncset.done $0x0  }
0x55: {  	[sflag:s15] =	ssyncadd.s32 $0xFFFFC000  }
0x56: {  	_ =	swait.ge [sflag:s15], $0x4000  }
0x57: {  	[sflag:s15] =	ssyncset.done $0x0  }
0x58: {  	[sflag:s15] =	ssyncadd.s32 $0xFFFFC000  }
0x59: {  	s16 =	sadd.s32 $0x1, s16;
	_ =	swait.ge [sflag:s15], $0x4000  }
0x5a: {  	p0 =	sne.s32 s16, s4;
	[sflag:s15] =	ssyncset.done $0x0  }
.Ltmp1:
0x5b: {  	[sflag:s15] =	ssyncadd.s32 $0xFFFFC000;
	(pc) =	sbr.rel @p0 .LBB2_1-.Ltmp1, $4  }
0x5c: {  	[hbm4b:s17+s2] =	stream.linear.scatter [tilespmem:s9], [sflag:$0x2], $0x10000, $0x38;
	[tilespmem:$0x10200] =	vst v63  }
0x5d: {  	_ =	swait.ge [sflag:s7], $0x10000  }
0x5e: {  	[sflag:s7] =	ssyncset.done $0x0  }
0x5f: {  	[sflag:s7] =	ssyncadd.s32 $0xFFFF0000  }
0x60: {  	_ =	sfence.sel $0x180000  }
0x61: {  	[bflag:$0x0] =	sbarrier.arrive $0xFFFF  }
0x62: {  	p0 =	sne.s32 s1, $0x0;
	_ =	strace $0x90000047  }
0x63: {  	s0 =	sadd.s32 @!p0 $0x100000, s0;
	[bflag:$0x2] =	sbarrier.arrive $0xFFFF  }
0x64: {  	[sflag:s0] =	ssyncadd.tile.s32 @!p0 $0x1;
	_ =	shalt  }
.Lfunc_end2:
_tile_overlayer_lowered:
.L_overlay_start_2:
0x65: {  	(tag) =	ssettag $0x2  }
0x66: {  	s0 =	rddreg [dreg:$0x0];
	s2 =	stileid.u32  }
0x67: {  	s1 =	rddreg [dreg:$0x1];
	p0 =	sne.s32 s2, $0x0  }
0x68: {  	s3 =	rddreg [dreg:$0x2];
	[bflag:$0x3] =	sbarrier.arrive $0xFFFF;
	s2 =	simm.s32 @!p0 $0x1C02  }
0x69: {  	[timem:s3], [sflag:s2] =	dma.local @!p0 [hbm:s0], s1  }
0x6a: {  	s0 =	simm.s32 @!p0 $0x2  }
0x6b: {  	_ =	swait.ge @!p0 [sflag:s0], s1  }
0x6c: {  	s1 =	ssub.s32 @!p0 $0x0, s1;
	[sflag:s0] =	ssyncset.done @!p0 $0x0  }
0x6d: {  	[sflag:s0] =	ssyncadd.s32 @!p0 s1  }
0x6e: {  	[bflag:$0x3] =	sbarrier.arrive $0xFFFF  }
0x6f: {  	_ =	shalt  }

// kernel: kernel.25.cloned.1.call-start
scs
__scs_entry_jumppad:
0x0: {  	(pc) =	sbr.rel $0x88, $3  }
0x1: {  	(tag) =	ssettag $0x0;
	lr =	simm.s32 $0x1  }
0x2: {  	[smem:$0x3F7F] =	sst lr;
	_ =	strace $0xD0000000  }
0x3: {  	_ = 	snop  }
0x4: {  	_ = 	snop  }
0x5: {  	_ = 	snop  }
0x6: {  	_ = 	snop  }
0x7: {  	_ = 	snop  }
__scs_overlays_trampoline_lowered:
0x8: {  	[smem:$0x3F8E] =	sst s0  }
0x9: {  	[smem:$0x3F8F] =	sst s1  }
0xa: {  	[smem:$0x3F90] =	sst s2  }
0xb: {  	[smem:$0x3F91] =	sst s3  }
0xc: {  	[smem:$0x3F92] =	sst s4  }
0xd: {  	[smem:$0x3F93] =	sst s5  }
0xe: {  	[smem:$0x3F94] =	sst s6  }
0xf: {  	[smem:$0x3F95] =	sst s7  }
0x10: {  	[smem:$0x3F96] =	sst s8  }
0x11: {  	[smem:$0x3F97] =	sst s9;
	s0 =	simm.s32 @!p0 $0x0  }
0x12: {  	s1 =	sld [smem:$0x3F7D];
	s0 =	simm.s32 @p0 $0x1  }
0x13: {  	[smem:$0x3F98] =	sst s0;
	s0 =	simm.s32 @!p1 $0x0  }
0x14: {  	s2 =	sld [smem:$0x3F7C];
	s0 =	simm.s32 @p1 $0x1  }
0x15: {  	[smem:$0x3F99] =	sst s0;
	s0 =	simm.s32 @!p2 $0x0  }
0x16: {  	s3 =	sld [smem:$0x3FDB];
	s0 =	simm.s32 @p2 $0x1  }
0x17: {  	s4 =	simm.s32 $0x1BF5;
	[smem:$0x3F9B] =	sst s0  }
0x18: {  	s0 =	sld [smem:$0x3F7E];
	_ =	swait.ge [sflag:s4], $0x0  }
0x19: {  	s7 =	sld [smem:$0x3F7F]  }
0x1a: {  	s8 =	sadd.s32 $0xFFFFE003, lr  }
0x1b: {  	s9 =	sadd.s32 $0xFFFFFEF7, lr;
	s5 =	simm.s32 $0xFFFFFFFF;
	p2 =	slt.u32 s8, $0xFFFFF086  }
0x1c: {  	p1 =	slt.u32 s9, $0xF7A;
	s5 =	simm.s32 @!p2 $0x0  }
0x1d: {  	s5 =	simm.s32 @p1 $0x1;
	p0 =	seq.s32 s7, s2  }
0x1e: {  	s7 =	smul.u32 @!p0 $0xF7A, s2;
	p2 =	seq.s32 @!p0 s5, $0x0  }
0x1f: {  	s9 =	smul.u32 $0xF7A, s1;
	s8 =	simm.s32 @!p0 $0x1BF5;
	p2 =	por !p2, p0  }
0x20: {  	[sflag:s8] =	ssyncset.s32 @!p0 $0xFFFFF086;
	s6 =	sadd.s32 @!p0 s3, s7;
	s7 =	simm.s32 @!p0 $0x108  }
0x21: {  	s3 =	sadd.s32 s3, s9;
	s6 =	sadd.s32 @!p0 $0x88, s6;
	s7 =	simm.s32 @p2 $0x1082  }
0x22: {  	[simem:s7], [sflag:s8] =	dma.local @!p0 [hbm:s6], $0xF7A  }
0x23: {  	s9 =	sor.u32 $0xD0000000, s2;
	s6 =	simm.s32 $0x108;
	_ =	swait.ge @!p0 [sflag:s8], $0x0  }
0x24: {  	s3 =	sadd.s32 $0x88, s3;
	s6 =	simm.s32 @!p1 $0x1082;
	[sflag:s4] =	ssyncset.s32 $0xFFFFF086  }
0x25: {  	[simem:s6], [sflag:s4] =	dma.local [hbm:s3], $0xF7A  }
0x26: {  	[smem:$0x3F7F] =	sst s1;
	(tag) =	ssettag s2;
	_ =	strace s9  }
0x27: {  	s1 =	sld [smem:$0x3F8F]  }
0x28: {  	s2 =	sld [smem:$0x3F90]  }
0x29: {  	s4 =	sld [smem:$0x3F92]  }
0x2a: {  	p0 =	seq.s32 s5, $0x0;
	s5 =	sld [smem:$0x3F93]  }
0x2b: {  	s6 =	sld [smem:$0x3F94]  }
0x2c: {  	s7 =	sld [smem:$0x3F95]  }
0x2d: {  	s3 =	simm.s32 $0x108;
	s8 =	sld [smem:$0x3F96]  }
0x2e: {  	s3 =	simm.s32 @!p0 $0x1082;
	s9 =	sld [smem:$0x3F97]  }
0x2f: {  	lr =	sadd.s32 s0, s3;
	s0 =	sld [smem:$0x3F8E]  }
0x30: {  	s3 =	sld [smem:$0x3F91]  }
0x31: {  	[smem:$0x3F9A] =	sst s10  }
0x32: {  	s10 =	sld [smem:$0x3F98];
	_ =	sdelay $0x3  }
0x33: {  	p0 =	seq.s32 s10, $0x1;
	s10 =	sld [smem:$0x3F9A];
	_ =	sdelay $0x3  }
0x34: {  	[smem:$0x3F9A] =	sst s10  }
0x35: {  	s10 =	sld [smem:$0x3F99];
	_ =	sdelay $0x3  }
0x36: {  	p1 =	seq.s32 s10, $0x1;
	s10 =	sld [smem:$0x3F9A];
	_ =	sdelay $0x3  }
0x37: {  	[smem:$0x3F9A] =	sst s10  }
0x38: {  	s10 =	sld [smem:$0x3F9B]  }
0x39: {  	_ = 	snop;
	(pc) =	sbr.ind lr, $3  }
0x3a: {  	_ = 	snop  }
0x3b: {  	_ = 	snop  }
0x3c: {  	p2 =	seq.s32 s10, $0x1;
	s10 =	sld [smem:$0x3F9A]  }
0x3d: {  	_ =	shalt  }
0x3e: {  	_ =	shalt  }
0x3f: {  	_ =	shalt  }
0x40: {  	_ =	shalt  }
0x41: {  	_ =	shalt  }
0x42: {  	_ =	shalt  }
0x43: {  	_ =	shalt  }
0x44: {  	_ =	shalt  }
0x45: {  	_ =	shalt  }
0x46: {  	_ =	shalt  }
0x47: {  	_ =	shalt  }
0x48: {  	_ =	shalt  }
0x49: {  	_ =	shalt  }
0x4a: {  	_ =	shalt  }
0x4b: {  	_ =	shalt  }
0x4c: {  	_ =	shalt  }
0x4d: {  	_ =	shalt  }
0x4e: {  	_ =	shalt  }
0x4f: {  	_ =	shalt  }
0x50: {  	_ =	shalt  }
0x51: {  	_ =	shalt  }
0x52: {  	_ =	shalt  }
0x53: {  	_ =	shalt  }
0x54: {  	_ =	shalt  }
0x55: {  	_ =	shalt  }
0x56: {  	_ =	shalt  }
0x57: {  	_ =	shalt  }
0x58: {  	_ =	shalt  }
0x59: {  	_ =	shalt  }
0x5a: {  	_ =	shalt  }
0x5b: {  	_ =	shalt  }
0x5c: {  	_ =	shalt  }
0x5d: {  	_ =	shalt  }
0x5e: {  	_ =	shalt  }
0x5f: {  	_ =	shalt  }
0x60: {  	_ =	shalt  }
0x61: {  	_ =	shalt  }
0x62: {  	_ =	shalt  }
0x63: {  	_ =	shalt  }
0x64: {  	_ =	shalt  }
0x65: {  	_ =	shalt  }
0x66: {  	_ =	shalt  }
0x67: {  	_ =	shalt  }
0x68: {  	_ =	shalt  }
0x69: {  	_ =	shalt  }
0x6a: {  	_ =	shalt  }
0x6b: {  	_ =	shalt  }
0x6c: {  	_ =	shalt  }
0x6d: {  	_ =	shalt  }
0x6e: {  	_ =	shalt  }
0x6f: {  	_ =	shalt  }
0x70: {  	_ =	shalt  }
0x71: {  	_ =	shalt  }
0x72: {  	_ =	shalt  }
0x73: {  	_ =	shalt  }
0x74: {  	_ =	shalt  }
0x75: {  	_ =	shalt  }
0x76: {  	_ =	shalt  }
0x77: {  	_ =	shalt  }
0x78: {  	_ =	shalt  }
0x79: {  	_ =	shalt  }
0x7a: {  	_ =	shalt  }
0x7b: {  	_ =	shalt  }
0x7c: {  	_ =	shalt  }
0x7d: {  	_ =	shalt  }
0x7e: {  	_ =	shalt  }
0x7f: {  	_ =	shalt  }
0x80: {  	_ =	shalt  }
0x81: {  	_ =	shalt  }
0x82: {  	_ =	shalt  }
0x83: {  	_ =	shalt  }
0x84: {  	_ =	shalt  }
0x85: {  	_ =	shalt  }
0x86: {  	_ =	shalt  }
0x87: {  	_ =	shalt  }
.Lfunc_end0:
.L_simem_size_0:
called_computation.2_lowered:
.L_overlay_start_0:
0x88: {  	s2 =	sld [smem:$0x3FD9]  }
0x89: {  	s3 =	sld [smem:$0x3FFE];
	_ =	sdelay $0x1  }
0x8a: {  	s1 =	srdreg.scid  }
0x8b: {  	s0 =	sand.u32 $0x1, s1  }
0x8c: {  	s17 =	sshll.u32 s0, $0xA;
	s2 =	sadd.s32 s3, s2  }
0x8d: {  	s2 =	sadd.s32 s2, s17  }
0x8e: {  	[smem:$0x3FA6] =	sst s2  }
0x8f: {  	_ = 	snop  }
0x90: {  	(tm) =	ssettm $0x1  }
0x91: {  	s18 =	sld [smem:$0x3FFB];
	_ =	sdelay $0x3  }
0x92: {  	_ =	strace s18  }
0x93: {  	s2 =	sld [smem:$0x3FFC];
	_ =	sdelay $0x3  }
0x94: {  	_ =	strace s2  }
0x95: {  	s2 =	sld [smem:$0x3FFD];
	_ =	sdelay $0x3  }
0x96: {  	_ =	strace s2  }
0x97: {  	_ =	strace $0x8FFFFFFF  }
0x98: {  	s19 =	sld [smem:$0x3FDB];
	_ =	sdelay $0x1  }
0x99: {  	s20 =	simm.s32 $_scs_section_size  }
0x9a: {  	s4 =	simm.s32 $_size__tile_overlayer_lowered;
	s5 =	simm.s32 $_tile_overlayer_lowered  }
0x9b: {  	s6 =	simm.s32 $0x1BFF;
	s21 =	sshll.u32 s5, $0x1;
	s3 =	sadd.s32 s20, s19  }
0x9c: {  	s22 =	simm.s32 $0x0;
	s4 =	sshll.u32 s4, $0x1;
	s5 =	sadd.s32 s21, s3  }
0x9d: {  	[timem:s22], [sflag:s6] =	dma.local [hbm:s5], s4  }
0x9e: {  	_ =	swait.ge [sflag:s6], s4  }
0x9f: {  	s4 =	ssub.s32 $0x0, s4;
	[sflag:s6] =	ssyncset.done $0x0  }
0xa0: {  	[sflag:s6] =	ssyncadd.s32 s4;
	_ =	sdelay $0x1  }
0xa1: {  	s23 =	simm.s32 $0x1B8B  }
0xa2: {  	_ =	swait.ge [sflag:s23], $0x1  }
0xa3: {  	[sflag:s23] =	ssyncset.done $0x0  }
0xa4: {  	[sflag:s23] =	ssyncadd.s32 $0xFFFFFFFF  }
0xa5: {  	s4 =	sld [smem:$0x0]  }
0xa6: {  	s5 =	sand.u32 $0xFFFFFFFE, s1  }
0xa7: {  	p0 =	sne.s32 s1, s5  }
0xa8: {  	s5 =	sshll.u32 @p0 s5, $0xE  }
0xa9: {  	s5 =	sadd.s32 @p0 $0x11B8D, s5;
	s6 =	sshll.u32 @p0 s4, $0x11  }
0xaa: {  	s5 =	sor.u32 @p0 s6, s5  }
0xab: {  	[sflag:s5] =	ssyncadd.remote.s32 @p0 $0x1;
	_ =	sdelay $0x1  }
0xac: {  	s5 =	simm.s32 @p0 $0x1B8D  }
0xad: {  	_ =	swait.eq @p0 [sflag:s5], $0x1  }
0xae: {  	[sflag:s5] =	ssyncadd.s32 @p0 $0xFFFFFFFF  }
0xaf: {  	s6 =	sshll.u32 @!p0 s1, $0xE  }
0xb0: {  	s6 =	sor.u32 @!p0 $0x4000, s6;
	s5 =	simm.s32 @!p0 $0x1B8D  }
0xb1: {  	s4 =	sshll.u32 @!p0 s4, $0x11;
	s6 =	sadd.s32 @!p0 $0x11B8D, s6;
	_ =	swait.eq @!p0 [sflag:s5], $0x1  }
0xb2: {  	s4 =	sor.u32 @!p0 s4, s6;
	[sflag:s5] =	ssyncadd.s32 @!p0 $0xFFFFFFFF  }
0xb3: {  	s25 =	simm.s32 $0x1B8E;
	s24 =	sld [smem:$0x3FFE];
	[sflag:s4] =	ssyncadd.remote.s32 @!p0 $0x1  }
0xb4: {  	s26 =	simm.s32 $execute0_lowered;
	[smem:$0x3FD2] =	sst s25  }
0xb5: {  	s5 =	sshll.u32 s26, $0x1;
	_ =	strace $0x80000055;
	[dreg:$0x1] =	wrdreg $0xFFFFFFFF  }
0xb6: {  	s28 =	simm.s32 $_size_execute0_lowered;
	s3 =	sadd.s32 s3, s5;
	[dreg:$0x0] =	wrdreg $0x0  }
0xb7: {  	s5 =	sshll.u32 s28, $0x1;
	[dreg:$0x2] =	wrdreg s3  }
0xb8: {  	[dreg:$0x3] =	wrdreg s5  }
0xb9: {  	[dreg:$0x4] =	wrdreg $0xC0  }
0xba: {  	_ =	task [dreg:s22], $0x5FFFF  }
0xbb: {  	[dreg:$0x1] =	wrdreg $0xFFFFFFFF  }
0xbc: {  	[dreg:$0x0] =	wrdreg $0x60  }
0xbd: {  	[dreg:$0x2] =	wrdreg s24  }
0xbe: {  	[dreg:$0x3] =	wrdreg $0x9  }
0xbf: {  	_ =	task.clear_ibuf [dreg:s22], $0x4FFFF;
	_ =	strace $0x90000055  }
0xc0: {  	s29 =	simm.s32 $0x9;
	_ =	strace $0x80000057  }
0xc1: {  	_ =	swait.ge [sflag:s29], $0x1  }
0xc2: {  	[sflag:s29] =	ssyncadd.s32 $0xFFFFFFFF  }
0xc3: {  	_ =	strace $0x90000057  }
0xc4: {  	_ =	sfence  }
0xc5: {  	s30 =	sld [smem:$0x0];
	_ =	sdelay $0x2  }
0xc6: {  	s31 =	sshll.u32 s1, $0xD;
	s1 =	sshrl.u32 s1, $0x2  }
0xc7: {  	s4 =	sand.u32 $0x4000, s31;
	s1 =	sadd.s32 s1, s30  }
0xc8: {  	s0 =	sor.u32 s4, s0;
	s1 =	sshll.u32 s1, $0x11  }
0xc9: {  	s0 =	sor.u32 s1, s0  }
0xca: {  	s0 =	sadd.s32 $0x8F2B, s0  }
0xcb: {  	[sflag:s0] =	ssyncadd.remote.s32 $0x1  }
0xcc: {  	_ =	sfence.sel $0xFFFF  }
0xcd: {  	[dreg:$0x0] =	wrdreg $0xFFFFFFFF;
	(pc) =	sbr.abs _section_cstart, $3  }
0xce: {  	[dreg:$0x1] =	wrdreg $0xFFFFFFFF  }
0xcf: {  	_ =	task.clear_ibuf [dreg:s22], $0x2FFFF;
	_ =	strace $0x9FFFFFFF  }
0xd0: {  	(tm) =	ssettm $0x7FFFFFFF  }
0xd1: {  	_ =	shalt  }
tec
execute0_lowered:
.L_overlay_start_1:
0x0: {  	(tag) =	ssettag $0x1  }
0x1: {  	s1 =	srdreg.scid  }
0x2: {  	s0 =	stileid.u32;
	s20 =	sand.u32 $0x1, s1  }
0x3: {  	s14 =	rddreg [dreg:$0x0];
	s3 =	sshll.u32 s0, $0xC;
	s4 =	sshll.u32 s20, $0xB  }
0x4: {  	s2 =	simm.s32 $0x0;
	s1 =	rddreg [dreg:$0x1];
	s21 =	sor.u32 s4, s3  }
0x5: {  	[smem:$0x7FF] =	sst s2;
	s19 =	sadd.s32 $0x1F200, s14;
	s3 =	sshrl.u32 s21, $0x3  }
0x6: {  	_ =	strace $0x80000056;
	s4 =	sadd.s32 s19, s3;
	s3 =	simm.s32 $0x2  }
0x7: {  	[tilespmem:s2], [sflag:$0x2] =	stream.linear.gather [hbm4b:s4+s2], $0x200, $0x38;
	[tilespmem:$0x10200] =	vst v63  }
0x8: {  	_ =	swait.ge [sflag:s3], $0x200  }
0x9: {  	s6 =	simm.s32 $0x80;
	[sflag:s3] =	ssyncset.done $0x0  }
0xa: {  	s7 =	simm.s32 $0x200;
	s5 =	sadd.s32 $0x6D200, s14;
	[sflag:s3] =	ssyncadd.s32 $0xFFFFFE00  }
0xb: {  	[tilespmem:s7], [sflag:$0x1] =	stream.indirect.gather [hbm4b:s5+s6], $0x80, s2, s6, $0xb8;
	[tilespmem:$0x10200] =	vst v63  }
0xc: {  	s8 =	simm.s32 $0x4200  }
0xd: {  	[tilespmem:s8], [sflag:$0x1] =	stream.indirect.gather [hbm4b:s5+s6], $0x80, s6, s6, $0xb8;
	[tilespmem:$0x10200] =	vst v63  }
0xe: {  	s9 =	simm.s32 $0x100;
	s10 =	simm.s32 $0x8200  }
0xf: {  	[tilespmem:s10], [sflag:$0x1] =	stream.indirect.gather [hbm4b:s5+s6], $0x80, s9, s6, $0xb8;
	[tilespmem:$0x10200] =	vst v63  }
0x10: {  	s11 =	simm.s32 $0x180;
	s12 =	simm.s32 $0xC200;
	s13 =	simm.s32 $0x1  }
0x11: {  	[tilespmem:s12], [sflag:$0x1] =	stream.indirect.gather [hbm4b:s5+s6], $0x80, s11, s6, $0xb8;
	[tilespmem:$0x10200] =	vst v63  }
0x12: {  	_ =	swait.ge [sflag:s13], $0x4000  }
0x13: {  	[sflag:s13] =	ssyncset.done $0x0  }
0x14: {  	[sflag:s13] =	ssyncadd.s32 $0xFFFFC000  }
0x15: {  	_ =	swait.ge [sflag:s13], $0x4000  }
0x16: {  	[sflag:s13] =	ssyncset.done $0x0  }
0x17: {  	[sflag:s13] =	ssyncadd.s32 $0xFFFFC000  }
0x18: {  	_ =	swait.ge [sflag:s13], $0x4000  }
0x19: {  	[sflag:s13] =	ssyncset.done $0x0  }
0x1a: {  	[sflag:s13] =	ssyncadd.s32 $0xFFFFC000  }
0x1b: {  	_ =	swait.ge [sflag:s13], $0x4000  }
0x1c: {  	s22 =	sadd.s32 $0x3AD200, s14;
	s28 =	sshll.u32 s21, $0x4;
	[sflag:s13] =	ssyncset.done $0x0  }
0x1d: {  	s14 =	sadd.s32 s22, s28;
	[sflag:s13] =	ssyncadd.s32 $0xFFFFC000  }
0x1e: {  	[hbm4b:s14+s2] =	stream.linear.scatter [tilespmem:s7], [sflag:$0x2], $0x10000, $0x38;
	[tilespmem:$0x10200] =	vst v63  }
0x1f: {  	s16 =	sor.u32 $0x200, s21;
	_ =	swait.ge [sflag:s3], $0x10000  }
0x20: {  	s15 =	sshrl.u32 s16, $0x3;
	[sflag:s3] =	ssyncset.done $0x0  }
0x21: {  	s15 =	sadd.s32 s19, s15;
	[sflag:s3] =	ssyncadd.s32 $0xFFFF0000  }
0x22: {  	[tilespmem:s2], [sflag:$0x2] =	stream.linear.gather [hbm4b:s15+s2], $0x200, $0x38;
	[tilespmem:$0x10200] =	vst v63  }
0x23: {  	_ =	swait.ge [sflag:s3], $0x200  }
0x24: {  	[sflag:s3] =	ssyncset.done $0x0  }
0x25: {  	[sflag:s3] =	ssyncadd.s32 $0xFFFFFE00  }
0x26: {  	[tilespmem:s7], [sflag:$0x1] =	stream.indirect.gather [hbm4b:s5+s6], $0x80, s2, s6, $0xb8;
	[tilespmem:$0x10200] =	vst v63  }
0x27: {  	_ = 	snop  }
0x28: {  	[tilespmem:s8], [sflag:$0x1] =	stream.indirect.gather [hbm4b:s5+s6], $0x80, s6, s6, $0xb8;
	[tilespmem:$0x10200] =	vst v63  }
0x29: {  	_ = 	snop  }
0x2a: {  	[tilespmem:s10], [sflag:$0x1] =	stream.indirect.gather [hbm4b:s5+s6], $0x80, s9, s6, $0xb8;
	[tilespmem:$0x10200] =	vst v63  }
0x2b: {  	_ = 	snop  }
0x2c: {  	[tilespmem:s12], [sflag:$0x1] =	stream.indirect.gather [hbm4b:s5+s6], $0x80, s11, s6, $0xb8;
	[tilespmem:$0x10200] =	vst v63  }
0x2d: {  	_ =	swait.ge [sflag:s13], $0x4000  }
0x2e: {  	[sflag:s13] =	ssyncset.done $0x0  }
0x2f: {  	[sflag:s13] =	ssyncadd.s32 $0xFFFFC000  }
0x30: {  	_ =	swait.ge [sflag:s13], $0x4000  }
0x31: {  	[sflag:s13] =	ssyncset.done $0x0  }
0x32: {  	[sflag:s13] =	ssyncadd.s32 $0xFFFFC000  }
0x33: {  	_ =	swait.ge [sflag:s13], $0x4000  }
0x34: {  	[sflag:s13] =	ssyncset.done $0x0  }
0x35: {  	[sflag:s13] =	ssyncadd.s32 $0xFFFFC000  }
0x36: {  	_ =	swait.ge [sflag:s13], $0x4000  }
0x37: {  	s16 =	sshll.u32 s16, $0x4;
	[sflag:s13] =	ssyncset.done $0x0  }
0x38: {  	s16 =	sadd.s32 s22, s16;
	[sflag:s13] =	ssyncadd.s32 $0xFFFFC000  }
0x39: {  	[hbm4b:s16+s2] =	stream.linear.scatter [tilespmem:s7], [sflag:$0x2], $0x10000, $0x38;
	[tilespmem:$0x10200] =	vst v63  }
0x3a: {  	s18 =	sor.u32 $0x400, s21;
	_ =	swait.ge [sflag:s3], $0x10000  }
0x3b: {  	s17 =	sshrl.u32 s18, $0x3;
	[sflag:s3] =	ssyncset.done $0x0  }
0x3c: {  	s17 =	sadd.s32 s19, s17;
	[sflag:s3] =	ssyncadd.s32 $0xFFFF0000  }
0x3d: {  	[tilespmem:s2], [sflag:$0x2] =	stream.linear.gather [hbm4b:s17+s2], $0x200, $0x38;
	[tilespmem:$0x10200] =	vst v63  }
0x3e: {  	_ =	swait.ge [sflag:s3], $0x200  }
0x3f: {  	[sflag:s3] =	ssyncset.done $0x0  }
0x40: {  	[sflag:s3] =	ssyncadd.s32 $0xFFFFFE00  }
0x41: {  	[tilespmem:s7], [sflag:$0x1] =	stream.indirect.gather [hbm4b:s5+s6], $0x80, s2, s6, $0xb8;
	[tilespmem:$0x10200] =	vst v63  }
0x42: {  	_ = 	snop  }
0x43: {  	[tilespmem:s8], [sflag:$0x1] =	stream.indirect.gather [hbm4b:s5+s6], $0x80, s6, s6, $0xb8;
	[tilespmem:$0x10200] =	vst v63  }
0x44: {  	_ = 	snop  }
0x45: {  	[tilespmem:s10], [sflag:$0x1] =	stream.indirect.gather [hbm4b:s5+s6], $0x80, s9, s6, $0xb8;
	[tilespmem:$0x10200] =	vst v63  }
0x46: {  	_ = 	snop  }
0x47: {  	[tilespmem:s12], [sflag:$0x1] =	stream.indirect.gather [hbm4b:s5+s6], $0x80, s11, s6, $0xb8;
	[tilespmem:$0x10200] =	vst v63  }
0x48: {  	_ =	swait.ge [sflag:s13], $0x4000  }
0x49: {  	[sflag:s13] =	ssyncset.done $0x0  }
0x4a: {  	[sflag:s13] =	ssyncadd.s32 $0xFFFFC000  }
0x4b: {  	_ =	swait.ge [sflag:s13], $0x4000  }
0x4c: {  	[sflag:s13] =	ssyncset.done $0x0  }
0x4d: {  	[sflag:s13] =	ssyncadd.s32 $0xFFFFC000  }
0x4e: {  	_ =	swait.ge [sflag:s13], $0x4000  }
0x4f: {  	[sflag:s13] =	ssyncset.done $0x0  }
0x50: {  	[sflag:s13] =	ssyncadd.s32 $0xFFFFC000  }
0x51: {  	_ =	swait.ge [sflag:s13], $0x4000  }
0x52: {  	s18 =	sshll.u32 s18, $0x4;
	[sflag:s13] =	ssyncset.done $0x0  }
0x53: {  	s18 =	sadd.s32 s22, s18;
	[sflag:s13] =	ssyncadd.s32 $0xFFFFC000  }
0x54: {  	[hbm4b:s18+s2] =	stream.linear.scatter [tilespmem:s7], [sflag:$0x2], $0x10000, $0x38;
	[tilespmem:$0x10200] =	vst v63  }
0x55: {  	s21 =	sor.u32 $0x600, s21;
	_ =	swait.ge [sflag:s3], $0x10000  }
0x56: {  	s23 =	sshrl.u32 s21, $0x3;
	[sflag:s3] =	ssyncset.done $0x0  }
0x57: {  	s19 =	sadd.s32 s19, s23;
	[sflag:s3] =	ssyncadd.s32 $0xFFFF0000  }
0x58: {  	[tilespmem:s2], [sflag:$0x2] =	stream.linear.gather [hbm4b:s19+s2], $0x200, $0x38;
	[tilespmem:$0x10200] =	vst v63  }
0x59: {  	_ =	swait.ge [sflag:s3], $0x200  }
0x5a: {  	[sflag:s3] =	ssyncset.done $0x0  }
0x5b: {  	[sflag:s3] =	ssyncadd.s32 $0xFFFFFE00  }
0x5c: {  	[tilespmem:s7], [sflag:$0x1] =	stream.indirect.gather [hbm4b:s5+s6], $0x80, s2, s6, $0xb8;
	[tilespmem:$0x10200] =	vst v63  }
0x5d: {  	_ = 	snop  }
0x5e: {  	[tilespmem:s8], [sflag:$0x1] =	stream.indirect.gather [hbm4b:s5+s6], $0x80, s6, s6, $0xb8;
	[tilespmem:$0x10200] =	vst v63  }
0x5f: {  	_ = 	snop  }
0x60: {  	[tilespmem:s10], [sflag:$0x1] =	stream.indirect.gather [hbm4b:s5+s6], $0x80, s9, s6, $0xb8;
	[tilespmem:$0x10200] =	vst v63  }
0x61: {  	_ = 	snop  }
0x62: {  	[tilespmem:s12], [sflag:$0x1] =	stream.indirect.gather [hbm4b:s5+s6], $0x80, s11, s6, $0xb8;
	[tilespmem:$0x10200] =	vst v63  }
0x63: {  	_ =	swait.ge [sflag:s13], $0x4000  }
0x64: {  	[sflag:s13] =	ssyncset.done $0x0  }
0x65: {  	[sflag:s13] =	ssyncadd.s32 $0xFFFFC000  }
0x66: {  	_ =	swait.ge [sflag:s13], $0x4000  }
0x67: {  	[sflag:s13] =	ssyncset.done $0x0  }
0x68: {  	s20 =	ssub.s32 $0x2, s20;
	[sflag:s13] =	ssyncadd.s32 $0xFFFFC000  }
0x69: {  	s29 =	sshrl.u32 s20, $0x1;
	_ =	swait.ge [sflag:s13], $0x4000  }
0x6a: {  	s23 =	ssub.s32 s20, s29;
	[sflag:s13] =	ssyncset.done $0x0  }
0x6b: {  	s31 =	smax.u32 s23, $0x1;
	[sflag:s13] =	ssyncadd.s32 $0xFFFFC000  }
0x6c: {  	p0 =	sne.s32 s31, $0x1;
	_ =	swait.ge [sflag:s13], $0x4000  }
.Ltmp0:
0x6d: {  	s30 =	sshll.u32 s21, $0x4;
	[sflag:s13] =	ssyncset.done $0x0;
	(pc) =	sbr.rel @!p0 .LBB2_2-.Ltmp0, $4  }
0x6e: {  	s20 =	sadd.s32 s22, s30;
	[sflag:s13] =	ssyncadd.s32 $0xFFFFC000  }
0x6f: {  	[hbm4b:s20+s2] =	stream.linear.scatter [tilespmem:s7], [sflag:$0x2], $0x10000, $0x38;
	[tilespmem:$0x10200] =	vst v63  }
0x70: {  	_ =	swait.ge [sflag:s3], $0x10000  }
0x71: {  	s21 =	sadd.s32 $0xFFFFFFFF, s31;
	[sflag:s3] =	ssyncset.done $0x0  }
.LBB2_1:
0x72: {  	p0 =	sne.s32 s21, $0x1;
	s21 =	sadd.s32 $0xFFFFFFFF, s21;
	[sflag:s3] =	ssyncadd.s32 $0xFFFF0000  }
0x73: {  	[tilespmem:s2], [sflag:$0x2] =	stream.linear.gather [hbm4b:s4+s2], $0x200, $0x38;
	[tilespmem:$0x10200] =	vst v63  }
0x74: {  	_ =	swait.ge [sflag:s3], $0x200  }
0x75: {  	[sflag:s3] =	ssyncset.done $0x0  }
0x76: {  	[sflag:s3] =	ssyncadd.s32 $0xFFFFFE00  }
0x77: {  	[tilespmem:s7], [sflag:$0x1] =	stream.indirect.gather [hbm4b:s5+s6], $0x80, s2, s6, $0xb8;
	[tilespmem:$0x10200] =	vst v63  }
0x78: {  	_ = 	snop  }
0x79: {  	[tilespmem:s8], [sflag:$0x1] =	stream.indirect.gather [hbm4b:s5+s6], $0x80, s6, s6, $0xb8;
	[tilespmem:$0x10200] =	vst v63  }
0x7a: {  	_ = 	snop  }
0x7b: {  	[tilespmem:s10], [sflag:$0x1] =	stream.indirect.gather [hbm4b:s5+s6], $0x80, s9, s6, $0xb8;
	[tilespmem:$0x10200] =	vst v63  }
0x7c: {  	_ = 	snop  }
0x7d: {  	[tilespmem:s12], [sflag:$0x1] =	stream.indirect.gather [hbm4b:s5+s6], $0x80, s11, s6, $0xb8;
	[tilespmem:$0x10200] =	vst v63  }
0x7e: {  	_ =	swait.ge [sflag:s13], $0x4000  }
0x7f: {  	[sflag:s13] =	ssyncset.done $0x0  }
0x80: {  	[sflag:s13] =	ssyncadd.s32 $0xFFFFC000  }
0x81: {  	_ =	swait.ge [sflag:s13], $0x4000  }
0x82: {  	[sflag:s13] =	ssyncset.done $0x0  }
0x83: {  	[sflag:s13] =	ssyncadd.s32 $0xFFFFC000  }
0x84: {  	_ =	swait.ge [sflag:s13], $0x4000  }
0x85: {  	[sflag:s13] =	ssyncset.done $0x0  }
0x86: {  	[sflag:s13] =	ssyncadd.s32 $0xFFFFC000  }
0x87: {  	_ =	swait.ge [sflag:s13], $0x4000  }
0x88: {  	[sflag:s13] =	ssyncset.done $0x0  }
0x89: {  	[sflag:s13] =	ssyncadd.s32 $0xFFFFC000  }
0x8a: {  	[hbm4b:s14+s2] =	stream.linear.scatter [tilespmem:s7], [sflag:$0x2], $0x10000, $0x38;
	[tilespmem:$0x10200] =	vst v63  }
0x8b: {  	_ =	swait.ge [sflag:s3], $0x10000  }
0x8c: {  	[sflag:s3] =	ssyncset.done $0x0  }
0x8d: {  	[sflag:s3] =	ssyncadd.s32 $0xFFFF0000  }
0x8e: {  	[tilespmem:s2], [sflag:$0x2] =	stream.linear.gather [hbm4b:s15+s2], $0x200, $0x38;
	[tilespmem:$0x10200] =	vst v63  }
0x8f: {  	_ =	swait.ge [sflag:s3], $0x200  }
0x90: {  	[sflag:s3] =	ssyncset.done $0x0  }
0x91: {  	[sflag:s3] =	ssyncadd.s32 $0xFFFFFE00  }
0x92: {  	[tilespmem:s7], [sflag:$0x1] =	stream.indirect.gather [hbm4b:s5+s6], $0x80, s2, s6, $0xb8;
	[tilespmem:$0x10200] =	vst v63  }
0x93: {  	_ = 	snop  }
0x94: {  	[tilespmem:s8], [sflag:$0x1] =	stream.indirect.gather [hbm4b:s5+s6], $0x80, s6, s6, $0xb8;
	[tilespmem:$0x10200] =	vst v63  }
0x95: {  	_ = 	snop  }
0x96: {  	[tilespmem:s10], [sflag:$0x1] =	stream.indirect.gather [hbm4b:s5+s6], $0x80, s9, s6, $0xb8;
	[tilespmem:$0x10200] =	vst v63  }
0x97: {  	_ = 	snop  }
0x98: {  	[tilespmem:s12], [sflag:$0x1] =	stream.indirect.gather [hbm4b:s5+s6], $0x80, s11, s6, $0xb8;
	[tilespmem:$0x10200] =	vst v63  }
0x99: {  	_ =	swait.ge [sflag:s13], $0x4000  }
0x9a: {  	[sflag:s13] =	ssyncset.done $0x0  }
0x9b: {  	[sflag:s13] =	ssyncadd.s32 $0xFFFFC000  }
0x9c: {  	_ =	swait.ge [sflag:s13], $0x4000  }
0x9d: {  	[sflag:s13] =	ssyncset.done $0x0  }
0x9e: {  	[sflag:s13] =	ssyncadd.s32 $0xFFFFC000  }
0x9f: {  	_ =	swait.ge [sflag:s13], $0x4000  }
0xa0: {  	[sflag:s13] =	ssyncset.done $0x0  }
0xa1: {  	[sflag:s13] =	ssyncadd.s32 $0xFFFFC000  }
0xa2: {  	_ =	swait.ge [sflag:s13], $0x4000  }
0xa3: {  	[sflag:s13] =	ssyncset.done $0x0  }
0xa4: {  	[sflag:s13] =	ssyncadd.s32 $0xFFFFC000  }
0xa5: {  	[hbm4b:s16+s2] =	stream.linear.scatter [tilespmem:s7], [sflag:$0x2], $0x10000, $0x38;
	[tilespmem:$0x10200] =	vst v63  }
0xa6: {  	_ =	swait.ge [sflag:s3], $0x10000  }
0xa7: {  	[sflag:s3] =	ssyncset.done $0x0  }
0xa8: {  	[sflag:s3] =	ssyncadd.s32 $0xFFFF0000  }
0xa9: {  	[tilespmem:s2], [sflag:$0x2] =	stream.linear.gather [hbm4b:s17+s2], $0x200, $0x38;
	[tilespmem:$0x10200] =	vst v63  }
0xaa: {  	_ =	swait.ge [sflag:s3], $0x200  }
0xab: {  	[sflag:s3] =	ssyncset.done $0x0  }
0xac: {  	[sflag:s3] =	ssyncadd.s32 $0xFFFFFE00  }
0xad: {  	[tilespmem:s7], [sflag:$0x1] =	stream.indirect.gather [hbm4b:s5+s6], $0x80, s2, s6, $0xb8;
	[tilespmem:$0x10200] =	vst v63  }
0xae: {  	_ = 	snop  }
0xaf: {  	[tilespmem:s8], [sflag:$0x1] =	stream.indirect.gather [hbm4b:s5+s6], $0x80, s6, s6, $0xb8;
	[tilespmem:$0x10200] =	vst v63  }
0xb0: {  	_ = 	snop  }
0xb1: {  	[tilespmem:s10], [sflag:$0x1] =	stream.indirect.gather [hbm4b:s5+s6], $0x80, s9, s6, $0xb8;
	[tilespmem:$0x10200] =	vst v63  }
0xb2: {  	_ = 	snop  }
0xb3: {  	[tilespmem:s12], [sflag:$0x1] =	stream.indirect.gather [hbm4b:s5+s6], $0x80, s11, s6, $0xb8;
	[tilespmem:$0x10200] =	vst v63  }
0xb4: {  	_ =	swait.ge [sflag:s13], $0x4000  }
0xb5: {  	[sflag:s13] =	ssyncset.done $0x0  }
0xb6: {  	[sflag:s13] =	ssyncadd.s32 $0xFFFFC000  }
0xb7: {  	_ =	swait.ge [sflag:s13], $0x4000  }
0xb8: {  	[sflag:s13] =	ssyncset.done $0x0  }
0xb9: {  	[sflag:s13] =	ssyncadd.s32 $0xFFFFC000  }
0xba: {  	_ =	swait.ge [sflag:s13], $0x4000  }
0xbb: {  	[sflag:s13] =	ssyncset.done $0x0  }
0xbc: {  	[sflag:s13] =	ssyncadd.s32 $0xFFFFC000  }
0xbd: {  	_ =	swait.ge [sflag:s13], $0x4000  }
0xbe: {  	[sflag:s13] =	ssyncset.done $0x0  }
0xbf: {  	[sflag:s13] =	ssyncadd.s32 $0xFFFFC000  }
0xc0: {  	[hbm4b:s18+s2] =	stream.linear.scatter [tilespmem:s7], [sflag:$0x2], $0x10000, $0x38;
	[tilespmem:$0x10200] =	vst v63  }
0xc1: {  	_ =	swait.ge [sflag:s3], $0x10000  }
0xc2: {  	[sflag:s3] =	ssyncset.done $0x0  }
0xc3: {  	[sflag:s3] =	ssyncadd.s32 $0xFFFF0000  }
0xc4: {  	[tilespmem:s2], [sflag:$0x2] =	stream.linear.gather [hbm4b:s19+s2], $0x200, $0x38;
	[tilespmem:$0x10200] =	vst v63  }
0xc5: {  	_ =	swait.ge [sflag:s3], $0x200  }
0xc6: {  	[sflag:s3] =	ssyncset.done $0x0  }
0xc7: {  	[sflag:s3] =	ssyncadd.s32 $0xFFFFFE00  }
0xc8: {  	[tilespmem:s7], [sflag:$0x1] =	stream.indirect.gather [hbm4b:s5+s6], $0x80, s2, s6, $0xb8;
	[tilespmem:$0x10200] =	vst v63  }
0xc9: {  	_ = 	snop  }
0xca: {  	[tilespmem:s8], [sflag:$0x1] =	stream.indirect.gather [hbm4b:s5+s6], $0x80, s6, s6, $0xb8;
	[tilespmem:$0x10200] =	vst v63  }
0xcb: {  	_ = 	snop  }
0xcc: {  	[tilespmem:s10], [sflag:$0x1] =	stream.indirect.gather [hbm4b:s5+s6], $0x80, s9, s6, $0xb8;
	[tilespmem:$0x10200] =	vst v63  }
0xcd: {  	_ = 	snop  }
0xce: {  	[tilespmem:s12], [sflag:$0x1] =	stream.indirect.gather [hbm4b:s5+s6], $0x80, s11, s6, $0xb8;
	[tilespmem:$0x10200] =	vst v63  }
0xcf: {  	_ =	swait.ge [sflag:s13], $0x4000  }
0xd0: {  	[sflag:s13] =	ssyncset.done $0x0  }
0xd1: {  	[sflag:s13] =	ssyncadd.s32 $0xFFFFC000  }
0xd2: {  	_ =	swait.ge [sflag:s13], $0x4000  }
0xd3: {  	[sflag:s13] =	ssyncset.done $0x0  }
0xd4: {  	[sflag:s13] =	ssyncadd.s32 $0xFFFFC000  }
0xd5: {  	_ =	swait.ge [sflag:s13], $0x4000  }
0xd6: {  	[sflag:s13] =	ssyncset.done $0x0  }
0xd7: {  	[sflag:s13] =	ssyncadd.s32 $0xFFFFC000  }
0xd8: {  	_ =	swait.ge [sflag:s13], $0x4000  }
.Ltmp1:
0xd9: {  	[sflag:s13] =	ssyncset.done $0x0;
	(pc) =	sbr.rel @p0 .LBB2_1-.Ltmp1, $4  }
0xda: {  	[sflag:s13] =	ssyncadd.s32 $0xFFFFC000  }
0xdb: {  	[hbm4b:s20+s2] =	stream.linear.scatter [tilespmem:s7], [sflag:$0x2], $0x10000, $0x38;
	[tilespmem:$0x10200] =	vst v63  }
0xdc: {  	_ =	swait.ge [sflag:s3], $0x10000  }
0xdd: {  	[sflag:s3] =	ssyncset.done $0x0  }
.LBB2_2:
0xde: {  	[sflag:s3] =	ssyncadd.s32 $0xFFFF0000  }
0xdf: {  	_ =	sfence.sel $0x180000  }
0xe0: {  	[bflag:$0x0] =	sbarrier.arrive $0xFFFF  }
0xe1: {  	p0 =	sne.s32 s0, $0x0;
	_ =	strace $0x90000056  }
0xe2: {  	s0 =	sadd.s32 @!p0 $0x100000, s1;
	[bflag:$0x2] =	sbarrier.arrive $0xFFFF  }
0xe3: {  	[sflag:s0] =	ssyncadd.tile.s32 @!p0 $0x1;
	_ =	shalt  }
.Lfunc_end2:
_tile_overlayer_lowered:
.L_overlay_start_2:
0xe4: {  	(tag) =	ssettag $0x2  }
0xe5: {  	s0 =	rddreg [dreg:$0x0];
	s2 =	stileid.u32  }
0xe6: {  	s1 =	rddreg [dreg:$0x1];
	p0 =	sne.s32 s2, $0x0  }
0xe7: {  	s3 =	rddreg [dreg:$0x2];
	[bflag:$0x3] =	sbarrier.arrive $0xFFFF;
	s2 =	simm.s32 @!p0 $0x1C02  }
0xe8: {  	[timem:s3], [sflag:s2] =	dma.local @!p0 [hbm:s0], s1  }
0xe9: {  	s0 =	simm.s32 @!p0 $0x2  }
0xea: {  	_ =	swait.ge @!p0 [sflag:s0], s1  }
0xeb: {  	s1 =	ssub.s32 @!p0 $0x0, s1;
	[sflag:s0] =	ssyncset.done @!p0 $0x0  }
0xec: {  	[sflag:s0] =	ssyncadd.s32 @!p0 s1  }
0xed: {  	[bflag:$0x3] =	sbarrier.arrive $0xFFFF  }
0xee: {  	_ =	shalt  }

// kernel: kernel.28.cloned.1.call-start
scs
__scs_entry_jumppad:
0x0: {  	(pc) =	sbr.rel $0x88, $3  }
0x1: {  	(tag) =	ssettag $0x0;
	lr =	simm.s32 $0x1  }
0x2: {  	[smem:$0x3F7F] =	sst lr;
	_ =	strace $0xD0000000  }
0x3: {  	_ = 	snop  }
0x4: {  	_ = 	snop  }
0x5: {  	_ = 	snop  }
0x6: {  	_ = 	snop  }
0x7: {  	_ = 	snop  }
__scs_overlays_trampoline_lowered:
0x8: {  	[smem:$0x3F8E] =	sst s0  }
0x9: {  	[smem:$0x3F8F] =	sst s1  }
0xa: {  	[smem:$0x3F90] =	sst s2  }
0xb: {  	[smem:$0x3F91] =	sst s3  }
0xc: {  	[smem:$0x3F92] =	sst s4  }
0xd: {  	[smem:$0x3F93] =	sst s5  }
0xe: {  	[smem:$0x3F94] =	sst s6  }
0xf: {  	[smem:$0x3F95] =	sst s7  }
0x10: {  	[smem:$0x3F96] =	sst s8  }
0x11: {  	[smem:$0x3F97] =	sst s9;
	s0 =	simm.s32 @!p0 $0x0  }
0x12: {  	s1 =	sld [smem:$0x3F7D];
	s0 =	simm.s32 @p0 $0x1  }
0x13: {  	[smem:$0x3F98] =	sst s0;
	s0 =	simm.s32 @!p1 $0x0  }
0x14: {  	s2 =	sld [smem:$0x3F7C];
	s0 =	simm.s32 @p1 $0x1  }
0x15: {  	[smem:$0x3F99] =	sst s0;
	s0 =	simm.s32 @!p2 $0x0  }
0x16: {  	s3 =	sld [smem:$0x3FDB];
	s0 =	simm.s32 @p2 $0x1  }
0x17: {  	s4 =	simm.s32 $0x1BF5;
	[smem:$0x3F9B] =	sst s0  }
0x18: {  	s0 =	sld [smem:$0x3F7E];
	_ =	swait.ge [sflag:s4], $0x0  }
0x19: {  	s7 =	sld [smem:$0x3F7F]  }
0x1a: {  	s8 =	sadd.s32 $0xFFFFE003, lr  }
0x1b: {  	s9 =	sadd.s32 $0xFFFFFEF7, lr;
	s5 =	simm.s32 $0xFFFFFFFF;
	p2 =	slt.u32 s8, $0xFFFFF086  }
0x1c: {  	p1 =	slt.u32 s9, $0xF7A;
	s5 =	simm.s32 @!p2 $0x0  }
0x1d: {  	s5 =	simm.s32 @p1 $0x1;
	p0 =	seq.s32 s7, s2  }
0x1e: {  	s7 =	smul.u32 @!p0 $0xF7A, s2;
	p2 =	seq.s32 @!p0 s5, $0x0  }
0x1f: {  	s9 =	smul.u32 $0xF7A, s1;
	s8 =	simm.s32 @!p0 $0x1BF5;
	p2 =	por !p2, p0  }
0x20: {  	[sflag:s8] =	ssyncset.s32 @!p0 $0xFFFFF086;
	s6 =	sadd.s32 @!p0 s3, s7;
	s7 =	simm.s32 @!p0 $0x108  }
0x21: {  	s3 =	sadd.s32 s3, s9;
	s6 =	sadd.s32 @!p0 $0x88, s6;
	s7 =	simm.s32 @p2 $0x1082  }
0x22: {  	[simem:s7], [sflag:s8] =	dma.local @!p0 [hbm:s6], $0xF7A  }
0x23: {  	s9 =	sor.u32 $0xD0000000, s2;
	s6 =	simm.s32 $0x108;
	_ =	swait.ge @!p0 [sflag:s8], $0x0  }
0x24: {  	s3 =	sadd.s32 $0x88, s3;
	s6 =	simm.s32 @!p1 $0x1082;
	[sflag:s4] =	ssyncset.s32 $0xFFFFF086  }
0x25: {  	[simem:s6], [sflag:s4] =	dma.local [hbm:s3], $0xF7A  }
0x26: {  	[smem:$0x3F7F] =	sst s1;
	(tag) =	ssettag s2;
	_ =	strace s9  }
0x27: {  	s1 =	sld [smem:$0x3F8F]  }
0x28: {  	s2 =	sld [smem:$0x3F90]  }
0x29: {  	s4 =	sld [smem:$0x3F92]  }
0x2a: {  	p0 =	seq.s32 s5, $0x0;
	s5 =	sld [smem:$0x3F93]  }
0x2b: {  	s6 =	sld [smem:$0x3F94]  }
0x2c: {  	s7 =	sld [smem:$0x3F95]  }
0x2d: {  	s3 =	simm.s32 $0x108;
	s8 =	sld [smem:$0x3F96]  }
0x2e: {  	s3 =	simm.s32 @!p0 $0x1082;
	s9 =	sld [smem:$0x3F97]  }
0x2f: {  	lr =	sadd.s32 s0, s3;
	s0 =	sld [smem:$0x3F8E]  }
0x30: {  	s3 =	sld [smem:$0x3F91]  }
0x31: {  	[smem:$0x3F9A] =	sst s10  }
0x32: {  	s10 =	sld [smem:$0x3F98];
	_ =	sdelay $0x3  }
0x33: {  	p0 =	seq.s32 s10, $0x1;
	s10 =	sld [smem:$0x3F9A];
	_ =	sdelay $0x3  }
0x34: {  	[smem:$0x3F9A] =	sst s10  }
0x35: {  	s10 =	sld [smem:$0x3F99];
	_ =	sdelay $0x3  }
0x36: {  	p1 =	seq.s32 s10, $0x1;
	s10 =	sld [smem:$0x3F9A];
	_ =	sdelay $0x3  }
0x37: {  	[smem:$0x3F9A] =	sst s10  }
0x38: {  	s10 =	sld [smem:$0x3F9B]  }
0x39: {  	_ = 	snop;
	(pc) =	sbr.ind lr, $3  }
0x3a: {  	_ = 	snop  }
0x3b: {  	_ = 	snop  }
0x3c: {  	p2 =	seq.s32 s10, $0x1;
	s10 =	sld [smem:$0x3F9A]  }
0x3d: {  	_ =	shalt  }
0x3e: {  	_ =	shalt  }
0x3f: {  	_ =	shalt  }
0x40: {  	_ =	shalt  }
0x41: {  	_ =	shalt  }
0x42: {  	_ =	shalt  }
0x43: {  	_ =	shalt  }
0x44: {  	_ =	shalt  }
0x45: {  	_ =	shalt  }
0x46: {  	_ =	shalt  }
0x47: {  	_ =	shalt  }
0x48: {  	_ =	shalt  }
0x49: {  	_ =	shalt  }
0x4a: {  	_ =	shalt  }
0x4b: {  	_ =	shalt  }
0x4c: {  	_ =	shalt  }
0x4d: {  	_ =	shalt  }
0x4e: {  	_ =	shalt  }
0x4f: {  	_ =	shalt  }
0x50: {  	_ =	shalt  }
0x51: {  	_ =	shalt  }
0x52: {  	_ =	shalt  }
0x53: {  	_ =	shalt  }
0x54: {  	_ =	shalt  }
0x55: {  	_ =	shalt  }
0x56: {  	_ =	shalt  }
0x57: {  	_ =	shalt  }
0x58: {  	_ =	shalt  }
0x59: {  	_ =	shalt  }
0x5a: {  	_ =	shalt  }
0x5b: {  	_ =	shalt  }
0x5c: {  	_ =	shalt  }
0x5d: {  	_ =	shalt  }
0x5e: {  	_ =	shalt  }
0x5f: {  	_ =	shalt  }
0x60: {  	_ =	shalt  }
0x61: {  	_ =	shalt  }
0x62: {  	_ =	shalt  }
0x63: {  	_ =	shalt  }
0x64: {  	_ =	shalt  }
0x65: {  	_ =	shalt  }
0x66: {  	_ =	shalt  }
0x67: {  	_ =	shalt  }
0x68: {  	_ =	shalt  }
0x69: {  	_ =	shalt  }
0x6a: {  	_ =	shalt  }
0x6b: {  	_ =	shalt  }
0x6c: {  	_ =	shalt  }
0x6d: {  	_ =	shalt  }
0x6e: {  	_ =	shalt  }
0x6f: {  	_ =	shalt  }
0x70: {  	_ =	shalt  }
0x71: {  	_ =	shalt  }
0x72: {  	_ =	shalt  }
0x73: {  	_ =	shalt  }
0x74: {  	_ =	shalt  }
0x75: {  	_ =	shalt  }
0x76: {  	_ =	shalt  }
0x77: {  	_ =	shalt  }
0x78: {  	_ =	shalt  }
0x79: {  	_ =	shalt  }
0x7a: {  	_ =	shalt  }
0x7b: {  	_ =	shalt  }
0x7c: {  	_ =	shalt  }
0x7d: {  	_ =	shalt  }
0x7e: {  	_ =	shalt  }
0x7f: {  	_ =	shalt  }
0x80: {  	_ =	shalt  }
0x81: {  	_ =	shalt  }
0x82: {  	_ =	shalt  }
0x83: {  	_ =	shalt  }
0x84: {  	_ =	shalt  }
0x85: {  	_ =	shalt  }
0x86: {  	_ =	shalt  }
0x87: {  	_ =	shalt  }
.Lfunc_end0:
.L_simem_size_0:
called_computation.3_lowered:
.L_overlay_start_0:
0x88: {  	s2 =	sld [smem:$0x3FD9]  }
0x89: {  	s3 =	sld [smem:$0x3FFE];
	_ =	sdelay $0x1  }
0x8a: {  	s1 =	srdreg.scid  }
0x8b: {  	s0 =	sand.u32 $0x1, s1  }
0x8c: {  	s17 =	sshll.u32 s0, $0xA;
	s2 =	sadd.s32 s3, s2  }
0x8d: {  	s2 =	sadd.s32 s2, s17  }
0x8e: {  	[smem:$0x3FA6] =	sst s2  }
0x8f: {  	_ = 	snop  }
0x90: {  	(tm) =	ssettm $0x1  }
0x91: {  	s18 =	sld [smem:$0x3FFB];
	_ =	sdelay $0x3  }
0x92: {  	_ =	strace s18  }
0x93: {  	s2 =	sld [smem:$0x3FFC];
	_ =	sdelay $0x3  }
0x94: {  	_ =	strace s2  }
0x95: {  	s2 =	sld [smem:$0x3FFD];
	_ =	sdelay $0x3  }
0x96: {  	_ =	strace s2  }
0x97: {  	_ =	strace $0x8FFFFFFF  }
0x98: {  	s19 =	sld [smem:$0x3FDB];
	_ =	sdelay $0x1  }
0x99: {  	s20 =	simm.s32 $_scs_section_size  }
0x9a: {  	s4 =	simm.s32 $_size__tile_overlayer_lowered;
	s5 =	simm.s32 $_tile_overlayer_lowered  }
0x9b: {  	s6 =	simm.s32 $0x1BFF;
	s21 =	sshll.u32 s5, $0x1;
	s3 =	sadd.s32 s20, s19  }
0x9c: {  	s22 =	simm.s32 $0x0;
	s4 =	sshll.u32 s4, $0x1;
	s5 =	sadd.s32 s21, s3  }
0x9d: {  	[timem:s22], [sflag:s6] =	dma.local [hbm:s5], s4  }
0x9e: {  	_ =	swait.ge [sflag:s6], s4  }
0x9f: {  	s4 =	ssub.s32 $0x0, s4;
	[sflag:s6] =	ssyncset.done $0x0  }
0xa0: {  	[sflag:s6] =	ssyncadd.s32 s4;
	_ =	sdelay $0x1  }
0xa1: {  	s23 =	simm.s32 $0x1B8B  }
0xa2: {  	_ =	swait.ge [sflag:s23], $0x1  }
0xa3: {  	[sflag:s23] =	ssyncset.done $0x0  }
0xa4: {  	[sflag:s23] =	ssyncadd.s32 $0xFFFFFFFF  }
0xa5: {  	s4 =	sld [smem:$0x0]  }
0xa6: {  	s5 =	sand.u32 $0xFFFFFFFE, s1  }
0xa7: {  	p0 =	sne.s32 s1, s5  }
0xa8: {  	s5 =	sshll.u32 @p0 s5, $0xE  }
0xa9: {  	s5 =	sadd.s32 @p0 $0x11B8D, s5;
	s6 =	sshll.u32 @p0 s4, $0x11  }
0xaa: {  	s5 =	sor.u32 @p0 s6, s5  }
0xab: {  	[sflag:s5] =	ssyncadd.remote.s32 @p0 $0x1;
	_ =	sdelay $0x1  }
0xac: {  	s5 =	simm.s32 @p0 $0x1B8D  }
0xad: {  	_ =	swait.eq @p0 [sflag:s5], $0x1  }
0xae: {  	[sflag:s5] =	ssyncadd.s32 @p0 $0xFFFFFFFF  }
0xaf: {  	s6 =	sshll.u32 @!p0 s1, $0xE  }
0xb0: {  	s6 =	sor.u32 @!p0 $0x4000, s6;
	s5 =	simm.s32 @!p0 $0x1B8D  }
0xb1: {  	s4 =	sshll.u32 @!p0 s4, $0x11;
	s6 =	sadd.s32 @!p0 $0x11B8D, s6;
	_ =	swait.eq @!p0 [sflag:s5], $0x1  }
0xb2: {  	s4 =	sor.u32 @!p0 s4, s6;
	[sflag:s5] =	ssyncadd.s32 @!p0 $0xFFFFFFFF  }
0xb3: {  	s25 =	simm.s32 $0x1B8E;
	s24 =	sld [smem:$0x3FFE];
	[sflag:s4] =	ssyncadd.remote.s32 @!p0 $0x1  }
0xb4: {  	s26 =	simm.s32 $execute0_lowered;
	[smem:$0x3FD2] =	sst s25  }
0xb5: {  	s5 =	sshll.u32 s26, $0x1;
	_ =	strace $0x80000052;
	[dreg:$0x1] =	wrdreg $0xFFFFFFFF  }
0xb6: {  	s28 =	simm.s32 $_size_execute0_lowered;
	s3 =	sadd.s32 s3, s5;
	[dreg:$0x0] =	wrdreg $0x0  }
0xb7: {  	s5 =	sshll.u32 s28, $0x1;
	[dreg:$0x2] =	wrdreg s3  }
0xb8: {  	[dreg:$0x3] =	wrdreg s5  }
0xb9: {  	[dreg:$0x4] =	wrdreg $0xC0  }
0xba: {  	_ =	task [dreg:s22], $0x5FFFF  }
0xbb: {  	[dreg:$0x1] =	wrdreg $0xFFFFFFFF  }
0xbc: {  	[dreg:$0x0] =	wrdreg $0x60  }
0xbd: {  	[dreg:$0x2] =	wrdreg s24  }
0xbe: {  	[dreg:$0x3] =	wrdreg $0xA  }
0xbf: {  	_ =	task.clear_ibuf [dreg:s22], $0x4FFFF;
	_ =	strace $0x90000052  }
0xc0: {  	s29 =	simm.s32 $0xA;
	_ =	strace $0x80000054  }
0xc1: {  	_ =	swait.ge [sflag:s29], $0x1  }
0xc2: {  	[sflag:s29] =	ssyncadd.s32 $0xFFFFFFFF  }
0xc3: {  	_ =	strace $0x90000054  }
0xc4: {  	_ =	sfence  }
0xc5: {  	s30 =	sld [smem:$0x0];
	_ =	sdelay $0x2  }
0xc6: {  	s31 =	sshll.u32 s1, $0xD;
	s1 =	sshrl.u32 s1, $0x2  }
0xc7: {  	s4 =	sand.u32 $0x4000, s31;
	s1 =	sadd.s32 s1, s30  }
0xc8: {  	s0 =	sor.u32 s4, s0;
	s1 =	sshll.u32 s1, $0x11  }
0xc9: {  	s0 =	sor.u32 s1, s0  }
0xca: {  	s0 =	sadd.s32 $0x8F2B, s0  }
0xcb: {  	[sflag:s0] =	ssyncadd.remote.s32 $0x1  }
0xcc: {  	_ =	sfence.sel $0xFFFF  }
0xcd: {  	[dreg:$0x0] =	wrdreg $0xFFFFFFFF;
	(pc) =	sbr.abs _section_cstart, $3  }
0xce: {  	[dreg:$0x1] =	wrdreg $0xFFFFFFFF  }
0xcf: {  	_ =	task.clear_ibuf [dreg:s22], $0x2FFFF;
	_ =	strace $0x9FFFFFFF  }
0xd0: {  	(tm) =	ssettm $0x7FFFFFFF  }
0xd1: {  	_ =	shalt  }
tec
execute0_lowered:
.L_overlay_start_1:
0x0: {  	(tag) =	ssettag $0x1  }
0x1: {  	s1 =	srdreg.scid  }
0x2: {  	s0 =	stileid.u32;
	s20 =	sand.u32 $0x1, s1  }
0x3: {  	s14 =	rddreg [dreg:$0x0];
	s3 =	sshll.u32 s0, $0xC;
	s4 =	sshll.u32 s20, $0xB  }
0x4: {  	s2 =	simm.s32 $0x0;
	s1 =	rddreg [dreg:$0x1];
	s21 =	sor.u32 s4, s3  }
0x5: {  	[smem:$0x7FF] =	sst s2;
	s19 =	sadd.s32 $0x1D200, s14;
	s3 =	sshrl.u32 s21, $0x3  }
0x6: {  	_ =	strace $0x80000053;
	s4 =	sadd.s32 s19, s3;
	s3 =	simm.s32 $0x2  }
0x7: {  	[tilespmem:s2], [sflag:$0x2] =	stream.linear.gather [hbm4b:s4+s2], $0x200, $0x38;
	[tilespmem:$0x10200] =	vst v63  }
0x8: {  	_ =	swait.ge [sflag:s3], $0x200  }
0x9: {  	s6 =	simm.s32 $0x80;
	[sflag:s3] =	ssyncset.done $0x0  }
0xa: {  	s7 =	simm.s32 $0x200;
	s5 =	sadd.s32 $0x6D200, s14;
	[sflag:s3] =	ssyncadd.s32 $0xFFFFFE00  }
0xb: {  	[tilespmem:s7], [sflag:$0x1] =	stream.indirect.gather [hbm4b:s5+s6], $0x80, s2, s6, $0xb8;
	[tilespmem:$0x10200] =	vst v63  }
0xc: {  	s8 =	simm.s32 $0x4200  }
0xd: {  	[tilespmem:s8], [sflag:$0x1] =	stream.indirect.gather [hbm4b:s5+s6], $0x80, s6, s6, $0xb8;
	[tilespmem:$0x10200] =	vst v63  }
0xe: {  	s9 =	simm.s32 $0x100;
	s10 =	simm.s32 $0x8200  }
0xf: {  	[tilespmem:s10], [sflag:$0x1] =	stream.indirect.gather [hbm4b:s5+s6], $0x80, s9, s6, $0xb8;
	[tilespmem:$0x10200] =	vst v63  }
0x10: {  	s11 =	simm.s32 $0x180;
	s12 =	simm.s32 $0xC200;
	s13 =	simm.s32 $0x1  }
0x11: {  	[tilespmem:s12], [sflag:$0x1] =	stream.indirect.gather [hbm4b:s5+s6], $0x80, s11, s6, $0xb8;
	[tilespmem:$0x10200] =	vst v63  }
0x12: {  	_ =	swait.ge [sflag:s13], $0x4000  }
0x13: {  	[sflag:s13] =	ssyncset.done $0x0  }
0x14: {  	[sflag:s13] =	ssyncadd.s32 $0xFFFFC000  }
0x15: {  	_ =	swait.ge [sflag:s13], $0x4000  }
0x16: {  	[sflag:s13] =	ssyncset.done $0x0  }
0x17: {  	[sflag:s13] =	ssyncadd.s32 $0xFFFFC000  }
0x18: {  	_ =	swait.ge [sflag:s13], $0x4000  }
0x19: {  	[sflag:s13] =	ssyncset.done $0x0  }
0x1a: {  	[sflag:s13] =	ssyncadd.s32 $0xFFFFC000  }
0x1b: {  	_ =	swait.ge [sflag:s13], $0x4000  }
0x1c: {  	s22 =	sadd.s32 $0x2AD200, s14;
	s28 =	sshll.u32 s21, $0x4;
	[sflag:s13] =	ssyncset.done $0x0  }
0x1d: {  	s14 =	sadd.s32 s22, s28;
	[sflag:s13] =	ssyncadd.s32 $0xFFFFC000  }
0x1e: {  	[hbm4b:s14+s2] =	stream.linear.scatter [tilespmem:s7], [sflag:$0x2], $0x10000, $0x38;
	[tilespmem:$0x10200] =	vst v63  }
0x1f: {  	s16 =	sor.u32 $0x200, s21;
	_ =	swait.ge [sflag:s3], $0x10000  }
0x20: {  	s15 =	sshrl.u32 s16, $0x3;
	[sflag:s3] =	ssyncset.done $0x0  }
0x21: {  	s15 =	sadd.s32 s19, s15;
	[sflag:s3] =	ssyncadd.s32 $0xFFFF0000  }
0x22: {  	[tilespmem:s2], [sflag:$0x2] =	stream.linear.gather [hbm4b:s15+s2], $0x200, $0x38;
	[tilespmem:$0x10200] =	vst v63  }
0x23: {  	_ =	swait.ge [sflag:s3], $0x200  }
0x24: {  	[sflag:s3] =	ssyncset.done $0x0  }
0x25: {  	[sflag:s3] =	ssyncadd.s32 $0xFFFFFE00  }
0x26: {  	[tilespmem:s7], [sflag:$0x1] =	stream.indirect.gather [hbm4b:s5+s6], $0x80, s2, s6, $0xb8;
	[tilespmem:$0x10200] =	vst v63  }
0x27: {  	_ = 	snop  }
0x28: {  	[tilespmem:s8], [sflag:$0x1] =	stream.indirect.gather [hbm4b:s5+s6], $0x80, s6, s6, $0xb8;
	[tilespmem:$0x10200] =	vst v63  }
0x29: {  	_ = 	snop  }
0x2a: {  	[tilespmem:s10], [sflag:$0x1] =	stream.indirect.gather [hbm4b:s5+s6], $0x80, s9, s6, $0xb8;
	[tilespmem:$0x10200] =	vst v63  }
0x2b: {  	_ = 	snop  }
0x2c: {  	[tilespmem:s12], [sflag:$0x1] =	stream.indirect.gather [hbm4b:s5+s6], $0x80, s11, s6, $0xb8;
	[tilespmem:$0x10200] =	vst v63  }
0x2d: {  	_ =	swait.ge [sflag:s13], $0x4000  }
0x2e: {  	[sflag:s13] =	ssyncset.done $0x0  }
0x2f: {  	[sflag:s13] =	ssyncadd.s32 $0xFFFFC000  }
0x30: {  	_ =	swait.ge [sflag:s13], $0x4000  }
0x31: {  	[sflag:s13] =	ssyncset.done $0x0  }
0x32: {  	[sflag:s13] =	ssyncadd.s32 $0xFFFFC000  }
0x33: {  	_ =	swait.ge [sflag:s13], $0x4000  }
0x34: {  	[sflag:s13] =	ssyncset.done $0x0  }
0x35: {  	[sflag:s13] =	ssyncadd.s32 $0xFFFFC000  }
0x36: {  	_ =	swait.ge [sflag:s13], $0x4000  }
0x37: {  	s16 =	sshll.u32 s16, $0x4;
	[sflag:s13] =	ssyncset.done $0x0  }
0x38: {  	s16 =	sadd.s32 s22, s16;
	[sflag:s13] =	ssyncadd.s32 $0xFFFFC000  }
0x39: {  	[hbm4b:s16+s2] =	stream.linear.scatter [tilespmem:s7], [sflag:$0x2], $0x10000, $0x38;
	[tilespmem:$0x10200] =	vst v63  }
0x3a: {  	s18 =	sor.u32 $0x400, s21;
	_ =	swait.ge [sflag:s3], $0x10000  }
0x3b: {  	s17 =	sshrl.u32 s18, $0x3;
	[sflag:s3] =	ssyncset.done $0x0  }
0x3c: {  	s17 =	sadd.s32 s19, s17;
	[sflag:s3] =	ssyncadd.s32 $0xFFFF0000  }
0x3d: {  	[tilespmem:s2], [sflag:$0x2] =	stream.linear.gather [hbm4b:s17+s2], $0x200, $0x38;
	[tilespmem:$0x10200] =	vst v63  }
0x3e: {  	_ =	swait.ge [sflag:s3], $0x200  }
0x3f: {  	[sflag:s3] =	ssyncset.done $0x0  }
0x40: {  	[sflag:s3] =	ssyncadd.s32 $0xFFFFFE00  }
0x41: {  	[tilespmem:s7], [sflag:$0x1] =	stream.indirect.gather [hbm4b:s5+s6], $0x80, s2, s6, $0xb8;
	[tilespmem:$0x10200] =	vst v63  }
0x42: {  	_ = 	snop  }
0x43: {  	[tilespmem:s8], [sflag:$0x1] =	stream.indirect.gather [hbm4b:s5+s6], $0x80, s6, s6, $0xb8;
	[tilespmem:$0x10200] =	vst v63  }
0x44: {  	_ = 	snop  }
0x45: {  	[tilespmem:s10], [sflag:$0x1] =	stream.indirect.gather [hbm4b:s5+s6], $0x80, s9, s6, $0xb8;
	[tilespmem:$0x10200] =	vst v63  }
0x46: {  	_ = 	snop  }
0x47: {  	[tilespmem:s12], [sflag:$0x1] =	stream.indirect.gather [hbm4b:s5+s6], $0x80, s11, s6, $0xb8;
	[tilespmem:$0x10200] =	vst v63  }
0x48: {  	_ =	swait.ge [sflag:s13], $0x4000  }
0x49: {  	[sflag:s13] =	ssyncset.done $0x0  }
0x4a: {  	[sflag:s13] =	ssyncadd.s32 $0xFFFFC000  }
0x4b: {  	_ =	swait.ge [sflag:s13], $0x4000  }
0x4c: {  	[sflag:s13] =	ssyncset.done $0x0  }
0x4d: {  	[sflag:s13] =	ssyncadd.s32 $0xFFFFC000  }
0x4e: {  	_ =	swait.ge [sflag:s13], $0x4000  }
0x4f: {  	[sflag:s13] =	ssyncset.done $0x0  }
0x50: {  	[sflag:s13] =	ssyncadd.s32 $0xFFFFC000  }
0x51: {  	_ =	swait.ge [sflag:s13], $0x4000  }
0x52: {  	s18 =	sshll.u32 s18, $0x4;
	[sflag:s13] =	ssyncset.done $0x0  }
0x53: {  	s18 =	sadd.s32 s22, s18;
	[sflag:s13] =	ssyncadd.s32 $0xFFFFC000  }
0x54: {  	[hbm4b:s18+s2] =	stream.linear.scatter [tilespmem:s7], [sflag:$0x2], $0x10000, $0x38;
	[tilespmem:$0x10200] =	vst v63  }
0x55: {  	s21 =	sor.u32 $0x600, s21;
	_ =	swait.ge [sflag:s3], $0x10000  }
0x56: {  	s23 =	sshrl.u32 s21, $0x3;
	[sflag:s3] =	ssyncset.done $0x0  }
0x57: {  	s19 =	sadd.s32 s19, s23;
	[sflag:s3] =	ssyncadd.s32 $0xFFFF0000  }
0x58: {  	[tilespmem:s2], [sflag:$0x2] =	stream.linear.gather [hbm4b:s19+s2], $0x200, $0x38;
	[tilespmem:$0x10200] =	vst v63  }
0x59: {  	_ =	swait.ge [sflag:s3], $0x200  }
0x5a: {  	[sflag:s3] =	ssyncset.done $0x0  }
0x5b: {  	[sflag:s3] =	ssyncadd.s32 $0xFFFFFE00  }
0x5c: {  	[tilespmem:s7], [sflag:$0x1] =	stream.indirect.gather [hbm4b:s5+s6], $0x80, s2, s6, $0xb8;
	[tilespmem:$0x10200] =	vst v63  }
0x5d: {  	_ = 	snop  }
0x5e: {  	[tilespmem:s8], [sflag:$0x1] =	stream.indirect.gather [hbm4b:s5+s6], $0x80, s6, s6, $0xb8;
	[tilespmem:$0x10200] =	vst v63  }
0x5f: {  	_ = 	snop  }
0x60: {  	[tilespmem:s10], [sflag:$0x1] =	stream.indirect.gather [hbm4b:s5+s6], $0x80, s9, s6, $0xb8;
	[tilespmem:$0x10200] =	vst v63  }
0x61: {  	_ = 	snop  }
0x62: {  	[tilespmem:s12], [sflag:$0x1] =	stream.indirect.gather [hbm4b:s5+s6], $0x80, s11, s6, $0xb8;
	[tilespmem:$0x10200] =	vst v63  }
0x63: {  	_ =	swait.ge [sflag:s13], $0x4000  }
0x64: {  	[sflag:s13] =	ssyncset.done $0x0  }
0x65: {  	[sflag:s13] =	ssyncadd.s32 $0xFFFFC000  }
0x66: {  	_ =	swait.ge [sflag:s13], $0x4000  }
0x67: {  	[sflag:s13] =	ssyncset.done $0x0  }
0x68: {  	s20 =	ssub.s32 $0x2, s20;
	[sflag:s13] =	ssyncadd.s32 $0xFFFFC000  }
0x69: {  	s29 =	sshrl.u32 s20, $0x1;
	_ =	swait.ge [sflag:s13], $0x4000  }
0x6a: {  	s23 =	ssub.s32 s20, s29;
	[sflag:s13] =	ssyncset.done $0x0  }
0x6b: {  	s31 =	smax.u32 s23, $0x1;
	[sflag:s13] =	ssyncadd.s32 $0xFFFFC000  }
0x6c: {  	p0 =	sne.s32 s31, $0x1;
	_ =	swait.ge [sflag:s13], $0x4000  }
.Ltmp0:
0x6d: {  	s30 =	sshll.u32 s21, $0x4;
	[sflag:s13] =	ssyncset.done $0x0;
	(pc) =	sbr.rel @!p0 .LBB2_2-.Ltmp0, $4  }
0x6e: {  	s20 =	sadd.s32 s22, s30;
	[sflag:s13] =	ssyncadd.s32 $0xFFFFC000  }
0x6f: {  	[hbm4b:s20+s2] =	stream.linear.scatter [tilespmem:s7], [sflag:$0x2], $0x10000, $0x38;
	[tilespmem:$0x10200] =	vst v63  }
0x70: {  	_ =	swait.ge [sflag:s3], $0x10000  }
0x71: {  	s21 =	sadd.s32 $0xFFFFFFFF, s31;
	[sflag:s3] =	ssyncset.done $0x0  }
.LBB2_1:
0x72: {  	p0 =	sne.s32 s21, $0x1;
	s21 =	sadd.s32 $0xFFFFFFFF, s21;
	[sflag:s3] =	ssyncadd.s32 $0xFFFF0000  }
0x73: {  	[tilespmem:s2], [sflag:$0x2] =	stream.linear.gather [hbm4b:s4+s2], $0x200, $0x38;
	[tilespmem:$0x10200] =	vst v63  }
0x74: {  	_ =	swait.ge [sflag:s3], $0x200  }
0x75: {  	[sflag:s3] =	ssyncset.done $0x0  }
0x76: {  	[sflag:s3] =	ssyncadd.s32 $0xFFFFFE00  }
0x77: {  	[tilespmem:s7], [sflag:$0x1] =	stream.indirect.gather [hbm4b:s5+s6], $0x80, s2, s6, $0xb8;
	[tilespmem:$0x10200] =	vst v63  }
0x78: {  	_ = 	snop  }
0x79: {  	[tilespmem:s8], [sflag:$0x1] =	stream.indirect.gather [hbm4b:s5+s6], $0x80, s6, s6, $0xb8;
	[tilespmem:$0x10200] =	vst v63  }
0x7a: {  	_ = 	snop  }
0x7b: {  	[tilespmem:s10], [sflag:$0x1] =	stream.indirect.gather [hbm4b:s5+s6], $0x80, s9, s6, $0xb8;
	[tilespmem:$0x10200] =	vst v63  }
0x7c: {  	_ = 	snop  }
0x7d: {  	[tilespmem:s12], [sflag:$0x1] =	stream.indirect.gather [hbm4b:s5+s6], $0x80, s11, s6, $0xb8;
	[tilespmem:$0x10200] =	vst v63  }
0x7e: {  	_ =	swait.ge [sflag:s13], $0x4000  }
0x7f: {  	[sflag:s13] =	ssyncset.done $0x0  }
0x80: {  	[sflag:s13] =	ssyncadd.s32 $0xFFFFC000  }
0x81: {  	_ =	swait.ge [sflag:s13], $0x4000  }
0x82: {  	[sflag:s13] =	ssyncset.done $0x0  }
0x83: {  	[sflag:s13] =	ssyncadd.s32 $0xFFFFC000  }
0x84: {  	_ =	swait.ge [sflag:s13], $0x4000  }
0x85: {  	[sflag:s13] =	ssyncset.done $0x0  }
0x86: {  	[sflag:s13] =	ssyncadd.s32 $0xFFFFC000  }
0x87: {  	_ =	swait.ge [sflag:s13], $0x4000  }
0x88: {  	[sflag:s13] =	ssyncset.done $0x0  }
0x89: {  	[sflag:s13] =	ssyncadd.s32 $0xFFFFC000  }
0x8a: {  	[hbm4b:s14+s2] =	stream.linear.scatter [tilespmem:s7], [sflag:$0x2], $0x10000, $0x38;
	[tilespmem:$0x10200] =	vst v63  }
0x8b: {  	_ =	swait.ge [sflag:s3], $0x10000  }
0x8c: {  	[sflag:s3] =	ssyncset.done $0x0  }
0x8d: {  	[sflag:s3] =	ssyncadd.s32 $0xFFFF0000  }
0x8e: {  	[tilespmem:s2], [sflag:$0x2] =	stream.linear.gather [hbm4b:s15+s2], $0x200, $0x38;
	[tilespmem:$0x10200] =	vst v63  }
0x8f: {  	_ =	swait.ge [sflag:s3], $0x200  }
0x90: {  	[sflag:s3] =	ssyncset.done $0x0  }
0x91: {  	[sflag:s3] =	ssyncadd.s32 $0xFFFFFE00  }
0x92: {  	[tilespmem:s7], [sflag:$0x1] =	stream.indirect.gather [hbm4b:s5+s6], $0x80, s2, s6, $0xb8;
	[tilespmem:$0x10200] =	vst v63  }
0x93: {  	_ = 	snop  }
0x94: {  	[tilespmem:s8], [sflag:$0x1] =	stream.indirect.gather [hbm4b:s5+s6], $0x80, s6, s6, $0xb8;
	[tilespmem:$0x10200] =	vst v63  }
0x95: {  	_ = 	snop  }
0x96: {  	[tilespmem:s10], [sflag:$0x1] =	stream.indirect.gather [hbm4b:s5+s6], $0x80, s9, s6, $0xb8;
	[tilespmem:$0x10200] =	vst v63  }
0x97: {  	_ = 	snop  }
0x98: {  	[tilespmem:s12], [sflag:$0x1] =	stream.indirect.gather [hbm4b:s5+s6], $0x80, s11, s6, $0xb8;
	[tilespmem:$0x10200] =	vst v63  }
0x99: {  	_ =	swait.ge [sflag:s13], $0x4000  }
0x9a: {  	[sflag:s13] =	ssyncset.done $0x0  }
0x9b: {  	[sflag:s13] =	ssyncadd.s32 $0xFFFFC000  }
0x9c: {  	_ =	swait.ge [sflag:s13], $0x4000  }
0x9d: {  	[sflag:s13] =	ssyncset.done $0x0  }
0x9e: {  	[sflag:s13] =	ssyncadd.s32 $0xFFFFC000  }
0x9f: {  	_ =	swait.ge [sflag:s13], $0x4000  }
0xa0: {  	[sflag:s13] =	ssyncset.done $0x0  }
0xa1: {  	[sflag:s13] =	ssyncadd.s32 $0xFFFFC000  }
0xa2: {  	_ =	swait.ge [sflag:s13], $0x4000  }
0xa3: {  	[sflag:s13] =	ssyncset.done $0x0  }
0xa4: {  	[sflag:s13] =	ssyncadd.s32 $0xFFFFC000  }
0xa5: {  	[hbm4b:s16+s2] =	stream.linear.scatter [tilespmem:s7], [sflag:$0x2], $0x10000, $0x38;
	[tilespmem:$0x10200] =	vst v63  }
0xa6: {  	_ =	swait.ge [sflag:s3], $0x10000  }
0xa7: {  	[sflag:s3] =	ssyncset.done $0x0  }
0xa8: {  	[sflag:s3] =	ssyncadd.s32 $0xFFFF0000  }
0xa9: {  	[tilespmem:s2], [sflag:$0x2] =	stream.linear.gather [hbm4b:s17+s2], $0x200, $0x38;
	[tilespmem:$0x10200] =	vst v63  }
0xaa: {  	_ =	swait.ge [sflag:s3], $0x200  }
0xab: {  	[sflag:s3] =	ssyncset.done $0x0  }
0xac: {  	[sflag:s3] =	ssyncadd.s32 $0xFFFFFE00  }
0xad: {  	[tilespmem:s7], [sflag:$0x1] =	stream.indirect.gather [hbm4b:s5+s6], $0x80, s2, s6, $0xb8;
	[tilespmem:$0x10200] =	vst v63  }
0xae: {  	_ = 	snop  }
0xaf: {  	[tilespmem:s8], [sflag:$0x1] =	stream.indirect.gather [hbm4b:s5+s6], $0x80, s6, s6, $0xb8;
	[tilespmem:$0x10200] =	vst v63  }
0xb0: {  	_ = 	snop  }
0xb1: {  	[tilespmem:s10], [sflag:$0x1] =	stream.indirect.gather [hbm4b:s5+s6], $0x80, s9, s6, $0xb8;
	[tilespmem:$0x10200] =	vst v63  }
0xb2: {  	_ = 	snop  }
0xb3: {  	[tilespmem:s12], [sflag:$0x1] =	stream.indirect.gather [hbm4b:s5+s6], $0x80, s11, s6, $0xb8;
	[tilespmem:$0x10200] =	vst v63  }
0xb4: {  	_ =	swait.ge [sflag:s13], $0x4000  }
0xb5: {  	[sflag:s13] =	ssyncset.done $0x0  }
0xb6: {  	[sflag:s13] =	ssyncadd.s32 $0xFFFFC000  }
0xb7: {  	_ =	swait.ge [sflag:s13], $0x4000  }
0xb8: {  	[sflag:s13] =	ssyncset.done $0x0  }
0xb9: {  	[sflag:s13] =	ssyncadd.s32 $0xFFFFC000  }
0xba: {  	_ =	swait.ge [sflag:s13], $0x4000  }
0xbb: {  	[sflag:s13] =	ssyncset.done $0x0  }
0xbc: {  	[sflag:s13] =	ssyncadd.s32 $0xFFFFC000  }
0xbd: {  	_ =	swait.ge [sflag:s13], $0x4000  }
0xbe: {  	[sflag:s13] =	ssyncset.done $0x0  }
0xbf: {  	[sflag:s13] =	ssyncadd.s32 $0xFFFFC000  }
0xc0: {  	[hbm4b:s18+s2] =	stream.linear.scatter [tilespmem:s7], [sflag:$0x2], $0x10000, $0x38;
	[tilespmem:$0x10200] =	vst v63  }
0xc1: {  	_ =	swait.ge [sflag:s3], $0x10000  }
0xc2: {  	[sflag:s3] =	ssyncset.done $0x0  }
0xc3: {  	[sflag:s3] =	ssyncadd.s32 $0xFFFF0000  }
0xc4: {  	[tilespmem:s2], [sflag:$0x2] =	stream.linear.gather [hbm4b:s19+s2], $0x200, $0x38;
	[tilespmem:$0x10200] =	vst v63  }
0xc5: {  	_ =	swait.ge [sflag:s3], $0x200  }
0xc6: {  	[sflag:s3] =	ssyncset.done $0x0  }
0xc7: {  	[sflag:s3] =	ssyncadd.s32 $0xFFFFFE00  }
0xc8: {  	[tilespmem:s7], [sflag:$0x1] =	stream.indirect.gather [hbm4b:s5+s6], $0x80, s2, s6, $0xb8;
	[tilespmem:$0x10200] =	vst v63  }
0xc9: {  	_ = 	snop  }
0xca: {  	[tilespmem:s8], [sflag:$0x1] =	stream.indirect.gather [hbm4b:s5+s6], $0x80, s6, s6, $0xb8;
	[tilespmem:$0x10200] =	vst v63  }
0xcb: {  	_ = 	snop  }
0xcc: {  	[tilespmem:s10], [sflag:$0x1] =	stream.indirect.gather [hbm4b:s5+s6], $0x80, s9, s6, $0xb8;
	[tilespmem:$0x10200] =	vst v63  }
0xcd: {  	_ = 	snop  }
0xce: {  	[tilespmem:s12], [sflag:$0x1] =	stream.indirect.gather [hbm4b:s5+s6], $0x80, s11, s6, $0xb8;
	[tilespmem:$0x10200] =	vst v63  }
0xcf: {  	_ =	swait.ge [sflag:s13], $0x4000  }
0xd0: {  	[sflag:s13] =	ssyncset.done $0x0  }
0xd1: {  	[sflag:s13] =	ssyncadd.s32 $0xFFFFC000  }
0xd2: {  	_ =	swait.ge [sflag:s13], $0x4000  }
0xd3: {  	[sflag:s13] =	ssyncset.done $0x0  }
0xd4: {  	[sflag:s13] =	ssyncadd.s32 $0xFFFFC000  }
0xd5: {  	_ =	swait.ge [sflag:s13], $0x4000  }
0xd6: {  	[sflag:s13] =	ssyncset.done $0x0  }
0xd7: {  	[sflag:s13] =	ssyncadd.s32 $0xFFFFC000  }
0xd8: {  	_ =	swait.ge [sflag:s13], $0x4000  }
.Ltmp1:
0xd9: {  	[sflag:s13] =	ssyncset.done $0x0;
	(pc) =	sbr.rel @p0 .LBB2_1-.Ltmp1, $4  }
0xda: {  	[sflag:s13] =	ssyncadd.s32 $0xFFFFC000  }
0xdb: {  	[hbm4b:s20+s2] =	stream.linear.scatter [tilespmem:s7], [sflag:$0x2], $0x10000, $0x38;
	[tilespmem:$0x10200] =	vst v63  }
0xdc: {  	_ =	swait.ge [sflag:s3], $0x10000  }
0xdd: {  	[sflag:s3] =	ssyncset.done $0x0  }
.LBB2_2:
0xde: {  	[sflag:s3] =	ssyncadd.s32 $0xFFFF0000  }
0xdf: {  	_ =	sfence.sel $0x180000  }
0xe0: {  	[bflag:$0x0] =	sbarrier.arrive $0xFFFF  }
0xe1: {  	p0 =	sne.s32 s0, $0x0;
	_ =	strace $0x90000053  }
0xe2: {  	s0 =	sadd.s32 @!p0 $0x100000, s1;
	[bflag:$0x2] =	sbarrier.arrive $0xFFFF  }
0xe3: {  	[sflag:s0] =	ssyncadd.tile.s32 @!p0 $0x1;
	_ =	shalt  }
.Lfunc_end2:
_tile_overlayer_lowered:
.L_overlay_start_2:
0xe4: {  	(tag) =	ssettag $0x2  }
0xe5: {  	s0 =	rddreg [dreg:$0x0];
	s2 =	stileid.u32  }
0xe6: {  	s1 =	rddreg [dreg:$0x1];
	p0 =	sne.s32 s2, $0x0  }
0xe7: {  	s3 =	rddreg [dreg:$0x2];
	[bflag:$0x3] =	sbarrier.arrive $0xFFFF;
	s2 =	simm.s32 @!p0 $0x1C02  }
0xe8: {  	[timem:s3], [sflag:s2] =	dma.local @!p0 [hbm:s0], s1  }
0xe9: {  	s0 =	simm.s32 @!p0 $0x2  }
0xea: {  	_ =	swait.ge @!p0 [sflag:s0], s1  }
0xeb: {  	s1 =	ssub.s32 @!p0 $0x0, s1;
	[sflag:s0] =	ssyncset.done @!p0 $0x0  }
0xec: {  	[sflag:s0] =	ssyncadd.s32 @!p0 s1  }
0xed: {  	[bflag:$0x3] =	sbarrier.arrive $0xFFFF  }
0xee: {  	_ =	shalt  }

// kernel: kernel.31.cloned.1.call-start
scs
__scs_entry_jumppad:
0x0: {  	(pc) =	sbr.rel $0x88, $3  }
0x1: {  	(tag) =	ssettag $0x0;
	lr =	simm.s32 $0x1  }
0x2: {  	[smem:$0x3F7F] =	sst lr;
	_ =	strace $0xD0000000  }
0x3: {  	_ = 	snop  }
0x4: {  	_ = 	snop  }
0x5: {  	_ = 	snop  }
0x6: {  	_ = 	snop  }
0x7: {  	_ = 	snop  }
__scs_overlays_trampoline_lowered:
0x8: {  	[smem:$0x3F8E] =	sst s0  }
0x9: {  	[smem:$0x3F8F] =	sst s1  }
0xa: {  	[smem:$0x3F90] =	sst s2  }
0xb: {  	[smem:$0x3F91] =	sst s3  }
0xc: {  	[smem:$0x3F92] =	sst s4  }
0xd: {  	[smem:$0x3F93] =	sst s5  }
0xe: {  	[smem:$0x3F94] =	sst s6  }
0xf: {  	[smem:$0x3F95] =	sst s7  }
0x10: {  	[smem:$0x3F96] =	sst s8  }
0x11: {  	[smem:$0x3F97] =	sst s9;
	s0 =	simm.s32 @!p0 $0x0  }
0x12: {  	s1 =	sld [smem:$0x3F7D];
	s0 =	simm.s32 @p0 $0x1  }
0x13: {  	[smem:$0x3F98] =	sst s0;
	s0 =	simm.s32 @!p1 $0x0  }
0x14: {  	s2 =	sld [smem:$0x3F7C];
	s0 =	simm.s32 @p1 $0x1  }
0x15: {  	[smem:$0x3F99] =	sst s0;
	s0 =	simm.s32 @!p2 $0x0  }
0x16: {  	s3 =	sld [smem:$0x3FDB];
	s0 =	simm.s32 @p2 $0x1  }
0x17: {  	s4 =	simm.s32 $0x1BF5;
	[smem:$0x3F9B] =	sst s0  }
0x18: {  	s0 =	sld [smem:$0x3F7E];
	_ =	swait.ge [sflag:s4], $0x0  }
0x19: {  	s7 =	sld [smem:$0x3F7F]  }
0x1a: {  	s8 =	sadd.s32 $0xFFFFE003, lr  }
0x1b: {  	s9 =	sadd.s32 $0xFFFFFEF7, lr;
	s5 =	simm.s32 $0xFFFFFFFF;
	p2 =	slt.u32 s8, $0xFFFFF086  }
0x1c: {  	p1 =	slt.u32 s9, $0xF7A;
	s5 =	simm.s32 @!p2 $0x0  }
0x1d: {  	s5 =	simm.s32 @p1 $0x1;
	p0 =	seq.s32 s7, s2  }
0x1e: {  	s7 =	smul.u32 @!p0 $0xF7A, s2;
	p2 =	seq.s32 @!p0 s5, $0x0  }
0x1f: {  	s9 =	smul.u32 $0xF7A, s1;
	s8 =	simm.s32 @!p0 $0x1BF5;
	p2 =	por !p2, p0  }
0x20: {  	[sflag:s8] =	ssyncset.s32 @!p0 $0xFFFFF086;
	s6 =	sadd.s32 @!p0 s3, s7;
	s7 =	simm.s32 @!p0 $0x108  }
0x21: {  	s3 =	sadd.s32 s3, s9;
	s6 =	sadd.s32 @!p0 $0x88, s6;
	s7 =	simm.s32 @p2 $0x1082  }
0x22: {  	[simem:s7], [sflag:s8] =	dma.local @!p0 [hbm:s6], $0xF7A  }
0x23: {  	s9 =	sor.u32 $0xD0000000, s2;
	s6 =	simm.s32 $0x108;
	_ =	swait.ge @!p0 [sflag:s8], $0x0  }
0x24: {  	s3 =	sadd.s32 $0x88, s3;
	s6 =	simm.s32 @!p1 $0x1082;
	[sflag:s4] =	ssyncset.s32 $0xFFFFF086  }
0x25: {  	[simem:s6], [sflag:s4] =	dma.local [hbm:s3], $0xF7A  }
0x26: {  	[smem:$0x3F7F] =	sst s1;
	(tag) =	ssettag s2;
	_ =	strace s9  }
0x27: {  	s1 =	sld [smem:$0x3F8F]  }
0x28: {  	s2 =	sld [smem:$0x3F90]  }
0x29: {  	s4 =	sld [smem:$0x3F92]  }
0x2a: {  	p0 =	seq.s32 s5, $0x0;
	s5 =	sld [smem:$0x3F93]  }
0x2b: {  	s6 =	sld [smem:$0x3F94]  }
0x2c: {  	s7 =	sld [smem:$0x3F95]  }
0x2d: {  	s3 =	simm.s32 $0x108;
	s8 =	sld [smem:$0x3F96]  }
0x2e: {  	s3 =	simm.s32 @!p0 $0x1082;
	s9 =	sld [smem:$0x3F97]  }
0x2f: {  	lr =	sadd.s32 s0, s3;
	s0 =	sld [smem:$0x3F8E]  }
0x30: {  	s3 =	sld [smem:$0x3F91]  }
0x31: {  	[smem:$0x3F9A] =	sst s10  }
0x32: {  	s10 =	sld [smem:$0x3F98];
	_ =	sdelay $0x3  }
0x33: {  	p0 =	seq.s32 s10, $0x1;
	s10 =	sld [smem:$0x3F9A];
	_ =	sdelay $0x3  }
0x34: {  	[smem:$0x3F9A] =	sst s10  }
0x35: {  	s10 =	sld [smem:$0x3F99];
	_ =	sdelay $0x3  }
0x36: {  	p1 =	seq.s32 s10, $0x1;
	s10 =	sld [smem:$0x3F9A];
	_ =	sdelay $0x3  }
0x37: {  	[smem:$0x3F9A] =	sst s10  }
0x38: {  	s10 =	sld [smem:$0x3F9B]  }
0x39: {  	_ = 	snop;
	(pc) =	sbr.ind lr, $3  }
0x3a: {  	_ = 	snop  }
0x3b: {  	_ = 	snop  }
0x3c: {  	p2 =	seq.s32 s10, $0x1;
	s10 =	sld [smem:$0x3F9A]  }
0x3d: {  	_ =	shalt  }
0x3e: {  	_ =	shalt  }
0x3f: {  	_ =	shalt  }
0x40: {  	_ =	shalt  }
0x41: {  	_ =	shalt  }
0x42: {  	_ =	shalt  }
0x43: {  	_ =	shalt  }
0x44: {  	_ =	shalt  }
0x45: {  	_ =	shalt  }
0x46: {  	_ =	shalt  }
0x47: {  	_ =	shalt  }
0x48: {  	_ =	shalt  }
0x49: {  	_ =	shalt  }
0x4a: {  	_ =	shalt  }
0x4b: {  	_ =	shalt  }
0x4c: {  	_ =	shalt  }
0x4d: {  	_ =	shalt  }
0x4e: {  	_ =	shalt  }
0x4f: {  	_ =	shalt  }
0x50: {  	_ =	shalt  }
0x51: {  	_ =	shalt  }
0x52: {  	_ =	shalt  }
0x53: {  	_ =	shalt  }
0x54: {  	_ =	shalt  }
0x55: {  	_ =	shalt  }
0x56: {  	_ =	shalt  }
0x57: {  	_ =	shalt  }
0x58: {  	_ =	shalt  }
0x59: {  	_ =	shalt  }
0x5a: {  	_ =	shalt  }
0x5b: {  	_ =	shalt  }
0x5c: {  	_ =	shalt  }
0x5d: {  	_ =	shalt  }
0x5e: {  	_ =	shalt  }
0x5f: {  	_ =	shalt  }
0x60: {  	_ =	shalt  }
0x61: {  	_ =	shalt  }
0x62: {  	_ =	shalt  }
0x63: {  	_ =	shalt  }
0x64: {  	_ =	shalt  }
0x65: {  	_ =	shalt  }
0x66: {  	_ =	shalt  }
0x67: {  	_ =	shalt  }
0x68: {  	_ =	shalt  }
0x69: {  	_ =	shalt  }
0x6a: {  	_ =	shalt  }
0x6b: {  	_ =	shalt  }
0x6c: {  	_ =	shalt  }
0x6d: {  	_ =	shalt  }
0x6e: {  	_ =	shalt  }
0x6f: {  	_ =	shalt  }
0x70: {  	_ =	shalt  }
0x71: {  	_ =	shalt  }
0x72: {  	_ =	shalt  }
0x73: {  	_ =	shalt  }
0x74: {  	_ =	shalt  }
0x75: {  	_ =	shalt  }
0x76: {  	_ =	shalt  }
0x77: {  	_ =	shalt  }
0x78: {  	_ =	shalt  }
0x79: {  	_ =	shalt  }
0x7a: {  	_ =	shalt  }
0x7b: {  	_ =	shalt  }
0x7c: {  	_ =	shalt  }
0x7d: {  	_ =	shalt  }
0x7e: {  	_ =	shalt  }
0x7f: {  	_ =	shalt  }
0x80: {  	_ =	shalt  }
0x81: {  	_ =	shalt  }
0x82: {  	_ =	shalt  }
0x83: {  	_ =	shalt  }
0x84: {  	_ =	shalt  }
0x85: {  	_ =	shalt  }
0x86: {  	_ =	shalt  }
0x87: {  	_ =	shalt  }
.Lfunc_end0:
.L_simem_size_0:
called_computation.4_lowered:
.L_overlay_start_0:
0x88: {  	s2 =	sld [smem:$0x3FD9]  }
0x89: {  	s3 =	sld [smem:$0x3FFE];
	_ =	sdelay $0x1  }
0x8a: {  	s1 =	srdreg.scid  }
0x8b: {  	s0 =	sand.u32 $0x1, s1  }
0x8c: {  	s17 =	sshll.u32 s0, $0xA;
	s2 =	sadd.s32 s3, s2  }
0x8d: {  	s2 =	sadd.s32 s2, s17  }
0x8e: {  	[smem:$0x3FA6] =	sst s2  }
0x8f: {  	_ = 	snop  }
0x90: {  	(tm) =	ssettm $0x1  }
0x91: {  	s18 =	sld [smem:$0x3FFB];
	_ =	sdelay $0x3  }
0x92: {  	_ =	strace s18  }
0x93: {  	s2 =	sld [smem:$0x3FFC];
	_ =	sdelay $0x3  }
0x94: {  	_ =	strace s2  }
0x95: {  	s2 =	sld [smem:$0x3FFD];
	_ =	sdelay $0x3  }
0x96: {  	_ =	strace s2  }
0x97: {  	_ =	strace $0x8FFFFFFF  }
0x98: {  	s19 =	sld [smem:$0x3FDB];
	_ =	sdelay $0x1  }
0x99: {  	s20 =	simm.s32 $_scs_section_size  }
0x9a: {  	s4 =	simm.s32 $_size__tile_overlayer_lowered;
	s5 =	simm.s32 $_tile_overlayer_lowered  }
0x9b: {  	s6 =	simm.s32 $0x1BFF;
	s21 =	sshll.u32 s5, $0x1;
	s3 =	sadd.s32 s20, s19  }
0x9c: {  	s22 =	simm.s32 $0x0;
	s4 =	sshll.u32 s4, $0x1;
	s5 =	sadd.s32 s21, s3  }
0x9d: {  	[timem:s22], [sflag:s6] =	dma.local [hbm:s5], s4  }
0x9e: {  	_ =	swait.ge [sflag:s6], s4  }
0x9f: {  	s4 =	ssub.s32 $0x0, s4;
	[sflag:s6] =	ssyncset.done $0x0  }
0xa0: {  	[sflag:s6] =	ssyncadd.s32 s4;
	_ =	sdelay $0x1  }
0xa1: {  	s23 =	simm.s32 $0x1B8B  }
0xa2: {  	_ =	swait.ge [sflag:s23], $0x1  }
0xa3: {  	[sflag:s23] =	ssyncset.done $0x0  }
0xa4: {  	[sflag:s23] =	ssyncadd.s32 $0xFFFFFFFF  }
0xa5: {  	s4 =	sld [smem:$0x0]  }
0xa6: {  	s5 =	sand.u32 $0xFFFFFFFE, s1  }
0xa7: {  	p0 =	sne.s32 s1, s5  }
0xa8: {  	s5 =	sshll.u32 @p0 s5, $0xE  }
0xa9: {  	s5 =	sadd.s32 @p0 $0x11B8D, s5;
	s6 =	sshll.u32 @p0 s4, $0x11  }
0xaa: {  	s5 =	sor.u32 @p0 s6, s5  }
0xab: {  	[sflag:s5] =	ssyncadd.remote.s32 @p0 $0x1;
	_ =	sdelay $0x1  }
0xac: {  	s5 =	simm.s32 @p0 $0x1B8D  }
0xad: {  	_ =	swait.eq @p0 [sflag:s5], $0x1  }
0xae: {  	[sflag:s5] =	ssyncadd.s32 @p0 $0xFFFFFFFF  }
0xaf: {  	s6 =	sshll.u32 @!p0 s1, $0xE  }
0xb0: {  	s6 =	sor.u32 @!p0 $0x4000, s6;
	s5 =	simm.s32 @!p0 $0x1B8D  }
0xb1: {  	s4 =	sshll.u32 @!p0 s4, $0x11;
	s6 =	sadd.s32 @!p0 $0x11B8D, s6;
	_ =	swait.eq @!p0 [sflag:s5], $0x1  }
0xb2: {  	s4 =	sor.u32 @!p0 s4, s6;
	[sflag:s5] =	ssyncadd.s32 @!p0 $0xFFFFFFFF  }
0xb3: {  	s25 =	simm.s32 $0x1B8E;
	s24 =	sld [smem:$0x3FFE];
	[sflag:s4] =	ssyncadd.remote.s32 @!p0 $0x1  }
0xb4: {  	s26 =	simm.s32 $execute0_lowered;
	[smem:$0x3FD2] =	sst s25  }
0xb5: {  	s5 =	sshll.u32 s26, $0x1;
	_ =	strace $0x8000004F;
	[dreg:$0x1] =	wrdreg $0xFFFFFFFF  }
0xb6: {  	s28 =	simm.s32 $_size_execute0_lowered;
	s3 =	sadd.s32 s3, s5;
	[dreg:$0x0] =	wrdreg $0x0  }
0xb7: {  	s5 =	sshll.u32 s28, $0x1;
	[dreg:$0x2] =	wrdreg s3  }
0xb8: {  	[dreg:$0x3] =	wrdreg s5  }
0xb9: {  	[dreg:$0x4] =	wrdreg $0xC0  }
0xba: {  	_ =	task [dreg:s22], $0x5FFFF  }
0xbb: {  	[dreg:$0x1] =	wrdreg $0xFFFFFFFF  }
0xbc: {  	[dreg:$0x0] =	wrdreg $0x60  }
0xbd: {  	[dreg:$0x2] =	wrdreg s24  }
0xbe: {  	[dreg:$0x3] =	wrdreg $0xB  }
0xbf: {  	_ =	task.clear_ibuf [dreg:s22], $0x4FFFF;
	_ =	strace $0x9000004F  }
0xc0: {  	s29 =	simm.s32 $0xB;
	_ =	strace $0x80000051  }
0xc1: {  	_ =	swait.ge [sflag:s29], $0x1  }
0xc2: {  	[sflag:s29] =	ssyncadd.s32 $0xFFFFFFFF  }
0xc3: {  	_ =	strace $0x90000051  }
0xc4: {  	_ =	sfence  }
0xc5: {  	s30 =	sld [smem:$0x0];
	_ =	sdelay $0x2  }
0xc6: {  	s31 =	sshll.u32 s1, $0xD;
	s1 =	sshrl.u32 s1, $0x2  }
0xc7: {  	s4 =	sand.u32 $0x4000, s31;
	s1 =	sadd.s32 s1, s30  }
0xc8: {  	s0 =	sor.u32 s4, s0;
	s1 =	sshll.u32 s1, $0x11  }
0xc9: {  	s0 =	sor.u32 s1, s0  }
0xca: {  	s0 =	sadd.s32 $0x8F2B, s0  }
0xcb: {  	[sflag:s0] =	ssyncadd.remote.s32 $0x1  }
0xcc: {  	_ =	sfence.sel $0xFFFF  }
0xcd: {  	[dreg:$0x0] =	wrdreg $0xFFFFFFFF;
	(pc) =	sbr.abs _section_cstart, $3  }
0xce: {  	[dreg:$0x1] =	wrdreg $0xFFFFFFFF  }
0xcf: {  	_ =	task.clear_ibuf [dreg:s22], $0x2FFFF;
	_ =	strace $0x9FFFFFFF  }
0xd0: {  	(tm) =	ssettm $0x7FFFFFFF  }
0xd1: {  	_ =	shalt  }
tec
execute0_lowered:
.L_overlay_start_1:
0x0: {  	(tag) =	ssettag $0x1  }
0x1: {  	s1 =	srdreg.scid  }
0x2: {  	s0 =	stileid.u32;
	s20 =	sand.u32 $0x1, s1  }
0x3: {  	s14 =	rddreg [dreg:$0x0];
	s3 =	sshll.u32 s0, $0xC;
	s4 =	sshll.u32 s20, $0xB  }
0x4: {  	s2 =	simm.s32 $0x0;
	s1 =	rddreg [dreg:$0x1];
	s21 =	sor.u32 s4, s3  }
0x5: {  	[smem:$0x7FF] =	sst s2;
	s19 =	sadd.s32 $0x1B200, s14;
	s3 =	sshrl.u32 s21, $0x3  }
0x6: {  	_ =	strace $0x80000050;
	s4 =	sadd.s32 s19, s3;
	s3 =	simm.s32 $0x2  }
0x7: {  	[tilespmem:s2], [sflag:$0x2] =	stream.linear.gather [hbm4b:s4+s2], $0x200, $0x38;
	[tilespmem:$0x10200] =	vst v63  }
0x8: {  	_ =	swait.ge [sflag:s3], $0x200  }
0x9: {  	s6 =	simm.s32 $0x80;
	[sflag:s3] =	ssyncset.done $0x0  }
0xa: {  	s7 =	simm.s32 $0x200;
	s5 =	sadd.s32 $0x6D200, s14;
	[sflag:s3] =	ssyncadd.s32 $0xFFFFFE00  }
0xb: {  	[tilespmem:s7], [sflag:$0x1] =	stream.indirect.gather [hbm4b:s5+s6], $0x80, s2, s6, $0xb8;
	[tilespmem:$0x10200] =	vst v63  }
0xc: {  	s8 =	simm.s32 $0x4200  }
0xd: {  	[tilespmem:s8], [sflag:$0x1] =	stream.indirect.gather [hbm4b:s5+s6], $0x80, s6, s6, $0xb8;
	[tilespmem:$0x10200] =	vst v63  }
0xe: {  	s9 =	simm.s32 $0x100;
	s10 =	simm.s32 $0x8200  }
0xf: {  	[tilespmem:s10], [sflag:$0x1] =	stream.indirect.gather [hbm4b:s5+s6], $0x80, s9, s6, $0xb8;
	[tilespmem:$0x10200] =	vst v63  }
0x10: {  	s11 =	simm.s32 $0x180;
	s12 =	simm.s32 $0xC200;
	s13 =	simm.s32 $0x1  }
0x11: {  	[tilespmem:s12], [sflag:$0x1] =	stream.indirect.gather [hbm4b:s5+s6], $0x80, s11, s6, $0xb8;
	[tilespmem:$0x10200] =	vst v63  }
0x12: {  	_ =	swait.ge [sflag:s13], $0x4000  }
0x13: {  	[sflag:s13] =	ssyncset.done $0x0  }
0x14: {  	[sflag:s13] =	ssyncadd.s32 $0xFFFFC000  }
0x15: {  	_ =	swait.ge [sflag:s13], $0x4000  }
0x16: {  	[sflag:s13] =	ssyncset.done $0x0  }
0x17: {  	[sflag:s13] =	ssyncadd.s32 $0xFFFFC000  }
0x18: {  	_ =	swait.ge [sflag:s13], $0x4000  }
0x19: {  	[sflag:s13] =	ssyncset.done $0x0  }
0x1a: {  	[sflag:s13] =	ssyncadd.s32 $0xFFFFC000  }
0x1b: {  	_ =	swait.ge [sflag:s13], $0x4000  }
0x1c: {  	s22 =	sadd.s32 $0x1AD200, s14;
	s28 =	sshll.u32 s21, $0x4;
	[sflag:s13] =	ssyncset.done $0x0  }
0x1d: {  	s14 =	sadd.s32 s22, s28;
	[sflag:s13] =	ssyncadd.s32 $0xFFFFC000  }
0x1e: {  	[hbm4b:s14+s2] =	stream.linear.scatter [tilespmem:s7], [sflag:$0x2], $0x10000, $0x38;
	[tilespmem:$0x10200] =	vst v63  }
0x1f: {  	s16 =	sor.u32 $0x200, s21;
	_ =	swait.ge [sflag:s3], $0x10000  }
0x20: {  	s15 =	sshrl.u32 s16, $0x3;
	[sflag:s3] =	ssyncset.done $0x0  }
0x21: {  	s15 =	sadd.s32 s19, s15;
	[sflag:s3] =	ssyncadd.s32 $0xFFFF0000  }
0x22: {  	[tilespmem:s2], [sflag:$0x2] =	stream.linear.gather [hbm4b:s15+s2], $0x200, $0x38;
	[tilespmem:$0x10200] =	vst v63  }
0x23: {  	_ =	swait.ge [sflag:s3], $0x200  }
0x24: {  	[sflag:s3] =	ssyncset.done $0x0  }
0x25: {  	[sflag:s3] =	ssyncadd.s32 $0xFFFFFE00  }
0x26: {  	[tilespmem:s7], [sflag:$0x1] =	stream.indirect.gather [hbm4b:s5+s6], $0x80, s2, s6, $0xb8;
	[tilespmem:$0x10200] =	vst v63  }
0x27: {  	_ = 	snop  }
0x28: {  	[tilespmem:s8], [sflag:$0x1] =	stream.indirect.gather [hbm4b:s5+s6], $0x80, s6, s6, $0xb8;
	[tilespmem:$0x10200] =	vst v63  }
0x29: {  	_ = 	snop  }
0x2a: {  	[tilespmem:s10], [sflag:$0x1] =	stream.indirect.gather [hbm4b:s5+s6], $0x80, s9, s6, $0xb8;
	[tilespmem:$0x10200] =	vst v63  }
0x2b: {  	_ = 	snop  }
0x2c: {  	[tilespmem:s12], [sflag:$0x1] =	stream.indirect.gather [hbm4b:s5+s6], $0x80, s11, s6, $0xb8;
	[tilespmem:$0x10200] =	vst v63  }
0x2d: {  	_ =	swait.ge [sflag:s13], $0x4000  }
0x2e: {  	[sflag:s13] =	ssyncset.done $0x0  }
0x2f: {  	[sflag:s13] =	ssyncadd.s32 $0xFFFFC000  }
0x30: {  	_ =	swait.ge [sflag:s13], $0x4000  }
0x31: {  	[sflag:s13] =	ssyncset.done $0x0  }
0x32: {  	[sflag:s13] =	ssyncadd.s32 $0xFFFFC000  }
0x33: {  	_ =	swait.ge [sflag:s13], $0x4000  }
0x34: {  	[sflag:s13] =	ssyncset.done $0x0  }
0x35: {  	[sflag:s13] =	ssyncadd.s32 $0xFFFFC000  }
0x36: {  	_ =	swait.ge [sflag:s13], $0x4000  }
0x37: {  	s16 =	sshll.u32 s16, $0x4;
	[sflag:s13] =	ssyncset.done $0x0  }
0x38: {  	s16 =	sadd.s32 s22, s16;
	[sflag:s13] =	ssyncadd.s32 $0xFFFFC000  }
0x39: {  	[hbm4b:s16+s2] =	stream.linear.scatter [tilespmem:s7], [sflag:$0x2], $0x10000, $0x38;
	[tilespmem:$0x10200] =	vst v63  }
0x3a: {  	s18 =	sor.u32 $0x400, s21;
	_ =	swait.ge [sflag:s3], $0x10000  }
0x3b: {  	s17 =	sshrl.u32 s18, $0x3;
	[sflag:s3] =	ssyncset.done $0x0  }
0x3c: {  	s17 =	sadd.s32 s19, s17;
	[sflag:s3] =	ssyncadd.s32 $0xFFFF0000  }
0x3d: {  	[tilespmem:s2], [sflag:$0x2] =	stream.linear.gather [hbm4b:s17+s2], $0x200, $0x38;
	[tilespmem:$0x10200] =	vst v63  }
0x3e: {  	_ =	swait.ge [sflag:s3], $0x200  }
0x3f: {  	[sflag:s3] =	ssyncset.done $0x0  }
0x40: {  	[sflag:s3] =	ssyncadd.s32 $0xFFFFFE00  }
0x41: {  	[tilespmem:s7], [sflag:$0x1] =	stream.indirect.gather [hbm4b:s5+s6], $0x80, s2, s6, $0xb8;
	[tilespmem:$0x10200] =	vst v63  }
0x42: {  	_ = 	snop  }
0x43: {  	[tilespmem:s8], [sflag:$0x1] =	stream.indirect.gather [hbm4b:s5+s6], $0x80, s6, s6, $0xb8;
	[tilespmem:$0x10200] =	vst v63  }
0x44: {  	_ = 	snop  }
0x45: {  	[tilespmem:s10], [sflag:$0x1] =	stream.indirect.gather [hbm4b:s5+s6], $0x80, s9, s6, $0xb8;
	[tilespmem:$0x10200] =	vst v63  }
0x46: {  	_ = 	snop  }
0x47: {  	[tilespmem:s12], [sflag:$0x1] =	stream.indirect.gather [hbm4b:s5+s6], $0x80, s11, s6, $0xb8;
	[tilespmem:$0x10200] =	vst v63  }
0x48: {  	_ =	swait.ge [sflag:s13], $0x4000  }
0x49: {  	[sflag:s13] =	ssyncset.done $0x0  }
0x4a: {  	[sflag:s13] =	ssyncadd.s32 $0xFFFFC000  }
0x4b: {  	_ =	swait.ge [sflag:s13], $0x4000  }
0x4c: {  	[sflag:s13] =	ssyncset.done $0x0  }
0x4d: {  	[sflag:s13] =	ssyncadd.s32 $0xFFFFC000  }
0x4e: {  	_ =	swait.ge [sflag:s13], $0x4000  }
0x4f: {  	[sflag:s13] =	ssyncset.done $0x0  }
0x50: {  	[sflag:s13] =	ssyncadd.s32 $0xFFFFC000  }
0x51: {  	_ =	swait.ge [sflag:s13], $0x4000  }
0x52: {  	s18 =	sshll.u32 s18, $0x4;
	[sflag:s13] =	ssyncset.done $0x0  }
0x53: {  	s18 =	sadd.s32 s22, s18;
	[sflag:s13] =	ssyncadd.s32 $0xFFFFC000  }
0x54: {  	[hbm4b:s18+s2] =	stream.linear.scatter [tilespmem:s7], [sflag:$0x2], $0x10000, $0x38;
	[tilespmem:$0x10200] =	vst v63  }
0x55: {  	s21 =	sor.u32 $0x600, s21;
	_ =	swait.ge [sflag:s3], $0x10000  }
0x56: {  	s23 =	sshrl.u32 s21, $0x3;
	[sflag:s3] =	ssyncset.done $0x0  }
0x57: {  	s19 =	sadd.s32 s19, s23;
	[sflag:s3] =	ssyncadd.s32 $0xFFFF0000  }
0x58: {  	[tilespmem:s2], [sflag:$0x2] =	stream.linear.gather [hbm4b:s19+s2], $0x200, $0x38;
	[tilespmem:$0x10200] =	vst v63  }
0x59: {  	_ =	swait.ge [sflag:s3], $0x200  }
0x5a: {  	[sflag:s3] =	ssyncset.done $0x0  }
0x5b: {  	[sflag:s3] =	ssyncadd.s32 $0xFFFFFE00  }
0x5c: {  	[tilespmem:s7], [sflag:$0x1] =	stream.indirect.gather [hbm4b:s5+s6], $0x80, s2, s6, $0xb8;
	[tilespmem:$0x10200] =	vst v63  }
0x5d: {  	_ = 	snop  }
0x5e: {  	[tilespmem:s8], [sflag:$0x1] =	stream.indirect.gather [hbm4b:s5+s6], $0x80, s6, s6, $0xb8;
	[tilespmem:$0x10200] =	vst v63  }
0x5f: {  	_ = 	snop  }
0x60: {  	[tilespmem:s10], [sflag:$0x1] =	stream.indirect.gather [hbm4b:s5+s6], $0x80, s9, s6, $0xb8;
	[tilespmem:$0x10200] =	vst v63  }
0x61: {  	_ = 	snop  }
0x62: {  	[tilespmem:s12], [sflag:$0x1] =	stream.indirect.gather [hbm4b:s5+s6], $0x80, s11, s6, $0xb8;
	[tilespmem:$0x10200] =	vst v63  }
0x63: {  	_ =	swait.ge [sflag:s13], $0x4000  }
0x64: {  	[sflag:s13] =	ssyncset.done $0x0  }
0x65: {  	[sflag:s13] =	ssyncadd.s32 $0xFFFFC000  }
0x66: {  	_ =	swait.ge [sflag:s13], $0x4000  }
0x67: {  	[sflag:s13] =	ssyncset.done $0x0  }
0x68: {  	s20 =	ssub.s32 $0x2, s20;
	[sflag:s13] =	ssyncadd.s32 $0xFFFFC000  }
0x69: {  	s29 =	sshrl.u32 s20, $0x1;
	_ =	swait.ge [sflag:s13], $0x4000  }
0x6a: {  	s23 =	ssub.s32 s20, s29;
	[sflag:s13] =	ssyncset.done $0x0  }
0x6b: {  	s31 =	smax.u32 s23, $0x1;
	[sflag:s13] =	ssyncadd.s32 $0xFFFFC000  }
0x6c: {  	p0 =	sne.s32 s31, $0x1;
	_ =	swait.ge [sflag:s13], $0x4000  }
.Ltmp0:
0x6d: {  	s30 =	sshll.u32 s21, $0x4;
	[sflag:s13] =	ssyncset.done $0x0;
	(pc) =	sbr.rel @!p0 .LBB2_2-.Ltmp0, $4  }
0x6e: {  	s20 =	sadd.s32 s22, s30;
	[sflag:s13] =	ssyncadd.s32 $0xFFFFC000  }
0x6f: {  	[hbm4b:s20+s2] =	stream.linear.scatter [tilespmem:s7], [sflag:$0x2], $0x10000, $0x38;
	[tilespmem:$0x10200] =	vst v63  }
0x70: {  	_ =	swait.ge [sflag:s3], $0x10000  }
0x71: {  	s21 =	sadd.s32 $0xFFFFFFFF, s31;
	[sflag:s3] =	ssyncset.done $0x0  }
.LBB2_1:
0x72: {  	p0 =	sne.s32 s21, $0x1;
	s21 =	sadd.s32 $0xFFFFFFFF, s21;
	[sflag:s3] =	ssyncadd.s32 $0xFFFF0000  }
0x73: {  	[tilespmem:s2], [sflag:$0x2] =	stream.linear.gather [hbm4b:s4+s2], $0x200, $0x38;
	[tilespmem:$0x10200] =	vst v63  }
0x74: {  	_ =	swait.ge [sflag:s3], $0x200  }
0x75: {  	[sflag:s3] =	ssyncset.done $0x0  }
0x76: {  	[sflag:s3] =	ssyncadd.s32 $0xFFFFFE00  }
0x77: {  	[tilespmem:s7], [sflag:$0x1] =	stream.indirect.gather [hbm4b:s5+s6], $0x80, s2, s6, $0xb8;
	[tilespmem:$0x10200] =	vst v63  }
0x78: {  	_ = 	snop  }
0x79: {  	[tilespmem:s8], [sflag:$0x1] =	stream.indirect.gather [hbm4b:s5+s6], $0x80, s6, s6, $0xb8;
	[tilespmem:$0x10200] =	vst v63  }
0x7a: {  	_ = 	snop  }
0x7b: {  	[tilespmem:s10], [sflag:$0x1] =	stream.indirect.gather [hbm4b:s5+s6], $0x80, s9, s6, $0xb8;
	[tilespmem:$0x10200] =	vst v63  }
0x7c: {  	_ = 	snop  }
0x7d: {  	[tilespmem:s12], [sflag:$0x1] =	stream.indirect.gather [hbm4b:s5+s6], $0x80, s11, s6, $0xb8;
	[tilespmem:$0x10200] =	vst v63  }
0x7e: {  	_ =	swait.ge [sflag:s13], $0x4000  }
0x7f: {  	[sflag:s13] =	ssyncset.done $0x0  }
0x80: {  	[sflag:s13] =	ssyncadd.s32 $0xFFFFC000  }
0x81: {  	_ =	swait.ge [sflag:s13], $0x4000  }
0x82: {  	[sflag:s13] =	ssyncset.done $0x0  }
0x83: {  	[sflag:s13] =	ssyncadd.s32 $0xFFFFC000  }
0x84: {  	_ =	swait.ge [sflag:s13], $0x4000  }
0x85: {  	[sflag:s13] =	ssyncset.done $0x0  }
0x86: {  	[sflag:s13] =	ssyncadd.s32 $0xFFFFC000  }
0x87: {  	_ =	swait.ge [sflag:s13], $0x4000  }
0x88: {  	[sflag:s13] =	ssyncset.done $0x0  }
0x89: {  	[sflag:s13] =	ssyncadd.s32 $0xFFFFC000  }
0x8a: {  	[hbm4b:s14+s2] =	stream.linear.scatter [tilespmem:s7], [sflag:$0x2], $0x10000, $0x38;
	[tilespmem:$0x10200] =	vst v63  }
0x8b: {  	_ =	swait.ge [sflag:s3], $0x10000  }
0x8c: {  	[sflag:s3] =	ssyncset.done $0x0  }
0x8d: {  	[sflag:s3] =	ssyncadd.s32 $0xFFFF0000  }
0x8e: {  	[tilespmem:s2], [sflag:$0x2] =	stream.linear.gather [hbm4b:s15+s2], $0x200, $0x38;
	[tilespmem:$0x10200] =	vst v63  }
0x8f: {  	_ =	swait.ge [sflag:s3], $0x200  }
0x90: {  	[sflag:s3] =	ssyncset.done $0x0  }
0x91: {  	[sflag:s3] =	ssyncadd.s32 $0xFFFFFE00  }
0x92: {  	[tilespmem:s7], [sflag:$0x1] =	stream.indirect.gather [hbm4b:s5+s6], $0x80, s2, s6, $0xb8;
	[tilespmem:$0x10200] =	vst v63  }
0x93: {  	_ = 	snop  }
0x94: {  	[tilespmem:s8], [sflag:$0x1] =	stream.indirect.gather [hbm4b:s5+s6], $0x80, s6, s6, $0xb8;
	[tilespmem:$0x10200] =	vst v63  }
0x95: {  	_ = 	snop  }
0x96: {  	[tilespmem:s10], [sflag:$0x1] =	stream.indirect.gather [hbm4b:s5+s6], $0x80, s9, s6, $0xb8;
	[tilespmem:$0x10200] =	vst v63  }
0x97: {  	_ = 	snop  }
0x98: {  	[tilespmem:s12], [sflag:$0x1] =	stream.indirect.gather [hbm4b:s5+s6], $0x80, s11, s6, $0xb8;
	[tilespmem:$0x10200] =	vst v63  }
0x99: {  	_ =	swait.ge [sflag:s13], $0x4000  }
0x9a: {  	[sflag:s13] =	ssyncset.done $0x0  }
0x9b: {  	[sflag:s13] =	ssyncadd.s32 $0xFFFFC000  }
0x9c: {  	_ =	swait.ge [sflag:s13], $0x4000  }
0x9d: {  	[sflag:s13] =	ssyncset.done $0x0  }
0x9e: {  	[sflag:s13] =	ssyncadd.s32 $0xFFFFC000  }
0x9f: {  	_ =	swait.ge [sflag:s13], $0x4000  }
0xa0: {  	[sflag:s13] =	ssyncset.done $0x0  }
0xa1: {  	[sflag:s13] =	ssyncadd.s32 $0xFFFFC000  }
0xa2: {  	_ =	swait.ge [sflag:s13], $0x4000  }
0xa3: {  	[sflag:s13] =	ssyncset.done $0x0  }
0xa4: {  	[sflag:s13] =	ssyncadd.s32 $0xFFFFC000  }
0xa5: {  	[hbm4b:s16+s2] =	stream.linear.scatter [tilespmem:s7], [sflag:$0x2], $0x10000, $0x38;
	[tilespmem:$0x10200] =	vst v63  }
0xa6: {  	_ =	swait.ge [sflag:s3], $0x10000  }
0xa7: {  	[sflag:s3] =	ssyncset.done $0x0  }
0xa8: {  	[sflag:s3] =	ssyncadd.s32 $0xFFFF0000  }
0xa9: {  	[tilespmem:s2], [sflag:$0x2] =	stream.linear.gather [hbm4b:s17+s2], $0x200, $0x38;
	[tilespmem:$0x10200] =	vst v63  }
0xaa: {  	_ =	swait.ge [sflag:s3], $0x200  }
0xab: {  	[sflag:s3] =	ssyncset.done $0x0  }
0xac: {  	[sflag:s3] =	ssyncadd.s32 $0xFFFFFE00  }
0xad: {  	[tilespmem:s7], [sflag:$0x1] =	stream.indirect.gather [hbm4b:s5+s6], $0x80, s2, s6, $0xb8;
	[tilespmem:$0x10200] =	vst v63  }
0xae: {  	_ = 	snop  }
0xaf: {  	[tilespmem:s8], [sflag:$0x1] =	stream.indirect.gather [hbm4b:s5+s6], $0x80, s6, s6, $0xb8;
	[tilespmem:$0x10200] =	vst v63  }
0xb0: {  	_ = 	snop  }
0xb1: {  	[tilespmem:s10], [sflag:$0x1] =	stream.indirect.gather [hbm4b:s5+s6], $0x80, s9, s6, $0xb8;
	[tilespmem:$0x10200] =	vst v63  }
0xb2: {  	_ = 	snop  }
0xb3: {  	[tilespmem:s12], [sflag:$0x1] =	stream.indirect.gather [hbm4b:s5+s6], $0x80, s11, s6, $0xb8;
	[tilespmem:$0x10200] =	vst v63  }
0xb4: {  	_ =	swait.ge [sflag:s13], $0x4000  }
0xb5: {  	[sflag:s13] =	ssyncset.done $0x0  }
0xb6: {  	[sflag:s13] =	ssyncadd.s32 $0xFFFFC000  }
0xb7: {  	_ =	swait.ge [sflag:s13], $0x4000  }
0xb8: {  	[sflag:s13] =	ssyncset.done $0x0  }
0xb9: {  	[sflag:s13] =	ssyncadd.s32 $0xFFFFC000  }
0xba: {  	_ =	swait.ge [sflag:s13], $0x4000  }
0xbb: {  	[sflag:s13] =	ssyncset.done $0x0  }
0xbc: {  	[sflag:s13] =	ssyncadd.s32 $0xFFFFC000  }
0xbd: {  	_ =	swait.ge [sflag:s13], $0x4000  }
0xbe: {  	[sflag:s13] =	ssyncset.done $0x0  }
0xbf: {  	[sflag:s13] =	ssyncadd.s32 $0xFFFFC000  }
0xc0: {  	[hbm4b:s18+s2] =	stream.linear.scatter [tilespmem:s7], [sflag:$0x2], $0x10000, $0x38;
	[tilespmem:$0x10200] =	vst v63  }
0xc1: {  	_ =	swait.ge [sflag:s3], $0x10000  }
0xc2: {  	[sflag:s3] =	ssyncset.done $0x0  }
0xc3: {  	[sflag:s3] =	ssyncadd.s32 $0xFFFF0000  }
0xc4: {  	[tilespmem:s2], [sflag:$0x2] =	stream.linear.gather [hbm4b:s19+s2], $0x200, $0x38;
	[tilespmem:$0x10200] =	vst v63  }
0xc5: {  	_ =	swait.ge [sflag:s3], $0x200  }
0xc6: {  	[sflag:s3] =	ssyncset.done $0x0  }
0xc7: {  	[sflag:s3] =	ssyncadd.s32 $0xFFFFFE00  }
0xc8: {  	[tilespmem:s7], [sflag:$0x1] =	stream.indirect.gather [hbm4b:s5+s6], $0x80, s2, s6, $0xb8;
	[tilespmem:$0x10200] =	vst v63  }
0xc9: {  	_ = 	snop  }
0xca: {  	[tilespmem:s8], [sflag:$0x1] =	stream.indirect.gather [hbm4b:s5+s6], $0x80, s6, s6, $0xb8;
	[tilespmem:$0x10200] =	vst v63  }
0xcb: {  	_ = 	snop  }
0xcc: {  	[tilespmem:s10], [sflag:$0x1] =	stream.indirect.gather [hbm4b:s5+s6], $0x80, s9, s6, $0xb8;
	[tilespmem:$0x10200] =	vst v63  }
0xcd: {  	_ = 	snop  }
0xce: {  	[tilespmem:s12], [sflag:$0x1] =	stream.indirect.gather [hbm4b:s5+s6], $0x80, s11, s6, $0xb8;
	[tilespmem:$0x10200] =	vst v63  }
0xcf: {  	_ =	swait.ge [sflag:s13], $0x4000  }
0xd0: {  	[sflag:s13] =	ssyncset.done $0x0  }
0xd1: {  	[sflag:s13] =	ssyncadd.s32 $0xFFFFC000  }
0xd2: {  	_ =	swait.ge [sflag:s13], $0x4000  }
0xd3: {  	[sflag:s13] =	ssyncset.done $0x0  }
0xd4: {  	[sflag:s13] =	ssyncadd.s32 $0xFFFFC000  }
0xd5: {  	_ =	swait.ge [sflag:s13], $0x4000  }
0xd6: {  	[sflag:s13] =	ssyncset.done $0x0  }
0xd7: {  	[sflag:s13] =	ssyncadd.s32 $0xFFFFC000  }
0xd8: {  	_ =	swait.ge [sflag:s13], $0x4000  }
.Ltmp1:
0xd9: {  	[sflag:s13] =	ssyncset.done $0x0;
	(pc) =	sbr.rel @p0 .LBB2_1-.Ltmp1, $4  }
0xda: {  	[sflag:s13] =	ssyncadd.s32 $0xFFFFC000  }
0xdb: {  	[hbm4b:s20+s2] =	stream.linear.scatter [tilespmem:s7], [sflag:$0x2], $0x10000, $0x38;
	[tilespmem:$0x10200] =	vst v63  }
0xdc: {  	_ =	swait.ge [sflag:s3], $0x10000  }
0xdd: {  	[sflag:s3] =	ssyncset.done $0x0  }
.LBB2_2:
0xde: {  	[sflag:s3] =	ssyncadd.s32 $0xFFFF0000  }
0xdf: {  	_ =	sfence.sel $0x180000  }
0xe0: {  	[bflag:$0x0] =	sbarrier.arrive $0xFFFF  }
0xe1: {  	p0 =	sne.s32 s0, $0x0;
	_ =	strace $0x90000050  }
0xe2: {  	s0 =	sadd.s32 @!p0 $0x100000, s1;
	[bflag:$0x2] =	sbarrier.arrive $0xFFFF  }
0xe3: {  	[sflag:s0] =	ssyncadd.tile.s32 @!p0 $0x1;
	_ =	shalt  }
.Lfunc_end2:
_tile_overlayer_lowered:
.L_overlay_start_2:
0xe4: {  	(tag) =	ssettag $0x2  }
0xe5: {  	s0 =	rddreg [dreg:$0x0];
	s2 =	stileid.u32  }
0xe6: {  	s1 =	rddreg [dreg:$0x1];
	p0 =	sne.s32 s2, $0x0  }
0xe7: {  	s3 =	rddreg [dreg:$0x2];
	[bflag:$0x3] =	sbarrier.arrive $0xFFFF;
	s2 =	simm.s32 @!p0 $0x1C02  }
0xe8: {  	[timem:s3], [sflag:s2] =	dma.local @!p0 [hbm:s0], s1  }
0xe9: {  	s0 =	simm.s32 @!p0 $0x2  }
0xea: {  	_ =	swait.ge @!p0 [sflag:s0], s1  }
0xeb: {  	s1 =	ssub.s32 @!p0 $0x0, s1;
	[sflag:s0] =	ssyncset.done @!p0 $0x0  }
0xec: {  	[sflag:s0] =	ssyncadd.s32 @!p0 s1  }
0xed: {  	[bflag:$0x3] =	sbarrier.arrive $0xFFFF  }
0xee: {  	_ =	shalt  }

// kernel: kernel.34.cloned.1.call-start
scs
__scs_entry_jumppad:
0x0: {  	(pc) =	sbr.rel $0x88, $3  }
0x1: {  	(tag) =	ssettag $0x0;
	lr =	simm.s32 $0x1  }
0x2: {  	[smem:$0x3F7F] =	sst lr;
	_ =	strace $0xD0000000  }
0x3: {  	_ = 	snop  }
0x4: {  	_ = 	snop  }
0x5: {  	_ = 	snop  }
0x6: {  	_ = 	snop  }
0x7: {  	_ = 	snop  }
__scs_overlays_trampoline_lowered:
0x8: {  	[smem:$0x3F8E] =	sst s0  }
0x9: {  	[smem:$0x3F8F] =	sst s1  }
0xa: {  	[smem:$0x3F90] =	sst s2  }
0xb: {  	[smem:$0x3F91] =	sst s3  }
0xc: {  	[smem:$0x3F92] =	sst s4  }
0xd: {  	[smem:$0x3F93] =	sst s5  }
0xe: {  	[smem:$0x3F94] =	sst s6  }
0xf: {  	[smem:$0x3F95] =	sst s7  }
0x10: {  	[smem:$0x3F96] =	sst s8  }
0x11: {  	[smem:$0x3F97] =	sst s9;
	s0 =	simm.s32 @!p0 $0x0  }
0x12: {  	s1 =	sld [smem:$0x3F7D];
	s0 =	simm.s32 @p0 $0x1  }
0x13: {  	[smem:$0x3F98] =	sst s0;
	s0 =	simm.s32 @!p1 $0x0  }
0x14: {  	s2 =	sld [smem:$0x3F7C];
	s0 =	simm.s32 @p1 $0x1  }
0x15: {  	[smem:$0x3F99] =	sst s0;
	s0 =	simm.s32 @!p2 $0x0  }
0x16: {  	s3 =	sld [smem:$0x3FDB];
	s0 =	simm.s32 @p2 $0x1  }
0x17: {  	s4 =	simm.s32 $0x1BF5;
	[smem:$0x3F9B] =	sst s0  }
0x18: {  	s0 =	sld [smem:$0x3F7E];
	_ =	swait.ge [sflag:s4], $0x0  }
0x19: {  	s7 =	sld [smem:$0x3F7F]  }
0x1a: {  	s8 =	sadd.s32 $0xFFFFE003, lr  }
0x1b: {  	s9 =	sadd.s32 $0xFFFFFEF7, lr;
	s5 =	simm.s32 $0xFFFFFFFF;
	p2 =	slt.u32 s8, $0xFFFFF086  }
0x1c: {  	p1 =	slt.u32 s9, $0xF7A;
	s5 =	simm.s32 @!p2 $0x0  }
0x1d: {  	s5 =	simm.s32 @p1 $0x1;
	p0 =	seq.s32 s7, s2  }
0x1e: {  	s7 =	smul.u32 @!p0 $0xF7A, s2;
	p2 =	seq.s32 @!p0 s5, $0x0  }
0x1f: {  	s9 =	smul.u32 $0xF7A, s1;
	s8 =	simm.s32 @!p0 $0x1BF5;
	p2 =	por !p2, p0  }
0x20: {  	[sflag:s8] =	ssyncset.s32 @!p0 $0xFFFFF086;
	s6 =	sadd.s32 @!p0 s3, s7;
	s7 =	simm.s32 @!p0 $0x108  }
0x21: {  	s3 =	sadd.s32 s3, s9;
	s6 =	sadd.s32 @!p0 $0x88, s6;
	s7 =	simm.s32 @p2 $0x1082  }
0x22: {  	[simem:s7], [sflag:s8] =	dma.local @!p0 [hbm:s6], $0xF7A  }
0x23: {  	s9 =	sor.u32 $0xD0000000, s2;
	s6 =	simm.s32 $0x108;
	_ =	swait.ge @!p0 [sflag:s8], $0x0  }
0x24: {  	s3 =	sadd.s32 $0x88, s3;
	s6 =	simm.s32 @!p1 $0x1082;
	[sflag:s4] =	ssyncset.s32 $0xFFFFF086  }
0x25: {  	[simem:s6], [sflag:s4] =	dma.local [hbm:s3], $0xF7A  }
0x26: {  	[smem:$0x3F7F] =	sst s1;
	(tag) =	ssettag s2;
	_ =	strace s9  }
0x27: {  	s1 =	sld [smem:$0x3F8F]  }
0x28: {  	s2 =	sld [smem:$0x3F90]  }
0x29: {  	s4 =	sld [smem:$0x3F92]  }
0x2a: {  	p0 =	seq.s32 s5, $0x0;
	s5 =	sld [smem:$0x3F93]  }
0x2b: {  	s6 =	sld [smem:$0x3F94]  }
0x2c: {  	s7 =	sld [smem:$0x3F95]  }
0x2d: {  	s3 =	simm.s32 $0x108;
	s8 =	sld [smem:$0x3F96]  }
0x2e: {  	s3 =	simm.s32 @!p0 $0x1082;
	s9 =	sld [smem:$0x3F97]  }
0x2f: {  	lr =	sadd.s32 s0, s3;
	s0 =	sld [smem:$0x3F8E]  }
0x30: {  	s3 =	sld [smem:$0x3F91]  }
0x31: {  	[smem:$0x3F9A] =	sst s10  }
0x32: {  	s10 =	sld [smem:$0x3F98];
	_ =	sdelay $0x3  }
0x33: {  	p0 =	seq.s32 s10, $0x1;
	s10 =	sld [smem:$0x3F9A];
	_ =	sdelay $0x3  }
0x34: {  	[smem:$0x3F9A] =	sst s10  }
0x35: {  	s10 =	sld [smem:$0x3F99];
	_ =	sdelay $0x3  }
0x36: {  	p1 =	seq.s32 s10, $0x1;
	s10 =	sld [smem:$0x3F9A];
	_ =	sdelay $0x3  }
0x37: {  	[smem:$0x3F9A] =	sst s10  }
0x38: {  	s10 =	sld [smem:$0x3F9B]  }
0x39: {  	_ = 	snop;
	(pc) =	sbr.ind lr, $3  }
0x3a: {  	_ = 	snop  }
0x3b: {  	_ = 	snop  }
0x3c: {  	p2 =	seq.s32 s10, $0x1;
	s10 =	sld [smem:$0x3F9A]  }
0x3d: {  	_ =	shalt  }
0x3e: {  	_ =	shalt  }
0x3f: {  	_ =	shalt  }
0x40: {  	_ =	shalt  }
0x41: {  	_ =	shalt  }
0x42: {  	_ =	shalt  }
0x43: {  	_ =	shalt  }
0x44: {  	_ =	shalt  }
0x45: {  	_ =	shalt  }
0x46: {  	_ =	shalt  }
0x47: {  	_ =	shalt  }
0x48: {  	_ =	shalt  }
0x49: {  	_ =	shalt  }
0x4a: {  	_ =	shalt  }
0x4b: {  	_ =	shalt  }
0x4c: {  	_ =	shalt  }
0x4d: {  	_ =	shalt  }
0x4e: {  	_ =	shalt  }
0x4f: {  	_ =	shalt  }
0x50: {  	_ =	shalt  }
0x51: {  	_ =	shalt  }
0x52: {  	_ =	shalt  }
0x53: {  	_ =	shalt  }
0x54: {  	_ =	shalt  }
0x55: {  	_ =	shalt  }
0x56: {  	_ =	shalt  }
0x57: {  	_ =	shalt  }
0x58: {  	_ =	shalt  }
0x59: {  	_ =	shalt  }
0x5a: {  	_ =	shalt  }
0x5b: {  	_ =	shalt  }
0x5c: {  	_ =	shalt  }
0x5d: {  	_ =	shalt  }
0x5e: {  	_ =	shalt  }
0x5f: {  	_ =	shalt  }
0x60: {  	_ =	shalt  }
0x61: {  	_ =	shalt  }
0x62: {  	_ =	shalt  }
0x63: {  	_ =	shalt  }
0x64: {  	_ =	shalt  }
0x65: {  	_ =	shalt  }
0x66: {  	_ =	shalt  }
0x67: {  	_ =	shalt  }
0x68: {  	_ =	shalt  }
0x69: {  	_ =	shalt  }
0x6a: {  	_ =	shalt  }
0x6b: {  	_ =	shalt  }
0x6c: {  	_ =	shalt  }
0x6d: {  	_ =	shalt  }
0x6e: {  	_ =	shalt  }
0x6f: {  	_ =	shalt  }
0x70: {  	_ =	shalt  }
0x71: {  	_ =	shalt  }
0x72: {  	_ =	shalt  }
0x73: {  	_ =	shalt  }
0x74: {  	_ =	shalt  }
0x75: {  	_ =	shalt  }
0x76: {  	_ =	shalt  }
0x77: {  	_ =	shalt  }
0x78: {  	_ =	shalt  }
0x79: {  	_ =	shalt  }
0x7a: {  	_ =	shalt  }
0x7b: {  	_ =	shalt  }
0x7c: {  	_ =	shalt  }
0x7d: {  	_ =	shalt  }
0x7e: {  	_ =	shalt  }
0x7f: {  	_ =	shalt  }
0x80: {  	_ =	shalt  }
0x81: {  	_ =	shalt  }
0x82: {  	_ =	shalt  }
0x83: {  	_ =	shalt  }
0x84: {  	_ =	shalt  }
0x85: {  	_ =	shalt  }
0x86: {  	_ =	shalt  }
0x87: {  	_ =	shalt  }
.Lfunc_end0:
.L_simem_size_0:
called_computation.5_lowered:
.L_overlay_start_0:
0x88: {  	s2 =	sld [smem:$0x3FD9]  }
0x89: {  	s3 =	sld [smem:$0x3FFE];
	_ =	sdelay $0x1  }
0x8a: {  	s1 =	srdreg.scid  }
0x8b: {  	s0 =	sand.u32 $0x1, s1  }
0x8c: {  	s16 =	sshll.u32 s0, $0xA;
	s2 =	sadd.s32 s3, s2  }
0x8d: {  	s2 =	sadd.s32 s2, s16  }
0x8e: {  	[smem:$0x3FA6] =	sst s2  }
0x8f: {  	_ = 	snop  }
0x90: {  	(tm) =	ssettm $0x1  }
0x91: {  	s17 =	sld [smem:$0x3FFB];
	_ =	sdelay $0x3  }
0x92: {  	_ =	strace s17  }
0x93: {  	s2 =	sld [smem:$0x3FFC];
	_ =	sdelay $0x3  }
0x94: {  	_ =	strace s2  }
0x95: {  	s2 =	sld [smem:$0x3FFD];
	_ =	sdelay $0x3  }
0x96: {  	_ =	strace s2  }
0x97: {  	_ =	strace $0x8FFFFFFF  }
0x98: {  	s18 =	sld [smem:$0x3FDB];
	_ =	sdelay $0x1  }
0x99: {  	s19 =	simm.s32 $_scs_section_size  }
0x9a: {  	s4 =	simm.s32 $_size__tile_overlayer_lowered;
	s5 =	simm.s32 $_tile_overlayer_lowered  }
0x9b: {  	s22 =	simm.s32 $0x1BFF;
	s21 =	sshll.u32 s5, $0x1;
	s2 =	sadd.s32 s19, s18  }
0x9c: {  	s6 =	simm.s32 $0x0;
	s20 =	sshll.u32 s4, $0x1;
	s4 =	sadd.s32 s21, s2  }
0x9d: {  	[timem:s6], [sflag:s22] =	dma.local [hbm:s4], s20  }
0x9e: {  	_ =	swait.ge [sflag:s22], s20  }
0x9f: {  	s3 =	ssub.s32 $0x0, s20;
	[sflag:s22] =	ssyncset.done $0x0  }
0xa0: {  	[sflag:s22] =	ssyncadd.s32 s3;
	_ =	sdelay $0x1  }
0xa1: {  	s23 =	simm.s32 $0x1B8B  }
0xa2: {  	_ =	swait.ge [sflag:s23], $0x1  }
0xa3: {  	[sflag:s23] =	ssyncset.done $0x0  }
0xa4: {  	s25 =	simm.s32 $0x1B8E;
	s24 =	sld [smem:$0x3FFE];
	[sflag:s23] =	ssyncadd.s32 $0xFFFFFFFF  }
0xa5: {  	s26 =	simm.s32 $execute0_lowered;
	[smem:$0x3FD2] =	sst s25  }
0xa6: {  	s4 =	sshll.u32 s26, $0x1;
	_ =	strace $0x8000004C;
	[dreg:$0x1] =	wrdreg $0xFFFFFFFF  }
0xa7: {  	s28 =	simm.s32 $_size_execute0_lowered;
	s2 =	sadd.s32 s2, s4;
	[dreg:$0x0] =	wrdreg $0x0  }
0xa8: {  	s4 =	sshll.u32 s28, $0x1;
	[dreg:$0x2] =	wrdreg s2  }
0xa9: {  	[dreg:$0x3] =	wrdreg s4  }
0xaa: {  	[dreg:$0x4] =	wrdreg $0xC0  }
0xab: {  	_ =	task [dreg:s6], $0x5FFFF  }
0xac: {  	[dreg:$0x1] =	wrdreg $0xFFFFFFFF  }
0xad: {  	[dreg:$0x0] =	wrdreg $0x60  }
0xae: {  	[dreg:$0x2] =	wrdreg s24  }
0xaf: {  	[dreg:$0x3] =	wrdreg $0xC  }
0xb0: {  	_ =	task.clear_ibuf [dreg:s6], $0x4FFFF;
	_ =	strace $0x9000004C  }
0xb1: {  	s29 =	simm.s32 $0xC;
	_ =	strace $0x8000004E  }
0xb2: {  	_ =	swait.ge [sflag:s29], $0x1  }
0xb3: {  	[sflag:s29] =	ssyncadd.s32 $0xFFFFFFFF  }
0xb4: {  	_ =	strace $0x9000004E  }
0xb5: {  	_ =	sfence  }
0xb6: {  	s30 =	sld [smem:$0x0];
	_ =	sdelay $0x2  }
0xb7: {  	s31 =	sshll.u32 s1, $0xD;
	s1 =	sshrl.u32 s1, $0x2  }
0xb8: {  	s3 =	sand.u32 $0x4000, s31;
	s1 =	sadd.s32 s1, s30  }
0xb9: {  	s0 =	sor.u32 s3, s0;
	s1 =	sshll.u32 s1, $0x11  }
0xba: {  	s0 =	sor.u32 s1, s0  }
0xbb: {  	s0 =	sadd.s32 $0x8F2B, s0  }
0xbc: {  	[sflag:s0] =	ssyncadd.remote.s32 $0x1  }
0xbd: {  	_ =	sfence.sel $0xFFFF  }
0xbe: {  	[dreg:$0x0] =	wrdreg $0xFFFFFFFF;
	(pc) =	sbr.abs _section_cstart, $3  }
0xbf: {  	[dreg:$0x1] =	wrdreg $0xFFFFFFFF  }
0xc0: {  	_ =	task.clear_ibuf [dreg:s6], $0x2FFFF;
	_ =	strace $0x9FFFFFFF  }
0xc1: {  	(tm) =	ssettm $0x7FFFFFFF  }
tec
execute0_lowered:
.L_overlay_start_1:
0x0: {  	(tag) =	ssettag $0x1  }
0x1: {  	s1 =	srdreg.scid  }
0x2: {  	s0 =	stileid.u32;
	s20 =	sand.u32 $0x1, s1  }
0x3: {  	s14 =	rddreg [dreg:$0x0];
	s3 =	sshll.u32 s0, $0xC;
	s4 =	sshll.u32 s20, $0xB  }
0x4: {  	s2 =	simm.s32 $0x0;
	s1 =	rddreg [dreg:$0x1];
	s21 =	sor.u32 s4, s3  }
0x5: {  	[smem:$0x7FF] =	sst s2;
	s19 =	sadd.s32 $0x9200, s14;
	s3 =	sshrl.u32 s21, $0x3  }
0x6: {  	_ =	strace $0x8000004D;
	s4 =	sadd.s32 s19, s3;
	s3 =	simm.s32 $0x2  }
0x7: {  	[tilespmem:s2], [sflag:$0x2] =	stream.linear.gather [hbm4b:s4+s2], $0x200, $0x38;
	[tilespmem:$0x10200] =	vst v63  }
0x8: {  	_ =	swait.ge [sflag:s3], $0x200  }
0x9: {  	s6 =	simm.s32 $0x80;
	[sflag:s3] =	ssyncset.done $0x0  }
0xa: {  	s7 =	simm.s32 $0x200;
	s5 =	sadd.s32 $0x6D200, s14;
	[sflag:s3] =	ssyncadd.s32 $0xFFFFFE00  }
0xb: {  	[tilespmem:s7], [sflag:$0x1] =	stream.indirect.gather [hbm4b:s5+s6], $0x80, s2, s6, $0xb8;
	[tilespmem:$0x10200] =	vst v63  }
0xc: {  	s8 =	simm.s32 $0x4200  }
0xd: {  	[tilespmem:s8], [sflag:$0x1] =	stream.indirect.gather [hbm4b:s5+s6], $0x80, s6, s6, $0xb8;
	[tilespmem:$0x10200] =	vst v63  }
0xe: {  	s9 =	simm.s32 $0x100;
	s10 =	simm.s32 $0x8200  }
0xf: {  	[tilespmem:s10], [sflag:$0x1] =	stream.indirect.gather [hbm4b:s5+s6], $0x80, s9, s6, $0xb8;
	[tilespmem:$0x10200] =	vst v63  }
0x10: {  	s11 =	simm.s32 $0x180;
	s12 =	simm.s32 $0xC200;
	s13 =	simm.s32 $0x1  }
0x11: {  	[tilespmem:s12], [sflag:$0x1] =	stream.indirect.gather [hbm4b:s5+s6], $0x80, s11, s6, $0xb8;
	[tilespmem:$0x10200] =	vst v63  }
0x12: {  	_ =	swait.ge [sflag:s13], $0x4000  }
0x13: {  	[sflag:s13] =	ssyncset.done $0x0  }
0x14: {  	[sflag:s13] =	ssyncadd.s32 $0xFFFFC000  }
0x15: {  	_ =	swait.ge [sflag:s13], $0x4000  }
0x16: {  	[sflag:s13] =	ssyncset.done $0x0  }
0x17: {  	[sflag:s13] =	ssyncadd.s32 $0xFFFFC000  }
0x18: {  	_ =	swait.ge [sflag:s13], $0x4000  }
0x19: {  	[sflag:s13] =	ssyncset.done $0x0  }
0x1a: {  	[sflag:s13] =	ssyncadd.s32 $0xFFFFC000  }
0x1b: {  	_ =	swait.ge [sflag:s13], $0x4000  }
0x1c: {  	s22 =	sadd.s32 $0xAD200, s14;
	s28 =	sshll.u32 s21, $0x4;
	[sflag:s13] =	ssyncset.done $0x0  }
0x1d: {  	s14 =	sadd.s32 s22, s28;
	[sflag:s13] =	ssyncadd.s32 $0xFFFFC000  }
0x1e: {  	[hbm4b:s14+s2] =	stream.linear.scatter [tilespmem:s7], [sflag:$0x2], $0x10000, $0x38;
	[tilespmem:$0x10200] =	vst v63  }
0x1f: {  	s16 =	sor.u32 $0x200, s21;
	_ =	swait.ge [sflag:s3], $0x10000  }
0x20: {  	s15 =	sshrl.u32 s16, $0x3;
	[sflag:s3] =	ssyncset.done $0x0  }
0x21: {  	s15 =	sadd.s32 s19, s15;
	[sflag:s3] =	ssyncadd.s32 $0xFFFF0000  }
0x22: {  	[tilespmem:s2], [sflag:$0x2] =	stream.linear.gather [hbm4b:s15+s2], $0x200, $0x38;
	[tilespmem:$0x10200] =	vst v63  }
0x23: {  	_ =	swait.ge [sflag:s3], $0x200  }
0x24: {  	[sflag:s3] =	ssyncset.done $0x0  }
0x25: {  	[sflag:s3] =	ssyncadd.s32 $0xFFFFFE00  }
0x26: {  	[tilespmem:s7], [sflag:$0x1] =	stream.indirect.gather [hbm4b:s5+s6], $0x80, s2, s6, $0xb8;
	[tilespmem:$0x10200] =	vst v63  }
0x27: {  	_ = 	snop  }
0x28: {  	[tilespmem:s8], [sflag:$0x1] =	stream.indirect.gather [hbm4b:s5+s6], $0x80, s6, s6, $0xb8;
	[tilespmem:$0x10200] =	vst v63  }
0x29: {  	_ = 	snop  }
0x2a: {  	[tilespmem:s10], [sflag:$0x1] =	stream.indirect.gather [hbm4b:s5+s6], $0x80, s9, s6, $0xb8;
	[tilespmem:$0x10200] =	vst v63  }
0x2b: {  	_ = 	snop  }
0x2c: {  	[tilespmem:s12], [sflag:$0x1] =	stream.indirect.gather [hbm4b:s5+s6], $0x80, s11, s6, $0xb8;
	[tilespmem:$0x10200] =	vst v63  }
0x2d: {  	_ =	swait.ge [sflag:s13], $0x4000  }
0x2e: {  	[sflag:s13] =	ssyncset.done $0x0  }
0x2f: {  	[sflag:s13] =	ssyncadd.s32 $0xFFFFC000  }
0x30: {  	_ =	swait.ge [sflag:s13], $0x4000  }
0x31: {  	[sflag:s13] =	ssyncset.done $0x0  }
0x32: {  	[sflag:s13] =	ssyncadd.s32 $0xFFFFC000  }
0x33: {  	_ =	swait.ge [sflag:s13], $0x4000  }
0x34: {  	[sflag:s13] =	ssyncset.done $0x0  }
0x35: {  	[sflag:s13] =	ssyncadd.s32 $0xFFFFC000  }
0x36: {  	_ =	swait.ge [sflag:s13], $0x4000  }
0x37: {  	s16 =	sshll.u32 s16, $0x4;
	[sflag:s13] =	ssyncset.done $0x0  }
0x38: {  	s16 =	sadd.s32 s22, s16;
	[sflag:s13] =	ssyncadd.s32 $0xFFFFC000  }
0x39: {  	[hbm4b:s16+s2] =	stream.linear.scatter [tilespmem:s7], [sflag:$0x2], $0x10000, $0x38;
	[tilespmem:$0x10200] =	vst v63  }
0x3a: {  	s18 =	sor.u32 $0x400, s21;
	_ =	swait.ge [sflag:s3], $0x10000  }
0x3b: {  	s17 =	sshrl.u32 s18, $0x3;
	[sflag:s3] =	ssyncset.done $0x0  }
0x3c: {  	s17 =	sadd.s32 s19, s17;
	[sflag:s3] =	ssyncadd.s32 $0xFFFF0000  }
0x3d: {  	[tilespmem:s2], [sflag:$0x2] =	stream.linear.gather [hbm4b:s17+s2], $0x200, $0x38;
	[tilespmem:$0x10200] =	vst v63  }
0x3e: {  	_ =	swait.ge [sflag:s3], $0x200  }
0x3f: {  	[sflag:s3] =	ssyncset.done $0x0  }
0x40: {  	[sflag:s3] =	ssyncadd.s32 $0xFFFFFE00  }
0x41: {  	[tilespmem:s7], [sflag:$0x1] =	stream.indirect.gather [hbm4b:s5+s6], $0x80, s2, s6, $0xb8;
	[tilespmem:$0x10200] =	vst v63  }
0x42: {  	_ = 	snop  }
0x43: {  	[tilespmem:s8], [sflag:$0x1] =	stream.indirect.gather [hbm4b:s5+s6], $0x80, s6, s6, $0xb8;
	[tilespmem:$0x10200] =	vst v63  }
0x44: {  	_ = 	snop  }
0x45: {  	[tilespmem:s10], [sflag:$0x1] =	stream.indirect.gather [hbm4b:s5+s6], $0x80, s9, s6, $0xb8;
	[tilespmem:$0x10200] =	vst v63  }
0x46: {  	_ = 	snop  }
0x47: {  	[tilespmem:s12], [sflag:$0x1] =	stream.indirect.gather [hbm4b:s5+s6], $0x80, s11, s6, $0xb8;
	[tilespmem:$0x10200] =	vst v63  }
0x48: {  	_ =	swait.ge [sflag:s13], $0x4000  }
0x49: {  	[sflag:s13] =	ssyncset.done $0x0  }
0x4a: {  	[sflag:s13] =	ssyncadd.s32 $0xFFFFC000  }
0x4b: {  	_ =	swait.ge [sflag:s13], $0x4000  }
0x4c: {  	[sflag:s13] =	ssyncset.done $0x0  }
0x4d: {  	[sflag:s13] =	ssyncadd.s32 $0xFFFFC000  }
0x4e: {  	_ =	swait.ge [sflag:s13], $0x4000  }
0x4f: {  	[sflag:s13] =	ssyncset.done $0x0  }
0x50: {  	[sflag:s13] =	ssyncadd.s32 $0xFFFFC000  }
0x51: {  	_ =	swait.ge [sflag:s13], $0x4000  }
0x52: {  	s18 =	sshll.u32 s18, $0x4;
	[sflag:s13] =	ssyncset.done $0x0  }
0x53: {  	s18 =	sadd.s32 s22, s18;
	[sflag:s13] =	ssyncadd.s32 $0xFFFFC000  }
0x54: {  	[hbm4b:s18+s2] =	stream.linear.scatter [tilespmem:s7], [sflag:$0x2], $0x10000, $0x38;
	[tilespmem:$0x10200] =	vst v63  }
0x55: {  	s21 =	sor.u32 $0x600, s21;
	_ =	swait.ge [sflag:s3], $0x10000  }
0x56: {  	s23 =	sshrl.u32 s21, $0x3;
	[sflag:s3] =	ssyncset.done $0x0  }
0x57: {  	s19 =	sadd.s32 s19, s23;
	[sflag:s3] =	ssyncadd.s32 $0xFFFF0000  }
0x58: {  	[tilespmem:s2], [sflag:$0x2] =	stream.linear.gather [hbm4b:s19+s2], $0x200, $0x38;
	[tilespmem:$0x10200] =	vst v63  }
0x59: {  	_ =	swait.ge [sflag:s3], $0x200  }
0x5a: {  	[sflag:s3] =	ssyncset.done $0x0  }
0x5b: {  	[sflag:s3] =	ssyncadd.s32 $0xFFFFFE00  }
0x5c: {  	[tilespmem:s7], [sflag:$0x1] =	stream.indirect.gather [hbm4b:s5+s6], $0x80, s2, s6, $0xb8;
	[tilespmem:$0x10200] =	vst v63  }
0x5d: {  	_ = 	snop  }
0x5e: {  	[tilespmem:s8], [sflag:$0x1] =	stream.indirect.gather [hbm4b:s5+s6], $0x80, s6, s6, $0xb8;
	[tilespmem:$0x10200] =	vst v63  }
0x5f: {  	_ = 	snop  }
0x60: {  	[tilespmem:s10], [sflag:$0x1] =	stream.indirect.gather [hbm4b:s5+s6], $0x80, s9, s6, $0xb8;
	[tilespmem:$0x10200] =	vst v63  }
0x61: {  	_ = 	snop  }
0x62: {  	[tilespmem:s12], [sflag:$0x1] =	stream.indirect.gather [hbm4b:s5+s6], $0x80, s11, s6, $0xb8;
	[tilespmem:$0x10200] =	vst v63  }
0x63: {  	_ =	swait.ge [sflag:s13], $0x4000  }
0x64: {  	[sflag:s13] =	ssyncset.done $0x0  }
0x65: {  	[sflag:s13] =	ssyncadd.s32 $0xFFFFC000  }
0x66: {  	_ =	swait.ge [sflag:s13], $0x4000  }
0x67: {  	[sflag:s13] =	ssyncset.done $0x0  }
0x68: {  	s20 =	ssub.s32 $0x2, s20;
	[sflag:s13] =	ssyncadd.s32 $0xFFFFC000  }
0x69: {  	s29 =	sshrl.u32 s20, $0x1;
	_ =	swait.ge [sflag:s13], $0x4000  }
0x6a: {  	s23 =	ssub.s32 s20, s29;
	[sflag:s13] =	ssyncset.done $0x0  }
0x6b: {  	s31 =	smax.u32 s23, $0x1;
	[sflag:s13] =	ssyncadd.s32 $0xFFFFC000  }
0x6c: {  	p0 =	sne.s32 s31, $0x1;
	_ =	swait.ge [sflag:s13], $0x4000  }
.Ltmp0:
0x6d: {  	s30 =	sshll.u32 s21, $0x4;
	[sflag:s13] =	ssyncset.done $0x0;
	(pc) =	sbr.rel @!p0 .LBB2_2-.Ltmp0, $4  }
0x6e: {  	s20 =	sadd.s32 s22, s30;
	[sflag:s13] =	ssyncadd.s32 $0xFFFFC000  }
0x6f: {  	[hbm4b:s20+s2] =	stream.linear.scatter [tilespmem:s7], [sflag:$0x2], $0x10000, $0x38;
	[tilespmem:$0x10200] =	vst v63  }
0x70: {  	_ =	swait.ge [sflag:s3], $0x10000  }
0x71: {  	s21 =	sadd.s32 $0xFFFFFFFF, s31;
	[sflag:s3] =	ssyncset.done $0x0  }
.LBB2_1:
0x72: {  	p0 =	sne.s32 s21, $0x1;
	s21 =	sadd.s32 $0xFFFFFFFF, s21;
	[sflag:s3] =	ssyncadd.s32 $0xFFFF0000  }
0x73: {  	[tilespmem:s2], [sflag:$0x2] =	stream.linear.gather [hbm4b:s4+s2], $0x200, $0x38;
	[tilespmem:$0x10200] =	vst v63  }
0x74: {  	_ =	swait.ge [sflag:s3], $0x200  }
0x75: {  	[sflag:s3] =	ssyncset.done $0x0  }
0x76: {  	[sflag:s3] =	ssyncadd.s32 $0xFFFFFE00  }
0x77: {  	[tilespmem:s7], [sflag:$0x1] =	stream.indirect.gather [hbm4b:s5+s6], $0x80, s2, s6, $0xb8;
	[tilespmem:$0x10200] =	vst v63  }
0x78: {  	_ = 	snop  }
0x79: {  	[tilespmem:s8], [sflag:$0x1] =	stream.indirect.gather [hbm4b:s5+s6], $0x80, s6, s6, $0xb8;
	[tilespmem:$0x10200] =	vst v63  }
0x7a: {  	_ = 	snop  }
0x7b: {  	[tilespmem:s10], [sflag:$0x1] =	stream.indirect.gather [hbm4b:s5+s6], $0x80, s9, s6, $0xb8;
	[tilespmem:$0x10200] =	vst v63  }
0x7c: {  	_ = 	snop  }
0x7d: {  	[tilespmem:s12], [sflag:$0x1] =	stream.indirect.gather [hbm4b:s5+s6], $0x80, s11, s6, $0xb8;
	[tilespmem:$0x10200] =	vst v63  }
0x7e: {  	_ =	swait.ge [sflag:s13], $0x4000  }
0x7f: {  	[sflag:s13] =	ssyncset.done $0x0  }
0x80: {  	[sflag:s13] =	ssyncadd.s32 $0xFFFFC000  }
0x81: {  	_ =	swait.ge [sflag:s13], $0x4000  }
0x82: {  	[sflag:s13] =	ssyncset.done $0x0  }
0x83: {  	[sflag:s13] =	ssyncadd.s32 $0xFFFFC000  }
0x84: {  	_ =	swait.ge [sflag:s13], $0x4000  }
0x85: {  	[sflag:s13] =	ssyncset.done $0x0  }
0x86: {  	[sflag:s13] =	ssyncadd.s32 $0xFFFFC000  }
0x87: {  	_ =	swait.ge [sflag:s13], $0x4000  }
0x88: {  	[sflag:s13] =	ssyncset.done $0x0  }
0x89: {  	[sflag:s13] =	ssyncadd.s32 $0xFFFFC000  }
0x8a: {  	[hbm4b:s14+s2] =	stream.linear.scatter [tilespmem:s7], [sflag:$0x2], $0x10000, $0x38;
	[tilespmem:$0x10200] =	vst v63  }
0x8b: {  	_ =	swait.ge [sflag:s3], $0x10000  }
0x8c: {  	[sflag:s3] =	ssyncset.done $0x0  }
0x8d: {  	[sflag:s3] =	ssyncadd.s32 $0xFFFF0000  }
0x8e: {  	[tilespmem:s2], [sflag:$0x2] =	stream.linear.gather [hbm4b:s15+s2], $0x200, $0x38;
	[tilespmem:$0x10200] =	vst v63  }
0x8f: {  	_ =	swait.ge [sflag:s3], $0x200  }
0x90: {  	[sflag:s3] =	ssyncset.done $0x0  }
0x91: {  	[sflag:s3] =	ssyncadd.s32 $0xFFFFFE00  }
0x92: {  	[tilespmem:s7], [sflag:$0x1] =	stream.indirect.gather [hbm4b:s5+s6], $0x80, s2, s6, $0xb8;
	[tilespmem:$0x10200] =	vst v63  }
0x93: {  	_ = 	snop  }
0x94: {  	[tilespmem:s8], [sflag:$0x1] =	stream.indirect.gather [hbm4b:s5+s6], $0x80, s6, s6, $0xb8;
	[tilespmem:$0x10200] =	vst v63  }
0x95: {  	_ = 	snop  }
0x96: {  	[tilespmem:s10], [sflag:$0x1] =	stream.indirect.gather [hbm4b:s5+s6], $0x80, s9, s6, $0xb8;
	[tilespmem:$0x10200] =	vst v63  }
0x97: {  	_ = 	snop  }
0x98: {  	[tilespmem:s12], [sflag:$0x1] =	stream.indirect.gather [hbm4b:s5+s6], $0x80, s11, s6, $0xb8;
	[tilespmem:$0x10200] =	vst v63  }
0x99: {  	_ =	swait.ge [sflag:s13], $0x4000  }
0x9a: {  	[sflag:s13] =	ssyncset.done $0x0  }
0x9b: {  	[sflag:s13] =	ssyncadd.s32 $0xFFFFC000  }
0x9c: {  	_ =	swait.ge [sflag:s13], $0x4000  }
0x9d: {  	[sflag:s13] =	ssyncset.done $0x0  }
0x9e: {  	[sflag:s13] =	ssyncadd.s32 $0xFFFFC000  }
0x9f: {  	_ =	swait.ge [sflag:s13], $0x4000  }
0xa0: {  	[sflag:s13] =	ssyncset.done $0x0  }
0xa1: {  	[sflag:s13] =	ssyncadd.s32 $0xFFFFC000  }
0xa2: {  	_ =	swait.ge [sflag:s13], $0x4000  }
0xa3: {  	[sflag:s13] =	ssyncset.done $0x0  }
0xa4: {  	[sflag:s13] =	ssyncadd.s32 $0xFFFFC000  }
0xa5: {  	[hbm4b:s16+s2] =	stream.linear.scatter [tilespmem:s7], [sflag:$0x2], $0x10000, $0x38;
	[tilespmem:$0x10200] =	vst v63  }
0xa6: {  	_ =	swait.ge [sflag:s3], $0x10000  }
0xa7: {  	[sflag:s3] =	ssyncset.done $0x0  }
0xa8: {  	[sflag:s3] =	ssyncadd.s32 $0xFFFF0000  }
0xa9: {  	[tilespmem:s2], [sflag:$0x2] =	stream.linear.gather [hbm4b:s17+s2], $0x200, $0x38;
	[tilespmem:$0x10200] =	vst v63  }
0xaa: {  	_ =	swait.ge [sflag:s3], $0x200  }
0xab: {  	[sflag:s3] =	ssyncset.done $0x0  }
0xac: {  	[sflag:s3] =	ssyncadd.s32 $0xFFFFFE00  }
0xad: {  	[tilespmem:s7], [sflag:$0x1] =	stream.indirect.gather [hbm4b:s5+s6], $0x80, s2, s6, $0xb8;
	[tilespmem:$0x10200] =	vst v63  }
0xae: {  	_ = 	snop  }
0xaf: {  	[tilespmem:s8], [sflag:$0x1] =	stream.indirect.gather [hbm4b:s5+s6], $0x80, s6, s6, $0xb8;
	[tilespmem:$0x10200] =	vst v63  }
0xb0: {  	_ = 	snop  }
0xb1: {  	[tilespmem:s10], [sflag:$0x1] =	stream.indirect.gather [hbm4b:s5+s6], $0x80, s9, s6, $0xb8;
	[tilespmem:$0x10200] =	vst v63  }
0xb2: {  	_ = 	snop  }
0xb3: {  	[tilespmem:s12], [sflag:$0x1] =	stream.indirect.gather [hbm4b:s5+s6], $0x80, s11, s6, $0xb8;
	[tilespmem:$0x10200] =	vst v63  }
0xb4: {  	_ =	swait.ge [sflag:s13], $0x4000  }
0xb5: {  	[sflag:s13] =	ssyncset.done $0x0  }
0xb6: {  	[sflag:s13] =	ssyncadd.s32 $0xFFFFC000  }
0xb7: {  	_ =	swait.ge [sflag:s13], $0x4000  }
0xb8: {  	[sflag:s13] =	ssyncset.done $0x0  }
0xb9: {  	[sflag:s13] =	ssyncadd.s32 $0xFFFFC000  }
0xba: {  	_ =	swait.ge [sflag:s13], $0x4000  }
0xbb: {  	[sflag:s13] =	ssyncset.done $0x0  }
0xbc: {  	[sflag:s13] =	ssyncadd.s32 $0xFFFFC000  }
0xbd: {  	_ =	swait.ge [sflag:s13], $0x4000  }
0xbe: {  	[sflag:s13] =	ssyncset.done $0x0  }
0xbf: {  	[sflag:s13] =	ssyncadd.s32 $0xFFFFC000  }
0xc0: {  	[hbm4b:s18+s2] =	stream.linear.scatter [tilespmem:s7], [sflag:$0x2], $0x10000, $0x38;
	[tilespmem:$0x10200] =	vst v63  }
0xc1: {  	_ =	swait.ge [sflag:s3], $0x10000  }
0xc2: {  	[sflag:s3] =	ssyncset.done $0x0  }
0xc3: {  	[sflag:s3] =	ssyncadd.s32 $0xFFFF0000  }
0xc4: {  	[tilespmem:s2], [sflag:$0x2] =	stream.linear.gather [hbm4b:s19+s2], $0x200, $0x38;
	[tilespmem:$0x10200] =	vst v63  }
0xc5: {  	_ =	swait.ge [sflag:s3], $0x200  }
0xc6: {  	[sflag:s3] =	ssyncset.done $0x0  }
0xc7: {  	[sflag:s3] =	ssyncadd.s32 $0xFFFFFE00  }
0xc8: {  	[tilespmem:s7], [sflag:$0x1] =	stream.indirect.gather [hbm4b:s5+s6], $0x80, s2, s6, $0xb8;
	[tilespmem:$0x10200] =	vst v63  }
0xc9: {  	_ = 	snop  }
0xca: {  	[tilespmem:s8], [sflag:$0x1] =	stream.indirect.gather [hbm4b:s5+s6], $0x80, s6, s6, $0xb8;
	[tilespmem:$0x10200] =	vst v63  }
0xcb: {  	_ = 	snop  }
0xcc: {  	[tilespmem:s10], [sflag:$0x1] =	stream.indirect.gather [hbm4b:s5+s6], $0x80, s9, s6, $0xb8;
	[tilespmem:$0x10200] =	vst v63  }
0xcd: {  	_ = 	snop  }
0xce: {  	[tilespmem:s12], [sflag:$0x1] =	stream.indirect.gather [hbm4b:s5+s6], $0x80, s11, s6, $0xb8;
	[tilespmem:$0x10200] =	vst v63  }
0xcf: {  	_ =	swait.ge [sflag:s13], $0x4000  }
0xd0: {  	[sflag:s13] =	ssyncset.done $0x0  }
0xd1: {  	[sflag:s13] =	ssyncadd.s32 $0xFFFFC000  }
0xd2: {  	_ =	swait.ge [sflag:s13], $0x4000  }
0xd3: {  	[sflag:s13] =	ssyncset.done $0x0  }
0xd4: {  	[sflag:s13] =	ssyncadd.s32 $0xFFFFC000  }
0xd5: {  	_ =	swait.ge [sflag:s13], $0x4000  }
0xd6: {  	[sflag:s13] =	ssyncset.done $0x0  }
0xd7: {  	[sflag:s13] =	ssyncadd.s32 $0xFFFFC000  }
0xd8: {  	_ =	swait.ge [sflag:s13], $0x4000  }
.Ltmp1:
0xd9: {  	[sflag:s13] =	ssyncset.done $0x0;
	(pc) =	sbr.rel @p0 .LBB2_1-.Ltmp1, $4  }
0xda: {  	[sflag:s13] =	ssyncadd.s32 $0xFFFFC000  }
0xdb: {  	[hbm4b:s20+s2] =	stream.linear.scatter [tilespmem:s7], [sflag:$0x2], $0x10000, $0x38;
	[tilespmem:$0x10200] =	vst v63  }
0xdc: {  	_ =	swait.ge [sflag:s3], $0x10000  }
0xdd: {  	[sflag:s3] =	ssyncset.done $0x0  }
.LBB2_2:
0xde: {  	[sflag:s3] =	ssyncadd.s32 $0xFFFF0000  }
0xdf: {  	_ =	sfence.sel $0x180000  }
0xe0: {  	[bflag:$0x0] =	sbarrier.arrive $0xFFFF  }
0xe1: {  	p0 =	sne.s32 s0, $0x0;
	_ =	strace $0x9000004D  }
0xe2: {  	s0 =	sadd.s32 @!p0 $0x100000, s1;
	[bflag:$0x2] =	sbarrier.arrive $0xFFFF  }
0xe3: {  	[sflag:s0] =	ssyncadd.tile.s32 @!p0 $0x1;
	_ =	shalt  }
.Lfunc_end2:
_tile_overlayer_lowered:
.L_overlay_start_2:
0xe4: {  	(tag) =	ssettag $0x2  }
0xe5: {  	s0 =	rddreg [dreg:$0x0];
	s2 =	stileid.u32  }
0xe6: {  	s1 =	rddreg [dreg:$0x1];
	p0 =	sne.s32 s2, $0x0  }
0xe7: {  	s3 =	rddreg [dreg:$0x2];
	[bflag:$0x3] =	sbarrier.arrive $0xFFFF;
	s2 =	simm.s32 @!p0 $0x1C02  }
0xe8: {  	[timem:s3], [sflag:s2] =	dma.local @!p0 [hbm:s0], s1  }
0xe9: {  	s0 =	simm.s32 @!p0 $0x2  }
0xea: {  	_ =	swait.ge @!p0 [sflag:s0], s1  }
0xeb: {  	s1 =	ssub.s32 @!p0 $0x0, s1;
	[sflag:s0] =	ssyncset.done @!p0 $0x0  }
0xec: {  	[sflag:s0] =	ssyncadd.s32 @!p0 s1  }
0xed: {  	[bflag:$0x3] =	sbarrier.arrive $0xFFFF  }
0xee: {  	_ =	shalt  }

</sc_bundles>
